<compile_context>
chip_gen: v7x
topology: tpu7x:2x2x1
jax: 0.10.2.dev20260603
libtpu: 0.0.44.dev20260713+nightly
codegen_flags: <defaults>
</compile_context>

<pallas_src>
import functools
import jax
import jax.numpy as jnp
from jax import lax
from jax.experimental import pallas as pl
from jax.experimental.pallas import tpu as pltpu
from jax.experimental.pallas import tpu_sc as plsc

N = 10000
E = 160000
FEAT = 256
HID = 128
HEADS = 4
OUT = 32
G = 64
HH = HID // 2

NC = 2
NS = 16
K = 640
NCHUNK = E // K
BIG = 1e30

ROWS_A = 640
ROWS_B = N - 15 * ROWS_A


def _block_ind(rows, cols, blk):
    r = lax.broadcasted_iota(jnp.int32, (rows, cols), 0)
    c = lax.broadcasted_iota(jnp.int32, (rows, cols), 1)
    return (c // blk == r).astype(jnp.float32)


def _prep(h, W, asf, adf):
    xw = jnp.dot(h, W, preferred_element_type=jnp.float32)
    B = _block_ind(HEADS, HID, OUT).T
    a_s = jnp.dot(xw * asf, B, preferred_element_type=jnp.float32)
    a_d = jnp.dot(xw * adf, B, preferred_element_type=jnp.float32)
    c4 = jnp.max(a_s, axis=0) + jnp.max(a_d, axis=0)
    al = a_s + a_d
    al = jnp.where(al >= 0, al, 0.2 * al)
    ea_self = jnp.exp(al - c4[None, :])
    eaexp = jnp.dot(ea_self, _block_ind(HEADS, HID, OUT),
                    preferred_element_type=jnp.float32)
    sinit = xw * eaexp
    dinit = jnp.concatenate(
        [ea_self, jnp.zeros((N, 12), jnp.float32)], axis=1)
    pad = jnp.zeros((N, 12), jnp.float32)
    as16 = jnp.concatenate([a_s, pad], axis=1)
    ad16 = jnp.concatenate([a_d, pad], axis=1)
    c16 = jnp.concatenate(
        [c4, jnp.full((12,), BIG, jnp.float32)]).reshape(1, 16)
    return xw, as16, ad16, c16, sinit, dinit


_PREP_OUT = (
    jax.ShapeDtypeStruct((N, HH), jnp.float32),
    jax.ShapeDtypeStruct((N, HH), jnp.float32),
    jax.ShapeDtypeStruct((N, 16), jnp.float32),
    jax.ShapeDtypeStruct((N, 16), jnp.float32),
    jax.ShapeDtypeStruct((1, 16), jnp.float32),
    jax.ShapeDtypeStruct((N, HH), jnp.float32),
    jax.ShapeDtypeStruct((N, HH), jnp.float32),
    jax.ShapeDtypeStruct((N, 16), jnp.float32),
)


def _write_prep(outs, prep):
    (xwlo_ref, xwhi_ref, as16_ref, ad16_ref, c16_ref,
     slo_ref, shi_ref, dinit_ref) = outs
    xw, as16, ad16, c16, sinit, dinit = prep
    xwlo_ref[...] = xw[:, :HH]
    xwhi_ref[...] = xw[:, HH:]
    as16_ref[...] = as16
    ad16_ref[...] = ad16
    c16_ref[...] = c16
    slo_ref[...] = sinit[:, :HH]
    shi_ref[...] = sinit[:, HH:]
    dinit_ref[...] = dinit


def _prep1_body(x_ref, Win_ref, bin_ref, W_ref, asf_ref, adf_ref, *outs):
    h = jnp.dot(x_ref[...], Win_ref[...],
                preferred_element_type=jnp.float32) + bin_ref[...]
    _write_prep(outs, _prep(h, W_ref[...], asf_ref[...], adf_ref[...]))


def _combine(spart, dpart, bias):
    S = jnp.concatenate([spart[0], spart[1]], axis=1)
    dexp = jnp.dot(dpart[0], jnp.concatenate(
        [_block_ind(HEADS, HID, OUT), jnp.zeros((12, HID), jnp.float32)],
        axis=0), preferred_element_type=jnp.float32)
    return jnp.maximum(S / dexp + bias, 0.0)


def _prep2_body(spart_ref, dpart_ref, b_ref, W_ref, asf_ref, adf_ref, *outs):
    h = _combine(spart_ref[...], dpart_ref[...], b_ref[...])
    _write_prep(outs, _prep(h, W_ref[...], asf_ref[...], adf_ref[...]))


def _combine2_body(spart_ref, dpart_ref, b_ref, h_ref):
    h_ref[...] = _combine(spart_ref[...], dpart_ref[...], b_ref[...])


def _pool_body(h_ref, batch_ref, out_ref):
    g = pl.program_id(0)
    h = h_ref[...]
    m = batch_ref[...] == g
    cnt = jnp.sum(m.astype(jnp.float32))
    sums = jnp.sum(jnp.where(m, h, 0.0), axis=0)
    mean = sums / jnp.maximum(cnt, 1.0)
    mx = jnp.max(jnp.where(m, h, -jnp.inf), axis=0)
    mx = jnp.where(jnp.isfinite(mx), mx, 0.0)
    out_ref[...] = jnp.concatenate([mean, mx]).reshape(1, 1, 2 * HID)


def _mlp_body(hcomb_ref, Wtp_ref, btp_ref, out_ref):
    out = jnp.dot(hcomb_ref[...], Wtp_ref[...],
                  preferred_element_type=jnp.float32) + btp_ref[...]
    out_ref[...] = jnp.maximum(out, 0.0)


def _edge_body(xwlo_hbm, xwhi_hbm, as16_hbm, ad16_hbm, c16_hbm, src_hbm,
               dst_hbm, slo_hbm, shi_hbm, dinit_hbm,
               spart_hbm, dpart_hbm,
               accS, accD, src_v, dst_v, as_v, ad_v, ea_v, rows_v, c16_v, sem):
    cid = lax.axis_index("c")
    sid = lax.axis_index("s")

    pltpu.sync_copy(c16_hbm, c16_v)

    def init_half(sinit_hbm, with_denom, rbase, nrows):
        pltpu.sync_copy(sinit_hbm.at[pl.ds(rbase, nrows)],
                        rows_v.at[pl.ds(0, nrows)])
        pltpu.sync_copy(rows_v.at[pl.ds(0, nrows)],
                        accS.at[pl.ds(rbase, nrows)])
        if with_denom:
            pltpu.sync_copy(dinit_hbm.at[pl.ds(rbase, nrows)],
                            as_v.at[pl.ds(0, nrows)])
            pltpu.sync_copy(as_v.at[pl.ds(0, nrows)],
                            accD.at[pl.ds(rbase, nrows)])

    def init_core(sinit_hbm, with_denom):
        @pl.when(sid < 15)
        def _():
            init_half(sinit_hbm, with_denom, sid * ROWS_A, ROWS_A)

        @pl.when(sid == 15)
        def _():
            init_half(sinit_hbm, with_denom, 15 * ROWS_A, ROWS_B)

    @pl.when(cid == 0)
    def _():
        init_core(slo_hbm, True)

    @pl.when(cid == 1)
    def _():
        init_core(shi_hbm, False)

    plsc.subcore_barrier()

    cvec = c16_v[0, :]
    nch = (NCHUNK - 1 - sid) // NS + 1

    def run_edges(xw_hbm, head_off, with_denom):
        def chunk_body(j, carry):
            base = (sid + j * NS) * K
            pltpu.sync_copy(src_hbm.at[pl.ds(base, K)], src_v)
            pltpu.sync_copy(dst_hbm.at[pl.ds(base, K)], dst_v)
            pltpu.async_copy(as16_hbm.at[src_v], as_v, sem).wait()
            pltpu.async_copy(ad16_hbm.at[dst_v], ad_v, sem).wait()

            def ea_body(e, carry2):
                al = as_v[e, :] + ad_v[e, :]
                al = jnp.where(al >= 0, al, 0.2 * al)
                ea_v[e, :] = jnp.exp(al - cvec)
                return carry2

            lax.fori_loop(0, K, ea_body, 0, unroll=2)
            if with_denom:
                pltpu.sync_copy(ea_v, accD.at[dst_v], add=True)

            pltpu.async_copy(xw_hbm.at[src_v], rows_v, sem).wait()

            def msg_body(e, carry2):
                ea_row = ea_v[e, :]
                for jj in range(HH // 16):
                    r = rows_v[e, pl.ds(jj * 16, 16)]
                    rows_v[e, pl.ds(jj * 16, 16)] = (
                        r * ea_row[head_off + jj // 2])
                return carry2

            lax.fori_loop(0, K, msg_body, 0)
            pltpu.sync_copy(rows_v, accS.at[dst_v], add=True)
            return carry

        lax.fori_loop(0, nch, chunk_body, 0)

    @pl.when(cid == 0)
    def _():
        run_edges(xwlo_hbm, 0, True)

    @pl.when(cid == 1)
    def _():
        run_edges(xwhi_hbm, 2, False)

    plsc.subcore_barrier()

    def write_back(rbase, nrows):
        pltpu.sync_copy(accS.at[pl.ds(rbase, nrows)],
                        rows_v.at[pl.ds(0, nrows)])
        pltpu.sync_copy(rows_v.at[pl.ds(0, nrows)],
                        spart_hbm.at[cid, pl.ds(rbase, nrows)])

        @pl.when(cid == 0)
        def _():
            pltpu.sync_copy(accD.at[pl.ds(rbase, nrows)],
                            as_v.at[pl.ds(0, nrows)])
            pltpu.sync_copy(as_v.at[pl.ds(0, nrows)],
                            dpart_hbm.at[0, pl.ds(rbase, nrows)])

    @pl.when(sid < 15)
    def _():
        write_back(sid * ROWS_A, ROWS_A)

    @pl.when(sid == 15)
    def _():
        write_back(15 * ROWS_A, ROWS_B)


@functools.lru_cache(maxsize=1)
def _make_edge_kernel():
  return functools.partial(
    pl.kernel,
    out_type=(
        jax.ShapeDtypeStruct((NC, N, HH), jnp.float32),
        jax.ShapeDtypeStruct((1, N, 16), jnp.float32),
    ),
    mesh=plsc.VectorSubcoreMesh(core_axis_name="c", subcore_axis_name="s",
                                num_cores=NC, num_subcores=NS),
    scratch_types=[
        pltpu.VMEM_SHARED((N, HH), jnp.float32),
        pltpu.VMEM_SHARED((N, 16), jnp.float32),
        pltpu.VMEM((K,), jnp.int32),
        pltpu.VMEM((K,), jnp.int32),
        pltpu.VMEM((K, 16), jnp.float32),
        pltpu.VMEM((K, 16), jnp.float32),
        pltpu.VMEM((K, 16), jnp.float32),
        pltpu.VMEM((K, HH), jnp.float32),
        pltpu.VMEM((1, 16), jnp.float32),
        pltpu.SemaphoreType.DMA,
    ],
    compiler_params=pltpu.CompilerParams(use_tc_tiling_on_sc=False),
  )(_edge_body)


_TC_PARAMS = pltpu.CompilerParams(vmem_limit_bytes=100 * 1024 * 1024)
_prep1_call = pl.pallas_call(_prep1_body, out_shape=_PREP_OUT,
                             compiler_params=_TC_PARAMS)
_prep2_call = pl.pallas_call(_prep2_body, out_shape=_PREP_OUT,
                             compiler_params=_TC_PARAMS)
_combine2_call = pl.pallas_call(
    _combine2_body, out_shape=jax.ShapeDtypeStruct((N, HID), jnp.float32),
    compiler_params=_TC_PARAMS)
_pool_call = pl.pallas_call(
    _pool_body,
    grid=(G,),
    in_specs=[
        pl.BlockSpec((N, HID), lambda g: (0, 0)),
        pl.BlockSpec((N, 1), lambda g: (0, 0)),
    ],
    out_specs=pl.BlockSpec((1, 1, 2 * HID), lambda g: (g, 0, 0)),
    out_shape=jax.ShapeDtypeStruct((G, 1, 2 * HID), jnp.float32),
    compiler_params=_TC_PARAMS)
_mlp_call = pl.pallas_call(
    _mlp_body, out_shape=jax.ShapeDtypeStruct((G, HID), jnp.float32))


@jax.jit
def kernel(x, edge_index, batch, W_in, b_in, W1, as1, ad1, b1, W2, as2, ad2,
           b2, W_tp, b_tp):
    src = edge_index[0]
    dst = edge_index[1]

    p1 = _prep1_call(x, W_in, b_in.reshape(1, HID), W1,
                     as1.reshape(1, HID), ad1.reshape(1, HID))
    xwlo1, xwhi1, as161, ad161, c161, slo1, shi1, dinit1 = p1
    edge_kernel = _make_edge_kernel()
    spart1, dpart1 = edge_kernel(xwlo1, xwhi1, as161, ad161, c161, src, dst,
                                 slo1, shi1, dinit1)
    p2 = _prep2_call(spart1, dpart1, b1.reshape(1, HID), W2,
                     as2.reshape(1, HID), ad2.reshape(1, HID))
    xwlo2, xwhi2, as162, ad162, c162, slo2, shi2, dinit2 = p2
    spart2, dpart2 = edge_kernel(xwlo2, xwhi2, as162, ad162, c162, src, dst,
                                 slo2, shi2, dinit2)
    h2 = _combine2_call(spart2, dpart2, b2.reshape(1, HID))
    hcomb = _pool_call(h2, batch.reshape(N, 1)).reshape(G, 2 * HID)
    out = _mlp_call(hcomb, W_tp, b_tp.reshape(1, HID))
    return out

# --- scband reference (transcript-rebuilt; emitter-appended) ---
"""Pipeline reference for scband-optimized-temporal-gnn-6012954214748 (READ-ONLY COPY).

The authoritative reference and input builder live on the scoring server;
editing this copy changes nothing except your own understanding.
"""

import jax, jax.numpy as jnp
import numpy as np

N = 10000
E = 160000
FEAT = 256
HID = 128
HEADS = 4
OUT = HID // HEADS
G = 64


def setup_inputs(seed: int = 0):
    key = jax.random.key(seed)
    ks = jax.random.split(key, 16)
    x = jax.random.normal(ks[0], (N, FEAT), dtype=jnp.float32)
    edge_index = jax.random.randint(ks[1], (2, E), 0, N, dtype=jnp.int32)
    batch = jnp.sort(jax.random.randint(ks[2], (N,), 0, G, dtype=jnp.int32))
    def p(k, shape):
        return jax.random.normal(k, shape, dtype=jnp.float32) * 0.05
    inp = {
        'x': x,
        'edge_index': edge_index,
        'batch': batch,
        'W_in': p(ks[3], (FEAT, HID)),
        'b_in': jnp.zeros((HID,), dtype=jnp.float32),
        'W1': p(ks[4], (HID, HEADS * OUT)),
        'as1': p(ks[5], (1, HEADS, OUT)),
        'ad1': p(ks[6], (1, HEADS, OUT)),
        'b1': jnp.zeros((HEADS * OUT,), dtype=jnp.float32),
        'W2': p(ks[7], (HID, HEADS * OUT)),
        'as2': p(ks[8], (1, HEADS, OUT)),
        'ad2': p(ks[9], (1, HEADS, OUT)),
        'b2': jnp.zeros((HEADS * OUT,), dtype=jnp.float32),
        'W_tp': p(ks[10], (2 * HID, HID)),
        'b_tp': jnp.zeros((HID,), dtype=jnp.float32),
    }
    return inp


def _gat(h, src, dst, W, att_src, att_dst, bias):
    # PyG GATConv (eval mode: no dropout), self-loops already included in src/dst
    xw = (h @ W).reshape(N, HEADS, OUT)
    a_src = (xw * att_src).sum(-1)  # [N, H]
    a_dst = (xw * att_dst).sum(-1)  # [N, H]
    alpha = a_src[src] + a_dst[dst]  # [Etot, H]
    alpha = jax.nn.leaky_relu(alpha, 0.2)
    amax = jax.ops.segment_max(alpha, dst, num_segments=N)
    amax = jnp.where(jnp.isfinite(amax), amax, 0.0)
    ea = jnp.exp(alpha - amax[dst])
    denom = jax.ops.segment_sum(ea, dst, num_segments=N)
    att = ea / (denom[dst] + 1e-16)
    msg = xw[src] * att[:, :, None]
    out = jax.ops.segment_sum(msg, dst, num_segments=N)
    return out.reshape(N, HEADS * OUT) + bias


def reference(x, edge_index, batch, W_in, b_in, W1, as1, ad1, b1, W2, as2, ad2, b2, W_tp, b_tp):
    loop = jnp.arange(N, dtype=edge_index.dtype)
    src = jnp.concatenate([edge_index[0], loop])
    dst = jnp.concatenate([edge_index[1], loop])
    h = x @ W_in + b_in
    h = jax.nn.relu(_gat(h, src, dst, W1, as1, ad1, b1))
    h = jax.nn.relu(_gat(h, src, dst, W2, as2, ad2, b2))
    # global mean pool
    sums = jax.ops.segment_sum(h, batch, num_segments=G)
    counts = jax.ops.segment_sum(jnp.ones((N,), dtype=h.dtype), batch, num_segments=G)
    h_mean = sums / jnp.maximum(counts, 1.0)[:, None]
    # global max pool
    h_max = jax.ops.segment_max(h, batch, num_segments=G)
    h_max = jnp.where(jnp.isfinite(h_max), h_max, 0.0)
    h_combined = jnp.concatenate([h_mean, h_max], axis=1)
    out = jax.nn.relu(h_combined @ W_tp + b_tp)  # dropout is identity in eval
    return out

if __name__ == "__main__":
    import jax
    _d = setup_inputs()
    print(jax.jit(kernel)(*tuple(_d.values())))

</pallas_src>

<mosaic_0001>
#map = affine_map<(d0, d1) -> (0, 0)>
#map1 = affine_map<(d0, d1) -> (0)>
#map2 = affine_map<(d0, d1) -> (0, 0, 0)>
module attributes {stable_mosaic.version = 14 : i64} {
  func.func @_edge_body(%arg0: i32, %arg1: i32, %arg2: memref<10000x64xf32, #tpu.memory_space<hbm>>, %arg3: memref<10000x64xf32, #tpu.memory_space<hbm>>, %arg4: memref<10000x16xf32, #tpu.memory_space<hbm>>, %arg5: memref<10000x16xf32, #tpu.memory_space<hbm>>, %arg6: memref<1x16xf32, #tpu.memory_space<hbm>>, %arg7: memref<160000xi32, #tpu.memory_space<hbm>>, %arg8: memref<160000xi32, #tpu.memory_space<hbm>>, %arg9: memref<10000x64xf32, #tpu.memory_space<hbm>>, %arg10: memref<10000x64xf32, #tpu.memory_space<hbm>>, %arg11: memref<10000x16xf32, #tpu.memory_space<hbm>>, %arg12: memref<2x10000x64xf32, #tpu.memory_space<hbm>>, %arg13: memref<1x10000x16xf32, #tpu.memory_space<hbm>>, %arg14: memref<10000x64xf32, #tpu.memory_space<vmem_shared>>, %arg15: memref<10000x16xf32, #tpu.memory_space<vmem_shared>>, %arg16: memref<640xi32, #tpu.memory_space<vmem>>, %arg17: memref<640xi32, #tpu.memory_space<vmem>>, %arg18: memref<640x16xf32, #tpu.memory_space<vmem>>, %arg19: memref<640x16xf32, #tpu.memory_space<vmem>>, %arg20: memref<640x16xf32, #tpu.memory_space<vmem>>, %arg21: memref<640x64xf32, #tpu.memory_space<vmem>>, %arg22: memref<1x16xf32, #tpu.memory_space<vmem>>, %arg23: memref<!tpu.dma_semaphore, #tpu.memory_space<semaphore_mem>>) attributes {dimension_semantics = [#tpu.dimension_semantics<core_parallel>, #tpu.dimension_semantics<subcore_parallel>], iteration_bounds = array<i64: 2, 16>, scalar_prefetch = 0 : i64, scratch_operands = 10 : i64, tpu.core_type = #tpu.core_type<sc_vector_subcore>, window_params = [{transform_indices = #map}, {transform_indices = #map}, {transform_indices = #map}, {transform_indices = #map}, {transform_indices = #map}, {transform_indices = #map1}, {transform_indices = #map1}, {transform_indices = #map}, {transform_indices = #map}, {transform_indices = #map}, {transform_indices = #map2}, {transform_indices = #map2}]} {
    "tpu.region"() ({
      %run_scoped3A = tpu.sem_alloc : memref<!tpu.dma_semaphore, #tpu.memory_space<semaphore_mem>>
      tpu.enqueue_dma source(%arg6 : memref<1x16xf32, #tpu.memory_space<hbm>>) target(%arg22 : memref<1x16xf32, #tpu.memory_space<vmem>>) target_semaphore(%run_scoped3A : memref<!tpu.dma_semaphore, #tpu.memory_space<semaphore_mem>>)
      tpu.wait_dma2 semaphore(%run_scoped3A : memref<!tpu.dma_semaphore, #tpu.memory_space<semaphore_mem>>) src(%arg6 : memref<1x16xf32, #tpu.memory_space<hbm>>) dst(%arg22 : memref<1x16xf32, #tpu.memory_space<vmem>>)
      tpu.yield
    }) : () -> ()
    %eq3A = arith.constant 0 : i32
    %eq3A_0 = arith.cmpi eq, %arg0, %eq3A : i32
    %convert_element_type3A = arith.extui %eq3A_0 : i1 to i32
    %cond3A = arith.constant 0 : i32
    %cond3A_1 = arith.cmpi ne, %convert_element_type3A, %cond3A : i32
    scf.if %cond3A_1 {
      %lt3A_50 = arith.constant 15 : i32
      %lt3A_51 = arith.cmpi slt, %arg1, %lt3A_50 : i32
      %convert_element_type3A_52 = arith.extui %lt3A_51 : i1 to i32
      %cond3A_53 = arith.constant 0 : i32
      %cond3A_54 = arith.cmpi ne, %convert_element_type3A_52, %cond3A_53 : i32
      scf.if %cond3A_54 {
        %mul3A = arith.constant 640 : i32
        %mul3A_60 = arith.muli %arg1, %mul3A : i32
        "tpu.region"() ({
          %run_scoped3A = tpu.sem_alloc : memref<!tpu.dma_semaphore, #tpu.memory_space<semaphore_mem>>
          %dma_start3A = arith.constant 0 : i32
          %dma_start3A_61 = arith.constant 0 : i32
          %dma_start3A_62 = tpu.memref_slice %arg21[%dma_start3A, %dma_start3A_61] : memref<640x64xf32, #tpu.memory_space<vmem>> -> memref<640x64xf32, #tpu.memory_space<vmem>>
          %dma_start3A_63 = arith.constant 0 : i32
          %dma_start3A_64 = tpu.memref_slice %arg9[%mul3A_60, %dma_start3A_63] : memref<10000x64xf32, #tpu.memory_space<hbm>> -> memref<640x64xf32, #tpu.memory_space<hbm>>
          %dma_start3A_65 = arith.constant 0 : i32
          %dma_start3A_66 = arith.constant 0 : i32
          %dma_start3A_67 = tpu.memref_slice %arg21[%dma_start3A_65, %dma_start3A_66] : memref<640x64xf32, #tpu.memory_space<vmem>> -> memref<640x64xf32, #tpu.memory_space<vmem>>
          %dma_start3A_68 = arith.constant 0 : i32
          %dma_start3A_69 = tpu.memref_slice %arg9[%mul3A_60, %dma_start3A_68] : memref<10000x64xf32, #tpu.memory_space<hbm>> -> memref<640x64xf32, #tpu.memory_space<hbm>>
          tpu.enqueue_dma source(%dma_start3A_69 : memref<640x64xf32, #tpu.memory_space<hbm>>) target(%dma_start3A_67 : memref<640x64xf32, #tpu.memory_space<vmem>>) target_semaphore(%run_scoped3A : memref<!tpu.dma_semaphore, #tpu.memory_space<semaphore_mem>>)
          %dma_wait3A = arith.constant 0 : i32
          %dma_wait3A_70 = arith.constant 0 : i32
          %dma_wait3A_71 = tpu.memref_slice %arg21[%dma_wait3A, %dma_wait3A_70] : memref<640x64xf32, #tpu.memory_space<vmem>> -> memref<640x64xf32, #tpu.memory_space<vmem>>
          %dma_wait3A_72 = arith.constant 0 : i32
          %dma_wait3A_73 = tpu.memref_slice %arg9[%mul3A_60, %dma_wait3A_72] : memref<10000x64xf32, #tpu.memory_space<hbm>> -> memref<640x64xf32, #tpu.memory_space<hbm>>
          %dma_wait3A_74 = arith.constant 0 : i32
          %dma_wait3A_75 = arith.constant 0 : i32
          %dma_wait3A_76 = tpu.memref_slice %arg21[%dma_wait3A_74, %dma_wait3A_75] : memref<640x64xf32, #tpu.memory_space<vmem>> -> memref<640x64xf32, #tpu.memory_space<vmem>>
          %dma_wait3A_77 = arith.constant 0 : i32
          %dma_wait3A_78 = tpu.memref_slice %arg9[%mul3A_60, %dma_wait3A_77] : memref<10000x64xf32, #tpu.memory_space<hbm>> -> memref<640x64xf32, #tpu.memory_space<hbm>>
          tpu.wait_dma2 semaphore(%run_scoped3A : memref<!tpu.dma_semaphore, #tpu.memory_space<semaphore_mem>>) src(%dma_wait3A_78 : memref<640x64xf32, #tpu.memory_space<hbm>>) dst(%dma_wait3A_76 : memref<640x64xf32, #tpu.memory_space<vmem>>)
          tpu.yield
        }) : () -> ()
        "tpu.region"() ({
          %run_scoped3A = tpu.sem_alloc : memref<!tpu.dma_semaphore, #tpu.memory_space<semaphore_mem>>
          %dma_start3A = arith.constant 0 : i32
          %dma_start3A_61 = arith.constant 0 : i32
          %dma_start3A_62 = tpu.memref_slice %arg21[%dma_start3A, %dma_start3A_61] : memref<640x64xf32, #tpu.memory_space<vmem>> -> memref<640x64xf32, #tpu.memory_space<vmem>>
          %dma_start3A_63 = arith.constant 0 : i32
          %dma_start3A_64 = tpu.memref_slice %arg14[%mul3A_60, %dma_start3A_63] : memref<10000x64xf32, #tpu.memory_space<vmem_shared>> -> memref<640x64xf32, #tpu.memory_space<vmem_shared>>
          %dma_start3A_65 = arith.constant 0 : i32
          %dma_start3A_66 = tpu.memref_slice %arg14[%mul3A_60, %dma_start3A_65] : memref<10000x64xf32, #tpu.memory_space<vmem_shared>> -> memref<640x64xf32, #tpu.memory_space<vmem_shared>>
          %dma_start3A_67 = arith.constant 0 : i32
          %dma_start3A_68 = arith.constant 0 : i32
          %dma_start3A_69 = tpu.memref_slice %arg21[%dma_start3A_67, %dma_start3A_68] : memref<640x64xf32, #tpu.memory_space<vmem>> -> memref<640x64xf32, #tpu.memory_space<vmem>>
          tpu.enqueue_dma source(%dma_start3A_69 : memref<640x64xf32, #tpu.memory_space<vmem>>) target(%dma_start3A_66 : memref<640x64xf32, #tpu.memory_space<vmem_shared>>) target_semaphore(%run_scoped3A : memref<!tpu.dma_semaphore, #tpu.memory_space<semaphore_mem>>)
          %dma_wait3A = arith.constant 0 : i32
          %dma_wait3A_70 = arith.constant 0 : i32
          %dma_wait3A_71 = tpu.memref_slice %arg21[%dma_wait3A, %dma_wait3A_70] : memref<640x64xf32, #tpu.memory_space<vmem>> -> memref<640x64xf32, #tpu.memory_space<vmem>>
          %dma_wait3A_72 = arith.constant 0 : i32
          %dma_wait3A_73 = tpu.memref_slice %arg14[%mul3A_60, %dma_wait3A_72] : memref<10000x64xf32, #tpu.memory_space<vmem_shared>> -> memref<640x64xf32, #tpu.memory_space<vmem_shared>>
          %dma_wait3A_74 = arith.constant 0 : i32
          %dma_wait3A_75 = tpu.memref_slice %arg14[%mul3A_60, %dma_wait3A_74] : memref<10000x64xf32, #tpu.memory_space<vmem_shared>> -> memref<640x64xf32, #tpu.memory_space<vmem_shared>>
          %dma_wait3A_76 = arith.constant 0 : i32
          %dma_wait3A_77 = arith.constant 0 : i32
          %dma_wait3A_78 = tpu.memref_slice %arg21[%dma_wait3A_76, %dma_wait3A_77] : memref<640x64xf32, #tpu.memory_space<vmem>> -> memref<640x64xf32, #tpu.memory_space<vmem>>
          tpu.wait_dma2 semaphore(%run_scoped3A : memref<!tpu.dma_semaphore, #tpu.memory_space<semaphore_mem>>) src(%dma_wait3A_78 : memref<640x64xf32, #tpu.memory_space<vmem>>) dst(%dma_wait3A_75 : memref<640x64xf32, #tpu.memory_space<vmem_shared>>)
          tpu.yield
        }) : () -> ()
        "tpu.region"() ({
          %run_scoped3A = tpu.sem_alloc : memref<!tpu.dma_semaphore, #tpu.memory_space<semaphore_mem>>
          %dma_start3A = arith.constant 0 : i32
          %dma_start3A_61 = arith.constant 0 : i32
          %dma_start3A_62 = tpu.memref_slice %arg18[%dma_start3A, %dma_start3A_61] : memref<640x16xf32, #tpu.memory_space<vmem>> -> memref<640x16xf32, #tpu.memory_space<vmem>>
          %dma_start3A_63 = arith.constant 0 : i32
          %dma_start3A_64 = tpu.memref_slice %arg11[%mul3A_60, %dma_start3A_63] : memref<10000x16xf32, #tpu.memory_space<hbm>> -> memref<640x16xf32, #tpu.memory_space<hbm>>
          %dma_start3A_65 = arith.constant 0 : i32
          %dma_start3A_66 = arith.constant 0 : i32
          %dma_start3A_67 = tpu.memref_slice %arg18[%dma_start3A_65, %dma_start3A_66] : memref<640x16xf32, #tpu.memory_space<vmem>> -> memref<640x16xf32, #tpu.memory_space<vmem>>
          %dma_start3A_68 = arith.constant 0 : i32
          %dma_start3A_69 = tpu.memref_slice %arg11[%mul3A_60, %dma_start3A_68] : memref<10000x16xf32, #tpu.memory_space<hbm>> -> memref<640x16xf32, #tpu.memory_space<hbm>>
          tpu.enqueue_dma source(%dma_start3A_69 : memref<640x16xf32, #tpu.memory_space<hbm>>) target(%dma_start3A_67 : memref<640x16xf32, #tpu.memory_space<vmem>>) target_semaphore(%run_scoped3A : memref<!tpu.dma_semaphore, #tpu.memory_space<semaphore_mem>>)
          %dma_wait3A = arith.constant 0 : i32
          %dma_wait3A_70 = arith.constant 0 : i32
          %dma_wait3A_71 = tpu.memref_slice %arg18[%dma_wait3A, %dma_wait3A_70] : memref<640x16xf32, #tpu.memory_space<vmem>> -> memref<640x16xf32, #tpu.memory_space<vmem>>
          %dma_wait3A_72 = arith.constant 0 : i32
          %dma_wait3A_73 = tpu.memref_slice %arg11[%mul3A_60, %dma_wait3A_72] : memref<10000x16xf32, #tpu.memory_space<hbm>> -> memref<640x16xf32, #tpu.memory_space<hbm>>
          %dma_wait3A_74 = arith.constant 0 : i32
          %dma_wait3A_75 = arith.constant 0 : i32
          %dma_wait3A_76 = tpu.memref_slice %arg18[%dma_wait3A_74, %dma_wait3A_75] : memref<640x16xf32, #tpu.memory_space<vmem>> -> memref<640x16xf32, #tpu.memory_space<vmem>>
          %dma_wait3A_77 = arith.constant 0 : i32
          %dma_wait3A_78 = tpu.memref_slice %arg11[%mul3A_60, %dma_wait3A_77] : memref<10000x16xf32, #tpu.memory_space<hbm>> -> memref<640x16xf32, #tpu.memory_space<hbm>>
          tpu.wait_dma2 semaphore(%run_scoped3A : memref<!tpu.dma_semaphore, #tpu.memory_space<semaphore_mem>>) src(%dma_wait3A_78 : memref<640x16xf32, #tpu.memory_space<hbm>>) dst(%dma_wait3A_76 : memref<640x16xf32, #tpu.memory_space<vmem>>)
          tpu.yield
        }) : () -> ()
        "tpu.region"() ({
          %run_scoped3A = tpu.sem_alloc : memref<!tpu.dma_semaphore, #tpu.memory_space<semaphore_mem>>
          %dma_start3A = arith.constant 0 : i32
          %dma_start3A_61 = arith.constant 0 : i32
          %dma_start3A_62 = tpu.memref_slice %arg18[%dma_start3A, %dma_start3A_61] : memref<640x16xf32, #tpu.memory_space<vmem>> -> memref<640x16xf32, #tpu.memory_space<vmem>>
          %dma_start3A_63 = arith.constant 0 : i32
          %dma_start3A_64 = tpu.memref_slice %arg15[%mul3A_60, %dma_start3A_63] : memref<10000x16xf32, #tpu.memory_space<vmem_shared>> -> memref<640x16xf32, #tpu.memory_space<vmem_shared>>
          %dma_start3A_65 = arith.constant 0 : i32
          %dma_start3A_66 = tpu.memref_slice %arg15[%mul3A_60, %dma_start3A_65] : memref<10000x16xf32, #tpu.memory_space<vmem_shared>> -> memref<640x16xf32, #tpu.memory_space<vmem_shared>>
          %dma_start3A_67 = arith.constant 0 : i32
          %dma_start3A_68 = arith.constant 0 : i32
          %dma_start3A_69 = tpu.memref_slice %arg18[%dma_start3A_67, %dma_start3A_68] : memref<640x16xf32, #tpu.memory_space<vmem>> -> memref<640x16xf32, #tpu.memory_space<vmem>>
          tpu.enqueue_dma source(%dma_start3A_69 : memref<640x16xf32, #tpu.memory_space<vmem>>) target(%dma_start3A_66 : memref<640x16xf32, #tpu.memory_space<vmem_shared>>) target_semaphore(%run_scoped3A : memref<!tpu.dma_semaphore, #tpu.memory_space<semaphore_mem>>)
          %dma_wait3A = arith.constant 0 : i32
          %dma_wait3A_70 = arith.constant 0 : i32
          %dma_wait3A_71 = tpu.memref_slice %arg18[%dma_wait3A, %dma_wait3A_70] : memref<640x16xf32, #tpu.memory_space<vmem>> -> memref<640x16xf32, #tpu.memory_space<vmem>>
          %dma_wait3A_72 = arith.constant 0 : i32
          %dma_wait3A_73 = tpu.memref_slice %arg15[%mul3A_60, %dma_wait3A_72] : memref<10000x16xf32, #tpu.memory_space<vmem_shared>> -> memref<640x16xf32, #tpu.memory_space<vmem_shared>>
          %dma_wait3A_74 = arith.constant 0 : i32
          %dma_wait3A_75 = tpu.memref_slice %arg15[%mul3A_60, %dma_wait3A_74] : memref<10000x16xf32, #tpu.memory_space<vmem_shared>> -> memref<640x16xf32, #tpu.memory_space<vmem_shared>>
          %dma_wait3A_76 = arith.constant 0 : i32
          %dma_wait3A_77 = arith.constant 0 : i32
          %dma_wait3A_78 = tpu.memref_slice %arg18[%dma_wait3A_76, %dma_wait3A_77] : memref<640x16xf32, #tpu.memory_space<vmem>> -> memref<640x16xf32, #tpu.memory_space<vmem>>
          tpu.wait_dma2 semaphore(%run_scoped3A : memref<!tpu.dma_semaphore, #tpu.memory_space<semaphore_mem>>) src(%dma_wait3A_78 : memref<640x16xf32, #tpu.memory_space<vmem>>) dst(%dma_wait3A_75 : memref<640x16xf32, #tpu.memory_space<vmem_shared>>)
          tpu.yield
        }) : () -> ()
      } else {
      }
      %eq3A_55 = arith.constant 15 : i32
      %eq3A_56 = arith.cmpi eq, %arg1, %eq3A_55 : i32
      %convert_element_type3A_57 = arith.extui %eq3A_56 : i1 to i32
      %cond3A_58 = arith.constant 0 : i32
      %cond3A_59 = arith.cmpi ne, %convert_element_type3A_57, %cond3A_58 : i32
      scf.if %cond3A_59 {
        "tpu.region"() ({
          %run_scoped3A = tpu.sem_alloc : memref<!tpu.dma_semaphore, #tpu.memory_space<semaphore_mem>>
          %dma_start3A = arith.constant 0 : i32
          %dma_start3A_60 = arith.constant 0 : i32
          %dma_start3A_61 = tpu.memref_slice %arg21[%dma_start3A, %dma_start3A_60] : memref<640x64xf32, #tpu.memory_space<vmem>> -> memref<400x64xf32, #tpu.memory_space<vmem>>
          %dma_start3A_62 = arith.constant 9600 : i32
          %dma_start3A_63 = arith.constant 0 : i32
          %dma_start3A_64 = tpu.memref_slice %arg9[%dma_start3A_62, %dma_start3A_63] : memref<10000x64xf32, #tpu.memory_space<hbm>> -> memref<400x64xf32, #tpu.memory_space<hbm>>
          %dma_start3A_65 = arith.constant 0 : i32
          %dma_start3A_66 = arith.constant 0 : i32
          %dma_start3A_67 = tpu.memref_slice %arg21[%dma_start3A_65, %dma_start3A_66] : memref<640x64xf32, #tpu.memory_space<vmem>> -> memref<400x64xf32, #tpu.memory_space<vmem>>
          %dma_start3A_68 = arith.constant 9600 : i32
          %dma_start3A_69 = arith.constant 0 : i32
          %dma_start3A_70 = tpu.memref_slice %arg9[%dma_start3A_68, %dma_start3A_69] : memref<10000x64xf32, #tpu.memory_space<hbm>> -> memref<400x64xf32, #tpu.memory_space<hbm>>
          tpu.enqueue_dma source(%dma_start3A_70 : memref<400x64xf32, #tpu.memory_space<hbm>>) target(%dma_start3A_67 : memref<400x64xf32, #tpu.memory_space<vmem>>) target_semaphore(%run_scoped3A : memref<!tpu.dma_semaphore, #tpu.memory_space<semaphore_mem>>)
          %dma_wait3A = arith.constant 0 : i32
          %dma_wait3A_71 = arith.constant 0 : i32
          %dma_wait3A_72 = tpu.memref_slice %arg21[%dma_wait3A, %dma_wait3A_71] : memref<640x64xf32, #tpu.memory_space<vmem>> -> memref<400x64xf32, #tpu.memory_space<vmem>>
          %dma_wait3A_73 = arith.constant 9600 : i32
          %dma_wait3A_74 = arith.constant 0 : i32
          %dma_wait3A_75 = tpu.memref_slice %arg9[%dma_wait3A_73, %dma_wait3A_74] : memref<10000x64xf32, #tpu.memory_space<hbm>> -> memref<400x64xf32, #tpu.memory_space<hbm>>
          %dma_wait3A_76 = arith.constant 0 : i32
          %dma_wait3A_77 = arith.constant 0 : i32
          %dma_wait3A_78 = tpu.memref_slice %arg21[%dma_wait3A_76, %dma_wait3A_77] : memref<640x64xf32, #tpu.memory_space<vmem>> -> memref<400x64xf32, #tpu.memory_space<vmem>>
          %dma_wait3A_79 = arith.constant 9600 : i32
          %dma_wait3A_80 = arith.constant 0 : i32
          %dma_wait3A_81 = tpu.memref_slice %arg9[%dma_wait3A_79, %dma_wait3A_80] : memref<10000x64xf32, #tpu.memory_space<hbm>> -> memref<400x64xf32, #tpu.memory_space<hbm>>
          tpu.wait_dma2 semaphore(%run_scoped3A : memref<!tpu.dma_semaphore, #tpu.memory_space<semaphore_mem>>) src(%dma_wait3A_81 : memref<400x64xf32, #tpu.memory_space<hbm>>) dst(%dma_wait3A_78 : memref<400x64xf32, #tpu.memory_space<vmem>>)
          tpu.yield
        }) : () -> ()
        "tpu.region"() ({
          %run_scoped3A = tpu.sem_alloc : memref<!tpu.dma_semaphore, #tpu.memory_space<semaphore_mem>>
          %dma_start3A = arith.constant 0 : i32
          %dma_start3A_60 = arith.constant 0 : i32
          %dma_start3A_61 = tpu.memref_slice %arg21[%dma_start3A, %dma_start3A_60] : memref<640x64xf32, #tpu.memory_space<vmem>> -> memref<400x64xf32, #tpu.memory_space<vmem>>
          %dma_start3A_62 = arith.constant 9600 : i32
          %dma_start3A_63 = arith.constant 0 : i32
          %dma_start3A_64 = tpu.memref_slice %arg14[%dma_start3A_62, %dma_start3A_63] : memref<10000x64xf32, #tpu.memory_space<vmem_shared>> -> memref<400x64xf32, #tpu.memory_space<vmem_shared>>
          %dma_start3A_65 = arith.constant 9600 : i32
          %dma_start3A_66 = arith.constant 0 : i32
          %dma_start3A_67 = tpu.memref_slice %arg14[%dma_start3A_65, %dma_start3A_66] : memref<10000x64xf32, #tpu.memory_space<vmem_shared>> -> memref<400x64xf32, #tpu.memory_space<vmem_shared>>
          %dma_start3A_68 = arith.constant 0 : i32
          %dma_start3A_69 = arith.constant 0 : i32
          %dma_start3A_70 = tpu.memref_slice %arg21[%dma_start3A_68, %dma_start3A_69] : memref<640x64xf32, #tpu.memory_space<vmem>> -> memref<400x64xf32, #tpu.memory_space<vmem>>
          tpu.enqueue_dma source(%dma_start3A_70 : memref<400x64xf32, #tpu.memory_space<vmem>>) target(%dma_start3A_67 : memref<400x64xf32, #tpu.memory_space<vmem_shared>>) target_semaphore(%run_scoped3A : memref<!tpu.dma_semaphore, #tpu.memory_space<semaphore_mem>>)
          %dma_wait3A = arith.constant 0 : i32
          %dma_wait3A_71 = arith.constant 0 : i32
          %dma_wait3A_72 = tpu.memref_slice %arg21[%dma_wait3A, %dma_wait3A_71] : memref<640x64xf32, #tpu.memory_space<vmem>> -> memref<400x64xf32, #tpu.memory_space<vmem>>
          %dma_wait3A_73 = arith.constant 9600 : i32
          %dma_wait3A_74 = arith.constant 0 : i32
          %dma_wait3A_75 = tpu.memref_slice %arg14[%dma_wait3A_73, %dma_wait3A_74] : memref<10000x64xf32, #tpu.memory_space<vmem_shared>> -> memref<400x64xf32, #tpu.memory_space<vmem_shared>>
          %dma_wait3A_76 = arith.constant 9600 : i32
          %dma_wait3A_77 = arith.constant 0 : i32
          %dma_wait3A_78 = tpu.memref_slice %arg14[%dma_wait3A_76, %dma_wait3A_77] : memref<10000x64xf32, #tpu.memory_space<vmem_shared>> -> memref<400x64xf32, #tpu.memory_space<vmem_shared>>
          %dma_wait3A_79 = arith.constant 0 : i32
          %dma_wait3A_80 = arith.constant 0 : i32
          %dma_wait3A_81 = tpu.memref_slice %arg21[%dma_wait3A_79, %dma_wait3A_80] : memref<640x64xf32, #tpu.memory_space<vmem>> -> memref<400x64xf32, #tpu.memory_space<vmem>>
          tpu.wait_dma2 semaphore(%run_scoped3A : memref<!tpu.dma_semaphore, #tpu.memory_space<semaphore_mem>>) src(%dma_wait3A_81 : memref<400x64xf32, #tpu.memory_space<vmem>>) dst(%dma_wait3A_78 : memref<400x64xf32, #tpu.memory_space<vmem_shared>>)
          tpu.yield
        }) : () -> ()
        "tpu.region"() ({
          %run_scoped3A = tpu.sem_alloc : memref<!tpu.dma_semaphore, #tpu.memory_space<semaphore_mem>>
          %dma_start3A = arith.constant 0 : i32
          %dma_start3A_60 = arith.constant 0 : i32
          %dma_start3A_61 = tpu.memref_slice %arg18[%dma_start3A, %dma_start3A_60] : memref<640x16xf32, #tpu.memory_space<vmem>> -> memref<400x16xf32, #tpu.memory_space<vmem>>
          %dma_start3A_62 = arith.constant 9600 : i32
          %dma_start3A_63 = arith.constant 0 : i32
          %dma_start3A_64 = tpu.memref_slice %arg11[%dma_start3A_62, %dma_start3A_63] : memref<10000x16xf32, #tpu.memory_space<hbm>> -> memref<400x16xf32, #tpu.memory_space<hbm>>
          %dma_start3A_65 = arith.constant 0 : i32
          %dma_start3A_66 = arith.constant 0 : i32
          %dma_start3A_67 = tpu.memref_slice %arg18[%dma_start3A_65, %dma_start3A_66] : memref<640x16xf32, #tpu.memory_space<vmem>> -> memref<400x16xf32, #tpu.memory_space<vmem>>
          %dma_start3A_68 = arith.constant 9600 : i32
          %dma_start3A_69 = arith.constant 0 : i32
          %dma_start3A_70 = tpu.memref_slice %arg11[%dma_start3A_68, %dma_start3A_69] : memref<10000x16xf32, #tpu.memory_space<hbm>> -> memref<400x16xf32, #tpu.memory_space<hbm>>
          tpu.enqueue_dma source(%dma_start3A_70 : memref<400x16xf32, #tpu.memory_space<hbm>>) target(%dma_start3A_67 : memref<400x16xf32, #tpu.memory_space<vmem>>) target_semaphore(%run_scoped3A : memref<!tpu.dma_semaphore, #tpu.memory_space<semaphore_mem>>)
          %dma_wait3A = arith.constant 0 : i32
          %dma_wait3A_71 = arith.constant 0 : i32
          %dma_wait3A_72 = tpu.memref_slice %arg18[%dma_wait3A, %dma_wait3A_71] : memref<640x16xf32, #tpu.memory_space<vmem>> -> memref<400x16xf32, #tpu.memory_space<vmem>>
          %dma_wait3A_73 = arith.constant 9600 : i32
          %dma_wait3A_74 = arith.constant 0 : i32
          %dma_wait3A_75 = tpu.memref_slice %arg11[%dma_wait3A_73, %dma_wait3A_74] : memref<10000x16xf32, #tpu.memory_space<hbm>> -> memref<400x16xf32, #tpu.memory_space<hbm>>
          %dma_wait3A_76 = arith.constant 0 : i32
          %dma_wait3A_77 = arith.constant 0 : i32
          %dma_wait3A_78 = tpu.memref_slice %arg18[%dma_wait3A_76, %dma_wait3A_77] : memref<640x16xf32, #tpu.memory_space<vmem>> -> memref<400x16xf32, #tpu.memory_space<vmem>>
          %dma_wait3A_79 = arith.constant 9600 : i32
          %dma_wait3A_80 = arith.constant 0 : i32
          %dma_wait3A_81 = tpu.memref_slice %arg11[%dma_wait3A_79, %dma_wait3A_80] : memref<10000x16xf32, #tpu.memory_space<hbm>> -> memref<400x16xf32, #tpu.memory_space<hbm>>
          tpu.wait_dma2 semaphore(%run_scoped3A : memref<!tpu.dma_semaphore, #tpu.memory_space<semaphore_mem>>) src(%dma_wait3A_81 : memref<400x16xf32, #tpu.memory_space<hbm>>) dst(%dma_wait3A_78 : memref<400x16xf32, #tpu.memory_space<vmem>>)
          tpu.yield
        }) : () -> ()
        "tpu.region"() ({
          %run_scoped3A = tpu.sem_alloc : memref<!tpu.dma_semaphore, #tpu.memory_space<semaphore_mem>>
          %dma_start3A = arith.constant 0 : i32
          %dma_start3A_60 = arith.constant 0 : i32
          %dma_start3A_61 = tpu.memref_slice %arg18[%dma_start3A, %dma_start3A_60] : memref<640x16xf32, #tpu.memory_space<vmem>> -> memref<400x16xf32, #tpu.memory_space<vmem>>
          %dma_start3A_62 = arith.constant 9600 : i32
          %dma_start3A_63 = arith.constant 0 : i32
          %dma_start3A_64 = tpu.memref_slice %arg15[%dma_start3A_62, %dma_start3A_63] : memref<10000x16xf32, #tpu.memory_space<vmem_shared>> -> memref<400x16xf32, #tpu.memory_space<vmem_shared>>
          %dma_start3A_65 = arith.constant 9600 : i32
          %dma_start3A_66 = arith.constant 0 : i32
          %dma_start3A_67 = tpu.memref_slice %arg15[%dma_start3A_65, %dma_start3A_66] : memref<10000x16xf32, #tpu.memory_space<vmem_shared>> -> memref<400x16xf32, #tpu.memory_space<vmem_shared>>
          %dma_start3A_68 = arith.constant 0 : i32
          %dma_start3A_69 = arith.constant 0 : i32
          %dma_start3A_70 = tpu.memref_slice %arg18[%dma_start3A_68, %dma_start3A_69] : memref<640x16xf32, #tpu.memory_space<vmem>> -> memref<400x16xf32, #tpu.memory_space<vmem>>
          tpu.enqueue_dma source(%dma_start3A_70 : memref<400x16xf32, #tpu.memory_space<vmem>>) target(%dma_start3A_67 : memref<400x16xf32, #tpu.memory_space<vmem_shared>>) target_semaphore(%run_scoped3A : memref<!tpu.dma_semaphore, #tpu.memory_space<semaphore_mem>>)
          %dma_wait3A = arith.constant 0 : i32
          %dma_wait3A_71 = arith.constant 0 : i32
          %dma_wait3A_72 = tpu.memref_slice %arg18[%dma_wait3A, %dma_wait3A_71] : memref<640x16xf32, #tpu.memory_space<vmem>> -> memref<400x16xf32, #tpu.memory_space<vmem>>
          %dma_wait3A_73 = arith.constant 9600 : i32
          %dma_wait3A_74 = arith.constant 0 : i32
          %dma_wait3A_75 = tpu.memref_slice %arg15[%dma_wait3A_73, %dma_wait3A_74] : memref<10000x16xf32, #tpu.memory_space<vmem_shared>> -> memref<400x16xf32, #tpu.memory_space<vmem_shared>>
          %dma_wait3A_76 = arith.constant 9600 : i32
          %dma_wait3A_77 = arith.constant 0 : i32
          %dma_wait3A_78 = tpu.memref_slice %arg15[%dma_wait3A_76, %dma_wait3A_77] : memref<10000x16xf32, #tpu.memory_space<vmem_shared>> -> memref<400x16xf32, #tpu.memory_space<vmem_shared>>
          %dma_wait3A_79 = arith.constant 0 : i32
          %dma_wait3A_80 = arith.constant 0 : i32
          %dma_wait3A_81 = tpu.memref_slice %arg18[%dma_wait3A_79, %dma_wait3A_80] : memref<640x16xf32, #tpu.memory_space<vmem>> -> memref<400x16xf32, #tpu.memory_space<vmem>>
          tpu.wait_dma2 semaphore(%run_scoped3A : memref<!tpu.dma_semaphore, #tpu.memory_space<semaphore_mem>>) src(%dma_wait3A_81 : memref<400x16xf32, #tpu.memory_space<vmem>>) dst(%dma_wait3A_78 : memref<400x16xf32, #tpu.memory_space<vmem_shared>>)
          tpu.yield
        }) : () -> ()
      } else {
      }
    } else {
    }
    %eq3A_2 = arith.constant 1 : i32
    %eq3A_3 = arith.cmpi eq, %arg0, %eq3A_2 : i32
    %convert_element_type3A_4 = arith.extui %eq3A_3 : i1 to i32
    %cond3A_5 = arith.constant 0 : i32
    %cond3A_6 = arith.cmpi ne, %convert_element_type3A_4, %cond3A_5 : i32
    scf.if %cond3A_6 {
      %lt3A_50 = arith.constant 15 : i32
      %lt3A_51 = arith.cmpi slt, %arg1, %lt3A_50 : i32
      %convert_element_type3A_52 = arith.extui %lt3A_51 : i1 to i32
      %cond3A_53 = arith.constant 0 : i32
      %cond3A_54 = arith.cmpi ne, %convert_element_type3A_52, %cond3A_53 : i32
      scf.if %cond3A_54 {
        %mul3A = arith.constant 640 : i32
        %mul3A_60 = arith.muli %arg1, %mul3A : i32
        "tpu.region"() ({
          %run_scoped3A = tpu.sem_alloc : memref<!tpu.dma_semaphore, #tpu.memory_space<semaphore_mem>>
          %dma_start3A = arith.constant 0 : i32
          %dma_start3A_61 = arith.constant 0 : i32
          %dma_start3A_62 = tpu.memref_slice %arg21[%dma_start3A, %dma_start3A_61] : memref<640x64xf32, #tpu.memory_space<vmem>> -> memref<640x64xf32, #tpu.memory_space<vmem>>
          %dma_start3A_63 = arith.constant 0 : i32
          %dma_start3A_64 = tpu.memref_slice %arg10[%mul3A_60, %dma_start3A_63] : memref<10000x64xf32, #tpu.memory_space<hbm>> -> memref<640x64xf32, #tpu.memory_space<hbm>>
          %dma_start3A_65 = arith.constant 0 : i32
          %dma_start3A_66 = arith.constant 0 : i32
          %dma_start3A_67 = tpu.memref_slice %arg21[%dma_start3A_65, %dma_start3A_66] : memref<640x64xf32, #tpu.memory_space<vmem>> -> memref<640x64xf32, #tpu.memory_space<vmem>>
          %dma_start3A_68 = arith.constant 0 : i32
          %dma_start3A_69 = tpu.memref_slice %arg10[%mul3A_60, %dma_start3A_68] : memref<10000x64xf32, #tpu.memory_space<hbm>> -> memref<640x64xf32, #tpu.memory_space<hbm>>
          tpu.enqueue_dma source(%dma_start3A_69 : memref<640x64xf32, #tpu.memory_space<hbm>>) target(%dma_start3A_67 : memref<640x64xf32, #tpu.memory_space<vmem>>) target_semaphore(%run_scoped3A : memref<!tpu.dma_semaphore, #tpu.memory_space<semaphore_mem>>)
          %dma_wait3A = arith.constant 0 : i32
          %dma_wait3A_70 = arith.constant 0 : i32
          %dma_wait3A_71 = tpu.memref_slice %arg21[%dma_wait3A, %dma_wait3A_70] : memref<640x64xf32, #tpu.memory_space<vmem>> -> memref<640x64xf32, #tpu.memory_space<vmem>>
          %dma_wait3A_72 = arith.constant 0 : i32
          %dma_wait3A_73 = tpu.memref_slice %arg10[%mul3A_60, %dma_wait3A_72] : memref<10000x64xf32, #tpu.memory_space<hbm>> -> memref<640x64xf32, #tpu.memory_space<hbm>>
          %dma_wait3A_74 = arith.constant 0 : i32
          %dma_wait3A_75 = arith.constant 0 : i32
          %dma_wait3A_76 = tpu.memref_slice %arg21[%dma_wait3A_74, %dma_wait3A_75] : memref<640x64xf32, #tpu.memory_space<vmem>> -> memref<640x64xf32, #tpu.memory_space<vmem>>
          %dma_wait3A_77 = arith.constant 0 : i32
          %dma_wait3A_78 = tpu.memref_slice %arg10[%mul3A_60, %dma_wait3A_77] : memref<10000x64xf32, #tpu.memory_space<hbm>> -> memref<640x64xf32, #tpu.memory_space<hbm>>
          tpu.wait_dma2 semaphore(%run_scoped3A : memref<!tpu.dma_semaphore, #tpu.memory_space<semaphore_mem>>) src(%dma_wait3A_78 : memref<640x64xf32, #tpu.memory_space<hbm>>) dst(%dma_wait3A_76 : memref<640x64xf32, #tpu.memory_space<vmem>>)
          tpu.yield
        }) : () -> ()
        "tpu.region"() ({
          %run_scoped3A = tpu.sem_alloc : memref<!tpu.dma_semaphore, #tpu.memory_space<semaphore_mem>>
          %dma_start3A = arith.constant 0 : i32
          %dma_start3A_61 = arith.constant 0 : i32
          %dma_start3A_62 = tpu.memref_slice %arg21[%dma_start3A, %dma_start3A_61] : memref<640x64xf32, #tpu.memory_space<vmem>> -> memref<640x64xf32, #tpu.memory_space<vmem>>
          %dma_start3A_63 = arith.constant 0 : i32
          %dma_start3A_64 = tpu.memref_slice %arg14[%mul3A_60, %dma_start3A_63] : memref<10000x64xf32, #tpu.memory_space<vmem_shared>> -> memref<640x64xf32, #tpu.memory_space<vmem_shared>>
          %dma_start3A_65 = arith.constant 0 : i32
          %dma_start3A_66 = tpu.memref_slice %arg14[%mul3A_60, %dma_start3A_65] : memref<10000x64xf32, #tpu.memory_space<vmem_shared>> -> memref<640x64xf32, #tpu.memory_space<vmem_shared>>
          %dma_start3A_67 = arith.constant 0 : i32
          %dma_start3A_68 = arith.constant 0 : i32
          %dma_start3A_69 = tpu.memref_slice %arg21[%dma_start3A_67, %dma_start3A_68] : memref<640x64xf32, #tpu.memory_space<vmem>> -> memref<640x64xf32, #tpu.memory_space<vmem>>
          tpu.enqueue_dma source(%dma_start3A_69 : memref<640x64xf32, #tpu.memory_space<vmem>>) target(%dma_start3A_66 : memref<640x64xf32, #tpu.memory_space<vmem_shared>>) target_semaphore(%run_scoped3A : memref<!tpu.dma_semaphore, #tpu.memory_space<semaphore_mem>>)
          %dma_wait3A = arith.constant 0 : i32
          %dma_wait3A_70 = arith.constant 0 : i32
          %dma_wait3A_71 = tpu.memref_slice %arg21[%dma_wait3A, %dma_wait3A_70] : memref<640x64xf32, #tpu.memory_space<vmem>> -> memref<640x64xf32, #tpu.memory_space<vmem>>
          %dma_wait3A_72 = arith.constant 0 : i32
          %dma_wait3A_73 = tpu.memref_slice %arg14[%mul3A_60, %dma_wait3A_72] : memref<10000x64xf32, #tpu.memory_space<vmem_shared>> -> memref<640x64xf32, #tpu.memory_space<vmem_shared>>
          %dma_wait3A_74 = arith.constant 0 : i32
          %dma_wait3A_75 = tpu.memref_slice %arg14[%mul3A_60, %dma_wait3A_74] : memref<10000x64xf32, #tpu.memory_space<vmem_shared>> -> memref<640x64xf32, #tpu.memory_space<vmem_shared>>
          %dma_wait3A_76 = arith.constant 0 : i32
          %dma_wait3A_77 = arith.constant 0 : i32
          %dma_wait3A_78 = tpu.memref_slice %arg21[%dma_wait3A_76, %dma_wait3A_77] : memref<640x64xf32, #tpu.memory_space<vmem>> -> memref<640x64xf32, #tpu.memory_space<vmem>>
          tpu.wait_dma2 semaphore(%run_scoped3A : memref<!tpu.dma_semaphore, #tpu.memory_space<semaphore_mem>>) src(%dma_wait3A_78 : memref<640x64xf32, #tpu.memory_space<vmem>>) dst(%dma_wait3A_75 : memref<640x64xf32, #tpu.memory_space<vmem_shared>>)
          tpu.yield
        }) : () -> ()
      } else {
      }
      %eq3A_55 = arith.constant 15 : i32
      %eq3A_56 = arith.cmpi eq, %arg1, %eq3A_55 : i32
      %convert_element_type3A_57 = arith.extui %eq3A_56 : i1 to i32
      %cond3A_58 = arith.constant 0 : i32
      %cond3A_59 = arith.cmpi ne, %convert_element_type3A_57, %cond3A_58 : i32
      scf.if %cond3A_59 {
        "tpu.region"() ({
          %run_scoped3A = tpu.sem_alloc : memref<!tpu.dma_semaphore, #tpu.memory_space<semaphore_mem>>
          %dma_start3A = arith.constant 0 : i32
          %dma_start3A_60 = arith.constant 0 : i32
          %dma_start3A_61 = tpu.memref_slice %arg21[%dma_start3A, %dma_start3A_60] : memref<640x64xf32, #tpu.memory_space<vmem>> -> memref<400x64xf32, #tpu.memory_space<vmem>>
          %dma_start3A_62 = arith.constant 9600 : i32
          %dma_start3A_63 = arith.constant 0 : i32
          %dma_start3A_64 = tpu.memref_slice %arg10[%dma_start3A_62, %dma_start3A_63] : memref<10000x64xf32, #tpu.memory_space<hbm>> -> memref<400x64xf32, #tpu.memory_space<hbm>>
          %dma_start3A_65 = arith.constant 0 : i32
          %dma_start3A_66 = arith.constant 0 : i32
          %dma_start3A_67 = tpu.memref_slice %arg21[%dma_start3A_65, %dma_start3A_66] : memref<640x64xf32, #tpu.memory_space<vmem>> -> memref<400x64xf32, #tpu.memory_space<vmem>>
          %dma_start3A_68 = arith.constant 9600 : i32
          %dma_start3A_69 = arith.constant 0 : i32
          %dma_start3A_70 = tpu.memref_slice %arg10[%dma_start3A_68, %dma_start3A_69] : memref<10000x64xf32, #tpu.memory_space<hbm>> -> memref<400x64xf32, #tpu.memory_space<hbm>>
          tpu.enqueue_dma source(%dma_start3A_70 : memref<400x64xf32, #tpu.memory_space<hbm>>) target(%dma_start3A_67 : memref<400x64xf32, #tpu.memory_space<vmem>>) target_semaphore(%run_scoped3A : memref<!tpu.dma_semaphore, #tpu.memory_space<semaphore_mem>>)
          %dma_wait3A = arith.constant 0 : i32
          %dma_wait3A_71 = arith.constant 0 : i32
          %dma_wait3A_72 = tpu.memref_slice %arg21[%dma_wait3A, %dma_wait3A_71] : memref<640x64xf32, #tpu.memory_space<vmem>> -> memref<400x64xf32, #tpu.memory_space<vmem>>
          %dma_wait3A_73 = arith.constant 9600 : i32
          %dma_wait3A_74 = arith.constant 0 : i32
          %dma_wait3A_75 = tpu.memref_slice %arg10[%dma_wait3A_73, %dma_wait3A_74] : memref<10000x64xf32, #tpu.memory_space<hbm>> -> memref<400x64xf32, #tpu.memory_space<hbm>>
          %dma_wait3A_76 = arith.constant 0 : i32
          %dma_wait3A_77 = arith.constant 0 : i32
          %dma_wait3A_78 = tpu.memref_slice %arg21[%dma_wait3A_76, %dma_wait3A_77] : memref<640x64xf32, #tpu.memory_space<vmem>> -> memref<400x64xf32, #tpu.memory_space<vmem>>
          %dma_wait3A_79 = arith.constant 9600 : i32
          %dma_wait3A_80 = arith.constant 0 : i32
          %dma_wait3A_81 = tpu.memref_slice %arg10[%dma_wait3A_79, %dma_wait3A_80] : memref<10000x64xf32, #tpu.memory_space<hbm>> -> memref<400x64xf32, #tpu.memory_space<hbm>>
          tpu.wait_dma2 semaphore(%run_scoped3A : memref<!tpu.dma_semaphore, #tpu.memory_space<semaphore_mem>>) src(%dma_wait3A_81 : memref<400x64xf32, #tpu.memory_space<hbm>>) dst(%dma_wait3A_78 : memref<400x64xf32, #tpu.memory_space<vmem>>)
          tpu.yield
        }) : () -> ()
        "tpu.region"() ({
          %run_scoped3A = tpu.sem_alloc : memref<!tpu.dma_semaphore, #tpu.memory_space<semaphore_mem>>
          %dma_start3A = arith.constant 0 : i32
          %dma_start3A_60 = arith.constant 0 : i32
          %dma_start3A_61 = tpu.memref_slice %arg21[%dma_start3A, %dma_start3A_60] : memref<640x64xf32, #tpu.memory_space<vmem>> -> memref<400x64xf32, #tpu.memory_space<vmem>>
          %dma_start3A_62 = arith.constant 9600 : i32
          %dma_start3A_63 = arith.constant 0 : i32
          %dma_start3A_64 = tpu.memref_slice %arg14[%dma_start3A_62, %dma_start3A_63] : memref<10000x64xf32, #tpu.memory_space<vmem_shared>> -> memref<400x64xf32, #tpu.memory_space<vmem_shared>>
          %dma_start3A_65 = arith.constant 9600 : i32
          %dma_start3A_66 = arith.constant 0 : i32
          %dma_start3A_67 = tpu.memref_slice %arg14[%dma_start3A_65, %dma_start3A_66] : memref<10000x64xf32, #tpu.memory_space<vmem_shared>> -> memref<400x64xf32, #tpu.memory_space<vmem_shared>>
          %dma_start3A_68 = arith.constant 0 : i32
          %dma_start3A_69 = arith.constant 0 : i32
          %dma_start3A_70 = tpu.memref_slice %arg21[%dma_start3A_68, %dma_start3A_69] : memref<640x64xf32, #tpu.memory_space<vmem>> -> memref<400x64xf32, #tpu.memory_space<vmem>>
          tpu.enqueue_dma source(%dma_start3A_70 : memref<400x64xf32, #tpu.memory_space<vmem>>) target(%dma_start3A_67 : memref<400x64xf32, #tpu.memory_space<vmem_shared>>) target_semaphore(%run_scoped3A : memref<!tpu.dma_semaphore, #tpu.memory_space<semaphore_mem>>)
          %dma_wait3A = arith.constant 0 : i32
          %dma_wait3A_71 = arith.constant 0 : i32
          %dma_wait3A_72 = tpu.memref_slice %arg21[%dma_wait3A, %dma_wait3A_71] : memref<640x64xf32, #tpu.memory_space<vmem>> -> memref<400x64xf32, #tpu.memory_space<vmem>>
          %dma_wait3A_73 = arith.constant 9600 : i32
          %dma_wait3A_74 = arith.constant 0 : i32
          %dma_wait3A_75 = tpu.memref_slice %arg14[%dma_wait3A_73, %dma_wait3A_74] : memref<10000x64xf32, #tpu.memory_space<vmem_shared>> -> memref<400x64xf32, #tpu.memory_space<vmem_shared>>
          %dma_wait3A_76 = arith.constant 9600 : i32
          %dma_wait3A_77 = arith.constant 0 : i32
          %dma_wait3A_78 = tpu.memref_slice %arg14[%dma_wait3A_76, %dma_wait3A_77] : memref<10000x64xf32, #tpu.memory_space<vmem_shared>> -> memref<400x64xf32, #tpu.memory_space<vmem_shared>>
          %dma_wait3A_79 = arith.constant 0 : i32
          %dma_wait3A_80 = arith.constant 0 : i32
          %dma_wait3A_81 = tpu.memref_slice %arg21[%dma_wait3A_79, %dma_wait3A_80] : memref<640x64xf32, #tpu.memory_space<vmem>> -> memref<400x64xf32, #tpu.memory_space<vmem>>
          tpu.wait_dma2 semaphore(%run_scoped3A : memref<!tpu.dma_semaphore, #tpu.memory_space<semaphore_mem>>) src(%dma_wait3A_81 : memref<400x64xf32, #tpu.memory_space<vmem>>) dst(%dma_wait3A_78 : memref<400x64xf32, #tpu.memory_space<vmem_shared>>)
          tpu.yield
        }) : () -> ()
      } else {
      }
    } else {
    }
    %barrier3A = arith.constant 0 : index
    tpu.barrier barrier_id(%barrier3A)
    %get3A = arith.constant 0 : i32
    %get3A_7 = arith.index_cast %get3A : i32 to index
    %get3A_8 = arith.constant 0 : index
    %get3A_9 = tpu.vector_load %arg22[%get3A_7, %get3A_8] {strides = array<i32>} : memref<1x16xf32, #tpu.memory_space<vmem>>, vector<1x16xf32>,
    %get3A_10 = vector.shape_cast %get3A_9 : vector<1x16xf32> to vector<16xf32>
    %sub3A = arith.constant 249 : i32
    %sub3A_11 = arith.subi %sub3A, %arg1 : i32
    %jit3A = arith.constant 16 : i32
    %div3A = arith.divsi %sub3A_11, %jit3A : i32
    %sign3A = arith.constant 0 : i32
    %sign3A_12 = arith.cmpi sgt, %sub3A_11, %sign3A : i32
    %sign3A_13 = arith.extui %sign3A_12 : i1 to i32
    %sign3A_14 = arith.constant 0 : i32
    %sign3A_15 = arith.cmpi slt, %sub3A_11, %sign3A_14 : i32
    %sign3A_16 = arith.extui %sign3A_15 : i1 to i32
    %sign3A_17 = arith.subi %sign3A_13, %sign3A_16 : i32
    %sign3A_18 = arith.constant 0 : i32
    %sign3A_19 = arith.cmpi sgt, %jit3A, %sign3A_18 : i32
    %sign3A_20 = arith.extui %sign3A_19 : i1 to i32
    %sign3A_21 = arith.constant 0 : i32
    %sign3A_22 = arith.cmpi slt, %jit3A, %sign3A_21 : i32
    %sign3A_23 = arith.extui %sign3A_22 : i1 to i32
    %sign3A_24 = arith.subi %sign3A_20, %sign3A_23 : i32
    %ne3A = arith.cmpi ne, %sign3A_17, %sign3A_24 : i32
    %rem3A = arith.remsi %sub3A_11, %jit3A : i32
    %ne3A_25 = arith.constant 0 : i32
    %ne3A_26 = arith.cmpi ne, %rem3A, %ne3A_25 : i32
    %and3A = arith.andi %ne3A, %ne3A_26 : i1
    %sub3A_27 = arith.constant 1 : i32
    %sub3A_28 = arith.subi %div3A, %sub3A_27 : i32
    %select_n3A = arith.select %and3A, %sub3A_28, %div3A : i32
    %add3A = arith.constant 1 : i32
    %add3A_29 = arith.addi %select_n3A, %add3A : i32
    %eq3A_30 = arith.constant 0 : i32
    %eq3A_31 = arith.cmpi eq, %arg0, %eq3A_30 : i32
    %convert_element_type3A_32 = arith.extui %eq3A_31 : i1 to i32
    %cond3A_33 = arith.constant 0 : i32
    %cond3A_34 = arith.cmpi ne, %convert_element_type3A_32, %cond3A_33 : i32
    scf.if %cond3A_34 {
      %while3A = arith.constant 0 : i32
      %while3A_50 = arith.constant 0 : i32
      %while3A_51 = arith.subi %add3A_29, %while3A_50 : i32
      %while3A_52 = arith.addi %while3A_50, %while3A_51 : i32
      %while3A_53 = arith.constant 1 : i32
      %while3A_54 = arith.divsi %while3A_51, %while3A_53 : i32
      %while3A_55 = arith.muli %while3A_54, %while3A_53 : i32
      %while3A_56 = arith.addi %while3A_50, %while3A_55 : i32
      %while3A_57 = arith.constant 1 : i32
      scf.for %while3A_59 = %while3A_50 to %while3A_56 step %while3A_57  : i32 {
        %mul3A = arith.constant 16 : i32
        %mul3A_60 = arith.muli %while3A_59, %mul3A : i32
        %add3A_61 = arith.addi %arg1, %mul3A_60 : i32
        %mul3A_62 = arith.constant 640 : i32
        %mul3A_63 = arith.muli %add3A_61, %mul3A_62 : i32
        "tpu.region"() ({
          %run_scoped3A = tpu.sem_alloc : memref<!tpu.dma_semaphore, #tpu.memory_space<semaphore_mem>>
          %dma_start3A_91 = tpu.memref_slice %arg7[%mul3A_63] : memref<160000xi32, #tpu.memory_space<hbm>> -> memref<640xi32, #tpu.memory_space<hbm>>
          %dma_start3A_92 = tpu.memref_slice %arg7[%mul3A_63] : memref<160000xi32, #tpu.memory_space<hbm>> -> memref<640xi32, #tpu.memory_space<hbm>>
          tpu.enqueue_dma source(%dma_start3A_92 : memref<640xi32, #tpu.memory_space<hbm>>) target(%arg16 : memref<640xi32, #tpu.memory_space<vmem>>) target_semaphore(%run_scoped3A : memref<!tpu.dma_semaphore, #tpu.memory_space<semaphore_mem>>)
          %dma_wait3A_93 = tpu.memref_slice %arg7[%mul3A_63] : memref<160000xi32, #tpu.memory_space<hbm>> -> memref<640xi32, #tpu.memory_space<hbm>>
          %dma_wait3A_94 = tpu.memref_slice %arg7[%mul3A_63] : memref<160000xi32, #tpu.memory_space<hbm>> -> memref<640xi32, #tpu.memory_space<hbm>>
          tpu.wait_dma2 semaphore(%run_scoped3A : memref<!tpu.dma_semaphore, #tpu.memory_space<semaphore_mem>>) src(%dma_wait3A_94 : memref<640xi32, #tpu.memory_space<hbm>>) dst(%arg16 : memref<640xi32, #tpu.memory_space<vmem>>)
          tpu.yield
        }) : () -> ()
        "tpu.region"() ({
          %run_scoped3A = tpu.sem_alloc : memref<!tpu.dma_semaphore, #tpu.memory_space<semaphore_mem>>
          %dma_start3A_91 = tpu.memref_slice %arg8[%mul3A_63] : memref<160000xi32, #tpu.memory_space<hbm>> -> memref<640xi32, #tpu.memory_space<hbm>>
          %dma_start3A_92 = tpu.memref_slice %arg8[%mul3A_63] : memref<160000xi32, #tpu.memory_space<hbm>> -> memref<640xi32, #tpu.memory_space<hbm>>
          tpu.enqueue_dma source(%dma_start3A_92 : memref<640xi32, #tpu.memory_space<hbm>>) target(%arg17 : memref<640xi32, #tpu.memory_space<vmem>>) target_semaphore(%run_scoped3A : memref<!tpu.dma_semaphore, #tpu.memory_space<semaphore_mem>>)
          %dma_wait3A_93 = tpu.memref_slice %arg8[%mul3A_63] : memref<160000xi32, #tpu.memory_space<hbm>> -> memref<640xi32, #tpu.memory_space<hbm>>
          %dma_wait3A_94 = tpu.memref_slice %arg8[%mul3A_63] : memref<160000xi32, #tpu.memory_space<hbm>> -> memref<640xi32, #tpu.memory_space<hbm>>
          tpu.wait_dma2 semaphore(%run_scoped3A : memref<!tpu.dma_semaphore, #tpu.memory_space<semaphore_mem>>) src(%dma_wait3A_94 : memref<640xi32, #tpu.memory_space<hbm>>) dst(%arg17 : memref<640xi32, #tpu.memory_space<vmem>>)
          tpu.yield
        }) : () -> ()
        %dma_start3A = arith.constant 0 : i32
        %dma_start3A_64 = arith.constant 0 : i32
        %dma_start3A_65 = tpu.memref_slice %arg4[%dma_start3A, %dma_start3A_64] : memref<10000x16xf32, #tpu.memory_space<hbm>> -> memref<10000x16xf32, #tpu.memory_space<hbm>>
        tpu.enqueue_indirect_dma source(%dma_start3A_65 : memref<10000x16xf32, #tpu.memory_space<hbm>>) target(%arg18 : memref<640x16xf32, #tpu.memory_space<vmem>>) offsets(%arg16 : memref<640xi32, #tpu.memory_space<vmem>>) semaphore(%arg23 : memref<!tpu.dma_semaphore, #tpu.memory_space<semaphore_mem>>)
        %dma_wait3A = arith.constant 0 : i32
        %dma_wait3A_66 = arith.constant 0 : i32
        %dma_wait3A_67 = tpu.memref_slice %arg4[%dma_wait3A, %dma_wait3A_66] : memref<10000x16xf32, #tpu.memory_space<hbm>> -> memref<10000x16xf32, #tpu.memory_space<hbm>>
        tpu.wait_indirect_dma semaphore(%arg23 : memref<!tpu.dma_semaphore, #tpu.memory_space<semaphore_mem>>) src(%dma_wait3A_67 : memref<10000x16xf32, #tpu.memory_space<hbm>>) dst(%arg18 : memref<640x16xf32, #tpu.memory_space<vmem>>)
        %dma_start3A_68 = arith.constant 0 : i32
        %dma_start3A_69 = arith.constant 0 : i32
        %dma_start3A_70 = tpu.memref_slice %arg5[%dma_start3A_68, %dma_start3A_69] : memref<10000x16xf32, #tpu.memory_space<hbm>> -> memref<10000x16xf32, #tpu.memory_space<hbm>>
        tpu.enqueue_indirect_dma source(%dma_start3A_70 : memref<10000x16xf32, #tpu.memory_space<hbm>>) target(%arg19 : memref<640x16xf32, #tpu.memory_space<vmem>>) offsets(%arg17 : memref<640xi32, #tpu.memory_space<vmem>>) semaphore(%arg23 : memref<!tpu.dma_semaphore, #tpu.memory_space<semaphore_mem>>)
        %dma_wait3A_71 = arith.constant 0 : i32
        %dma_wait3A_72 = arith.constant 0 : i32
        %dma_wait3A_73 = tpu.memref_slice %arg5[%dma_wait3A_71, %dma_wait3A_72] : memref<10000x16xf32, #tpu.memory_space<hbm>> -> memref<10000x16xf32, #tpu.memory_space<hbm>>
        tpu.wait_indirect_dma semaphore(%arg23 : memref<!tpu.dma_semaphore, #tpu.memory_space<semaphore_mem>>) src(%dma_wait3A_73 : memref<10000x16xf32, #tpu.memory_space<hbm>>) dst(%arg19 : memref<640x16xf32, #tpu.memory_space<vmem>>)
        %scan3A = arith.constant 0 : i32
        %scan3A_74 = arith.constant 0 : i32
        %scan3A_75 = arith.constant 640 : i32
        %scan3A_76 = arith.addi %scan3A_74, %scan3A_75 : i32
        %scan3A_77 = arith.constant 2 : i32
        scf.for %scan3A_91 = %scan3A_74 to %scan3A_76 step %scan3A_77  : i32 {
          %get3A_92 = arith.index_cast %scan3A_91 : i32 to index
          %get3A_93 = arith.constant 0 : index
          %get3A_94 = tpu.vector_load %arg18[%get3A_92, %get3A_93] {strides = array<i32>} : memref<640x16xf32, #tpu.memory_space<vmem>>, vector<1x16xf32>,
          %get3A_95 = vector.shape_cast %get3A_94 : vector<1x16xf32> to vector<16xf32>
          %get3A_96 = arith.index_cast %scan3A_91 : i32 to index
          %get3A_97 = arith.constant 0 : index
          %get3A_98 = tpu.vector_load %arg19[%get3A_96, %get3A_97] {strides = array<i32>} : memref<640x16xf32, #tpu.memory_space<vmem>>, vector<1x16xf32>,
          %get3A_99 = vector.shape_cast %get3A_98 : vector<1x16xf32> to vector<16xf32>
          %add3A_100 = arith.addf %get3A_95, %get3A_99 : vector<16xf32>
          %ge3A = arith.constant 0.000000e+00 : f32
          %ge3A_101 = vector.broadcast %ge3A : f32 to vector<16xf32>
          %ge3A_102 = arith.cmpf oge, %add3A_100, %ge3A_101 : vector<16xf32>
          %mul3A_103 = arith.constant 2.000000e-01 : f32
          %mul3A_104 = vector.broadcast %mul3A_103 : f32 to vector<16xf32>
          %mul3A_105 = arith.mulf %mul3A_104, %add3A_100 : vector<16xf32>
          %select_n3A_106 = arith.select %ge3A_102, %add3A_100, %mul3A_105 : vector<16xi1>, vector<16xf32>
          %sub3A_107 = arith.subf %select_n3A_106, %get3A_10 : vector<16xf32>
          %exp3A = math.exp %sub3A_107 : vector<16xf32>
          %swap3A = arith.index_cast %scan3A_91 : i32 to index
          %swap3A_108 = arith.constant 0 : index
          %swap3A_109 = tpu.vector_load %arg20[%swap3A, %swap3A_108] {strides = array<i32>} : memref<640x16xf32, #tpu.memory_space<vmem>>, vector<1x16xf32>,
          %swap3A_110 = vector.shape_cast %swap3A_109 : vector<1x16xf32> to vector<16xf32>
          %swap3A_111 = vector.shape_cast %exp3A : vector<16xf32> to vector<1x16xf32>
          tpu.vector_store %arg20[%swap3A, %swap3A_108], %swap3A_111 {strides = array<i32>} : memref<640x16xf32, #tpu.memory_space<vmem>>, vector<1x16xf32>,
          %scan3A_112 = arith.constant 1 : i32
          %scan3A_113 = arith.addi %scan3A_91, %scan3A_112 : i32
          %get3A_114 = arith.index_cast %scan3A_113 : i32 to index
          %get3A_115 = arith.constant 0 : index
          %get3A_116 = tpu.vector_load %arg18[%get3A_114, %get3A_115] {strides = array<i32>} : memref<640x16xf32, #tpu.memory_space<vmem>>, vector<1x16xf32>,
          %get3A_117 = vector.shape_cast %get3A_116 : vector<1x16xf32> to vector<16xf32>
          %get3A_118 = arith.index_cast %scan3A_113 : i32 to index
          %get3A_119 = arith.constant 0 : index
          %get3A_120 = tpu.vector_load %arg19[%get3A_118, %get3A_119] {strides = array<i32>} : memref<640x16xf32, #tpu.memory_space<vmem>>, vector<1x16xf32>,
          %get3A_121 = vector.shape_cast %get3A_120 : vector<1x16xf32> to vector<16xf32>
          %add3A_122 = arith.addf %get3A_117, %get3A_121 : vector<16xf32>
          %ge3A_123 = arith.constant 0.000000e+00 : f32
          %ge3A_124 = vector.broadcast %ge3A_123 : f32 to vector<16xf32>
          %ge3A_125 = arith.cmpf oge, %add3A_122, %ge3A_124 : vector<16xf32>
          %mul3A_126 = arith.constant 2.000000e-01 : f32
          %mul3A_127 = vector.broadcast %mul3A_126 : f32 to vector<16xf32>
          %mul3A_128 = arith.mulf %mul3A_127, %add3A_122 : vector<16xf32>
          %select_n3A_129 = arith.select %ge3A_125, %add3A_122, %mul3A_128 : vector<16xi1>, vector<16xf32>
          %sub3A_130 = arith.subf %select_n3A_129, %get3A_10 : vector<16xf32>
          %exp3A_131 = math.exp %sub3A_130 : vector<16xf32>
          %swap3A_132 = arith.index_cast %scan3A_113 : i32 to index
          %swap3A_133 = arith.constant 0 : index
          %swap3A_134 = tpu.vector_load %arg20[%swap3A_132, %swap3A_133] {strides = array<i32>} : memref<640x16xf32, #tpu.memory_space<vmem>>, vector<1x16xf32>,
          %swap3A_135 = vector.shape_cast %swap3A_134 : vector<1x16xf32> to vector<16xf32>
          %swap3A_136 = vector.shape_cast %exp3A_131 : vector<16xf32> to vector<1x16xf32>
          tpu.vector_store %arg20[%swap3A_132, %swap3A_133], %swap3A_136 {strides = array<i32>} : memref<640x16xf32, #tpu.memory_space<vmem>>, vector<1x16xf32>,
        }
        %scan3A_78 = arith.constant 640 : i32
        "tpu.region"() ({
          %run_scoped3A = tpu.sem_alloc : memref<!tpu.dma_semaphore, #tpu.memory_space<semaphore_mem>>
          %dma_start3A_91 = arith.constant 0 : i32
          %dma_start3A_92 = arith.constant 0 : i32
          %dma_start3A_93 = tpu.memref_slice %arg15[%dma_start3A_91, %dma_start3A_92] : memref<10000x16xf32, #tpu.memory_space<vmem_shared>> -> memref<10000x16xf32, #tpu.memory_space<vmem_shared>>
          tpu.enqueue_indirect_dma source(%arg20 : memref<640x16xf32, #tpu.memory_space<vmem>>) target(%dma_start3A_93 : memref<10000x16xf32, #tpu.memory_space<vmem_shared>>) offsets(%arg17 : memref<640xi32, #tpu.memory_space<vmem>>) semaphore(%run_scoped3A : memref<!tpu.dma_semaphore, #tpu.memory_space<semaphore_mem>>) {add = true}
          %dma_wait3A_94 = arith.constant 0 : i32
          %dma_wait3A_95 = arith.constant 0 : i32
          %dma_wait3A_96 = tpu.memref_slice %arg15[%dma_wait3A_94, %dma_wait3A_95] : memref<10000x16xf32, #tpu.memory_space<vmem_shared>> -> memref<10000x16xf32, #tpu.memory_space<vmem_shared>>
          tpu.wait_indirect_dma semaphore(%run_scoped3A : memref<!tpu.dma_semaphore, #tpu.memory_space<semaphore_mem>>) src(%arg20 : memref<640x16xf32, #tpu.memory_space<vmem>>) dst(%dma_wait3A_96 : memref<10000x16xf32, #tpu.memory_space<vmem_shared>>)
          tpu.yield
        }) : () -> ()
        %dma_start3A_79 = arith.constant 0 : i32
        %dma_start3A_80 = arith.constant 0 : i32
        %dma_start3A_81 = tpu.memref_slice %arg2[%dma_start3A_79, %dma_start3A_80] : memref<10000x64xf32, #tpu.memory_space<hbm>> -> memref<10000x64xf32, #tpu.memory_space<hbm>>
        tpu.enqueue_indirect_dma source(%dma_start3A_81 : memref<10000x64xf32, #tpu.memory_space<hbm>>) target(%arg21 : memref<640x64xf32, #tpu.memory_space<vmem>>) offsets(%arg16 : memref<640xi32, #tpu.memory_space<vmem>>) semaphore(%arg23 : memref<!tpu.dma_semaphore, #tpu.memory_space<semaphore_mem>>)
        %dma_wait3A_82 = arith.constant 0 : i32
        %dma_wait3A_83 = arith.constant 0 : i32
        %dma_wait3A_84 = tpu.memref_slice %arg2[%dma_wait3A_82, %dma_wait3A_83] : memref<10000x64xf32, #tpu.memory_space<hbm>> -> memref<10000x64xf32, #tpu.memory_space<hbm>>
        tpu.wait_indirect_dma semaphore(%arg23 : memref<!tpu.dma_semaphore, #tpu.memory_space<semaphore_mem>>) src(%dma_wait3A_84 : memref<10000x64xf32, #tpu.memory_space<hbm>>) dst(%arg21 : memref<640x64xf32, #tpu.memory_space<vmem>>)
        %scan3A_85 = arith.constant 0 : i32
        %scan3A_86 = arith.constant 0 : i32
        %scan3A_87 = arith.constant 640 : i32
        %scan3A_88 = arith.addi %scan3A_86, %scan3A_87 : i32
        %scan3A_89 = arith.constant 1 : i32
        scf.for %scan3A_91 = %scan3A_86 to %scan3A_88 step %scan3A_89  : i32 {
          %get3A_92 = arith.index_cast %scan3A_91 : i32 to index
          %get3A_93 = arith.constant 0 : index
          %get3A_94 = tpu.vector_load %arg20[%get3A_92, %get3A_93] {strides = array<i32>} : memref<640x16xf32, #tpu.memory_space<vmem>>, vector<1x16xf32>,
          %get3A_95 = vector.shape_cast %get3A_94 : vector<1x16xf32> to vector<16xf32>
          %get3A_96 = arith.index_cast %scan3A_91 : i32 to index
          %get3A_97 = arith.constant 0 : index
          %get3A_98 = tpu.vector_load %arg21[%get3A_96, %get3A_97] {strides = array<i32>} : memref<640x64xf32, #tpu.memory_space<vmem>>, vector<1x16xf32>,
          %get3A_99 = vector.shape_cast %get3A_98 : vector<1x16xf32> to vector<16xf32>
          %slice3A = vector.extract_strided_slice %get3A_95 {offsets = [0], sizes = [1], strides = [1]} : vector<16xf32> to vector<1xf32>
          %squeeze3A = vector.extract %slice3A[0] : f32 from vector<1xf32>
          %mul3A_100 = vector.broadcast %squeeze3A : f32 to vector<16xf32>
          %mul3A_101 = arith.mulf %get3A_99, %mul3A_100 : vector<16xf32>
          %swap3A = arith.index_cast %scan3A_91 : i32 to index
          %swap3A_102 = arith.constant 0 : index
          %swap3A_103 = tpu.vector_load %arg21[%swap3A, %swap3A_102] {strides = array<i32>} : memref<640x64xf32, #tpu.memory_space<vmem>>, vector<1x16xf32>,
          %swap3A_104 = vector.shape_cast %swap3A_103 : vector<1x16xf32> to vector<16xf32>
          %swap3A_105 = vector.shape_cast %mul3A_101 : vector<16xf32> to vector<1x16xf32>
          tpu.vector_store %arg21[%swap3A, %swap3A_102], %swap3A_105 {strides = array<i32>} : memref<640x64xf32, #tpu.memory_space<vmem>>, vector<1x16xf32>,
          %get3A_106 = arith.index_cast %scan3A_91 : i32 to index
          %get3A_107 = arith.constant 16 : index
          %get3A_108 = tpu.vector_load %arg21[%get3A_106, %get3A_107] {strides = array<i32>} : memref<640x64xf32, #tpu.memory_space<vmem>>, vector<1x16xf32>,
          %get3A_109 = vector.shape_cast %get3A_108 : vector<1x16xf32> to vector<16xf32>
          %slice3A_110 = vector.extract_strided_slice %get3A_95 {offsets = [0], sizes = [1], strides = [1]} : vector<16xf32> to vector<1xf32>
          %squeeze3A_111 = vector.extract %slice3A_110[0] : f32 from vector<1xf32>
          %mul3A_112 = vector.broadcast %squeeze3A_111 : f32 to vector<16xf32>
          %mul3A_113 = arith.mulf %get3A_109, %mul3A_112 : vector<16xf32>
          %swap3A_114 = arith.index_cast %scan3A_91 : i32 to index
          %swap3A_115 = arith.constant 16 : index
          %swap3A_116 = tpu.vector_load %arg21[%swap3A_114, %swap3A_115] {strides = array<i32>} : memref<640x64xf32, #tpu.memory_space<vmem>>, vector<1x16xf32>,
          %swap3A_117 = vector.shape_cast %swap3A_116 : vector<1x16xf32> to vector<16xf32>
          %swap3A_118 = vector.shape_cast %mul3A_113 : vector<16xf32> to vector<1x16xf32>
          tpu.vector_store %arg21[%swap3A_114, %swap3A_115], %swap3A_118 {strides = array<i32>} : memref<640x64xf32, #tpu.memory_space<vmem>>, vector<1x16xf32>,
          %get3A_119 = arith.index_cast %scan3A_91 : i32 to index
          %get3A_120 = arith.constant 32 : index
          %get3A_121 = tpu.vector_load %arg21[%get3A_119, %get3A_120] {strides = array<i32>} : memref<640x64xf32, #tpu.memory_space<vmem>>, vector<1x16xf32>,
          %get3A_122 = vector.shape_cast %get3A_121 : vector<1x16xf32> to vector<16xf32>
          %slice3A_123 = vector.extract_strided_slice %get3A_95 {offsets = [1], sizes = [1], strides = [1]} : vector<16xf32> to vector<1xf32>
          %squeeze3A_124 = vector.extract %slice3A_123[0] : f32 from vector<1xf32>
          %mul3A_125 = vector.broadcast %squeeze3A_124 : f32 to vector<16xf32>
          %mul3A_126 = arith.mulf %get3A_122, %mul3A_125 : vector<16xf32>
          %swap3A_127 = arith.index_cast %scan3A_91 : i32 to index
          %swap3A_128 = arith.constant 32 : index
          %swap3A_129 = tpu.vector_load %arg21[%swap3A_127, %swap3A_128] {strides = array<i32>} : memref<640x64xf32, #tpu.memory_space<vmem>>, vector<1x16xf32>,
          %swap3A_130 = vector.shape_cast %swap3A_129 : vector<1x16xf32> to vector<16xf32>
          %swap3A_131 = vector.shape_cast %mul3A_126 : vector<16xf32> to vector<1x16xf32>
          tpu.vector_store %arg21[%swap3A_127, %swap3A_128], %swap3A_131 {strides = array<i32>} : memref<640x64xf32, #tpu.memory_space<vmem>>, vector<1x16xf32>,
          %get3A_132 = arith.index_cast %scan3A_91 : i32 to index
          %get3A_133 = arith.constant 48 : index
          %get3A_134 = tpu.vector_load %arg21[%get3A_132, %get3A_133] {strides = array<i32>} : memref<640x64xf32, #tpu.memory_space<vmem>>, vector<1x16xf32>,
          %get3A_135 = vector.shape_cast %get3A_134 : vector<1x16xf32> to vector<16xf32>
          %slice3A_136 = vector.extract_strided_slice %get3A_95 {offsets = [1], sizes = [1], strides = [1]} : vector<16xf32> to vector<1xf32>
          %squeeze3A_137 = vector.extract %slice3A_136[0] : f32 from vector<1xf32>
          %mul3A_138 = vector.broadcast %squeeze3A_137 : f32 to vector<16xf32>
          %mul3A_139 = arith.mulf %get3A_135, %mul3A_138 : vector<16xf32>
          %swap3A_140 = arith.index_cast %scan3A_91 : i32 to index
          %swap3A_141 = arith.constant 48 : index
          %swap3A_142 = tpu.vector_load %arg21[%swap3A_140, %swap3A_141] {strides = array<i32>} : memref<640x64xf32, #tpu.memory_space<vmem>>, vector<1x16xf32>,
          %swap3A_143 = vector.shape_cast %swap3A_142 : vector<1x16xf32> to vector<16xf32>
          %swap3A_144 = vector.shape_cast %mul3A_139 : vector<16xf32> to vector<1x16xf32>
          tpu.vector_store %arg21[%swap3A_140, %swap3A_141], %swap3A_144 {strides = array<i32>} : memref<640x64xf32, #tpu.memory_space<vmem>>, vector<1x16xf32>,
        }
        %scan3A_90 = arith.constant 640 : i32
        "tpu.region"() ({
          %run_scoped3A = tpu.sem_alloc : memref<!tpu.dma_semaphore, #tpu.memory_space<semaphore_mem>>
          %dma_start3A_91 = arith.constant 0 : i32
          %dma_start3A_92 = arith.constant 0 : i32
          %dma_start3A_93 = tpu.memref_slice %arg14[%dma_start3A_91, %dma_start3A_92] : memref<10000x64xf32, #tpu.memory_space<vmem_shared>> -> memref<10000x64xf32, #tpu.memory_space<vmem_shared>>
          tpu.enqueue_indirect_dma source(%arg21 : memref<640x64xf32, #tpu.memory_space<vmem>>) target(%dma_start3A_93 : memref<10000x64xf32, #tpu.memory_space<vmem_shared>>) offsets(%arg17 : memref<640xi32, #tpu.memory_space<vmem>>) semaphore(%run_scoped3A : memref<!tpu.dma_semaphore, #tpu.memory_space<semaphore_mem>>) {add = true}
          %dma_wait3A_94 = arith.constant 0 : i32
          %dma_wait3A_95 = arith.constant 0 : i32
          %dma_wait3A_96 = tpu.memref_slice %arg14[%dma_wait3A_94, %dma_wait3A_95] : memref<10000x64xf32, #tpu.memory_space<vmem_shared>> -> memref<10000x64xf32, #tpu.memory_space<vmem_shared>>
          tpu.wait_indirect_dma semaphore(%run_scoped3A : memref<!tpu.dma_semaphore, #tpu.memory_space<semaphore_mem>>) src(%arg21 : memref<640x64xf32, #tpu.memory_space<vmem>>) dst(%dma_wait3A_96 : memref<10000x64xf32, #tpu.memory_space<vmem_shared>>)
          tpu.yield
        }) : () -> ()
      }
      %while3A_58 = arith.constant 1 : i32
      scf.for %while3A_59 = %while3A_56 to %while3A_52 step %while3A_58  : i32 {
        %mul3A = arith.constant 16 : i32
        %mul3A_60 = arith.muli %while3A_59, %mul3A : i32
        %add3A_61 = arith.addi %arg1, %mul3A_60 : i32
        %mul3A_62 = arith.constant 640 : i32
        %mul3A_63 = arith.muli %add3A_61, %mul3A_62 : i32
        "tpu.region"() ({
          %run_scoped3A = tpu.sem_alloc : memref<!tpu.dma_semaphore, #tpu.memory_space<semaphore_mem>>
          %dma_start3A_91 = tpu.memref_slice %arg7[%mul3A_63] : memref<160000xi32, #tpu.memory_space<hbm>> -> memref<640xi32, #tpu.memory_space<hbm>>
          %dma_start3A_92 = tpu.memref_slice %arg7[%mul3A_63] : memref<160000xi32, #tpu.memory_space<hbm>> -> memref<640xi32, #tpu.memory_space<hbm>>
          tpu.enqueue_dma source(%dma_start3A_92 : memref<640xi32, #tpu.memory_space<hbm>>) target(%arg16 : memref<640xi32, #tpu.memory_space<vmem>>) target_semaphore(%run_scoped3A : memref<!tpu.dma_semaphore, #tpu.memory_space<semaphore_mem>>)
          %dma_wait3A_93 = tpu.memref_slice %arg7[%mul3A_63] : memref<160000xi32, #tpu.memory_space<hbm>> -> memref<640xi32, #tpu.memory_space<hbm>>
          %dma_wait3A_94 = tpu.memref_slice %arg7[%mul3A_63] : memref<160000xi32, #tpu.memory_space<hbm>> -> memref<640xi32, #tpu.memory_space<hbm>>
          tpu.wait_dma2 semaphore(%run_scoped3A : memref<!tpu.dma_semaphore, #tpu.memory_space<semaphore_mem>>) src(%dma_wait3A_94 : memref<640xi32, #tpu.memory_space<hbm>>) dst(%arg16 : memref<640xi32, #tpu.memory_space<vmem>>)
          tpu.yield
        }) : () -> ()
        "tpu.region"() ({
          %run_scoped3A = tpu.sem_alloc : memref<!tpu.dma_semaphore, #tpu.memory_space<semaphore_mem>>
          %dma_start3A_91 = tpu.memref_slice %arg8[%mul3A_63] : memref<160000xi32, #tpu.memory_space<hbm>> -> memref<640xi32, #tpu.memory_space<hbm>>
          %dma_start3A_92 = tpu.memref_slice %arg8[%mul3A_63] : memref<160000xi32, #tpu.memory_space<hbm>> -> memref<640xi32, #tpu.memory_space<hbm>>
          tpu.enqueue_dma source(%dma_start3A_92 : memref<640xi32, #tpu.memory_space<hbm>>) target(%arg17 : memref<640xi32, #tpu.memory_space<vmem>>) target_semaphore(%run_scoped3A : memref<!tpu.dma_semaphore, #tpu.memory_space<semaphore_mem>>)
          %dma_wait3A_93 = tpu.memref_slice %arg8[%mul3A_63] : memref<160000xi32, #tpu.memory_space<hbm>> -> memref<640xi32, #tpu.memory_space<hbm>>
          %dma_wait3A_94 = tpu.memref_slice %arg8[%mul3A_63] : memref<160000xi32, #tpu.memory_space<hbm>> -> memref<640xi32, #tpu.memory_space<hbm>>
          tpu.wait_dma2 semaphore(%run_scoped3A : memref<!tpu.dma_semaphore, #tpu.memory_space<semaphore_mem>>) src(%dma_wait3A_94 : memref<640xi32, #tpu.memory_space<hbm>>) dst(%arg17 : memref<640xi32, #tpu.memory_space<vmem>>)
          tpu.yield
        }) : () -> ()
        %dma_start3A = arith.constant 0 : i32
        %dma_start3A_64 = arith.constant 0 : i32
        %dma_start3A_65 = tpu.memref_slice %arg4[%dma_start3A, %dma_start3A_64] : memref<10000x16xf32, #tpu.memory_space<hbm>> -> memref<10000x16xf32, #tpu.memory_space<hbm>>
        tpu.enqueue_indirect_dma source(%dma_start3A_65 : memref<10000x16xf32, #tpu.memory_space<hbm>>) target(%arg18 : memref<640x16xf32, #tpu.memory_space<vmem>>) offsets(%arg16 : memref<640xi32, #tpu.memory_space<vmem>>) semaphore(%arg23 : memref<!tpu.dma_semaphore, #tpu.memory_space<semaphore_mem>>)
        %dma_wait3A = arith.constant 0 : i32
        %dma_wait3A_66 = arith.constant 0 : i32
        %dma_wait3A_67 = tpu.memref_slice %arg4[%dma_wait3A, %dma_wait3A_66] : memref<10000x16xf32, #tpu.memory_space<hbm>> -> memref<10000x16xf32, #tpu.memory_space<hbm>>
        tpu.wait_indirect_dma semaphore(%arg23 : memref<!tpu.dma_semaphore, #tpu.memory_space<semaphore_mem>>) src(%dma_wait3A_67 : memref<10000x16xf32, #tpu.memory_space<hbm>>) dst(%arg18 : memref<640x16xf32, #tpu.memory_space<vmem>>)
        %dma_start3A_68 = arith.constant 0 : i32
        %dma_start3A_69 = arith.constant 0 : i32
        %dma_start3A_70 = tpu.memref_slice %arg5[%dma_start3A_68, %dma_start3A_69] : memref<10000x16xf32, #tpu.memory_space<hbm>> -> memref<10000x16xf32, #tpu.memory_space<hbm>>
        tpu.enqueue_indirect_dma source(%dma_start3A_70 : memref<10000x16xf32, #tpu.memory_space<hbm>>) target(%arg19 : memref<640x16xf32, #tpu.memory_space<vmem>>) offsets(%arg17 : memref<640xi32, #tpu.memory_space<vmem>>) semaphore(%arg23 : memref<!tpu.dma_semaphore, #tpu.memory_space<semaphore_mem>>)
        %dma_wait3A_71 = arith.constant 0 : i32
        %dma_wait3A_72 = arith.constant 0 : i32
        %dma_wait3A_73 = tpu.memref_slice %arg5[%dma_wait3A_71, %dma_wait3A_72] : memref<10000x16xf32, #tpu.memory_space<hbm>> -> memref<10000x16xf32, #tpu.memory_space<hbm>>
        tpu.wait_indirect_dma semaphore(%arg23 : memref<!tpu.dma_semaphore, #tpu.memory_space<semaphore_mem>>) src(%dma_wait3A_73 : memref<10000x16xf32, #tpu.memory_space<hbm>>) dst(%arg19 : memref<640x16xf32, #tpu.memory_space<vmem>>)
        %scan3A = arith.constant 0 : i32
        %scan3A_74 = arith.constant 0 : i32
        %scan3A_75 = arith.constant 640 : i32
        %scan3A_76 = arith.addi %scan3A_74, %scan3A_75 : i32
        %scan3A_77 = arith.constant 2 : i32
        scf.for %scan3A_91 = %scan3A_74 to %scan3A_76 step %scan3A_77  : i32 {
          %get3A_92 = arith.index_cast %scan3A_91 : i32 to index
          %get3A_93 = arith.constant 0 : index
          %get3A_94 = tpu.vector_load %arg18[%get3A_92, %get3A_93] {strides = array<i32>} : memref<640x16xf32, #tpu.memory_space<vmem>>, vector<1x16xf32>,
          %get3A_95 = vector.shape_cast %get3A_94 : vector<1x16xf32> to vector<16xf32>
          %get3A_96 = arith.index_cast %scan3A_91 : i32 to index
          %get3A_97 = arith.constant 0 : index
          %get3A_98 = tpu.vector_load %arg19[%get3A_96, %get3A_97] {strides = array<i32>} : memref<640x16xf32, #tpu.memory_space<vmem>>, vector<1x16xf32>,
          %get3A_99 = vector.shape_cast %get3A_98 : vector<1x16xf32> to vector<16xf32>
          %add3A_100 = arith.addf %get3A_95, %get3A_99 : vector<16xf32>
          %ge3A = arith.constant 0.000000e+00 : f32
          %ge3A_101 = vector.broadcast %ge3A : f32 to vector<16xf32>
          %ge3A_102 = arith.cmpf oge, %add3A_100, %ge3A_101 : vector<16xf32>
          %mul3A_103 = arith.constant 2.000000e-01 : f32
          %mul3A_104 = vector.broadcast %mul3A_103 : f32 to vector<16xf32>
          %mul3A_105 = arith.mulf %mul3A_104, %add3A_100 : vector<16xf32>
          %select_n3A_106 = arith.select %ge3A_102, %add3A_100, %mul3A_105 : vector<16xi1>, vector<16xf32>
          %sub3A_107 = arith.subf %select_n3A_106, %get3A_10 : vector<16xf32>
          %exp3A = math.exp %sub3A_107 : vector<16xf32>
          %swap3A = arith.index_cast %scan3A_91 : i32 to index
          %swap3A_108 = arith.constant 0 : index
          %swap3A_109 = tpu.vector_load %arg20[%swap3A, %swap3A_108] {strides = array<i32>} : memref<640x16xf32, #tpu.memory_space<vmem>>, vector<1x16xf32>,
          %swap3A_110 = vector.shape_cast %swap3A_109 : vector<1x16xf32> to vector<16xf32>
          %swap3A_111 = vector.shape_cast %exp3A : vector<16xf32> to vector<1x16xf32>
          tpu.vector_store %arg20[%swap3A, %swap3A_108], %swap3A_111 {strides = array<i32>} : memref<640x16xf32, #tpu.memory_space<vmem>>, vector<1x16xf32>,
          %scan3A_112 = arith.constant 1 : i32
          %scan3A_113 = arith.addi %scan3A_91, %scan3A_112 : i32
          %get3A_114 = arith.index_cast %scan3A_113 : i32 to index
          %get3A_115 = arith.constant 0 : index
          %get3A_116 = tpu.vector_load %arg18[%get3A_114, %get3A_115] {strides = array<i32>} : memref<640x16xf32, #tpu.memory_space<vmem>>, vector<1x16xf32>,
          %get3A_117 = vector.shape_cast %get3A_116 : vector<1x16xf32> to vector<16xf32>
          %get3A_118 = arith.index_cast %scan3A_113 : i32 to index
          %get3A_119 = arith.constant 0 : index
          %get3A_120 = tpu.vector_load %arg19[%get3A_118, %get3A_119] {strides = array<i32>} : memref<640x16xf32, #tpu.memory_space<vmem>>, vector<1x16xf32>,
          %get3A_121 = vector.shape_cast %get3A_120 : vector<1x16xf32> to vector<16xf32>
          %add3A_122 = arith.addf %get3A_117, %get3A_121 : vector<16xf32>
          %ge3A_123 = arith.constant 0.000000e+00 : f32
          %ge3A_124 = vector.broadcast %ge3A_123 : f32 to vector<16xf32>
          %ge3A_125 = arith.cmpf oge, %add3A_122, %ge3A_124 : vector<16xf32>
          %mul3A_126 = arith.constant 2.000000e-01 : f32
          %mul3A_127 = vector.broadcast %mul3A_126 : f32 to vector<16xf32>
          %mul3A_128 = arith.mulf %mul3A_127, %add3A_122 : vector<16xf32>
          %select_n3A_129 = arith.select %ge3A_125, %add3A_122, %mul3A_128 : vector<16xi1>, vector<16xf32>
          %sub3A_130 = arith.subf %select_n3A_129, %get3A_10 : vector<16xf32>
          %exp3A_131 = math.exp %sub3A_130 : vector<16xf32>
          %swap3A_132 = arith.index_cast %scan3A_113 : i32 to index
          %swap3A_133 = arith.constant 0 : index
          %swap3A_134 = tpu.vector_load %arg20[%swap3A_132, %swap3A_133] {strides = array<i32>} : memref<640x16xf32, #tpu.memory_space<vmem>>, vector<1x16xf32>,
          %swap3A_135 = vector.shape_cast %swap3A_134 : vector<1x16xf32> to vector<16xf32>
          %swap3A_136 = vector.shape_cast %exp3A_131 : vector<16xf32> to vector<1x16xf32>
          tpu.vector_store %arg20[%swap3A_132, %swap3A_133], %swap3A_136 {strides = array<i32>} : memref<640x16xf32, #tpu.memory_space<vmem>>, vector<1x16xf32>,
        }
        %scan3A_78 = arith.constant 640 : i32
        "tpu.region"() ({
          %run_scoped3A = tpu.sem_alloc : memref<!tpu.dma_semaphore, #tpu.memory_space<semaphore_mem>>
          %dma_start3A_91 = arith.constant 0 : i32
          %dma_start3A_92 = arith.constant 0 : i32
          %dma_start3A_93 = tpu.memref_slice %arg15[%dma_start3A_91, %dma_start3A_92] : memref<10000x16xf32, #tpu.memory_space<vmem_shared>> -> memref<10000x16xf32, #tpu.memory_space<vmem_shared>>
          tpu.enqueue_indirect_dma source(%arg20 : memref<640x16xf32, #tpu.memory_space<vmem>>) target(%dma_start3A_93 : memref<10000x16xf32, #tpu.memory_space<vmem_shared>>) offsets(%arg17 : memref<640xi32, #tpu.memory_space<vmem>>) semaphore(%run_scoped3A : memref<!tpu.dma_semaphore, #tpu.memory_space<semaphore_mem>>) {add = true}
          %dma_wait3A_94 = arith.constant 0 : i32
          %dma_wait3A_95 = arith.constant 0 : i32
          %dma_wait3A_96 = tpu.memref_slice %arg15[%dma_wait3A_94, %dma_wait3A_95] : memref<10000x16xf32, #tpu.memory_space<vmem_shared>> -> memref<10000x16xf32, #tpu.memory_space<vmem_shared>>
          tpu.wait_indirect_dma semaphore(%run_scoped3A : memref<!tpu.dma_semaphore, #tpu.memory_space<semaphore_mem>>) src(%arg20 : memref<640x16xf32, #tpu.memory_space<vmem>>) dst(%dma_wait3A_96 : memref<10000x16xf32, #tpu.memory_space<vmem_shared>>)
          tpu.yield
        }) : () -> ()
        %dma_start3A_79 = arith.constant 0 : i32
        %dma_start3A_80 = arith.constant 0 : i32
        %dma_start3A_81 = tpu.memref_slice %arg2[%dma_start3A_79, %dma_start3A_80] : memref<10000x64xf32, #tpu.memory_space<hbm>> -> memref<10000x64xf32, #tpu.memory_space<hbm>>
        tpu.enqueue_indirect_dma source(%dma_start3A_81 : memref<10000x64xf32, #tpu.memory_space<hbm>>) target(%arg21 : memref<640x64xf32, #tpu.memory_space<vmem>>) offsets(%arg16 : memref<640xi32, #tpu.memory_space<vmem>>) semaphore(%arg23 : memref<!tpu.dma_semaphore, #tpu.memory_space<semaphore_mem>>)
        %dma_wait3A_82 = arith.constant 0 : i32
        %dma_wait3A_83 = arith.constant 0 : i32
        %dma_wait3A_84 = tpu.memref_slice %arg2[%dma_wait3A_82, %dma_wait3A_83] : memref<10000x64xf32, #tpu.memory_space<hbm>> -> memref<10000x64xf32, #tpu.memory_space<hbm>>
        tpu.wait_indirect_dma semaphore(%arg23 : memref<!tpu.dma_semaphore, #tpu.memory_space<semaphore_mem>>) src(%dma_wait3A_84 : memref<10000x64xf32, #tpu.memory_space<hbm>>) dst(%arg21 : memref<640x64xf32, #tpu.memory_space<vmem>>)
        %scan3A_85 = arith.constant 0 : i32
        %scan3A_86 = arith.constant 0 : i32
        %scan3A_87 = arith.constant 640 : i32
        %scan3A_88 = arith.addi %scan3A_86, %scan3A_87 : i32
        %scan3A_89 = arith.constant 1 : i32
        scf.for %scan3A_91 = %scan3A_86 to %scan3A_88 step %scan3A_89  : i32 {
          %get3A_92 = arith.index_cast %scan3A_91 : i32 to index
          %get3A_93 = arith.constant 0 : index
          %get3A_94 = tpu.vector_load %arg20[%get3A_92, %get3A_93] {strides = array<i32>} : memref<640x16xf32, #tpu.memory_space<vmem>>, vector<1x16xf32>,
          %get3A_95 = vector.shape_cast %get3A_94 : vector<1x16xf32> to vector<16xf32>
          %get3A_96 = arith.index_cast %scan3A_91 : i32 to index
          %get3A_97 = arith.constant 0 : index
          %get3A_98 = tpu.vector_load %arg21[%get3A_96, %get3A_97] {strides = array<i32>} : memref<640x64xf32, #tpu.memory_space<vmem>>, vector<1x16xf32>,
          %get3A_99 = vector.shape_cast %get3A_98 : vector<1x16xf32> to vector<16xf32>
          %slice3A = vector.extract_strided_slice %get3A_95 {offsets = [0], sizes = [1], strides = [1]} : vector<16xf32> to vector<1xf32>
          %squeeze3A = vector.extract %slice3A[0] : f32 from vector<1xf32>
          %mul3A_100 = vector.broadcast %squeeze3A : f32 to vector<16xf32>
          %mul3A_101 = arith.mulf %get3A_99, %mul3A_100 : vector<16xf32>
          %swap3A = arith.index_cast %scan3A_91 : i32 to index
          %swap3A_102 = arith.constant 0 : index
          %swap3A_103 = tpu.vector_load %arg21[%swap3A, %swap3A_102] {strides = array<i32>} : memref<640x64xf32, #tpu.memory_space<vmem>>, vector<1x16xf32>,
          %swap3A_104 = vector.shape_cast %swap3A_103 : vector<1x16xf32> to vector<16xf32>
          %swap3A_105 = vector.shape_cast %mul3A_101 : vector<16xf32> to vector<1x16xf32>
          tpu.vector_store %arg21[%swap3A, %swap3A_102], %swap3A_105 {strides = array<i32>} : memref<640x64xf32, #tpu.memory_space<vmem>>, vector<1x16xf32>,
          %get3A_106 = arith.index_cast %scan3A_91 : i32 to index
          %get3A_107 = arith.constant 16 : index
          %get3A_108 = tpu.vector_load %arg21[%get3A_106, %get3A_107] {strides = array<i32>} : memref<640x64xf32, #tpu.memory_space<vmem>>, vector<1x16xf32>,
          %get3A_109 = vector.shape_cast %get3A_108 : vector<1x16xf32> to vector<16xf32>
          %slice3A_110 = vector.extract_strided_slice %get3A_95 {offsets = [0], sizes = [1], strides = [1]} : vector<16xf32> to vector<1xf32>
          %squeeze3A_111 = vector.extract %slice3A_110[0] : f32 from vector<1xf32>
          %mul3A_112 = vector.broadcast %squeeze3A_111 : f32 to vector<16xf32>
          %mul3A_113 = arith.mulf %get3A_109, %mul3A_112 : vector<16xf32>
          %swap3A_114 = arith.index_cast %scan3A_91 : i32 to index
          %swap3A_115 = arith.constant 16 : index
          %swap3A_116 = tpu.vector_load %arg21[%swap3A_114, %swap3A_115] {strides = array<i32>} : memref<640x64xf32, #tpu.memory_space<vmem>>, vector<1x16xf32>,
          %swap3A_117 = vector.shape_cast %swap3A_116 : vector<1x16xf32> to vector<16xf32>
          %swap3A_118 = vector.shape_cast %mul3A_113 : vector<16xf32> to vector<1x16xf32>
          tpu.vector_store %arg21[%swap3A_114, %swap3A_115], %swap3A_118 {strides = array<i32>} : memref<640x64xf32, #tpu.memory_space<vmem>>, vector<1x16xf32>,
          %get3A_119 = arith.index_cast %scan3A_91 : i32 to index
          %get3A_120 = arith.constant 32 : index
          %get3A_121 = tpu.vector_load %arg21[%get3A_119, %get3A_120] {strides = array<i32>} : memref<640x64xf32, #tpu.memory_space<vmem>>, vector<1x16xf32>,
          %get3A_122 = vector.shape_cast %get3A_121 : vector<1x16xf32> to vector<16xf32>
          %slice3A_123 = vector.extract_strided_slice %get3A_95 {offsets = [1], sizes = [1], strides = [1]} : vector<16xf32> to vector<1xf32>
          %squeeze3A_124 = vector.extract %slice3A_123[0] : f32 from vector<1xf32>
          %mul3A_125 = vector.broadcast %squeeze3A_124 : f32 to vector<16xf32>
          %mul3A_126 = arith.mulf %get3A_122, %mul3A_125 : vector<16xf32>
          %swap3A_127 = arith.index_cast %scan3A_91 : i32 to index
          %swap3A_128 = arith.constant 32 : index
          %swap3A_129 = tpu.vector_load %arg21[%swap3A_127, %swap3A_128] {strides = array<i32>} : memref<640x64xf32, #tpu.memory_space<vmem>>, vector<1x16xf32>,
          %swap3A_130 = vector.shape_cast %swap3A_129 : vector<1x16xf32> to vector<16xf32>
          %swap3A_131 = vector.shape_cast %mul3A_126 : vector<16xf32> to vector<1x16xf32>
          tpu.vector_store %arg21[%swap3A_127, %swap3A_128], %swap3A_131 {strides = array<i32>} : memref<640x64xf32, #tpu.memory_space<vmem>>, vector<1x16xf32>,
          %get3A_132 = arith.index_cast %scan3A_91 : i32 to index
          %get3A_133 = arith.constant 48 : index
          %get3A_134 = tpu.vector_load %arg21[%get3A_132, %get3A_133] {strides = array<i32>} : memref<640x64xf32, #tpu.memory_space<vmem>>, vector<1x16xf32>,
          %get3A_135 = vector.shape_cast %get3A_134 : vector<1x16xf32> to vector<16xf32>
          %slice3A_136 = vector.extract_strided_slice %get3A_95 {offsets = [1], sizes = [1], strides = [1]} : vector<16xf32> to vector<1xf32>
          %squeeze3A_137 = vector.extract %slice3A_136[0] : f32 from vector<1xf32>
          %mul3A_138 = vector.broadcast %squeeze3A_137 : f32 to vector<16xf32>
          %mul3A_139 = arith.mulf %get3A_135, %mul3A_138 : vector<16xf32>
          %swap3A_140 = arith.index_cast %scan3A_91 : i32 to index
          %swap3A_141 = arith.constant 48 : index
          %swap3A_142 = tpu.vector_load %arg21[%swap3A_140, %swap3A_141] {strides = array<i32>} : memref<640x64xf32, #tpu.memory_space<vmem>>, vector<1x16xf32>,
          %swap3A_143 = vector.shape_cast %swap3A_142 : vector<1x16xf32> to vector<16xf32>
          %swap3A_144 = vector.shape_cast %mul3A_139 : vector<16xf32> to vector<1x16xf32>
          tpu.vector_store %arg21[%swap3A_140, %swap3A_141], %swap3A_144 {strides = array<i32>} : memref<640x64xf32, #tpu.memory_space<vmem>>, vector<1x16xf32>,
        }
        %scan3A_90 = arith.constant 640 : i32
        "tpu.region"() ({
          %run_scoped3A = tpu.sem_alloc : memref<!tpu.dma_semaphore, #tpu.memory_space<semaphore_mem>>
          %dma_start3A_91 = arith.constant 0 : i32
          %dma_start3A_92 = arith.constant 0 : i32
          %dma_start3A_93 = tpu.memref_slice %arg14[%dma_start3A_91, %dma_start3A_92] : memref<10000x64xf32, #tpu.memory_space<vmem_shared>> -> memref<10000x64xf32, #tpu.memory_space<vmem_shared>>
          tpu.enqueue_indirect_dma source(%arg21 : memref<640x64xf32, #tpu.memory_space<vmem>>) target(%dma_start3A_93 : memref<10000x64xf32, #tpu.memory_space<vmem_shared>>) offsets(%arg17 : memref<640xi32, #tpu.memory_space<vmem>>) semaphore(%run_scoped3A : memref<!tpu.dma_semaphore, #tpu.memory_space<semaphore_mem>>) {add = true}
          %dma_wait3A_94 = arith.constant 0 : i32
          %dma_wait3A_95 = arith.constant 0 : i32
          %dma_wait3A_96 = tpu.memref_slice %arg14[%dma_wait3A_94, %dma_wait3A_95] : memref<10000x64xf32, #tpu.memory_space<vmem_shared>> -> memref<10000x64xf32, #tpu.memory_space<vmem_shared>>
          tpu.wait_indirect_dma semaphore(%run_scoped3A : memref<!tpu.dma_semaphore, #tpu.memory_space<semaphore_mem>>) src(%arg21 : memref<640x64xf32, #tpu.memory_space<vmem>>) dst(%dma_wait3A_96 : memref<10000x64xf32, #tpu.memory_space<vmem_shared>>)
          tpu.yield
        }) : () -> ()
      }
    } else {
    }
    %eq3A_35 = arith.constant 1 : i32
    %eq3A_36 = arith.cmpi eq, %arg0, %eq3A_35 : i32
    %convert_element_type3A_37 = arith.extui %eq3A_36 : i1 to i32
    %cond3A_38 = arith.constant 0 : i32
    %cond3A_39 = arith.cmpi ne, %convert_element_type3A_37, %cond3A_38 : i32
    scf.if %cond3A_39 {
      %while3A = arith.constant 0 : i32
      %while3A_50 = arith.constant 0 : i32
      %while3A_51 = arith.subi %add3A_29, %while3A_50 : i32
      %while3A_52 = arith.addi %while3A_50, %while3A_51 : i32
      %while3A_53 = arith.constant 1 : i32
      %while3A_54 = arith.divsi %while3A_51, %while3A_53 : i32
      %while3A_55 = arith.muli %while3A_54, %while3A_53 : i32
      %while3A_56 = arith.addi %while3A_50, %while3A_55 : i32
      %while3A_57 = arith.constant 1 : i32
      scf.for %while3A_59 = %while3A_50 to %while3A_56 step %while3A_57  : i32 {
        %mul3A = arith.constant 16 : i32
        %mul3A_60 = arith.muli %while3A_59, %mul3A : i32
        %add3A_61 = arith.addi %arg1, %mul3A_60 : i32
        %mul3A_62 = arith.constant 640 : i32
        %mul3A_63 = arith.muli %add3A_61, %mul3A_62 : i32
        "tpu.region"() ({
          %run_scoped3A = tpu.sem_alloc : memref<!tpu.dma_semaphore, #tpu.memory_space<semaphore_mem>>
          %dma_start3A_91 = tpu.memref_slice %arg7[%mul3A_63] : memref<160000xi32, #tpu.memory_space<hbm>> -> memref<640xi32, #tpu.memory_space<hbm>>
          %dma_start3A_92 = tpu.memref_slice %arg7[%mul3A_63] : memref<160000xi32, #tpu.memory_space<hbm>> -> memref<640xi32, #tpu.memory_space<hbm>>
          tpu.enqueue_dma source(%dma_start3A_92 : memref<640xi32, #tpu.memory_space<hbm>>) target(%arg16 : memref<640xi32, #tpu.memory_space<vmem>>) target_semaphore(%run_scoped3A : memref<!tpu.dma_semaphore, #tpu.memory_space<semaphore_mem>>)
          %dma_wait3A_93 = tpu.memref_slice %arg7[%mul3A_63] : memref<160000xi32, #tpu.memory_space<hbm>> -> memref<640xi32, #tpu.memory_space<hbm>>
          %dma_wait3A_94 = tpu.memref_slice %arg7[%mul3A_63] : memref<160000xi32, #tpu.memory_space<hbm>> -> memref<640xi32, #tpu.memory_space<hbm>>
          tpu.wait_dma2 semaphore(%run_scoped3A : memref<!tpu.dma_semaphore, #tpu.memory_space<semaphore_mem>>) src(%dma_wait3A_94 : memref<640xi32, #tpu.memory_space<hbm>>) dst(%arg16 : memref<640xi32, #tpu.memory_space<vmem>>)
          tpu.yield
        }) : () -> ()
        "tpu.region"() ({
          %run_scoped3A = tpu.sem_alloc : memref<!tpu.dma_semaphore, #tpu.memory_space<semaphore_mem>>
          %dma_start3A_91 = tpu.memref_slice %arg8[%mul3A_63] : memref<160000xi32, #tpu.memory_space<hbm>> -> memref<640xi32, #tpu.memory_space<hbm>>
          %dma_start3A_92 = tpu.memref_slice %arg8[%mul3A_63] : memref<160000xi32, #tpu.memory_space<hbm>> -> memref<640xi32, #tpu.memory_space<hbm>>
          tpu.enqueue_dma source(%dma_start3A_92 : memref<640xi32, #tpu.memory_space<hbm>>) target(%arg17 : memref<640xi32, #tpu.memory_space<vmem>>) target_semaphore(%run_scoped3A : memref<!tpu.dma_semaphore, #tpu.memory_space<semaphore_mem>>)
          %dma_wait3A_93 = tpu.memref_slice %arg8[%mul3A_63] : memref<160000xi32, #tpu.memory_space<hbm>> -> memref<640xi32, #tpu.memory_space<hbm>>
          %dma_wait3A_94 = tpu.memref_slice %arg8[%mul3A_63] : memref<160000xi32, #tpu.memory_space<hbm>> -> memref<640xi32, #tpu.memory_space<hbm>>
          tpu.wait_dma2 semaphore(%run_scoped3A : memref<!tpu.dma_semaphore, #tpu.memory_space<semaphore_mem>>) src(%dma_wait3A_94 : memref<640xi32, #tpu.memory_space<hbm>>) dst(%arg17 : memref<640xi32, #tpu.memory_space<vmem>>)
          tpu.yield
        }) : () -> ()
        %dma_start3A = arith.constant 0 : i32
        %dma_start3A_64 = arith.constant 0 : i32
        %dma_start3A_65 = tpu.memref_slice %arg4[%dma_start3A, %dma_start3A_64] : memref<10000x16xf32, #tpu.memory_space<hbm>> -> memref<10000x16xf32, #tpu.memory_space<hbm>>
        tpu.enqueue_indirect_dma source(%dma_start3A_65 : memref<10000x16xf32, #tpu.memory_space<hbm>>) target(%arg18 : memref<640x16xf32, #tpu.memory_space<vmem>>) offsets(%arg16 : memref<640xi32, #tpu.memory_space<vmem>>) semaphore(%arg23 : memref<!tpu.dma_semaphore, #tpu.memory_space<semaphore_mem>>)
        %dma_wait3A = arith.constant 0 : i32
        %dma_wait3A_66 = arith.constant 0 : i32
        %dma_wait3A_67 = tpu.memref_slice %arg4[%dma_wait3A, %dma_wait3A_66] : memref<10000x16xf32, #tpu.memory_space<hbm>> -> memref<10000x16xf32, #tpu.memory_space<hbm>>
        tpu.wait_indirect_dma semaphore(%arg23 : memref<!tpu.dma_semaphore, #tpu.memory_space<semaphore_mem>>) src(%dma_wait3A_67 : memref<10000x16xf32, #tpu.memory_space<hbm>>) dst(%arg18 : memref<640x16xf32, #tpu.memory_space<vmem>>)
        %dma_start3A_68 = arith.constant 0 : i32
        %dma_start3A_69 = arith.constant 0 : i32
        %dma_start3A_70 = tpu.memref_slice %arg5[%dma_start3A_68, %dma_start3A_69] : memref<10000x16xf32, #tpu.memory_space<hbm>> -> memref<10000x16xf32, #tpu.memory_space<hbm>>
        tpu.enqueue_indirect_dma source(%dma_start3A_70 : memref<10000x16xf32, #tpu.memory_space<hbm>>) target(%arg19 : memref<640x16xf32, #tpu.memory_space<vmem>>) offsets(%arg17 : memref<640xi32, #tpu.memory_space<vmem>>) semaphore(%arg23 : memref<!tpu.dma_semaphore, #tpu.memory_space<semaphore_mem>>)
        %dma_wait3A_71 = arith.constant 0 : i32
        %dma_wait3A_72 = arith.constant 0 : i32
        %dma_wait3A_73 = tpu.memref_slice %arg5[%dma_wait3A_71, %dma_wait3A_72] : memref<10000x16xf32, #tpu.memory_space<hbm>> -> memref<10000x16xf32, #tpu.memory_space<hbm>>
        tpu.wait_indirect_dma semaphore(%arg23 : memref<!tpu.dma_semaphore, #tpu.memory_space<semaphore_mem>>) src(%dma_wait3A_73 : memref<10000x16xf32, #tpu.memory_space<hbm>>) dst(%arg19 : memref<640x16xf32, #tpu.memory_space<vmem>>)
        %scan3A = arith.constant 0 : i32
        %scan3A_74 = arith.constant 0 : i32
        %scan3A_75 = arith.constant 640 : i32
        %scan3A_76 = arith.addi %scan3A_74, %scan3A_75 : i32
        %scan3A_77 = arith.constant 2 : i32
        scf.for %scan3A_91 = %scan3A_74 to %scan3A_76 step %scan3A_77  : i32 {
          %get3A_92 = arith.index_cast %scan3A_91 : i32 to index
          %get3A_93 = arith.constant 0 : index
          %get3A_94 = tpu.vector_load %arg18[%get3A_92, %get3A_93] {strides = array<i32>} : memref<640x16xf32, #tpu.memory_space<vmem>>, vector<1x16xf32>,
          %get3A_95 = vector.shape_cast %get3A_94 : vector<1x16xf32> to vector<16xf32>
          %get3A_96 = arith.index_cast %scan3A_91 : i32 to index
          %get3A_97 = arith.constant 0 : index
          %get3A_98 = tpu.vector_load %arg19[%get3A_96, %get3A_97] {strides = array<i32>} : memref<640x16xf32, #tpu.memory_space<vmem>>, vector<1x16xf32>,
          %get3A_99 = vector.shape_cast %get3A_98 : vector<1x16xf32> to vector<16xf32>
          %add3A_100 = arith.addf %get3A_95, %get3A_99 : vector<16xf32>
          %ge3A = arith.constant 0.000000e+00 : f32
          %ge3A_101 = vector.broadcast %ge3A : f32 to vector<16xf32>
          %ge3A_102 = arith.cmpf oge, %add3A_100, %ge3A_101 : vector<16xf32>
          %mul3A_103 = arith.constant 2.000000e-01 : f32
          %mul3A_104 = vector.broadcast %mul3A_103 : f32 to vector<16xf32>
          %mul3A_105 = arith.mulf %mul3A_104, %add3A_100 : vector<16xf32>
          %select_n3A_106 = arith.select %ge3A_102, %add3A_100, %mul3A_105 : vector<16xi1>, vector<16xf32>
          %sub3A_107 = arith.subf %select_n3A_106, %get3A_10 : vector<16xf32>
          %exp3A = math.exp %sub3A_107 : vector<16xf32>
          %swap3A = arith.index_cast %scan3A_91 : i32 to index
          %swap3A_108 = arith.constant 0 : index
          %swap3A_109 = tpu.vector_load %arg20[%swap3A, %swap3A_108] {strides = array<i32>} : memref<640x16xf32, #tpu.memory_space<vmem>>, vector<1x16xf32>,
          %swap3A_110 = vector.shape_cast %swap3A_109 : vector<1x16xf32> to vector<16xf32>
          %swap3A_111 = vector.shape_cast %exp3A : vector<16xf32> to vector<1x16xf32>
          tpu.vector_store %arg20[%swap3A, %swap3A_108], %swap3A_111 {strides = array<i32>} : memref<640x16xf32, #tpu.memory_space<vmem>>, vector<1x16xf32>,
          %scan3A_112 = arith.constant 1 : i32
          %scan3A_113 = arith.addi %scan3A_91, %scan3A_112 : i32
          %get3A_114 = arith.index_cast %scan3A_113 : i32 to index
          %get3A_115 = arith.constant 0 : index
          %get3A_116 = tpu.vector_load %arg18[%get3A_114, %get3A_115] {strides = array<i32>} : memref<640x16xf32, #tpu.memory_space<vmem>>, vector<1x16xf32>,
          %get3A_117 = vector.shape_cast %get3A_116 : vector<1x16xf32> to vector<16xf32>
          %get3A_118 = arith.index_cast %scan3A_113 : i32 to index
          %get3A_119 = arith.constant 0 : index
          %get3A_120 = tpu.vector_load %arg19[%get3A_118, %get3A_119] {strides = array<i32>} : memref<640x16xf32, #tpu.memory_space<vmem>>, vector<1x16xf32>,
          %get3A_121 = vector.shape_cast %get3A_120 : vector<1x16xf32> to vector<16xf32>
          %add3A_122 = arith.addf %get3A_117, %get3A_121 : vector<16xf32>
          %ge3A_123 = arith.constant 0.000000e+00 : f32
          %ge3A_124 = vector.broadcast %ge3A_123 : f32 to vector<16xf32>
          %ge3A_125 = arith.cmpf oge, %add3A_122, %ge3A_124 : vector<16xf32>
          %mul3A_126 = arith.constant 2.000000e-01 : f32
          %mul3A_127 = vector.broadcast %mul3A_126 : f32 to vector<16xf32>
          %mul3A_128 = arith.mulf %mul3A_127, %add3A_122 : vector<16xf32>
          %select_n3A_129 = arith.select %ge3A_125, %add3A_122, %mul3A_128 : vector<16xi1>, vector<16xf32>
          %sub3A_130 = arith.subf %select_n3A_129, %get3A_10 : vector<16xf32>
          %exp3A_131 = math.exp %sub3A_130 : vector<16xf32>
          %swap3A_132 = arith.index_cast %scan3A_113 : i32 to index
          %swap3A_133 = arith.constant 0 : index
          %swap3A_134 = tpu.vector_load %arg20[%swap3A_132, %swap3A_133] {strides = array<i32>} : memref<640x16xf32, #tpu.memory_space<vmem>>, vector<1x16xf32>,
          %swap3A_135 = vector.shape_cast %swap3A_134 : vector<1x16xf32> to vector<16xf32>
          %swap3A_136 = vector.shape_cast %exp3A_131 : vector<16xf32> to vector<1x16xf32>
          tpu.vector_store %arg20[%swap3A_132, %swap3A_133], %swap3A_136 {strides = array<i32>} : memref<640x16xf32, #tpu.memory_space<vmem>>, vector<1x16xf32>,
        }
        %scan3A_78 = arith.constant 640 : i32
        %dma_start3A_79 = arith.constant 0 : i32
        %dma_start3A_80 = arith.constant 0 : i32
        %dma_start3A_81 = tpu.memref_slice %arg3[%dma_start3A_79, %dma_start3A_80] : memref<10000x64xf32, #tpu.memory_space<hbm>> -> memref<10000x64xf32, #tpu.memory_space<hbm>>
        tpu.enqueue_indirect_dma source(%dma_start3A_81 : memref<10000x64xf32, #tpu.memory_space<hbm>>) target(%arg21 : memref<640x64xf32, #tpu.memory_space<vmem>>) offsets(%arg16 : memref<640xi32, #tpu.memory_space<vmem>>) semaphore(%arg23 : memref<!tpu.dma_semaphore, #tpu.memory_space<semaphore_mem>>)
        %dma_wait3A_82 = arith.constant 0 : i32
        %dma_wait3A_83 = arith.constant 0 : i32
        %dma_wait3A_84 = tpu.memref_slice %arg3[%dma_wait3A_82, %dma_wait3A_83] : memref<10000x64xf32, #tpu.memory_space<hbm>> -> memref<10000x64xf32, #tpu.memory_space<hbm>>
        tpu.wait_indirect_dma semaphore(%arg23 : memref<!tpu.dma_semaphore, #tpu.memory_space<semaphore_mem>>) src(%dma_wait3A_84 : memref<10000x64xf32, #tpu.memory_space<hbm>>) dst(%arg21 : memref<640x64xf32, #tpu.memory_space<vmem>>)
        %scan3A_85 = arith.constant 0 : i32
        %scan3A_86 = arith.constant 0 : i32
        %scan3A_87 = arith.constant 640 : i32
        %scan3A_88 = arith.addi %scan3A_86, %scan3A_87 : i32
        %scan3A_89 = arith.constant 1 : i32
        scf.for %scan3A_91 = %scan3A_86 to %scan3A_88 step %scan3A_89  : i32 {
          %get3A_92 = arith.index_cast %scan3A_91 : i32 to index
          %get3A_93 = arith.constant 0 : index
          %get3A_94 = tpu.vector_load %arg20[%get3A_92, %get3A_93] {strides = array<i32>} : memref<640x16xf32, #tpu.memory_space<vmem>>, vector<1x16xf32>,
          %get3A_95 = vector.shape_cast %get3A_94 : vector<1x16xf32> to vector<16xf32>
          %get3A_96 = arith.index_cast %scan3A_91 : i32 to index
          %get3A_97 = arith.constant 0 : index
          %get3A_98 = tpu.vector_load %arg21[%get3A_96, %get3A_97] {strides = array<i32>} : memref<640x64xf32, #tpu.memory_space<vmem>>, vector<1x16xf32>,
          %get3A_99 = vector.shape_cast %get3A_98 : vector<1x16xf32> to vector<16xf32>
          %slice3A = vector.extract_strided_slice %get3A_95 {offsets = [2], sizes = [1], strides = [1]} : vector<16xf32> to vector<1xf32>
          %squeeze3A = vector.extract %slice3A[0] : f32 from vector<1xf32>
          %mul3A_100 = vector.broadcast %squeeze3A : f32 to vector<16xf32>
          %mul3A_101 = arith.mulf %get3A_99, %mul3A_100 : vector<16xf32>
          %swap3A = arith.index_cast %scan3A_91 : i32 to index
          %swap3A_102 = arith.constant 0 : index
          %swap3A_103 = tpu.vector_load %arg21[%swap3A, %swap3A_102] {strides = array<i32>} : memref<640x64xf32, #tpu.memory_space<vmem>>, vector<1x16xf32>,
          %swap3A_104 = vector.shape_cast %swap3A_103 : vector<1x16xf32> to vector<16xf32>
          %swap3A_105 = vector.shape_cast %mul3A_101 : vector<16xf32> to vector<1x16xf32>
          tpu.vector_store %arg21[%swap3A, %swap3A_102], %swap3A_105 {strides = array<i32>} : memref<640x64xf32, #tpu.memory_space<vmem>>, vector<1x16xf32>,
          %get3A_106 = arith.index_cast %scan3A_91 : i32 to index
          %get3A_107 = arith.constant 16 : index
          %get3A_108 = tpu.vector_load %arg21[%get3A_106, %get3A_107] {strides = array<i32>} : memref<640x64xf32, #tpu.memory_space<vmem>>, vector<1x16xf32>,
          %get3A_109 = vector.shape_cast %get3A_108 : vector<1x16xf32> to vector<16xf32>
          %slice3A_110 = vector.extract_strided_slice %get3A_95 {offsets = [2], sizes = [1], strides = [1]} : vector<16xf32> to vector<1xf32>
          %squeeze3A_111 = vector.extract %slice3A_110[0] : f32 from vector<1xf32>
          %mul3A_112 = vector.broadcast %squeeze3A_111 : f32 to vector<16xf32>
          %mul3A_113 = arith.mulf %get3A_109, %mul3A_112 : vector<16xf32>
          %swap3A_114 = arith.index_cast %scan3A_91 : i32 to index
          %swap3A_115 = arith.constant 16 : index
          %swap3A_116 = tpu.vector_load %arg21[%swap3A_114, %swap3A_115] {strides = array<i32>} : memref<640x64xf32, #tpu.memory_space<vmem>>, vector<1x16xf32>,
          %swap3A_117 = vector.shape_cast %swap3A_116 : vector<1x16xf32> to vector<16xf32>
          %swap3A_118 = vector.shape_cast %mul3A_113 : vector<16xf32> to vector<1x16xf32>
          tpu.vector_store %arg21[%swap3A_114, %swap3A_115], %swap3A_118 {strides = array<i32>} : memref<640x64xf32, #tpu.memory_space<vmem>>, vector<1x16xf32>,
          %get3A_119 = arith.index_cast %scan3A_91 : i32 to index
          %get3A_120 = arith.constant 32 : index
          %get3A_121 = tpu.vector_load %arg21[%get3A_119, %get3A_120] {strides = array<i32>} : memref<640x64xf32, #tpu.memory_space<vmem>>, vector<1x16xf32>,
          %get3A_122 = vector.shape_cast %get3A_121 : vector<1x16xf32> to vector<16xf32>
          %slice3A_123 = vector.extract_strided_slice %get3A_95 {offsets = [3], sizes = [1], strides = [1]} : vector<16xf32> to vector<1xf32>
          %squeeze3A_124 = vector.extract %slice3A_123[0] : f32 from vector<1xf32>
          %mul3A_125 = vector.broadcast %squeeze3A_124 : f32 to vector<16xf32>
          %mul3A_126 = arith.mulf %get3A_122, %mul3A_125 : vector<16xf32>
          %swap3A_127 = arith.index_cast %scan3A_91 : i32 to index
          %swap3A_128 = arith.constant 32 : index
          %swap3A_129 = tpu.vector_load %arg21[%swap3A_127, %swap3A_128] {strides = array<i32>} : memref<640x64xf32, #tpu.memory_space<vmem>>, vector<1x16xf32>,
          %swap3A_130 = vector.shape_cast %swap3A_129 : vector<1x16xf32> to vector<16xf32>
          %swap3A_131 = vector.shape_cast %mul3A_126 : vector<16xf32> to vector<1x16xf32>
          tpu.vector_store %arg21[%swap3A_127, %swap3A_128], %swap3A_131 {strides = array<i32>} : memref<640x64xf32, #tpu.memory_space<vmem>>, vector<1x16xf32>,
          %get3A_132 = arith.index_cast %scan3A_91 : i32 to index
          %get3A_133 = arith.constant 48 : index
          %get3A_134 = tpu.vector_load %arg21[%get3A_132, %get3A_133] {strides = array<i32>} : memref<640x64xf32, #tpu.memory_space<vmem>>, vector<1x16xf32>,
          %get3A_135 = vector.shape_cast %get3A_134 : vector<1x16xf32> to vector<16xf32>
          %slice3A_136 = vector.extract_strided_slice %get3A_95 {offsets = [3], sizes = [1], strides = [1]} : vector<16xf32> to vector<1xf32>
          %squeeze3A_137 = vector.extract %slice3A_136[0] : f32 from vector<1xf32>
          %mul3A_138 = vector.broadcast %squeeze3A_137 : f32 to vector<16xf32>
          %mul3A_139 = arith.mulf %get3A_135, %mul3A_138 : vector<16xf32>
          %swap3A_140 = arith.index_cast %scan3A_91 : i32 to index
          %swap3A_141 = arith.constant 48 : index
          %swap3A_142 = tpu.vector_load %arg21[%swap3A_140, %swap3A_141] {strides = array<i32>} : memref<640x64xf32, #tpu.memory_space<vmem>>, vector<1x16xf32>,
          %swap3A_143 = vector.shape_cast %swap3A_142 : vector<1x16xf32> to vector<16xf32>
          %swap3A_144 = vector.shape_cast %mul3A_139 : vector<16xf32> to vector<1x16xf32>
          tpu.vector_store %arg21[%swap3A_140, %swap3A_141], %swap3A_144 {strides = array<i32>} : memref<640x64xf32, #tpu.memory_space<vmem>>, vector<1x16xf32>,
        }
        %scan3A_90 = arith.constant 640 : i32
        "tpu.region"() ({
          %run_scoped3A = tpu.sem_alloc : memref<!tpu.dma_semaphore, #tpu.memory_space<semaphore_mem>>
          %dma_start3A_91 = arith.constant 0 : i32
          %dma_start3A_92 = arith.constant 0 : i32
          %dma_start3A_93 = tpu.memref_slice %arg14[%dma_start3A_91, %dma_start3A_92] : memref<10000x64xf32, #tpu.memory_space<vmem_shared>> -> memref<10000x64xf32, #tpu.memory_space<vmem_shared>>
          tpu.enqueue_indirect_dma source(%arg21 : memref<640x64xf32, #tpu.memory_space<vmem>>) target(%dma_start3A_93 : memref<10000x64xf32, #tpu.memory_space<vmem_shared>>) offsets(%arg17 : memref<640xi32, #tpu.memory_space<vmem>>) semaphore(%run_scoped3A : memref<!tpu.dma_semaphore, #tpu.memory_space<semaphore_mem>>) {add = true}
          %dma_wait3A_94 = arith.constant 0 : i32
          %dma_wait3A_95 = arith.constant 0 : i32
          %dma_wait3A_96 = tpu.memref_slice %arg14[%dma_wait3A_94, %dma_wait3A_95] : memref<10000x64xf32, #tpu.memory_space<vmem_shared>> -> memref<10000x64xf32, #tpu.memory_space<vmem_shared>>
          tpu.wait_indirect_dma semaphore(%run_scoped3A : memref<!tpu.dma_semaphore, #tpu.memory_space<semaphore_mem>>) src(%arg21 : memref<640x64xf32, #tpu.memory_space<vmem>>) dst(%dma_wait3A_96 : memref<10000x64xf32, #tpu.memory_space<vmem_shared>>)
          tpu.yield
        }) : () -> ()
      }
      %while3A_58 = arith.constant 1 : i32
      scf.for %while3A_59 = %while3A_56 to %while3A_52 step %while3A_58  : i32 {
        %mul3A = arith.constant 16 : i32
        %mul3A_60 = arith.muli %while3A_59, %mul3A : i32
        %add3A_61 = arith.addi %arg1, %mul3A_60 : i32
        %mul3A_62 = arith.constant 640 : i32
        %mul3A_63 = arith.muli %add3A_61, %mul3A_62 : i32
        "tpu.region"() ({
          %run_scoped3A = tpu.sem_alloc : memref<!tpu.dma_semaphore, #tpu.memory_space<semaphore_mem>>
          %dma_start3A_91 = tpu.memref_slice %arg7[%mul3A_63] : memref<160000xi32, #tpu.memory_space<hbm>> -> memref<640xi32, #tpu.memory_space<hbm>>
          %dma_start3A_92 = tpu.memref_slice %arg7[%mul3A_63] : memref<160000xi32, #tpu.memory_space<hbm>> -> memref<640xi32, #tpu.memory_space<hbm>>
          tpu.enqueue_dma source(%dma_start3A_92 : memref<640xi32, #tpu.memory_space<hbm>>) target(%arg16 : memref<640xi32, #tpu.memory_space<vmem>>) target_semaphore(%run_scoped3A : memref<!tpu.dma_semaphore, #tpu.memory_space<semaphore_mem>>)
          %dma_wait3A_93 = tpu.memref_slice %arg7[%mul3A_63] : memref<160000xi32, #tpu.memory_space<hbm>> -> memref<640xi32, #tpu.memory_space<hbm>>
          %dma_wait3A_94 = tpu.memref_slice %arg7[%mul3A_63] : memref<160000xi32, #tpu.memory_space<hbm>> -> memref<640xi32, #tpu.memory_space<hbm>>
          tpu.wait_dma2 semaphore(%run_scoped3A : memref<!tpu.dma_semaphore, #tpu.memory_space<semaphore_mem>>) src(%dma_wait3A_94 : memref<640xi32, #tpu.memory_space<hbm>>) dst(%arg16 : memref<640xi32, #tpu.memory_space<vmem>>)
          tpu.yield
        }) : () -> ()
        "tpu.region"() ({
          %run_scoped3A = tpu.sem_alloc : memref<!tpu.dma_semaphore, #tpu.memory_space<semaphore_mem>>
          %dma_start3A_91 = tpu.memref_slice %arg8[%mul3A_63] : memref<160000xi32, #tpu.memory_space<hbm>> -> memref<640xi32, #tpu.memory_space<hbm>>
          %dma_start3A_92 = tpu.memref_slice %arg8[%mul3A_63] : memref<160000xi32, #tpu.memory_space<hbm>> -> memref<640xi32, #tpu.memory_space<hbm>>
          tpu.enqueue_dma source(%dma_start3A_92 : memref<640xi32, #tpu.memory_space<hbm>>) target(%arg17 : memref<640xi32, #tpu.memory_space<vmem>>) target_semaphore(%run_scoped3A : memref<!tpu.dma_semaphore, #tpu.memory_space<semaphore_mem>>)
          %dma_wait3A_93 = tpu.memref_slice %arg8[%mul3A_63] : memref<160000xi32, #tpu.memory_space<hbm>> -> memref<640xi32, #tpu.memory_space<hbm>>
          %dma_wait3A_94 = tpu.memref_slice %arg8[%mul3A_63] : memref<160000xi32, #tpu.memory_space<hbm>> -> memref<640xi32, #tpu.memory_space<hbm>>
          tpu.wait_dma2 semaphore(%run_scoped3A : memref<!tpu.dma_semaphore, #tpu.memory_space<semaphore_mem>>) src(%dma_wait3A_94 : memref<640xi32, #tpu.memory_space<hbm>>) dst(%arg17 : memref<640xi32, #tpu.memory_space<vmem>>)
          tpu.yield
        }) : () -> ()
        %dma_start3A = arith.constant 0 : i32
        %dma_start3A_64 = arith.constant 0 : i32
        %dma_start3A_65 = tpu.memref_slice %arg4[%dma_start3A, %dma_start3A_64] : memref<10000x16xf32, #tpu.memory_space<hbm>> -> memref<10000x16xf32, #tpu.memory_space<hbm>>
        tpu.enqueue_indirect_dma source(%dma_start3A_65 : memref<10000x16xf32, #tpu.memory_space<hbm>>) target(%arg18 : memref<640x16xf32, #tpu.memory_space<vmem>>) offsets(%arg16 : memref<640xi32, #tpu.memory_space<vmem>>) semaphore(%arg23 : memref<!tpu.dma_semaphore, #tpu.memory_space<semaphore_mem>>)
        %dma_wait3A = arith.constant 0 : i32
        %dma_wait3A_66 = arith.constant 0 : i32
        %dma_wait3A_67 = tpu.memref_slice %arg4[%dma_wait3A, %dma_wait3A_66] : memref<10000x16xf32, #tpu.memory_space<hbm>> -> memref<10000x16xf32, #tpu.memory_space<hbm>>
        tpu.wait_indirect_dma semaphore(%arg23 : memref<!tpu.dma_semaphore, #tpu.memory_space<semaphore_mem>>) src(%dma_wait3A_67 : memref<10000x16xf32, #tpu.memory_space<hbm>>) dst(%arg18 : memref<640x16xf32, #tpu.memory_space<vmem>>)
        %dma_start3A_68 = arith.constant 0 : i32
        %dma_start3A_69 = arith.constant 0 : i32
        %dma_start3A_70 = tpu.memref_slice %arg5[%dma_start3A_68, %dma_start3A_69] : memref<10000x16xf32, #tpu.memory_space<hbm>> -> memref<10000x16xf32, #tpu.memory_space<hbm>>
        tpu.enqueue_indirect_dma source(%dma_start3A_70 : memref<10000x16xf32, #tpu.memory_space<hbm>>) target(%arg19 : memref<640x16xf32, #tpu.memory_space<vmem>>) offsets(%arg17 : memref<640xi32, #tpu.memory_space<vmem>>) semaphore(%arg23 : memref<!tpu.dma_semaphore, #tpu.memory_space<semaphore_mem>>)
        %dma_wait3A_71 = arith.constant 0 : i32
        %dma_wait3A_72 = arith.constant 0 : i32
        %dma_wait3A_73 = tpu.memref_slice %arg5[%dma_wait3A_71, %dma_wait3A_72] : memref<10000x16xf32, #tpu.memory_space<hbm>> -> memref<10000x16xf32, #tpu.memory_space<hbm>>
        tpu.wait_indirect_dma semaphore(%arg23 : memref<!tpu.dma_semaphore, #tpu.memory_space<semaphore_mem>>) src(%dma_wait3A_73 : memref<10000x16xf32, #tpu.memory_space<hbm>>) dst(%arg19 : memref<640x16xf32, #tpu.memory_space<vmem>>)
        %scan3A = arith.constant 0 : i32
        %scan3A_74 = arith.constant 0 : i32
        %scan3A_75 = arith.constant 640 : i32
        %scan3A_76 = arith.addi %scan3A_74, %scan3A_75 : i32
        %scan3A_77 = arith.constant 2 : i32
        scf.for %scan3A_91 = %scan3A_74 to %scan3A_76 step %scan3A_77  : i32 {
          %get3A_92 = arith.index_cast %scan3A_91 : i32 to index
          %get3A_93 = arith.constant 0 : index
          %get3A_94 = tpu.vector_load %arg18[%get3A_92, %get3A_93] {strides = array<i32>} : memref<640x16xf32, #tpu.memory_space<vmem>>, vector<1x16xf32>,
          %get3A_95 = vector.shape_cast %get3A_94 : vector<1x16xf32> to vector<16xf32>
          %get3A_96 = arith.index_cast %scan3A_91 : i32 to index
          %get3A_97 = arith.constant 0 : index
          %get3A_98 = tpu.vector_load %arg19[%get3A_96, %get3A_97] {strides = array<i32>} : memref<640x16xf32, #tpu.memory_space<vmem>>, vector<1x16xf32>,
          %get3A_99 = vector.shape_cast %get3A_98 : vector<1x16xf32> to vector<16xf32>
          %add3A_100 = arith.addf %get3A_95, %get3A_99 : vector<16xf32>
          %ge3A = arith.constant 0.000000e+00 : f32
          %ge3A_101 = vector.broadcast %ge3A : f32 to vector<16xf32>
          %ge3A_102 = arith.cmpf oge, %add3A_100, %ge3A_101 : vector<16xf32>
          %mul3A_103 = arith.constant 2.000000e-01 : f32
          %mul3A_104 = vector.broadcast %mul3A_103 : f32 to vector<16xf32>
          %mul3A_105 = arith.mulf %mul3A_104, %add3A_100 : vector<16xf32>
          %select_n3A_106 = arith.select %ge3A_102, %add3A_100, %mul3A_105 : vector<16xi1>, vector<16xf32>
          %sub3A_107 = arith.subf %select_n3A_106, %get3A_10 : vector<16xf32>
          %exp3A = math.exp %sub3A_107 : vector<16xf32>
          %swap3A = arith.index_cast %scan3A_91 : i32 to index
          %swap3A_108 = arith.constant 0 : index
          %swap3A_109 = tpu.vector_load %arg20[%swap3A, %swap3A_108] {strides = array<i32>} : memref<640x16xf32, #tpu.memory_space<vmem>>, vector<1x16xf32>,
          %swap3A_110 = vector.shape_cast %swap3A_109 : vector<1x16xf32> to vector<16xf32>
          %swap3A_111 = vector.shape_cast %exp3A : vector<16xf32> to vector<1x16xf32>
          tpu.vector_store %arg20[%swap3A, %swap3A_108], %swap3A_111 {strides = array<i32>} : memref<640x16xf32, #tpu.memory_space<vmem>>, vector<1x16xf32>,
          %scan3A_112 = arith.constant 1 : i32
          %scan3A_113 = arith.addi %scan3A_91, %scan3A_112 : i32
          %get3A_114 = arith.index_cast %scan3A_113 : i32 to index
          %get3A_115 = arith.constant 0 : index
          %get3A_116 = tpu.vector_load %arg18[%get3A_114, %get3A_115] {strides = array<i32>} : memref<640x16xf32, #tpu.memory_space<vmem>>, vector<1x16xf32>,
          %get3A_117 = vector.shape_cast %get3A_116 : vector<1x16xf32> to vector<16xf32>
          %get3A_118 = arith.index_cast %scan3A_113 : i32 to index
          %get3A_119 = arith.constant 0 : index
          %get3A_120 = tpu.vector_load %arg19[%get3A_118, %get3A_119] {strides = array<i32>} : memref<640x16xf32, #tpu.memory_space<vmem>>, vector<1x16xf32>,
          %get3A_121 = vector.shape_cast %get3A_120 : vector<1x16xf32> to vector<16xf32>
          %add3A_122 = arith.addf %get3A_117, %get3A_121 : vector<16xf32>
          %ge3A_123 = arith.constant 0.000000e+00 : f32
          %ge3A_124 = vector.broadcast %ge3A_123 : f32 to vector<16xf32>
          %ge3A_125 = arith.cmpf oge, %add3A_122, %ge3A_124 : vector<16xf32>
          %mul3A_126 = arith.constant 2.000000e-01 : f32
          %mul3A_127 = vector.broadcast %mul3A_126 : f32 to vector<16xf32>
          %mul3A_128 = arith.mulf %mul3A_127, %add3A_122 : vector<16xf32>
          %select_n3A_129 = arith.select %ge3A_125, %add3A_122, %mul3A_128 : vector<16xi1>, vector<16xf32>
          %sub3A_130 = arith.subf %select_n3A_129, %get3A_10 : vector<16xf32>
          %exp3A_131 = math.exp %sub3A_130 : vector<16xf32>
          %swap3A_132 = arith.index_cast %scan3A_113 : i32 to index
          %swap3A_133 = arith.constant 0 : index
          %swap3A_134 = tpu.vector_load %arg20[%swap3A_132, %swap3A_133] {strides = array<i32>} : memref<640x16xf32, #tpu.memory_space<vmem>>, vector<1x16xf32>,
          %swap3A_135 = vector.shape_cast %swap3A_134 : vector<1x16xf32> to vector<16xf32>
          %swap3A_136 = vector.shape_cast %exp3A_131 : vector<16xf32> to vector<1x16xf32>
          tpu.vector_store %arg20[%swap3A_132, %swap3A_133], %swap3A_136 {strides = array<i32>} : memref<640x16xf32, #tpu.memory_space<vmem>>, vector<1x16xf32>,
        }
        %scan3A_78 = arith.constant 640 : i32
        %dma_start3A_79 = arith.constant 0 : i32
        %dma_start3A_80 = arith.constant 0 : i32
        %dma_start3A_81 = tpu.memref_slice %arg3[%dma_start3A_79, %dma_start3A_80] : memref<10000x64xf32, #tpu.memory_space<hbm>> -> memref<10000x64xf32, #tpu.memory_space<hbm>>
        tpu.enqueue_indirect_dma source(%dma_start3A_81 : memref<10000x64xf32, #tpu.memory_space<hbm>>) target(%arg21 : memref<640x64xf32, #tpu.memory_space<vmem>>) offsets(%arg16 : memref<640xi32, #tpu.memory_space<vmem>>) semaphore(%arg23 : memref<!tpu.dma_semaphore, #tpu.memory_space<semaphore_mem>>)
        %dma_wait3A_82 = arith.constant 0 : i32
        %dma_wait3A_83 = arith.constant 0 : i32
        %dma_wait3A_84 = tpu.memref_slice %arg3[%dma_wait3A_82, %dma_wait3A_83] : memref<10000x64xf32, #tpu.memory_space<hbm>> -> memref<10000x64xf32, #tpu.memory_space<hbm>>
        tpu.wait_indirect_dma semaphore(%arg23 : memref<!tpu.dma_semaphore, #tpu.memory_space<semaphore_mem>>) src(%dma_wait3A_84 : memref<10000x64xf32, #tpu.memory_space<hbm>>) dst(%arg21 : memref<640x64xf32, #tpu.memory_space<vmem>>)
        %scan3A_85 = arith.constant 0 : i32
        %scan3A_86 = arith.constant 0 : i32
        %scan3A_87 = arith.constant 640 : i32
        %scan3A_88 = arith.addi %scan3A_86, %scan3A_87 : i32
        %scan3A_89 = arith.constant 1 : i32
        scf.for %scan3A_91 = %scan3A_86 to %scan3A_88 step %scan3A_89  : i32 {
          %get3A_92 = arith.index_cast %scan3A_91 : i32 to index
          %get3A_93 = arith.constant 0 : index
          %get3A_94 = tpu.vector_load %arg20[%get3A_92, %get3A_93] {strides = array<i32>} : memref<640x16xf32, #tpu.memory_space<vmem>>, vector<1x16xf32>,
          %get3A_95 = vector.shape_cast %get3A_94 : vector<1x16xf32> to vector<16xf32>
          %get3A_96 = arith.index_cast %scan3A_91 : i32 to index
          %get3A_97 = arith.constant 0 : index
          %get3A_98 = tpu.vector_load %arg21[%get3A_96, %get3A_97] {strides = array<i32>} : memref<640x64xf32, #tpu.memory_space<vmem>>, vector<1x16xf32>,
          %get3A_99 = vector.shape_cast %get3A_98 : vector<1x16xf32> to vector<16xf32>
          %slice3A = vector.extract_strided_slice %get3A_95 {offsets = [2], sizes = [1], strides = [1]} : vector<16xf32> to vector<1xf32>
          %squeeze3A = vector.extract %slice3A[0] : f32 from vector<1xf32>
          %mul3A_100 = vector.broadcast %squeeze3A : f32 to vector<16xf32>
          %mul3A_101 = arith.mulf %get3A_99, %mul3A_100 : vector<16xf32>
          %swap3A = arith.index_cast %scan3A_91 : i32 to index
          %swap3A_102 = arith.constant 0 : index
          %swap3A_103 = tpu.vector_load %arg21[%swap3A, %swap3A_102] {strides = array<i32>} : memref<640x64xf32, #tpu.memory_space<vmem>>, vector<1x16xf32>,
          %swap3A_104 = vector.shape_cast %swap3A_103 : vector<1x16xf32> to vector<16xf32>
          %swap3A_105 = vector.shape_cast %mul3A_101 : vector<16xf32> to vector<1x16xf32>
          tpu.vector_store %arg21[%swap3A, %swap3A_102], %swap3A_105 {strides = array<i32>} : memref<640x64xf32, #tpu.memory_space<vmem>>, vector<1x16xf32>,
          %get3A_106 = arith.index_cast %scan3A_91 : i32 to index
          %get3A_107 = arith.constant 16 : index
          %get3A_108 = tpu.vector_load %arg21[%get3A_106, %get3A_107] {strides = array<i32>} : memref<640x64xf32, #tpu.memory_space<vmem>>, vector<1x16xf32>,
          %get3A_109 = vector.shape_cast %get3A_108 : vector<1x16xf32> to vector<16xf32>
          %slice3A_110 = vector.extract_strided_slice %get3A_95 {offsets = [2], sizes = [1], strides = [1]} : vector<16xf32> to vector<1xf32>
          %squeeze3A_111 = vector.extract %slice3A_110[0] : f32 from vector<1xf32>
          %mul3A_112 = vector.broadcast %squeeze3A_111 : f32 to vector<16xf32>
          %mul3A_113 = arith.mulf %get3A_109, %mul3A_112 : vector<16xf32>
          %swap3A_114 = arith.index_cast %scan3A_91 : i32 to index
          %swap3A_115 = arith.constant 16 : index
          %swap3A_116 = tpu.vector_load %arg21[%swap3A_114, %swap3A_115] {strides = array<i32>} : memref<640x64xf32, #tpu.memory_space<vmem>>, vector<1x16xf32>,
          %swap3A_117 = vector.shape_cast %swap3A_116 : vector<1x16xf32> to vector<16xf32>
          %swap3A_118 = vector.shape_cast %mul3A_113 : vector<16xf32> to vector<1x16xf32>
          tpu.vector_store %arg21[%swap3A_114, %swap3A_115], %swap3A_118 {strides = array<i32>} : memref<640x64xf32, #tpu.memory_space<vmem>>, vector<1x16xf32>,
          %get3A_119 = arith.index_cast %scan3A_91 : i32 to index
          %get3A_120 = arith.constant 32 : index
          %get3A_121 = tpu.vector_load %arg21[%get3A_119, %get3A_120] {strides = array<i32>} : memref<640x64xf32, #tpu.memory_space<vmem>>, vector<1x16xf32>,
          %get3A_122 = vector.shape_cast %get3A_121 : vector<1x16xf32> to vector<16xf32>
          %slice3A_123 = vector.extract_strided_slice %get3A_95 {offsets = [3], sizes = [1], strides = [1]} : vector<16xf32> to vector<1xf32>
          %squeeze3A_124 = vector.extract %slice3A_123[0] : f32 from vector<1xf32>
          %mul3A_125 = vector.broadcast %squeeze3A_124 : f32 to vector<16xf32>
          %mul3A_126 = arith.mulf %get3A_122, %mul3A_125 : vector<16xf32>
          %swap3A_127 = arith.index_cast %scan3A_91 : i32 to index
          %swap3A_128 = arith.constant 32 : index
          %swap3A_129 = tpu.vector_load %arg21[%swap3A_127, %swap3A_128] {strides = array<i32>} : memref<640x64xf32, #tpu.memory_space<vmem>>, vector<1x16xf32>,
          %swap3A_130 = vector.shape_cast %swap3A_129 : vector<1x16xf32> to vector<16xf32>
          %swap3A_131 = vector.shape_cast %mul3A_126 : vector<16xf32> to vector<1x16xf32>
          tpu.vector_store %arg21[%swap3A_127, %swap3A_128], %swap3A_131 {strides = array<i32>} : memref<640x64xf32, #tpu.memory_space<vmem>>, vector<1x16xf32>,
          %get3A_132 = arith.index_cast %scan3A_91 : i32 to index
          %get3A_133 = arith.constant 48 : index
          %get3A_134 = tpu.vector_load %arg21[%get3A_132, %get3A_133] {strides = array<i32>} : memref<640x64xf32, #tpu.memory_space<vmem>>, vector<1x16xf32>,
          %get3A_135 = vector.shape_cast %get3A_134 : vector<1x16xf32> to vector<16xf32>
          %slice3A_136 = vector.extract_strided_slice %get3A_95 {offsets = [3], sizes = [1], strides = [1]} : vector<16xf32> to vector<1xf32>
          %squeeze3A_137 = vector.extract %slice3A_136[0] : f32 from vector<1xf32>
          %mul3A_138 = vector.broadcast %squeeze3A_137 : f32 to vector<16xf32>
          %mul3A_139 = arith.mulf %get3A_135, %mul3A_138 : vector<16xf32>
          %swap3A_140 = arith.index_cast %scan3A_91 : i32 to index
          %swap3A_141 = arith.constant 48 : index
          %swap3A_142 = tpu.vector_load %arg21[%swap3A_140, %swap3A_141] {strides = array<i32>} : memref<640x64xf32, #tpu.memory_space<vmem>>, vector<1x16xf32>,
          %swap3A_143 = vector.shape_cast %swap3A_142 : vector<1x16xf32> to vector<16xf32>
          %swap3A_144 = vector.shape_cast %mul3A_139 : vector<16xf32> to vector<1x16xf32>
          tpu.vector_store %arg21[%swap3A_140, %swap3A_141], %swap3A_144 {strides = array<i32>} : memref<640x64xf32, #tpu.memory_space<vmem>>, vector<1x16xf32>,
        }
        %scan3A_90 = arith.constant 640 : i32
        "tpu.region"() ({
          %run_scoped3A = tpu.sem_alloc : memref<!tpu.dma_semaphore, #tpu.memory_space<semaphore_mem>>
          %dma_start3A_91 = arith.constant 0 : i32
          %dma_start3A_92 = arith.constant 0 : i32
          %dma_start3A_93 = tpu.memref_slice %arg14[%dma_start3A_91, %dma_start3A_92] : memref<10000x64xf32, #tpu.memory_space<vmem_shared>> -> memref<10000x64xf32, #tpu.memory_space<vmem_shared>>
          tpu.enqueue_indirect_dma source(%arg21 : memref<640x64xf32, #tpu.memory_space<vmem>>) target(%dma_start3A_93 : memref<10000x64xf32, #tpu.memory_space<vmem_shared>>) offsets(%arg17 : memref<640xi32, #tpu.memory_space<vmem>>) semaphore(%run_scoped3A : memref<!tpu.dma_semaphore, #tpu.memory_space<semaphore_mem>>) {add = true}
          %dma_wait3A_94 = arith.constant 0 : i32
          %dma_wait3A_95 = arith.constant 0 : i32
          %dma_wait3A_96 = tpu.memref_slice %arg14[%dma_wait3A_94, %dma_wait3A_95] : memref<10000x64xf32, #tpu.memory_space<vmem_shared>> -> memref<10000x64xf32, #tpu.memory_space<vmem_shared>>
          tpu.wait_indirect_dma semaphore(%run_scoped3A : memref<!tpu.dma_semaphore, #tpu.memory_space<semaphore_mem>>) src(%arg21 : memref<640x64xf32, #tpu.memory_space<vmem>>) dst(%dma_wait3A_96 : memref<10000x64xf32, #tpu.memory_space<vmem_shared>>)
          tpu.yield
        }) : () -> ()
      }
    } else {
    }
    %barrier3A_40 = arith.constant 0 : index
    tpu.barrier barrier_id(%barrier3A_40)
    %lt3A = arith.constant 15 : i32
    %lt3A_41 = arith.cmpi slt, %arg1, %lt3A : i32
    %convert_element_type3A_42 = arith.extui %lt3A_41 : i1 to i32
    %cond3A_43 = arith.constant 0 : i32
    %cond3A_44 = arith.cmpi ne, %convert_element_type3A_42, %cond3A_43 : i32
    scf.if %cond3A_44 {
      %mul3A = arith.constant 640 : i32
      %mul3A_50 = arith.muli %arg1, %mul3A : i32
      "tpu.region"() ({
        %run_scoped3A = tpu.sem_alloc : memref<!tpu.dma_semaphore, #tpu.memory_space<semaphore_mem>>
        %dma_start3A = arith.constant 0 : i32
        %dma_start3A_56 = arith.constant 0 : i32
        %dma_start3A_57 = tpu.memref_slice %arg21[%dma_start3A, %dma_start3A_56] : memref<640x64xf32, #tpu.memory_space<vmem>> -> memref<640x64xf32, #tpu.memory_space<vmem>>
        %dma_start3A_58 = arith.constant 0 : i32
        %dma_start3A_59 = tpu.memref_slice %arg14[%mul3A_50, %dma_start3A_58] : memref<10000x64xf32, #tpu.memory_space<vmem_shared>> -> memref<640x64xf32, #tpu.memory_space<vmem_shared>>
        %dma_start3A_60 = arith.constant 0 : i32
        %dma_start3A_61 = arith.constant 0 : i32
        %dma_start3A_62 = tpu.memref_slice %arg21[%dma_start3A_60, %dma_start3A_61] : memref<640x64xf32, #tpu.memory_space<vmem>> -> memref<640x64xf32, #tpu.memory_space<vmem>>
        %dma_start3A_63 = arith.constant 0 : i32
        %dma_start3A_64 = tpu.memref_slice %arg14[%mul3A_50, %dma_start3A_63] : memref<10000x64xf32, #tpu.memory_space<vmem_shared>> -> memref<640x64xf32, #tpu.memory_space<vmem_shared>>
        tpu.enqueue_dma source(%dma_start3A_64 : memref<640x64xf32, #tpu.memory_space<vmem_shared>>) target(%dma_start3A_62 : memref<640x64xf32, #tpu.memory_space<vmem>>) target_semaphore(%run_scoped3A : memref<!tpu.dma_semaphore, #tpu.memory_space<semaphore_mem>>)
        %dma_wait3A = arith.constant 0 : i32
        %dma_wait3A_65 = arith.constant 0 : i32
        %dma_wait3A_66 = tpu.memref_slice %arg21[%dma_wait3A, %dma_wait3A_65] : memref<640x64xf32, #tpu.memory_space<vmem>> -> memref<640x64xf32, #tpu.memory_space<vmem>>
        %dma_wait3A_67 = arith.constant 0 : i32
        %dma_wait3A_68 = tpu.memref_slice %arg14[%mul3A_50, %dma_wait3A_67] : memref<10000x64xf32, #tpu.memory_space<vmem_shared>> -> memref<640x64xf32, #tpu.memory_space<vmem_shared>>
        %dma_wait3A_69 = arith.constant 0 : i32
        %dma_wait3A_70 = arith.constant 0 : i32
        %dma_wait3A_71 = tpu.memref_slice %arg21[%dma_wait3A_69, %dma_wait3A_70] : memref<640x64xf32, #tpu.memory_space<vmem>> -> memref<640x64xf32, #tpu.memory_space<vmem>>
        %dma_wait3A_72 = arith.constant 0 : i32
        %dma_wait3A_73 = tpu.memref_slice %arg14[%mul3A_50, %dma_wait3A_72] : memref<10000x64xf32, #tpu.memory_space<vmem_shared>> -> memref<640x64xf32, #tpu.memory_space<vmem_shared>>
        tpu.wait_dma2 semaphore(%run_scoped3A : memref<!tpu.dma_semaphore, #tpu.memory_space<semaphore_mem>>) src(%dma_wait3A_73 : memref<640x64xf32, #tpu.memory_space<vmem_shared>>) dst(%dma_wait3A_71 : memref<640x64xf32, #tpu.memory_space<vmem>>)
        tpu.yield
      }) : () -> ()
      "tpu.region"() ({
        %run_scoped3A = tpu.sem_alloc : memref<!tpu.dma_semaphore, #tpu.memory_space<semaphore_mem>>
        %dma_start3A = arith.constant 0 : i32
        %dma_start3A_56 = arith.constant 0 : i32
        %dma_start3A_57 = tpu.memref_slice %arg21[%dma_start3A, %dma_start3A_56] : memref<640x64xf32, #tpu.memory_space<vmem>> -> memref<640x64xf32, #tpu.memory_space<vmem>>
        %dma_start3A_58 = arith.constant 0 : i32
        %dma_start3A_59 = tpu.memref_slice %arg12[%arg0, %mul3A_50, %dma_start3A_58] : memref<2x10000x64xf32, #tpu.memory_space<hbm>> -> memref<1x640x64xf32, #tpu.memory_space<hbm>>
        %dma_start3A_60 = tpu.memref_squeeze %dma_start3A_59 : memref<1x640x64xf32, #tpu.memory_space<hbm>> -> memref<640x64xf32, #tpu.memory_space<hbm>>
        %dma_start3A_61 = arith.constant 0 : i32
        %dma_start3A_62 = tpu.memref_slice %arg12[%arg0, %mul3A_50, %dma_start3A_61] : memref<2x10000x64xf32, #tpu.memory_space<hbm>> -> memref<1x640x64xf32, #tpu.memory_space<hbm>>
        %dma_start3A_63 = tpu.memref_squeeze %dma_start3A_62 : memref<1x640x64xf32, #tpu.memory_space<hbm>> -> memref<640x64xf32, #tpu.memory_space<hbm>>
        %dma_start3A_64 = arith.constant 0 : i32
        %dma_start3A_65 = arith.constant 0 : i32
        %dma_start3A_66 = tpu.memref_slice %arg21[%dma_start3A_64, %dma_start3A_65] : memref<640x64xf32, #tpu.memory_space<vmem>> -> memref<640x64xf32, #tpu.memory_space<vmem>>
        tpu.enqueue_dma source(%dma_start3A_66 : memref<640x64xf32, #tpu.memory_space<vmem>>) target(%dma_start3A_63 : memref<640x64xf32, #tpu.memory_space<hbm>>) target_semaphore(%run_scoped3A : memref<!tpu.dma_semaphore, #tpu.memory_space<semaphore_mem>>)
        %dma_wait3A = arith.constant 0 : i32
        %dma_wait3A_67 = arith.constant 0 : i32
        %dma_wait3A_68 = tpu.memref_slice %arg21[%dma_wait3A, %dma_wait3A_67] : memref<640x64xf32, #tpu.memory_space<vmem>> -> memref<640x64xf32, #tpu.memory_space<vmem>>
        %dma_wait3A_69 = arith.constant 0 : i32
        %dma_wait3A_70 = tpu.memref_slice %arg12[%arg0, %mul3A_50, %dma_wait3A_69] : memref<2x10000x64xf32, #tpu.memory_space<hbm>> -> memref<1x640x64xf32, #tpu.memory_space<hbm>>
        %dma_wait3A_71 = tpu.memref_squeeze %dma_wait3A_70 : memref<1x640x64xf32, #tpu.memory_space<hbm>> -> memref<640x64xf32, #tpu.memory_space<hbm>>
        %dma_wait3A_72 = arith.constant 0 : i32
        %dma_wait3A_73 = tpu.memref_slice %arg12[%arg0, %mul3A_50, %dma_wait3A_72] : memref<2x10000x64xf32, #tpu.memory_space<hbm>> -> memref<1x640x64xf32, #tpu.memory_space<hbm>>
        %dma_wait3A_74 = tpu.memref_squeeze %dma_wait3A_73 : memref<1x640x64xf32, #tpu.memory_space<hbm>> -> memref<640x64xf32, #tpu.memory_space<hbm>>
        %dma_wait3A_75 = arith.constant 0 : i32
        %dma_wait3A_76 = arith.constant 0 : i32
        %dma_wait3A_77 = tpu.memref_slice %arg21[%dma_wait3A_75, %dma_wait3A_76] : memref<640x64xf32, #tpu.memory_space<vmem>> -> memref<640x64xf32, #tpu.memory_space<vmem>>
        tpu.wait_dma2 semaphore(%run_scoped3A : memref<!tpu.dma_semaphore, #tpu.memory_space<semaphore_mem>>) src(%dma_wait3A_77 : memref<640x64xf32, #tpu.memory_space<vmem>>) dst(%dma_wait3A_74 : memref<640x64xf32, #tpu.memory_space<hbm>>)
        tpu.yield
      }) : () -> ()
      %eq3A_51 = arith.constant 0 : i32
      %eq3A_52 = arith.cmpi eq, %arg0, %eq3A_51 : i32
      %convert_element_type3A_53 = arith.extui %eq3A_52 : i1 to i32
      %cond3A_54 = arith.constant 0 : i32
      %cond3A_55 = arith.cmpi ne, %convert_element_type3A_53, %cond3A_54 : i32
      scf.if %cond3A_55 {
        "tpu.region"() ({
          %run_scoped3A_56 = tpu.sem_alloc : memref<!tpu.dma_semaphore, #tpu.memory_space<semaphore_mem>>
          %dma_start3A = arith.constant 0 : i32
          %dma_start3A_57 = arith.constant 0 : i32
          %dma_start3A_58 = tpu.memref_slice %arg18[%dma_start3A, %dma_start3A_57] : memref<640x16xf32, #tpu.memory_space<vmem>> -> memref<640x16xf32, #tpu.memory_space<vmem>>
          %dma_start3A_59 = arith.constant 0 : i32
          %dma_start3A_60 = tpu.memref_slice %arg15[%mul3A_50, %dma_start3A_59] : memref<10000x16xf32, #tpu.memory_space<vmem_shared>> -> memref<640x16xf32, #tpu.memory_space<vmem_shared>>
          %dma_start3A_61 = arith.constant 0 : i32
          %dma_start3A_62 = arith.constant 0 : i32
          %dma_start3A_63 = tpu.memref_slice %arg18[%dma_start3A_61, %dma_start3A_62] : memref<640x16xf32, #tpu.memory_space<vmem>> -> memref<640x16xf32, #tpu.memory_space<vmem>>
          %dma_start3A_64 = arith.constant 0 : i32
          %dma_start3A_65 = tpu.memref_slice %arg15[%mul3A_50, %dma_start3A_64] : memref<10000x16xf32, #tpu.memory_space<vmem_shared>> -> memref<640x16xf32, #tpu.memory_space<vmem_shared>>
          tpu.enqueue_dma source(%dma_start3A_65 : memref<640x16xf32, #tpu.memory_space<vmem_shared>>) target(%dma_start3A_63 : memref<640x16xf32, #tpu.memory_space<vmem>>) target_semaphore(%run_scoped3A_56 : memref<!tpu.dma_semaphore, #tpu.memory_space<semaphore_mem>>)
          %dma_wait3A = arith.constant 0 : i32
          %dma_wait3A_66 = arith.constant 0 : i32
          %dma_wait3A_67 = tpu.memref_slice %arg18[%dma_wait3A, %dma_wait3A_66] : memref<640x16xf32, #tpu.memory_space<vmem>> -> memref<640x16xf32, #tpu.memory_space<vmem>>
          %dma_wait3A_68 = arith.constant 0 : i32
          %dma_wait3A_69 = tpu.memref_slice %arg15[%mul3A_50, %dma_wait3A_68] : memref<10000x16xf32, #tpu.memory_space<vmem_shared>> -> memref<640x16xf32, #tpu.memory_space<vmem_shared>>
          %dma_wait3A_70 = arith.constant 0 : i32
          %dma_wait3A_71 = arith.constant 0 : i32
          %dma_wait3A_72 = tpu.memref_slice %arg18[%dma_wait3A_70, %dma_wait3A_71] : memref<640x16xf32, #tpu.memory_space<vmem>> -> memref<640x16xf32, #tpu.memory_space<vmem>>
          %dma_wait3A_73 = arith.constant 0 : i32
          %dma_wait3A_74 = tpu.memref_slice %arg15[%mul3A_50, %dma_wait3A_73] : memref<10000x16xf32, #tpu.memory_space<vmem_shared>> -> memref<640x16xf32, #tpu.memory_space<vmem_shared>>
          tpu.wait_dma2 semaphore(%run_scoped3A_56 : memref<!tpu.dma_semaphore, #tpu.memory_space<semaphore_mem>>) src(%dma_wait3A_74 : memref<640x16xf32, #tpu.memory_space<vmem_shared>>) dst(%dma_wait3A_72 : memref<640x16xf32, #tpu.memory_space<vmem>>)
          tpu.yield
        }) : () -> ()
        %run_scoped3A = arith.constant 0 : i32
        "tpu.region"() ({
          %run_scoped3A_56 = tpu.sem_alloc : memref<!tpu.dma_semaphore, #tpu.memory_space<semaphore_mem>>
          %dma_start3A = arith.constant 0 : i32
          %dma_start3A_57 = arith.constant 0 : i32
          %dma_start3A_58 = tpu.memref_slice %arg18[%dma_start3A, %dma_start3A_57] : memref<640x16xf32, #tpu.memory_space<vmem>> -> memref<640x16xf32, #tpu.memory_space<vmem>>
          %dma_start3A_59 = arith.constant 0 : i32
          %dma_start3A_60 = tpu.memref_slice %arg13[%run_scoped3A, %mul3A_50, %dma_start3A_59] : memref<1x10000x16xf32, #tpu.memory_space<hbm>> -> memref<1x640x16xf32, #tpu.memory_space<hbm>>
          %dma_start3A_61 = tpu.memref_squeeze %dma_start3A_60 : memref<1x640x16xf32, #tpu.memory_space<hbm>> -> memref<640x16xf32, #tpu.memory_space<hbm>>
          %dma_start3A_62 = arith.constant 0 : i32
          %dma_start3A_63 = tpu.memref_slice %arg13[%run_scoped3A, %mul3A_50, %dma_start3A_62] : memref<1x10000x16xf32, #tpu.memory_space<hbm>> -> memref<1x640x16xf32, #tpu.memory_space<hbm>>
          %dma_start3A_64 = tpu.memref_squeeze %dma_start3A_63 : memref<1x640x16xf32, #tpu.memory_space<hbm>> -> memref<640x16xf32, #tpu.memory_space<hbm>>
          %dma_start3A_65 = arith.constant 0 : i32
          %dma_start3A_66 = arith.constant 0 : i32
          %dma_start3A_67 = tpu.memref_slice %arg18[%dma_start3A_65, %dma_start3A_66] : memref<640x16xf32, #tpu.memory_space<vmem>> -> memref<640x16xf32, #tpu.memory_space<vmem>>
          tpu.enqueue_dma source(%dma_start3A_67 : memref<640x16xf32, #tpu.memory_space<vmem>>) target(%dma_start3A_64 : memref<640x16xf32, #tpu.memory_space<hbm>>) target_semaphore(%run_scoped3A_56 : memref<!tpu.dma_semaphore, #tpu.memory_space<semaphore_mem>>)
          %dma_wait3A = arith.constant 0 : i32
          %dma_wait3A_68 = arith.constant 0 : i32
          %dma_wait3A_69 = tpu.memref_slice %arg18[%dma_wait3A, %dma_wait3A_68] : memref<640x16xf32, #tpu.memory_space<vmem>> -> memref<640x16xf32, #tpu.memory_space<vmem>>
          %dma_wait3A_70 = arith.constant 0 : i32
          %dma_wait3A_71 = tpu.memref_slice %arg13[%run_scoped3A, %mul3A_50, %dma_wait3A_70] : memref<1x10000x16xf32, #tpu.memory_space<hbm>> -> memref<1x640x16xf32, #tpu.memory_space<hbm>>
          %dma_wait3A_72 = tpu.memref_squeeze %dma_wait3A_71 : memref<1x640x16xf32, #tpu.memory_space<hbm>> -> memref<640x16xf32, #tpu.memory_space<hbm>>
          %dma_wait3A_73 = arith.constant 0 : i32
          %dma_wait3A_74 = tpu.memref_slice %arg13[%run_scoped3A, %mul3A_50, %dma_wait3A_73] : memref<1x10000x16xf32, #tpu.memory_space<hbm>> -> memref<1x640x16xf32, #tpu.memory_space<hbm>>
          %dma_wait3A_75 = tpu.memref_squeeze %dma_wait3A_74 : memref<1x640x16xf32, #tpu.memory_space<hbm>> -> memref<640x16xf32, #tpu.memory_space<hbm>>
          %dma_wait3A_76 = arith.constant 0 : i32
          %dma_wait3A_77 = arith.constant 0 : i32
          %dma_wait3A_78 = tpu.memref_slice %arg18[%dma_wait3A_76, %dma_wait3A_77] : memref<640x16xf32, #tpu.memory_space<vmem>> -> memref<640x16xf32, #tpu.memory_space<vmem>>
          tpu.wait_dma2 semaphore(%run_scoped3A_56 : memref<!tpu.dma_semaphore, #tpu.memory_space<semaphore_mem>>) src(%dma_wait3A_78 : memref<640x16xf32, #tpu.memory_space<vmem>>) dst(%dma_wait3A_75 : memref<640x16xf32, #tpu.memory_space<hbm>>)
          tpu.yield
        }) : () -> ()
      } else {
      }
    } else {
    }
    %eq3A_45 = arith.constant 15 : i32
    %eq3A_46 = arith.cmpi eq, %arg1, %eq3A_45 : i32
    %convert_element_type3A_47 = arith.extui %eq3A_46 : i1 to i32
    %cond3A_48 = arith.constant 0 : i32
    %cond3A_49 = arith.cmpi ne, %convert_element_type3A_47, %cond3A_48 : i32
    scf.if %cond3A_49 {
      "tpu.region"() ({
        %run_scoped3A = tpu.sem_alloc : memref<!tpu.dma_semaphore, #tpu.memory_space<semaphore_mem>>
        %dma_start3A = arith.constant 0 : i32
        %dma_start3A_55 = arith.constant 0 : i32
        %dma_start3A_56 = tpu.memref_slice %arg21[%dma_start3A, %dma_start3A_55] : memref<640x64xf32, #tpu.memory_space<vmem>> -> memref<400x64xf32, #tpu.memory_space<vmem>>
        %dma_start3A_57 = arith.constant 9600 : i32
        %dma_start3A_58 = arith.constant 0 : i32
        %dma_start3A_59 = tpu.memref_slice %arg14[%dma_start3A_57, %dma_start3A_58] : memref<10000x64xf32, #tpu.memory_space<vmem_shared>> -> memref<400x64xf32, #tpu.memory_space<vmem_shared>>
        %dma_start3A_60 = arith.constant 0 : i32
        %dma_start3A_61 = arith.constant 0 : i32
        %dma_start3A_62 = tpu.memref_slice %arg21[%dma_start3A_60, %dma_start3A_61] : memref<640x64xf32, #tpu.memory_space<vmem>> -> memref<400x64xf32, #tpu.memory_space<vmem>>
        %dma_start3A_63 = arith.constant 9600 : i32
        %dma_start3A_64 = arith.constant 0 : i32
        %dma_start3A_65 = tpu.memref_slice %arg14[%dma_start3A_63, %dma_start3A_64] : memref<10000x64xf32, #tpu.memory_space<vmem_shared>> -> memref<400x64xf32, #tpu.memory_space<vmem_shared>>
        tpu.enqueue_dma source(%dma_start3A_65 : memref<400x64xf32, #tpu.memory_space<vmem_shared>>) target(%dma_start3A_62 : memref<400x64xf32, #tpu.memory_space<vmem>>) target_semaphore(%run_scoped3A : memref<!tpu.dma_semaphore, #tpu.memory_space<semaphore_mem>>)
        %dma_wait3A = arith.constant 0 : i32
        %dma_wait3A_66 = arith.constant 0 : i32
        %dma_wait3A_67 = tpu.memref_slice %arg21[%dma_wait3A, %dma_wait3A_66] : memref<640x64xf32, #tpu.memory_space<vmem>> -> memref<400x64xf32, #tpu.memory_space<vmem>>
        %dma_wait3A_68 = arith.constant 9600 : i32
        %dma_wait3A_69 = arith.constant 0 : i32
        %dma_wait3A_70 = tpu.memref_slice %arg14[%dma_wait3A_68, %dma_wait3A_69] : memref<10000x64xf32, #tpu.memory_space<vmem_shared>> -> memref<400x64xf32, #tpu.memory_space<vmem_shared>>
        %dma_wait3A_71 = arith.constant 0 : i32
        %dma_wait3A_72 = arith.constant 0 : i32
        %dma_wait3A_73 = tpu.memref_slice %arg21[%dma_wait3A_71, %dma_wait3A_72] : memref<640x64xf32, #tpu.memory_space<vmem>> -> memref<400x64xf32, #tpu.memory_space<vmem>>
        %dma_wait3A_74 = arith.constant 9600 : i32
        %dma_wait3A_75 = arith.constant 0 : i32
        %dma_wait3A_76 = tpu.memref_slice %arg14[%dma_wait3A_74, %dma_wait3A_75] : memref<10000x64xf32, #tpu.memory_space<vmem_shared>> -> memref<400x64xf32, #tpu.memory_space<vmem_shared>>
        tpu.wait_dma2 semaphore(%run_scoped3A : memref<!tpu.dma_semaphore, #tpu.memory_space<semaphore_mem>>) src(%dma_wait3A_76 : memref<400x64xf32, #tpu.memory_space<vmem_shared>>) dst(%dma_wait3A_73 : memref<400x64xf32, #tpu.memory_space<vmem>>)
        tpu.yield
      }) : () -> ()
      "tpu.region"() ({
        %run_scoped3A = tpu.sem_alloc : memref<!tpu.dma_semaphore, #tpu.memory_space<semaphore_mem>>
        %dma_start3A = arith.constant 0 : i32
        %dma_start3A_55 = arith.constant 0 : i32
        %dma_start3A_56 = tpu.memref_slice %arg21[%dma_start3A, %dma_start3A_55] : memref<640x64xf32, #tpu.memory_space<vmem>> -> memref<400x64xf32, #tpu.memory_space<vmem>>
        %dma_start3A_57 = arith.constant 9600 : i32
        %dma_start3A_58 = arith.constant 0 : i32
        %dma_start3A_59 = tpu.memref_slice %arg12[%arg0, %dma_start3A_57, %dma_start3A_58] : memref<2x10000x64xf32, #tpu.memory_space<hbm>> -> memref<1x400x64xf32, #tpu.memory_space<hbm>>
        %dma_start3A_60 = tpu.memref_squeeze %dma_start3A_59 : memref<1x400x64xf32, #tpu.memory_space<hbm>> -> memref<400x64xf32, #tpu.memory_space<hbm>>
        %dma_start3A_61 = arith.constant 9600 : i32
        %dma_start3A_62 = arith.constant 0 : i32
        %dma_start3A_63 = tpu.memref_slice %arg12[%arg0, %dma_start3A_61, %dma_start3A_62] : memref<2x10000x64xf32, #tpu.memory_space<hbm>> -> memref<1x400x64xf32, #tpu.memory_space<hbm>>
        %dma_start3A_64 = tpu.memref_squeeze %dma_start3A_63 : memref<1x400x64xf32, #tpu.memory_space<hbm>> -> memref<400x64xf32, #tpu.memory_space<hbm>>
        %dma_start3A_65 = arith.constant 0 : i32
        %dma_start3A_66 = arith.constant 0 : i32
        %dma_start3A_67 = tpu.memref_slice %arg21[%dma_start3A_65, %dma_start3A_66] : memref<640x64xf32, #tpu.memory_space<vmem>> -> memref<400x64xf32, #tpu.memory_space<vmem>>
        tpu.enqueue_dma source(%dma_start3A_67 : memref<400x64xf32, #tpu.memory_space<vmem>>) target(%dma_start3A_64 : memref<400x64xf32, #tpu.memory_space<hbm>>) target_semaphore(%run_scoped3A : memref<!tpu.dma_semaphore, #tpu.memory_space<semaphore_mem>>)
        %dma_wait3A = arith.constant 0 : i32
        %dma_wait3A_68 = arith.constant 0 : i32
        %dma_wait3A_69 = tpu.memref_slice %arg21[%dma_wait3A, %dma_wait3A_68] : memref<640x64xf32, #tpu.memory_space<vmem>> -> memref<400x64xf32, #tpu.memory_space<vmem>>
        %dma_wait3A_70 = arith.constant 9600 : i32
        %dma_wait3A_71 = arith.constant 0 : i32
        %dma_wait3A_72 = tpu.memref_slice %arg12[%arg0, %dma_wait3A_70, %dma_wait3A_71] : memref<2x10000x64xf32, #tpu.memory_space<hbm>> -> memref<1x400x64xf32, #tpu.memory_space<hbm>>
        %dma_wait3A_73 = tpu.memref_squeeze %dma_wait3A_72 : memref<1x400x64xf32, #tpu.memory_space<hbm>> -> memref<400x64xf32, #tpu.memory_space<hbm>>
        %dma_wait3A_74 = arith.constant 9600 : i32
        %dma_wait3A_75 = arith.constant 0 : i32
        %dma_wait3A_76 = tpu.memref_slice %arg12[%arg0, %dma_wait3A_74, %dma_wait3A_75] : memref<2x10000x64xf32, #tpu.memory_space<hbm>> -> memref<1x400x64xf32, #tpu.memory_space<hbm>>
        %dma_wait3A_77 = tpu.memref_squeeze %dma_wait3A_76 : memref<1x400x64xf32, #tpu.memory_space<hbm>> -> memref<400x64xf32, #tpu.memory_space<hbm>>
        %dma_wait3A_78 = arith.constant 0 : i32
        %dma_wait3A_79 = arith.constant 0 : i32
        %dma_wait3A_80 = tpu.memref_slice %arg21[%dma_wait3A_78, %dma_wait3A_79] : memref<640x64xf32, #tpu.memory_space<vmem>> -> memref<400x64xf32, #tpu.memory_space<vmem>>
        tpu.wait_dma2 semaphore(%run_scoped3A : memref<!tpu.dma_semaphore, #tpu.memory_space<semaphore_mem>>) src(%dma_wait3A_80 : memref<400x64xf32, #tpu.memory_space<vmem>>) dst(%dma_wait3A_77 : memref<400x64xf32, #tpu.memory_space<hbm>>)
        tpu.yield
      }) : () -> ()
      %eq3A_50 = arith.constant 0 : i32
      %eq3A_51 = arith.cmpi eq, %arg0, %eq3A_50 : i32
      %convert_element_type3A_52 = arith.extui %eq3A_51 : i1 to i32
      %cond3A_53 = arith.constant 0 : i32
      %cond3A_54 = arith.cmpi ne, %convert_element_type3A_52, %cond3A_53 : i32
      scf.if %cond3A_54 {
        "tpu.region"() ({
          %run_scoped3A_55 = tpu.sem_alloc : memref<!tpu.dma_semaphore, #tpu.memory_space<semaphore_mem>>
          %dma_start3A = arith.constant 0 : i32
          %dma_start3A_56 = arith.constant 0 : i32
          %dma_start3A_57 = tpu.memref_slice %arg18[%dma_start3A, %dma_start3A_56] : memref<640x16xf32, #tpu.memory_space<vmem>> -> memref<400x16xf32, #tpu.memory_space<vmem>>
          %dma_start3A_58 = arith.constant 9600 : i32
          %dma_start3A_59 = arith.constant 0 : i32
          %dma_start3A_60 = tpu.memref_slice %arg15[%dma_start3A_58, %dma_start3A_59] : memref<10000x16xf32, #tpu.memory_space<vmem_shared>> -> memref<400x16xf32, #tpu.memory_space<vmem_shared>>
          %dma_start3A_61 = arith.constant 0 : i32
          %dma_start3A_62 = arith.constant 0 : i32
          %dma_start3A_63 = tpu.memref_slice %arg18[%dma_start3A_61, %dma_start3A_62] : memref<640x16xf32, #tpu.memory_space<vmem>> -> memref<400x16xf32, #tpu.memory_space<vmem>>
          %dma_start3A_64 = arith.constant 9600 : i32
          %dma_start3A_65 = arith.constant 0 : i32
          %dma_start3A_66 = tpu.memref_slice %arg15[%dma_start3A_64, %dma_start3A_65] : memref<10000x16xf32, #tpu.memory_space<vmem_shared>> -> memref<400x16xf32, #tpu.memory_space<vmem_shared>>
          tpu.enqueue_dma source(%dma_start3A_66 : memref<400x16xf32, #tpu.memory_space<vmem_shared>>) target(%dma_start3A_63 : memref<400x16xf32, #tpu.memory_space<vmem>>) target_semaphore(%run_scoped3A_55 : memref<!tpu.dma_semaphore, #tpu.memory_space<semaphore_mem>>)
          %dma_wait3A = arith.constant 0 : i32
          %dma_wait3A_67 = arith.constant 0 : i32
          %dma_wait3A_68 = tpu.memref_slice %arg18[%dma_wait3A, %dma_wait3A_67] : memref<640x16xf32, #tpu.memory_space<vmem>> -> memref<400x16xf32, #tpu.memory_space<vmem>>
          %dma_wait3A_69 = arith.constant 9600 : i32
          %dma_wait3A_70 = arith.constant 0 : i32
          %dma_wait3A_71 = tpu.memref_slice %arg15[%dma_wait3A_69, %dma_wait3A_70] : memref<10000x16xf32, #tpu.memory_space<vmem_shared>> -> memref<400x16xf32, #tpu.memory_space<vmem_shared>>
          %dma_wait3A_72 = arith.constant 0 : i32
          %dma_wait3A_73 = arith.constant 0 : i32
          %dma_wait3A_74 = tpu.memref_slice %arg18[%dma_wait3A_72, %dma_wait3A_73] : memref<640x16xf32, #tpu.memory_space<vmem>> -> memref<400x16xf32, #tpu.memory_space<vmem>>
          %dma_wait3A_75 = arith.constant 9600 : i32
          %dma_wait3A_76 = arith.constant 0 : i32
          %dma_wait3A_77 = tpu.memref_slice %arg15[%dma_wait3A_75, %dma_wait3A_76] : memref<10000x16xf32, #tpu.memory_space<vmem_shared>> -> memref<400x16xf32, #tpu.memory_space<vmem_shared>>
          tpu.wait_dma2 semaphore(%run_scoped3A_55 : memref<!tpu.dma_semaphore, #tpu.memory_space<semaphore_mem>>) src(%dma_wait3A_77 : memref<400x16xf32, #tpu.memory_space<vmem_shared>>) dst(%dma_wait3A_74 : memref<400x16xf32, #tpu.memory_space<vmem>>)
          tpu.yield
        }) : () -> ()
        %run_scoped3A = arith.constant 0 : i32
        "tpu.region"() ({
          %run_scoped3A_55 = tpu.sem_alloc : memref<!tpu.dma_semaphore, #tpu.memory_space<semaphore_mem>>
          %dma_start3A = arith.constant 0 : i32
          %dma_start3A_56 = arith.constant 0 : i32
          %dma_start3A_57 = tpu.memref_slice %arg18[%dma_start3A, %dma_start3A_56] : memref<640x16xf32, #tpu.memory_space<vmem>> -> memref<400x16xf32, #tpu.memory_space<vmem>>
          %dma_start3A_58 = arith.constant 9600 : i32
          %dma_start3A_59 = arith.constant 0 : i32
          %dma_start3A_60 = tpu.memref_slice %arg13[%run_scoped3A, %dma_start3A_58, %dma_start3A_59] : memref<1x10000x16xf32, #tpu.memory_space<hbm>> -> memref<1x400x16xf32, #tpu.memory_space<hbm>>
          %dma_start3A_61 = tpu.memref_squeeze %dma_start3A_60 : memref<1x400x16xf32, #tpu.memory_space<hbm>> -> memref<400x16xf32, #tpu.memory_space<hbm>>
          %dma_start3A_62 = arith.constant 9600 : i32
          %dma_start3A_63 = arith.constant 0 : i32
          %dma_start3A_64 = tpu.memref_slice %arg13[%run_scoped3A, %dma_start3A_62, %dma_start3A_63] : memref<1x10000x16xf32, #tpu.memory_space<hbm>> -> memref<1x400x16xf32, #tpu.memory_space<hbm>>
          %dma_start3A_65 = tpu.memref_squeeze %dma_start3A_64 : memref<1x400x16xf32, #tpu.memory_space<hbm>> -> memref<400x16xf32, #tpu.memory_space<hbm>>
          %dma_start3A_66 = arith.constant 0 : i32
          %dma_start3A_67 = arith.constant 0 : i32
          %dma_start3A_68 = tpu.memref_slice %arg18[%dma_start3A_66, %dma_start3A_67] : memref<640x16xf32, #tpu.memory_space<vmem>> -> memref<400x16xf32, #tpu.memory_space<vmem>>
          tpu.enqueue_dma source(%dma_start3A_68 : memref<400x16xf32, #tpu.memory_space<vmem>>) target(%dma_start3A_65 : memref<400x16xf32, #tpu.memory_space<hbm>>) target_semaphore(%run_scoped3A_55 : memref<!tpu.dma_semaphore, #tpu.memory_space<semaphore_mem>>)
          %dma_wait3A = arith.constant 0 : i32
          %dma_wait3A_69 = arith.constant 0 : i32
          %dma_wait3A_70 = tpu.memref_slice %arg18[%dma_wait3A, %dma_wait3A_69] : memref<640x16xf32, #tpu.memory_space<vmem>> -> memref<400x16xf32, #tpu.memory_space<vmem>>
          %dma_wait3A_71 = arith.constant 9600 : i32
          %dma_wait3A_72 = arith.constant 0 : i32
          %dma_wait3A_73 = tpu.memref_slice %arg13[%run_scoped3A, %dma_wait3A_71, %dma_wait3A_72] : memref<1x10000x16xf32, #tpu.memory_space<hbm>> -> memref<1x400x16xf32, #tpu.memory_space<hbm>>
          %dma_wait3A_74 = tpu.memref_squeeze %dma_wait3A_73 : memref<1x400x16xf32, #tpu.memory_space<hbm>> -> memref<400x16xf32, #tpu.memory_space<hbm>>
          %dma_wait3A_75 = arith.constant 9600 : i32
          %dma_wait3A_76 = arith.constant 0 : i32
          %dma_wait3A_77 = tpu.memref_slice %arg13[%run_scoped3A, %dma_wait3A_75, %dma_wait3A_76] : memref<1x10000x16xf32, #tpu.memory_space<hbm>> -> memref<1x400x16xf32, #tpu.memory_space<hbm>>
          %dma_wait3A_78 = tpu.memref_squeeze %dma_wait3A_77 : memref<1x400x16xf32, #tpu.memory_space<hbm>> -> memref<400x16xf32, #tpu.memory_space<hbm>>
          %dma_wait3A_79 = arith.constant 0 : i32
          %dma_wait3A_80 = arith.constant 0 : i32
          %dma_wait3A_81 = tpu.memref_slice %arg18[%dma_wait3A_79, %dma_wait3A_80] : memref<640x16xf32, #tpu.memory_space<vmem>> -> memref<400x16xf32, #tpu.memory_space<vmem>>
          tpu.wait_dma2 semaphore(%run_scoped3A_55 : memref<!tpu.dma_semaphore, #tpu.memory_space<semaphore_mem>>) src(%dma_wait3A_81 : memref<400x16xf32, #tpu.memory_space<vmem>>) dst(%dma_wait3A_78 : memref<400x16xf32, #tpu.memory_space<hbm>>)
          tpu.yield
        }) : () -> ()
      } else {
      }
    } else {
    }
    return
  }
}

#map = affine_map<(d0, d1) -> (0, 0)>
#map1 = affine_map<(d0, d1) -> (0)>
#map2 = affine_map<(d0, d1) -> (0, 0, 0)>
module attributes {stable_mosaic.version = 14 : i64} {
  func.func @_edge_body(%arg0: i32, %arg1: i32, %arg2: memref<10000x64xf32, #tpu.memory_space<hbm>>, %arg3: memref<10000x64xf32, #tpu.memory_space<hbm>>, %arg4: memref<10000x16xf32, #tpu.memory_space<hbm>>, %arg5: memref<10000x16xf32, #tpu.memory_space<hbm>>, %arg6: memref<1x16xf32, #tpu.memory_space<hbm>>, %arg7: memref<160000xi32, #tpu.memory_space<hbm>>, %arg8: memref<160000xi32, #tpu.memory_space<hbm>>, %arg9: memref<10000x64xf32, #tpu.memory_space<hbm>>, %arg10: memref<10000x64xf32, #tpu.memory_space<hbm>>, %arg11: memref<10000x16xf32, #tpu.memory_space<hbm>>, %arg12: memref<2x10000x64xf32, #tpu.memory_space<hbm>>, %arg13: memref<1x10000x16xf32, #tpu.memory_space<hbm>>, %arg14: memref<10000x64xf32, #tpu.memory_space<vmem_shared>>, %arg15: memref<10000x16xf32, #tpu.memory_space<vmem_shared>>, %arg16: memref<640xi32, #tpu.memory_space<vmem>>, %arg17: memref<640xi32, #tpu.memory_space<vmem>>, %arg18: memref<640x16xf32, #tpu.memory_space<vmem>>, %arg19: memref<640x16xf32, #tpu.memory_space<vmem>>, %arg20: memref<640x16xf32, #tpu.memory_space<vmem>>, %arg21: memref<640x64xf32, #tpu.memory_space<vmem>>, %arg22: memref<1x16xf32, #tpu.memory_space<vmem>>, %arg23: memref<!tpu.dma_semaphore, #tpu.memory_space<semaphore_mem>>) attributes {dimension_semantics = [#tpu.dimension_semantics<core_parallel>, #tpu.dimension_semantics<subcore_parallel>], iteration_bounds = array<i64: 2, 16>, scalar_prefetch = 0 : i64, scratch_operands = 10 : i64, tpu.core_type = #tpu.core_type<sc_vector_subcore>, window_params = [{transform_indices = #map}, {transform_indices = #map}, {transform_indices = #map}, {transform_indices = #map}, {transform_indices = #map}, {transform_indices = #map1}, {transform_indices = #map1}, {transform_indices = #map}, {transform_indices = #map}, {transform_indices = #map}, {transform_indices = #map2}, {transform_indices = #map2}]} {
    "tpu.region"() ({
      %run_scoped3A = tpu.sem_alloc : memref<!tpu.dma_semaphore, #tpu.memory_space<semaphore_mem>>
      tpu.enqueue_dma source(%arg6 : memref<1x16xf32, #tpu.memory_space<hbm>>) target(%arg22 : memref<1x16xf32, #tpu.memory_space<vmem>>) target_semaphore(%run_scoped3A : memref<!tpu.dma_semaphore, #tpu.memory_space<semaphore_mem>>)
      tpu.wait_dma2 semaphore(%run_scoped3A : memref<!tpu.dma_semaphore, #tpu.memory_space<semaphore_mem>>) src(%arg6 : memref<1x16xf32, #tpu.memory_space<hbm>>) dst(%arg22 : memref<1x16xf32, #tpu.memory_space<vmem>>)
      tpu.yield
    }) : () -> ()
    %eq3A = arith.constant 0 : i32
    %eq3A_0 = arith.cmpi eq, %arg0, %eq3A : i32
    %convert_element_type3A = arith.extui %eq3A_0 : i1 to i32
    %cond3A = arith.constant 0 : i32
    %cond3A_1 = arith.cmpi ne, %convert_element_type3A, %cond3A : i32
    scf.if %cond3A_1 {
      %lt3A_50 = arith.constant 15 : i32
      %lt3A_51 = arith.cmpi slt, %arg1, %lt3A_50 : i32
      %convert_element_type3A_52 = arith.extui %lt3A_51 : i1 to i32
      %cond3A_53 = arith.constant 0 : i32
      %cond3A_54 = arith.cmpi ne, %convert_element_type3A_52, %cond3A_53 : i32
      scf.if %cond3A_54 {
        %mul3A = arith.constant 640 : i32
        %mul3A_60 = arith.muli %arg1, %mul3A : i32
        "tpu.region"() ({
          %run_scoped3A = tpu.sem_alloc : memref<!tpu.dma_semaphore, #tpu.memory_space<semaphore_mem>>
          %dma_start3A = arith.constant 0 : i32
          %dma_start3A_61 = arith.constant 0 : i32
          %dma_start3A_62 = tpu.memref_slice %arg21[%dma_start3A, %dma_start3A_61] : memref<640x64xf32, #tpu.memory_space<vmem>> -> memref<640x64xf32, #tpu.memory_space<vmem>>
          %dma_start3A_63 = arith.constant 0 : i32
          %dma_start3A_64 = tpu.memref_slice %arg9[%mul3A_60, %dma_start3A_63] : memref<10000x64xf32, #tpu.memory_space<hbm>> -> memref<640x64xf32, #tpu.memory_space<hbm>>
          %dma_start3A_65 = arith.constant 0 : i32
          %dma_start3A_66 = arith.constant 0 : i32
          %dma_start3A_67 = tpu.memref_slice %arg21[%dma_start3A_65, %dma_start3A_66] : memref<640x64xf32, #tpu.memory_space<vmem>> -> memref<640x64xf32, #tpu.memory_space<vmem>>
          %dma_start3A_68 = arith.constant 0 : i32
          %dma_start3A_69 = tpu.memref_slice %arg9[%mul3A_60, %dma_start3A_68] : memref<10000x64xf32, #tpu.memory_space<hbm>> -> memref<640x64xf32, #tpu.memory_space<hbm>>
          tpu.enqueue_dma source(%dma_start3A_69 : memref<640x64xf32, #tpu.memory_space<hbm>>) target(%dma_start3A_67 : memref<640x64xf32, #tpu.memory_space<vmem>>) target_semaphore(%run_scoped3A : memref<!tpu.dma_semaphore, #tpu.memory_space<semaphore_mem>>)
          %dma_wait3A = arith.constant 0 : i32
          %dma_wait3A_70 = arith.constant 0 : i32
          %dma_wait3A_71 = tpu.memref_slice %arg21[%dma_wait3A, %dma_wait3A_70] : memref<640x64xf32, #tpu.memory_space<vmem>> -> memref<640x64xf32, #tpu.memory_space<vmem>>
          %dma_wait3A_72 = arith.constant 0 : i32
          %dma_wait3A_73 = tpu.memref_slice %arg9[%mul3A_60, %dma_wait3A_72] : memref<10000x64xf32, #tpu.memory_space<hbm>> -> memref<640x64xf32, #tpu.memory_space<hbm>>
          %dma_wait3A_74 = arith.constant 0 : i32
          %dma_wait3A_75 = arith.constant 0 : i32
          %dma_wait3A_76 = tpu.memref_slice %arg21[%dma_wait3A_74, %dma_wait3A_75] : memref<640x64xf32, #tpu.memory_space<vmem>> -> memref<640x64xf32, #tpu.memory_space<vmem>>
          %dma_wait3A_77 = arith.constant 0 : i32
          %dma_wait3A_78 = tpu.memref_slice %arg9[%mul3A_60, %dma_wait3A_77] : memref<10000x64xf32, #tpu.memory_space<hbm>> -> memref<640x64xf32, #tpu.memory_space<hbm>>
          tpu.wait_dma2 semaphore(%run_scoped3A : memref<!tpu.dma_semaphore, #tpu.memory_space<semaphore_mem>>) src(%dma_wait3A_78 : memref<640x64xf32, #tpu.memory_space<hbm>>) dst(%dma_wait3A_76 : memref<640x64xf32, #tpu.memory_space<vmem>>)
          tpu.yield
        }) : () -> ()
        "tpu.region"() ({
          %run_scoped3A = tpu.sem_alloc : memref<!tpu.dma_semaphore, #tpu.memory_space<semaphore_mem>>
          %dma_start3A = arith.constant 0 : i32
          %dma_start3A_61 = arith.constant 0 : i32
          %dma_start3A_62 = tpu.memref_slice %arg21[%dma_start3A, %dma_start3A_61] : memref<640x64xf32, #tpu.memory_space<vmem>> -> memref<640x64xf32, #tpu.memory_space<vmem>>
          %dma_start3A_63 = arith.constant 0 : i32
          %dma_start3A_64 = tpu.memref_slice %arg14[%mul3A_60, %dma_start3A_63] : memref<10000x64xf32, #tpu.memory_space<vmem_shared>> -> memref<640x64xf32, #tpu.memory_space<vmem_shared>>
          %dma_start3A_65 = arith.constant 0 : i32
          %dma_start3A_66 = tpu.memref_slice %arg14[%mul3A_60, %dma_start3A_65] : memref<10000x64xf32, #tpu.memory_space<vmem_shared>> -> memref<640x64xf32, #tpu.memory_space<vmem_shared>>
          %dma_start3A_67 = arith.constant 0 : i32
          %dma_start3A_68 = arith.constant 0 : i32
          %dma_start3A_69 = tpu.memref_slice %arg21[%dma_start3A_67, %dma_start3A_68] : memref<640x64xf32, #tpu.memory_space<vmem>> -> memref<640x64xf32, #tpu.memory_space<vmem>>
          tpu.enqueue_dma source(%dma_start3A_69 : memref<640x64xf32, #tpu.memory_space<vmem>>) target(%dma_start3A_66 : memref<640x64xf32, #tpu.memory_space<vmem_shared>>) target_semaphore(%run_scoped3A : memref<!tpu.dma_semaphore, #tpu.memory_space<semaphore_mem>>)
          %dma_wait3A = arith.constant 0 : i32
          %dma_wait3A_70 = arith.constant 0 : i32
          %dma_wait3A_71 = tpu.memref_slice %arg21[%dma_wait3A, %dma_wait3A_70] : memref<640x64xf32, #tpu.memory_space<vmem>> -> memref<640x64xf32, #tpu.memory_space<vmem>>
          %dma_wait3A_72 = arith.constant 0 : i32
          %dma_wait3A_73 = tpu.memref_slice %arg14[%mul3A_60, %dma_wait3A_72] : memref<10000x64xf32, #tpu.memory_space<vmem_shared>> -> memref<640x64xf32, #tpu.memory_space<vmem_shared>>
          %dma_wait3A_74 = arith.constant 0 : i32
          %dma_wait3A_75 = tpu.memref_slice %arg14[%mul3A_60, %dma_wait3A_74] : memref<10000x64xf32, #tpu.memory_space<vmem_shared>> -> memref<640x64xf32, #tpu.memory_space<vmem_shared>>
          %dma_wait3A_76 = arith.constant 0 : i32
          %dma_wait3A_77 = arith.constant 0 : i32
          %dma_wait3A_78 = tpu.memref_slice %arg21[%dma_wait3A_76, %dma_wait3A_77] : memref<640x64xf32, #tpu.memory_space<vmem>> -> memref<640x64xf32, #tpu.memory_space<vmem>>
          tpu.wait_dma2 semaphore(%run_scoped3A : memref<!tpu.dma_semaphore, #tpu.memory_space<semaphore_mem>>) src(%dma_wait3A_78 : memref<640x64xf32, #tpu.memory_space<vmem>>) dst(%dma_wait3A_75 : memref<640x64xf32, #tpu.memory_space<vmem_shared>>)
          tpu.yield
        }) : () -> ()
        "tpu.region"() ({
          %run_scoped3A = tpu.sem_alloc : memref<!tpu.dma_semaphore, #tpu.memory_space<semaphore_mem>>
          %dma_start3A = arith.constant 0 : i32
          %dma_start3A_61 = arith.constant 0 : i32
          %dma_start3A_62 = tpu.memref_slice %arg18[%dma_start3A, %dma_start3A_61] : memref<640x16xf32, #tpu.memory_space<vmem>> -> memref<640x16xf32, #tpu.memory_space<vmem>>
          %dma_start3A_63 = arith.constant 0 : i32
          %dma_start3A_64 = tpu.memref_slice %arg11[%mul3A_60, %dma_start3A_63] : memref<10000x16xf32, #tpu.memory_space<hbm>> -> memref<640x16xf32, #tpu.memory_space<hbm>>
          %dma_start3A_65 = arith.constant 0 : i32
          %dma_start3A_66 = arith.constant 0 : i32
          %dma_start3A_67 = tpu.memref_slice %arg18[%dma_start3A_65, %dma_start3A_66] : memref<640x16xf32, #tpu.memory_space<vmem>> -> memref<640x16xf32, #tpu.memory_space<vmem>>
          %dma_start3A_68 = arith.constant 0 : i32
          %dma_start3A_69 = tpu.memref_slice %arg11[%mul3A_60, %dma_start3A_68] : memref<10000x16xf32, #tpu.memory_space<hbm>> -> memref<640x16xf32, #tpu.memory_space<hbm>>
          tpu.enqueue_dma source(%dma_start3A_69 : memref<640x16xf32, #tpu.memory_space<hbm>>) target(%dma_start3A_67 : memref<640x16xf32, #tpu.memory_space<vmem>>) target_semaphore(%run_scoped3A : memref<!tpu.dma_semaphore, #tpu.memory_space<semaphore_mem>>)
          %dma_wait3A = arith.constant 0 : i32
          %dma_wait3A_70 = arith.constant 0 : i32
          %dma_wait3A_71 = tpu.memref_slice %arg18[%dma_wait3A, %dma_wait3A_70] : memref<640x16xf32, #tpu.memory_space<vmem>> -> memref<640x16xf32, #tpu.memory_space<vmem>>
          %dma_wait3A_72 = arith.constant 0 : i32
          %dma_wait3A_73 = tpu.memref_slice %arg11[%mul3A_60, %dma_wait3A_72] : memref<10000x16xf32, #tpu.memory_space<hbm>> -> memref<640x16xf32, #tpu.memory_space<hbm>>
          %dma_wait3A_74 = arith.constant 0 : i32
          %dma_wait3A_75 = arith.constant 0 : i32
          %dma_wait3A_76 = tpu.memref_slice %arg18[%dma_wait3A_74, %dma_wait3A_75] : memref<640x16xf32, #tpu.memory_space<vmem>> -> memref<640x16xf32, #tpu.memory_space<vmem>>
          %dma_wait3A_77 = arith.constant 0 : i32
          %dma_wait3A_78 = tpu.memref_slice %arg11[%mul3A_60, %dma_wait3A_77] : memref<10000x16xf32, #tpu.memory_space<hbm>> -> memref<640x16xf32, #tpu.memory_space<hbm>>
          tpu.wait_dma2 semaphore(%run_scoped3A : memref<!tpu.dma_semaphore, #tpu.memory_space<semaphore_mem>>) src(%dma_wait3A_78 : memref<640x16xf32, #tpu.memory_space<hbm>>) dst(%dma_wait3A_76 : memref<640x16xf32, #tpu.memory_space<vmem>>)
          tpu.yield
        }) : () -> ()
        "tpu.region"() ({
          %run_scoped3A = tpu.sem_alloc : memref<!tpu.dma_semaphore, #tpu.memory_space<semaphore_mem>>
          %dma_start3A = arith.constant 0 : i32
          %dma_start3A_61 = arith.constant 0 : i32
          %dma_start3A_62 = tpu.memref_slice %arg18[%dma_start3A, %dma_start3A_61] : memref<640x16xf32, #tpu.memory_space<vmem>> -> memref<640x16xf32, #tpu.memory_space<vmem>>
          %dma_start3A_63 = arith.constant 0 : i32
          %dma_start3A_64 = tpu.memref_slice %arg15[%mul3A_60, %dma_start3A_63] : memref<10000x16xf32, #tpu.memory_space<vmem_shared>> -> memref<640x16xf32, #tpu.memory_space<vmem_shared>>
          %dma_start3A_65 = arith.constant 0 : i32
          %dma_start3A_66 = tpu.memref_slice %arg15[%mul3A_60, %dma_start3A_65] : memref<10000x16xf32, #tpu.memory_space<vmem_shared>> -> memref<640x16xf32, #tpu.memory_space<vmem_shared>>
          %dma_start3A_67 = arith.constant 0 : i32
          %dma_start3A_68 = arith.constant 0 : i32
          %dma_start3A_69 = tpu.memref_slice %arg18[%dma_start3A_67, %dma_start3A_68] : memref<640x16xf32, #tpu.memory_space<vmem>> -> memref<640x16xf32, #tpu.memory_space<vmem>>
          tpu.enqueue_dma source(%dma_start3A_69 : memref<640x16xf32, #tpu.memory_space<vmem>>) target(%dma_start3A_66 : memref<640x16xf32, #tpu.memory_space<vmem_shared>>) target_semaphore(%run_scoped3A : memref<!tpu.dma_semaphore, #tpu.memory_space<semaphore_mem>>)
          %dma_wait3A = arith.constant 0 : i32
          %dma_wait3A_70 = arith.constant 0 : i32
          %dma_wait3A_71 = tpu.memref_slice %arg18[%dma_wait3A, %dma_wait3A_70] : memref<640x16xf32, #tpu.memory_space<vmem>> -> memref<640x16xf32, #tpu.memory_space<vmem>>
          %dma_wait3A_72 = arith.constant 0 : i32
          %dma_wait3A_73 = tpu.memref_slice %arg15[%mul3A_60, %dma_wait3A_72] : memref<10000x16xf32, #tpu.memory_space<vmem_shared>> -> memref<640x16xf32, #tpu.memory_space<vmem_shared>>
          %dma_wait3A_74 = arith.constant 0 : i32
          %dma_wait3A_75 = tpu.memref_slice %arg15[%mul3A_60, %dma_wait3A_74] : memref<10000x16xf32, #tpu.memory_space<vmem_shared>> -> memref<640x16xf32, #tpu.memory_space<vmem_shared>>
          %dma_wait3A_76 = arith.constant 0 : i32
          %dma_wait3A_77 = arith.constant 0 : i32
          %dma_wait3A_78 = tpu.memref_slice %arg18[%dma_wait3A_76, %dma_wait3A_77] : memref<640x16xf32, #tpu.memory_space<vmem>> -> memref<640x16xf32, #tpu.memory_space<vmem>>
          tpu.wait_dma2 semaphore(%run_scoped3A : memref<!tpu.dma_semaphore, #tpu.memory_space<semaphore_mem>>) src(%dma_wait3A_78 : memref<640x16xf32, #tpu.memory_space<vmem>>) dst(%dma_wait3A_75 : memref<640x16xf32, #tpu.memory_space<vmem_shared>>)
          tpu.yield
        }) : () -> ()
      } else {
      }
      %eq3A_55 = arith.constant 15 : i32
      %eq3A_56 = arith.cmpi eq, %arg1, %eq3A_55 : i32
      %convert_element_type3A_57 = arith.extui %eq3A_56 : i1 to i32
      %cond3A_58 = arith.constant 0 : i32
      %cond3A_59 = arith.cmpi ne, %convert_element_type3A_57, %cond3A_58 : i32
      scf.if %cond3A_59 {
        "tpu.region"() ({
          %run_scoped3A = tpu.sem_alloc : memref<!tpu.dma_semaphore, #tpu.memory_space<semaphore_mem>>
          %dma_start3A = arith.constant 0 : i32
          %dma_start3A_60 = arith.constant 0 : i32
          %dma_start3A_61 = tpu.memref_slice %arg21[%dma_start3A, %dma_start3A_60] : memref<640x64xf32, #tpu.memory_space<vmem>> -> memref<400x64xf32, #tpu.memory_space<vmem>>
          %dma_start3A_62 = arith.constant 9600 : i32
          %dma_start3A_63 = arith.constant 0 : i32
          %dma_start3A_64 = tpu.memref_slice %arg9[%dma_start3A_62, %dma_start3A_63] : memref<10000x64xf32, #tpu.memory_space<hbm>> -> memref<400x64xf32, #tpu.memory_space<hbm>>
          %dma_start3A_65 = arith.constant 0 : i32
          %dma_start3A_66 = arith.constant 0 : i32
          %dma_start3A_67 = tpu.memref_slice %arg21[%dma_start3A_65, %dma_start3A_66] : memref<640x64xf32, #tpu.memory_space<vmem>> -> memref<400x64xf32, #tpu.memory_space<vmem>>
          %dma_start3A_68 = arith.constant 9600 : i32
          %dma_start3A_69 = arith.constant 0 : i32
          %dma_start3A_70 = tpu.memref_slice %arg9[%dma_start3A_68, %dma_start3A_69] : memref<10000x64xf32, #tpu.memory_space<hbm>> -> memref<400x64xf32, #tpu.memory_space<hbm>>
          tpu.enqueue_dma source(%dma_start3A_70 : memref<400x64xf32, #tpu.memory_space<hbm>>) target(%dma_start3A_67 : memref<400x64xf32, #tpu.memory_space<vmem>>) target_semaphore(%run_scoped3A : memref<!tpu.dma_semaphore, #tpu.memory_space<semaphore_mem>>)
          %dma_wait3A = arith.constant 0 : i32
          %dma_wait3A_71 = arith.constant 0 : i32
          %dma_wait3A_72 = tpu.memref_slice %arg21[%dma_wait3A, %dma_wait3A_71] : memref<640x64xf32, #tpu.memory_space<vmem>> -> memref<400x64xf32, #tpu.memory_space<vmem>>
          %dma_wait3A_73 = arith.constant 9600 : i32
          %dma_wait3A_74 = arith.constant 0 : i32
          %dma_wait3A_75 = tpu.memref_slice %arg9[%dma_wait3A_73, %dma_wait3A_74] : memref<10000x64xf32, #tpu.memory_space<hbm>> -> memref<400x64xf32, #tpu.memory_space<hbm>>
          %dma_wait3A_76 = arith.constant 0 : i32
          %dma_wait3A_77 = arith.constant 0 : i32
          %dma_wait3A_78 = tpu.memref_slice %arg21[%dma_wait3A_76, %dma_wait3A_77] : memref<640x64xf32, #tpu.memory_space<vmem>> -> memref<400x64xf32, #tpu.memory_space<vmem>>
          %dma_wait3A_79 = arith.constant 9600 : i32
          %dma_wait3A_80 = arith.constant 0 : i32
          %dma_wait3A_81 = tpu.memref_slice %arg9[%dma_wait3A_79, %dma_wait3A_80] : memref<10000x64xf32, #tpu.memory_space<hbm>> -> memref<400x64xf32, #tpu.memory_space<hbm>>
          tpu.wait_dma2 semaphore(%run_scoped3A : memref<!tpu.dma_semaphore, #tpu.memory_space<semaphore_mem>>) src(%dma_wait3A_81 : memref<400x64xf32, #tpu.memory_space<hbm>>) dst(%dma_wait3A_78 : memref<400x64xf32, #tpu.memory_space<vmem>>)
          tpu.yield
        }) : () -> ()
        "tpu.region"() ({
          %run_scoped3A = tpu.sem_alloc : memref<!tpu.dma_semaphore, #tpu.memory_space<semaphore_mem>>
          %dma_start3A = arith.constant 0 : i32
          %dma_start3A_60 = arith.constant 0 : i32
          %dma_start3A_61 = tpu.memref_slice %arg21[%dma_start3A, %dma_start3A_60] : memref<640x64xf32, #tpu.memory_space<vmem>> -> memref<400x64xf32, #tpu.memory_space<vmem>>
          %dma_start3A_62 = arith.constant 9600 : i32
          %dma_start3A_63 = arith.constant 0 : i32
          %dma_start3A_64 = tpu.memref_slice %arg14[%dma_start3A_62, %dma_start3A_63] : memref<10000x64xf32, #tpu.memory_space<vmem_shared>> -> memref<400x64xf32, #tpu.memory_space<vmem_shared>>
          %dma_start3A_65 = arith.constant 9600 : i32
          %dma_start3A_66 = arith.constant 0 : i32
          %dma_start3A_67 = tpu.memref_slice %arg14[%dma_start3A_65, %dma_start3A_66] : memref<10000x64xf32, #tpu.memory_space<vmem_shared>> -> memref<400x64xf32, #tpu.memory_space<vmem_shared>>
          %dma_start3A_68 = arith.constant 0 : i32
          %dma_start3A_69 = arith.constant 0 : i32
          %dma_start3A_70 = tpu.memref_slice %arg21[%dma_start3A_68, %dma_start3A_69] : memref<640x64xf32, #tpu.memory_space<vmem>> -> memref<400x64xf32, #tpu.memory_space<vmem>>
          tpu.enqueue_dma source(%dma_start3A_70 : memref<400x64xf32, #tpu.memory_space<vmem>>) target(%dma_start3A_67 : memref<400x64xf32, #tpu.memory_space<vmem_shared>>) target_semaphore(%run_scoped3A : memref<!tpu.dma_semaphore, #tpu.memory_space<semaphore_mem>>)
          %dma_wait3A = arith.constant 0 : i32
          %dma_wait3A_71 = arith.constant 0 : i32
          %dma_wait3A_72 = tpu.memref_slice %arg21[%dma_wait3A, %dma_wait3A_71] : memref<640x64xf32, #tpu.memory_space<vmem>> -> memref<400x64xf32, #tpu.memory_space<vmem>>
          %dma_wait3A_73 = arith.constant 9600 : i32
          %dma_wait3A_74 = arith.constant 0 : i32
          %dma_wait3A_75 = tpu.memref_slice %arg14[%dma_wait3A_73, %dma_wait3A_74] : memref<10000x64xf32, #tpu.memory_space<vmem_shared>> -> memref<400x64xf32, #tpu.memory_space<vmem_shared>>
          %dma_wait3A_76 = arith.constant 9600 : i32
          %dma_wait3A_77 = arith.constant 0 : i32
          %dma_wait3A_78 = tpu.memref_slice %arg14[%dma_wait3A_76, %dma_wait3A_77] : memref<10000x64xf32, #tpu.memory_space<vmem_shared>> -> memref<400x64xf32, #tpu.memory_space<vmem_shared>>
          %dma_wait3A_79 = arith.constant 0 : i32
          %dma_wait3A_80 = arith.constant 0 : i32
          %dma_wait3A_81 = tpu.memref_slice %arg21[%dma_wait3A_79, %dma_wait3A_80] : memref<640x64xf32, #tpu.memory_space<vmem>> -> memref<400x64xf32, #tpu.memory_space<vmem>>
          tpu.wait_dma2 semaphore(%run_scoped3A : memref<!tpu.dma_semaphore, #tpu.memory_space<semaphore_mem>>) src(%dma_wait3A_81 : memref<400x64xf32, #tpu.memory_space<vmem>>) dst(%dma_wait3A_78 : memref<400x64xf32, #tpu.memory_space<vmem_shared>>)
          tpu.yield
        }) : () -> ()
        "tpu.region"() ({
          %run_scoped3A = tpu.sem_alloc : memref<!tpu.dma_semaphore, #tpu.memory_space<semaphore_mem>>
          %dma_start3A = arith.constant 0 : i32
          %dma_start3A_60 = arith.constant 0 : i32
          %dma_start3A_61 = tpu.memref_slice %arg18[%dma_start3A, %dma_start3A_60] : memref<640x16xf32, #tpu.memory_space<vmem>> -> memref<400x16xf32, #tpu.memory_space<vmem>>
          %dma_start3A_62 = arith.constant 9600 : i32
          %dma_start3A_63 = arith.constant 0 : i32
          %dma_start3A_64 = tpu.memref_slice %arg11[%dma_start3A_62, %dma_start3A_63] : memref<10000x16xf32, #tpu.memory_space<hbm>> -> memref<400x16xf32, #tpu.memory_space<hbm>>
          %dma_start3A_65 = arith.constant 0 : i32
          %dma_start3A_66 = arith.constant 0 : i32
          %dma_start3A_67 = tpu.memref_slice %arg18[%dma_start3A_65, %dma_start3A_66] : memref<640x16xf32, #tpu.memory_space<vmem>> -> memref<400x16xf32, #tpu.memory_space<vmem>>
          %dma_start3A_68 = arith.constant 9600 : i32
          %dma_start3A_69 = arith.constant 0 : i32
          %dma_start3A_70 = tpu.memref_slice %arg11[%dma_start3A_68, %dma_start3A_69] : memref<10000x16xf32, #tpu.memory_space<hbm>> -> memref<400x16xf32, #tpu.memory_space<hbm>>
          tpu.enqueue_dma source(%dma_start3A_70 : memref<400x16xf32, #tpu.memory_space<hbm>>) target(%dma_start3A_67 : memref<400x16xf32, #tpu.memory_space<vmem>>) target_semaphore(%run_scoped3A : memref<!tpu.dma_semaphore, #tpu.memory_space<semaphore_mem>>)
          %dma_wait3A = arith.constant 0 : i32
          %dma_wait3A_71 = arith.constant 0 : i32
          %dma_wait3A_72 = tpu.memref_slice %arg18[%dma_wait3A, %dma_wait3A_71] : memref<640x16xf32, #tpu.memory_space<vmem>> -> memref<400x16xf32, #tpu.memory_space<vmem>>
          %dma_wait3A_73 = arith.constant 9600 : i32
          %dma_wait3A_74 = arith.constant 0 : i32
          %dma_wait3A_75 = tpu.memref_slice %arg11[%dma_wait3A_73, %dma_wait3A_74] : memref<10000x16xf32, #tpu.memory_space<hbm>> -> memref<400x16xf32, #tpu.memory_space<hbm>>
          %dma_wait3A_76 = arith.constant 0 : i32
          %dma_wait3A_77 = arith.constant 0 : i32
          %dma_wait3A_78 = tpu.memref_slice %arg18[%dma_wait3A_76, %dma_wait3A_77] : memref<640x16xf32, #tpu.memory_space<vmem>> -> memref<400x16xf32, #tpu.memory_space<vmem>>
          %dma_wait3A_79 = arith.constant 9600 : i32
          %dma_wait3A_80 = arith.constant 0 : i32
          %dma_wait3A_81 = tpu.memref_slice %arg11[%dma_wait3A_79, %dma_wait3A_80] : memref<10000x16xf32, #tpu.memory_space<hbm>> -> memref<400x16xf32, #tpu.memory_space<hbm>>
          tpu.wait_dma2 semaphore(%run_scoped3A : memref<!tpu.dma_semaphore, #tpu.memory_space<semaphore_mem>>) src(%dma_wait3A_81 : memref<400x16xf32, #tpu.memory_space<hbm>>) dst(%dma_wait3A_78 : memref<400x16xf32, #tpu.memory_space<vmem>>)
          tpu.yield
        }) : () -> ()
        "tpu.region"() ({
          %run_scoped3A = tpu.sem_alloc : memref<!tpu.dma_semaphore, #tpu.memory_space<semaphore_mem>>
          %dma_start3A = arith.constant 0 : i32
          %dma_start3A_60 = arith.constant 0 : i32
          %dma_start3A_61 = tpu.memref_slice %arg18[%dma_start3A, %dma_start3A_60] : memref<640x16xf32, #tpu.memory_space<vmem>> -> memref<400x16xf32, #tpu.memory_space<vmem>>
          %dma_start3A_62 = arith.constant 9600 : i32
          %dma_start3A_63 = arith.constant 0 : i32
          %dma_start3A_64 = tpu.memref_slice %arg15[%dma_start3A_62, %dma_start3A_63] : memref<10000x16xf32, #tpu.memory_space<vmem_shared>> -> memref<400x16xf32, #tpu.memory_space<vmem_shared>>
          %dma_start3A_65 = arith.constant 9600 : i32
          %dma_start3A_66 = arith.constant 0 : i32
          %dma_start3A_67 = tpu.memref_slice %arg15[%dma_start3A_65, %dma_start3A_66] : memref<10000x16xf32, #tpu.memory_space<vmem_shared>> -> memref<400x16xf32, #tpu.memory_space<vmem_shared>>
          %dma_start3A_68 = arith.constant 0 : i32
          %dma_start3A_69 = arith.constant 0 : i32
          %dma_start3A_70 = tpu.memref_slice %arg18[%dma_start3A_68, %dma_start3A_69] : memref<640x16xf32, #tpu.memory_space<vmem>> -> memref<400x16xf32, #tpu.memory_space<vmem>>
          tpu.enqueue_dma source(%dma_start3A_70 : memref<400x16xf32, #tpu.memory_space<vmem>>) target(%dma_start3A_67 : memref<400x16xf32, #tpu.memory_space<vmem_shared>>) target_semaphore(%run_scoped3A : memref<!tpu.dma_semaphore, #tpu.memory_space<semaphore_mem>>)
          %dma_wait3A = arith.constant 0 : i32
          %dma_wait3A_71 = arith.constant 0 : i32
          %dma_wait3A_72 = tpu.memref_slice %arg18[%dma_wait3A, %dma_wait3A_71] : memref<640x16xf32, #tpu.memory_space<vmem>> -> memref<400x16xf32, #tpu.memory_space<vmem>>
          %dma_wait3A_73 = arith.constant 9600 : i32
          %dma_wait3A_74 = arith.constant 0 : i32
          %dma_wait3A_75 = tpu.memref_slice %arg15[%dma_wait3A_73, %dma_wait3A_74] : memref<10000x16xf32, #tpu.memory_space<vmem_shared>> -> memref<400x16xf32, #tpu.memory_space<vmem_shared>>
          %dma_wait3A_76 = arith.constant 9600 : i32
          %dma_wait3A_77 = arith.constant 0 : i32
          %dma_wait3A_78 = tpu.memref_slice %arg15[%dma_wait3A_76, %dma_wait3A_77] : memref<10000x16xf32, #tpu.memory_space<vmem_shared>> -> memref<400x16xf32, #tpu.memory_space<vmem_shared>>
          %dma_wait3A_79 = arith.constant 0 : i32
          %dma_wait3A_80 = arith.constant 0 : i32
          %dma_wait3A_81 = tpu.memref_slice %arg18[%dma_wait3A_79, %dma_wait3A_80] : memref<640x16xf32, #tpu.memory_space<vmem>> -> memref<400x16xf32, #tpu.memory_space<vmem>>
          tpu.wait_dma2 semaphore(%run_scoped3A : memref<!tpu.dma_semaphore, #tpu.memory_space<semaphore_mem>>) src(%dma_wait3A_81 : memref<400x16xf32, #tpu.memory_space<vmem>>) dst(%dma_wait3A_78 : memref<400x16xf32, #tpu.memory_space<vmem_shared>>)
          tpu.yield
        }) : () -> ()
      } else {
      }
    } else {
    }
    %eq3A_2 = arith.constant 1 : i32
    %eq3A_3 = arith.cmpi eq, %arg0, %eq3A_2 : i32
    %convert_element_type3A_4 = arith.extui %eq3A_3 : i1 to i32
    %cond3A_5 = arith.constant 0 : i32
    %cond3A_6 = arith.cmpi ne, %convert_element_type3A_4, %cond3A_5 : i32
    scf.if %cond3A_6 {
      %lt3A_50 = arith.constant 15 : i32
      %lt3A_51 = arith.cmpi slt, %arg1, %lt3A_50 : i32
      %convert_element_type3A_52 = arith.extui %lt3A_51 : i1 to i32
      %cond3A_53 = arith.constant 0 : i32
      %cond3A_54 = arith.cmpi ne, %convert_element_type3A_52, %cond3A_53 : i32
      scf.if %cond3A_54 {
        %mul3A = arith.constant 640 : i32
        %mul3A_60 = arith.muli %arg1, %mul3A : i32
        "tpu.region"() ({
          %run_scoped3A = tpu.sem_alloc : memref<!tpu.dma_semaphore, #tpu.memory_space<semaphore_mem>>
          %dma_start3A = arith.constant 0 : i32
          %dma_start3A_61 = arith.constant 0 : i32
          %dma_start3A_62 = tpu.memref_slice %arg21[%dma_start3A, %dma_start3A_61] : memref<640x64xf32, #tpu.memory_space<vmem>> -> memref<640x64xf32, #tpu.memory_space<vmem>>
          %dma_start3A_63 = arith.constant 0 : i32
          %dma_start3A_64 = tpu.memref_slice %arg10[%mul3A_60, %dma_start3A_63] : memref<10000x64xf32, #tpu.memory_space<hbm>> -> memref<640x64xf32, #tpu.memory_space<hbm>>
          %dma_start3A_65 = arith.constant 0 : i32
          %dma_start3A_66 = arith.constant 0 : i32
          %dma_start3A_67 = tpu.memref_slice %arg21[%dma_start3A_65, %dma_start3A_66] : memref<640x64xf32, #tpu.memory_space<vmem>> -> memref<640x64xf32, #tpu.memory_space<vmem>>
          %dma_start3A_68 = arith.constant 0 : i32
          %dma_start3A_69 = tpu.memref_slice %arg10[%mul3A_60, %dma_start3A_68] : memref<10000x64xf32, #tpu.memory_space<hbm>> -> memref<640x64xf32, #tpu.memory_space<hbm>>
          tpu.enqueue_dma source(%dma_start3A_69 : memref<640x64xf32, #tpu.memory_space<hbm>>) target(%dma_start3A_67 : memref<640x64xf32, #tpu.memory_space<vmem>>) target_semaphore(%run_scoped3A : memref<!tpu.dma_semaphore, #tpu.memory_space<semaphore_mem>>)
          %dma_wait3A = arith.constant 0 : i32
          %dma_wait3A_70 = arith.constant 0 : i32
          %dma_wait3A_71 = tpu.memref_slice %arg21[%dma_wait3A, %dma_wait3A_70] : memref<640x64xf32, #tpu.memory_space<vmem>> -> memref<640x64xf32, #tpu.memory_space<vmem>>
          %dma_wait3A_72 = arith.constant 0 : i32
          %dma_wait3A_73 = tpu.memref_slice %arg10[%mul3A_60, %dma_wait3A_72] : memref<10000x64xf32, #tpu.memory_space<hbm>> -> memref<640x64xf32, #tpu.memory_space<hbm>>
          %dma_wait3A_74 = arith.constant 0 : i32
          %dma_wait3A_75 = arith.constant 0 : i32
          %dma_wait3A_76 = tpu.memref_slice %arg21[%dma_wait3A_74, %dma_wait3A_75] : memref<640x64xf32, #tpu.memory_space<vmem>> -> memref<640x64xf32, #tpu.memory_space<vmem>>
          %dma_wait3A_77 = arith.constant 0 : i32
          %dma_wait3A_78 = tpu.memref_slice %arg10[%mul3A_60, %dma_wait3A_77] : memref<10000x64xf32, #tpu.memory_space<hbm>> -> memref<640x64xf32, #tpu.memory_space<hbm>>
          tpu.wait_dma2 semaphore(%run_scoped3A : memref<!tpu.dma_semaphore, #tpu.memory_space<semaphore_mem>>) src(%dma_wait3A_78 : memref<640x64xf32, #tpu.memory_space<hbm>>) dst(%dma_wait3A_76 : memref<640x64xf32, #tpu.memory_space<vmem>>)
          tpu.yield
        }) : () -> ()
        "tpu.region"() ({
          %run_scoped3A = tpu.sem_alloc : memref<!tpu.dma_semaphore, #tpu.memory_space<semaphore_mem>>
          %dma_start3A = arith.constant 0 : i32
          %dma_start3A_61 = arith.constant 0 : i32
          %dma_start3A_62 = tpu.memref_slice %arg21[%dma_start3A, %dma_start3A_61] : memref<640x64xf32, #tpu.memory_space<vmem>> -> memref<640x64xf32, #tpu.memory_space<vmem>>
          %dma_start3A_63 = arith.constant 0 : i32
          %dma_start3A_64 = tpu.memref_slice %arg14[%mul3A_60, %dma_start3A_63] : memref<10000x64xf32, #tpu.memory_space<vmem_shared>> -> memref<640x64xf32, #tpu.memory_space<vmem_shared>>
          %dma_start3A_65 = arith.constant 0 : i32
          %dma_start3A_66 = tpu.memref_slice %arg14[%mul3A_60, %dma_start3A_65] : memref<10000x64xf32, #tpu.memory_space<vmem_shared>> -> memref<640x64xf32, #tpu.memory_space<vmem_shared>>
          %dma_start3A_67 = arith.constant 0 : i32
          %dma_start3A_68 = arith.constant 0 : i32
          %dma_start3A_69 = tpu.memref_slice %arg21[%dma_start3A_67, %dma_start3A_68] : memref<640x64xf32, #tpu.memory_space<vmem>> -> memref<640x64xf32, #tpu.memory_space<vmem>>
          tpu.enqueue_dma source(%dma_start3A_69 : memref<640x64xf32, #tpu.memory_space<vmem>>) target(%dma_start3A_66 : memref<640x64xf32, #tpu.memory_space<vmem_shared>>) target_semaphore(%run_scoped3A : memref<!tpu.dma_semaphore, #tpu.memory_space<semaphore_mem>>)
          %dma_wait3A = arith.constant 0 : i32
          %dma_wait3A_70 = arith.constant 0 : i32
          %dma_wait3A_71 = tpu.memref_slice %arg21[%dma_wait3A, %dma_wait3A_70] : memref<640x64xf32, #tpu.memory_space<vmem>> -> memref<640x64xf32, #tpu.memory_space<vmem>>
          %dma_wait3A_72 = arith.constant 0 : i32
          %dma_wait3A_73 = tpu.memref_slice %arg14[%mul3A_60, %dma_wait3A_72] : memref<10000x64xf32, #tpu.memory_space<vmem_shared>> -> memref<640x64xf32, #tpu.memory_space<vmem_shared>>
          %dma_wait3A_74 = arith.constant 0 : i32
          %dma_wait3A_75 = tpu.memref_slice %arg14[%mul3A_60, %dma_wait3A_74] : memref<10000x64xf32, #tpu.memory_space<vmem_shared>> -> memref<640x64xf32, #tpu.memory_space<vmem_shared>>
          %dma_wait3A_76 = arith.constant 0 : i32
          %dma_wait3A_77 = arith.constant 0 : i32
          %dma_wait3A_78 = tpu.memref_slice %arg21[%dma_wait3A_76, %dma_wait3A_77] : memref<640x64xf32, #tpu.memory_space<vmem>> -> memref<640x64xf32, #tpu.memory_space<vmem>>
          tpu.wait_dma2 semaphore(%run_scoped3A : memref<!tpu.dma_semaphore, #tpu.memory_space<semaphore_mem>>) src(%dma_wait3A_78 : memref<640x64xf32, #tpu.memory_space<vmem>>) dst(%dma_wait3A_75 : memref<640x64xf32, #tpu.memory_space<vmem_shared>>)
          tpu.yield
        }) : () -> ()
      } else {
      }
      %eq3A_55 = arith.constant 15 : i32
      %eq3A_56 = arith.cmpi eq, %arg1, %eq3A_55 : i32
      %convert_element_type3A_57 = arith.extui %eq3A_56 : i1 to i32
      %cond3A_58 = arith.constant 0 : i32
      %cond3A_59 = arith.cmpi ne, %convert_element_type3A_57, %cond3A_58 : i32
      scf.if %cond3A_59 {
        "tpu.region"() ({
          %run_scoped3A = tpu.sem_alloc : memref<!tpu.dma_semaphore, #tpu.memory_space<semaphore_mem>>
          %dma_start3A = arith.constant 0 : i32
          %dma_start3A_60 = arith.constant 0 : i32
          %dma_start3A_61 = tpu.memref_slice %arg21[%dma_start3A, %dma_start3A_60] : memref<640x64xf32, #tpu.memory_space<vmem>> -> memref<400x64xf32, #tpu.memory_space<vmem>>
          %dma_start3A_62 = arith.constant 9600 : i32
          %dma_start3A_63 = arith.constant 0 : i32
          %dma_start3A_64 = tpu.memref_slice %arg10[%dma_start3A_62, %dma_start3A_63] : memref<10000x64xf32, #tpu.memory_space<hbm>> -> memref<400x64xf32, #tpu.memory_space<hbm>>
          %dma_start3A_65 = arith.constant 0 : i32
          %dma_start3A_66 = arith.constant 0 : i32
          %dma_start3A_67 = tpu.memref_slice %arg21[%dma_start3A_65, %dma_start3A_66] : memref<640x64xf32, #tpu.memory_space<vmem>> -> memref<400x64xf32, #tpu.memory_space<vmem>>
          %dma_start3A_68 = arith.constant 9600 : i32
          %dma_start3A_69 = arith.constant 0 : i32
          %dma_start3A_70 = tpu.memref_slice %arg10[%dma_start3A_68, %dma_start3A_69] : memref<10000x64xf32, #tpu.memory_space<hbm>> -> memref<400x64xf32, #tpu.memory_space<hbm>>
          tpu.enqueue_dma source(%dma_start3A_70 : memref<400x64xf32, #tpu.memory_space<hbm>>) target(%dma_start3A_67 : memref<400x64xf32, #tpu.memory_space<vmem>>) target_semaphore(%run_scoped3A : memref<!tpu.dma_semaphore, #tpu.memory_space<semaphore_mem>>)
          %dma_wait3A = arith.constant 0 : i32
          %dma_wait3A_71 = arith.constant 0 : i32
          %dma_wait3A_72 = tpu.memref_slice %arg21[%dma_wait3A, %dma_wait3A_71] : memref<640x64xf32, #tpu.memory_space<vmem>> -> memref<400x64xf32, #tpu.memory_space<vmem>>
          %dma_wait3A_73 = arith.constant 9600 : i32
          %dma_wait3A_74 = arith.constant 0 : i32
          %dma_wait3A_75 = tpu.memref_slice %arg10[%dma_wait3A_73, %dma_wait3A_74] : memref<10000x64xf32, #tpu.memory_space<hbm>> -> memref<400x64xf32, #tpu.memory_space<hbm>>
          %dma_wait3A_76 = arith.constant 0 : i32
          %dma_wait3A_77 = arith.constant 0 : i32
          %dma_wait3A_78 = tpu.memref_slice %arg21[%dma_wait3A_76, %dma_wait3A_77] : memref<640x64xf32, #tpu.memory_space<vmem>> -> memref<400x64xf32, #tpu.memory_space<vmem>>
          %dma_wait3A_79 = arith.constant 9600 : i32
          %dma_wait3A_80 = arith.constant 0 : i32
          %dma_wait3A_81 = tpu.memref_slice %arg10[%dma_wait3A_79, %dma_wait3A_80] : memref<10000x64xf32, #tpu.memory_space<hbm>> -> memref<400x64xf32, #tpu.memory_space<hbm>>
          tpu.wait_dma2 semaphore(%run_scoped3A : memref<!tpu.dma_semaphore, #tpu.memory_space<semaphore_mem>>) src(%dma_wait3A_81 : memref<400x64xf32, #tpu.memory_space<hbm>>) dst(%dma_wait3A_78 : memref<400x64xf32, #tpu.memory_space<vmem>>)
          tpu.yield
        }) : () -> ()
        "tpu.region"() ({
          %run_scoped3A = tpu.sem_alloc : memref<!tpu.dma_semaphore, #tpu.memory_space<semaphore_mem>>
          %dma_start3A = arith.constant 0 : i32
          %dma_start3A_60 = arith.constant 0 : i32
          %dma_start3A_61 = tpu.memref_slice %arg21[%dma_start3A, %dma_start3A_60] : memref<640x64xf32, #tpu.memory_space<vmem>> -> memref<400x64xf32, #tpu.memory_space<vmem>>
          %dma_start3A_62 = arith.constant 9600 : i32
          %dma_start3A_63 = arith.constant 0 : i32
          %dma_start3A_64 = tpu.memref_slice %arg14[%dma_start3A_62, %dma_start3A_63] : memref<10000x64xf32, #tpu.memory_space<vmem_shared>> -> memref<400x64xf32, #tpu.memory_space<vmem_shared>>
          %dma_start3A_65 = arith.constant 9600 : i32
          %dma_start3A_66 = arith.constant 0 : i32
          %dma_start3A_67 = tpu.memref_slice %arg14[%dma_start3A_65, %dma_start3A_66] : memref<10000x64xf32, #tpu.memory_space<vmem_shared>> -> memref<400x64xf32, #tpu.memory_space<vmem_shared>>
          %dma_start3A_68 = arith.constant 0 : i32
          %dma_start3A_69 = arith.constant 0 : i32
          %dma_start3A_70 = tpu.memref_slice %arg21[%dma_start3A_68, %dma_start3A_69] : memref<640x64xf32, #tpu.memory_space<vmem>> -> memref<400x64xf32, #tpu.memory_space<vmem>>
          tpu.enqueue_dma source(%dma_start3A_70 : memref<400x64xf32, #tpu.memory_space<vmem>>) target(%dma_start3A_67 : memref<400x64xf32, #tpu.memory_space<vmem_shared>>) target_semaphore(%run_scoped3A : memref<!tpu.dma_semaphore, #tpu.memory_space<semaphore_mem>>)
          %dma_wait3A = arith.constant 0 : i32
          %dma_wait3A_71 = arith.constant 0 : i32
          %dma_wait3A_72 = tpu.memref_slice %arg21[%dma_wait3A, %dma_wait3A_71] : memref<640x64xf32, #tpu.memory_space<vmem>> -> memref<400x64xf32, #tpu.memory_space<vmem>>
          %dma_wait3A_73 = arith.constant 9600 : i32
          %dma_wait3A_74 = arith.constant 0 : i32
          %dma_wait3A_75 = tpu.memref_slice %arg14[%dma_wait3A_73, %dma_wait3A_74] : memref<10000x64xf32, #tpu.memory_space<vmem_shared>> -> memref<400x64xf32, #tpu.memory_space<vmem_shared>>
          %dma_wait3A_76 = arith.constant 9600 : i32
          %dma_wait3A_77 = arith.constant 0 : i32
          %dma_wait3A_78 = tpu.memref_slice %arg14[%dma_wait3A_76, %dma_wait3A_77] : memref<10000x64xf32, #tpu.memory_space<vmem_shared>> -> memref<400x64xf32, #tpu.memory_space<vmem_shared>>
          %dma_wait3A_79 = arith.constant 0 : i32
          %dma_wait3A_80 = arith.constant 0 : i32
          %dma_wait3A_81 = tpu.memref_slice %arg21[%dma_wait3A_79, %dma_wait3A_80] : memref<640x64xf32, #tpu.memory_space<vmem>> -> memref<400x64xf32, #tpu.memory_space<vmem>>
          tpu.wait_dma2 semaphore(%run_scoped3A : memref<!tpu.dma_semaphore, #tpu.memory_space<semaphore_mem>>) src(%dma_wait3A_81 : memref<400x64xf32, #tpu.memory_space<vmem>>) dst(%dma_wait3A_78 : memref<400x64xf32, #tpu.memory_space<vmem_shared>>)
          tpu.yield
        }) : () -> ()
      } else {
      }
    } else {
    }
    %barrier3A = arith.constant 0 : index
    tpu.barrier barrier_id(%barrier3A)
    %get3A = arith.constant 0 : i32
    %get3A_7 = arith.index_cast %get3A : i32 to index
    %get3A_8 = arith.constant 0 : index
    %get3A_9 = tpu.vector_load %arg22[%get3A_7, %get3A_8] {strides = array<i32>} : memref<1x16xf32, #tpu.memory_space<vmem>>, vector<1x16xf32>,
    %get3A_10 = vector.shape_cast %get3A_9 : vector<1x16xf32> to vector<16xf32>
    %sub3A = arith.constant 249 : i32
    %sub3A_11 = arith.subi %sub3A, %arg1 : i32
    %jit3A = arith.constant 16 : i32
    %div3A = arith.divsi %sub3A_11, %jit3A : i32
    %sign3A = arith.constant 0 : i32
    %sign3A_12 = arith.cmpi sgt, %sub3A_11, %sign3A : i32
    %sign3A_13 = arith.extui %sign3A_12 : i1 to i32
    %sign3A_14 = arith.constant 0 : i32
    %sign3A_15 = arith.cmpi slt, %sub3A_11, %sign3A_14 : i32
    %sign3A_16 = arith.extui %sign3A_15 : i1 to i32
    %sign3A_17 = arith.subi %sign3A_13, %sign3A_16 : i32
    %sign3A_18 = arith.constant 0 : i32
    %sign3A_19 = arith.cmpi sgt, %jit3A, %sign3A_18 : i32
    %sign3A_20 = arith.extui %sign3A_19 : i1 to i32
    %sign3A_21 = arith.constant 0 : i32
    %sign3A_22 = arith.cmpi slt, %jit3A, %sign3A_21 : i32
    %sign3A_23 = arith.extui %sign3A_22 : i1 to i32
    %sign3A_24 = arith.subi %sign3A_20, %sign3A_23 : i32
    %ne3A = arith.cmpi ne, %sign3A_17, %sign3A_24 : i32
    %rem3A = arith.remsi %sub3A_11, %jit3A : i32
    %ne3A_25 = arith.constant 0 : i32
    %ne3A_26 = arith.cmpi ne, %rem3A, %ne3A_25 : i32
    %and3A = arith.andi %ne3A, %ne3A_26 : i1
    %sub3A_27 = arith.constant 1 : i32
    %sub3A_28 = arith.subi %div3A, %sub3A_27 : i32
    %select_n3A = arith.select %and3A, %sub3A_28, %div3A : i32
    %add3A = arith.constant 1 : i32
    %add3A_29 = arith.addi %select_n3A, %add3A : i32
    %eq3A_30 = arith.constant 0 : i32
    %eq3A_31 = arith.cmpi eq, %arg0, %eq3A_30 : i32
    %convert_element_type3A_32 = arith.extui %eq3A_31 : i1 to i32
    %cond3A_33 = arith.constant 0 : i32
    %cond3A_34 = arith.cmpi ne, %convert_element_type3A_32, %cond3A_33 : i32
    scf.if %cond3A_34 {
      %while3A = arith.constant 0 : i32
      %while3A_50 = arith.constant 0 : i32
      %while3A_51 = arith.subi %add3A_29, %while3A_50 : i32
      %while3A_52 = arith.addi %while3A_50, %while3A_51 : i32
      %while3A_53 = arith.constant 1 : i32
      %while3A_54 = arith.divsi %while3A_51, %while3A_53 : i32
      %while3A_55 = arith.muli %while3A_54, %while3A_53 : i32
      %while3A_56 = arith.addi %while3A_50, %while3A_55 : i32
      %while3A_57 = arith.constant 1 : i32
      scf.for %while3A_59 = %while3A_50 to %while3A_56 step %while3A_57  : i32 {
        %mul3A = arith.constant 16 : i32
        %mul3A_60 = arith.muli %while3A_59, %mul3A : i32
        %add3A_61 = arith.addi %arg1, %mul3A_60 : i32
        %mul3A_62 = arith.constant 640 : i32
        %mul3A_63 = arith.muli %add3A_61, %mul3A_62 : i32
        "tpu.region"() ({
          %run_scoped3A = tpu.sem_alloc : memref<!tpu.dma_semaphore, #tpu.memory_space<semaphore_mem>>
          %dma_start3A_91 = tpu.memref_slice %arg7[%mul3A_63] : memref<160000xi32, #tpu.memory_space<hbm>> -> memref<640xi32, #tpu.memory_space<hbm>>
          %dma_start3A_92 = tpu.memref_slice %arg7[%mul3A_63] : memref<160000xi32, #tpu.memory_space<hbm>> -> memref<640xi32, #tpu.memory_space<hbm>>
          tpu.enqueue_dma source(%dma_start3A_92 : memref<640xi32, #tpu.memory_space<hbm>>) target(%arg16 : memref<640xi32, #tpu.memory_space<vmem>>) target_semaphore(%run_scoped3A : memref<!tpu.dma_semaphore, #tpu.memory_space<semaphore_mem>>)
          %dma_wait3A_93 = tpu.memref_slice %arg7[%mul3A_63] : memref<160000xi32, #tpu.memory_space<hbm>> -> memref<640xi32, #tpu.memory_space<hbm>>
          %dma_wait3A_94 = tpu.memref_slice %arg7[%mul3A_63] : memref<160000xi32, #tpu.memory_space<hbm>> -> memref<640xi32, #tpu.memory_space<hbm>>
          tpu.wait_dma2 semaphore(%run_scoped3A : memref<!tpu.dma_semaphore, #tpu.memory_space<semaphore_mem>>) src(%dma_wait3A_94 : memref<640xi32, #tpu.memory_space<hbm>>) dst(%arg16 : memref<640xi32, #tpu.memory_space<vmem>>)
          tpu.yield
        }) : () -> ()
        "tpu.region"() ({
          %run_scoped3A = tpu.sem_alloc : memref<!tpu.dma_semaphore, #tpu.memory_space<semaphore_mem>>
          %dma_start3A_91 = tpu.memref_slice %arg8[%mul3A_63] : memref<160000xi32, #tpu.memory_space<hbm>> -> memref<640xi32, #tpu.memory_space<hbm>>
          %dma_start3A_92 = tpu.memref_slice %arg8[%mul3A_63] : memref<160000xi32, #tpu.memory_space<hbm>> -> memref<640xi32, #tpu.memory_space<hbm>>
          tpu.enqueue_dma source(%dma_start3A_92 : memref<640xi32, #tpu.memory_space<hbm>>) target(%arg17 : memref<640xi32, #tpu.memory_space<vmem>>) target_semaphore(%run_scoped3A : memref<!tpu.dma_semaphore, #tpu.memory_space<semaphore_mem>>)
          %dma_wait3A_93 = tpu.memref_slice %arg8[%mul3A_63] : memref<160000xi32, #tpu.memory_space<hbm>> -> memref<640xi32, #tpu.memory_space<hbm>>
          %dma_wait3A_94 = tpu.memref_slice %arg8[%mul3A_63] : memref<160000xi32, #tpu.memory_space<hbm>> -> memref<640xi32, #tpu.memory_space<hbm>>
          tpu.wait_dma2 semaphore(%run_scoped3A : memref<!tpu.dma_semaphore, #tpu.memory_space<semaphore_mem>>) src(%dma_wait3A_94 : memref<640xi32, #tpu.memory_space<hbm>>) dst(%arg17 : memref<640xi32, #tpu.memory_space<vmem>>)
          tpu.yield
        }) : () -> ()
        %dma_start3A = arith.constant 0 : i32
        %dma_start3A_64 = arith.constant 0 : i32
        %dma_start3A_65 = tpu.memref_slice %arg4[%dma_start3A, %dma_start3A_64] : memref<10000x16xf32, #tpu.memory_space<hbm>> -> memref<10000x16xf32, #tpu.memory_space<hbm>>
        tpu.enqueue_indirect_dma source(%dma_start3A_65 : memref<10000x16xf32, #tpu.memory_space<hbm>>) target(%arg18 : memref<640x16xf32, #tpu.memory_space<vmem>>) offsets(%arg16 : memref<640xi32, #tpu.memory_space<vmem>>) semaphore(%arg23 : memref<!tpu.dma_semaphore, #tpu.memory_space<semaphore_mem>>)
        %dma_wait3A = arith.constant 0 : i32
        %dma_wait3A_66 = arith.constant 0 : i32
        %dma_wait3A_67 = tpu.memref_slice %arg4[%dma_wait3A, %dma_wait3A_66] : memref<10000x16xf32, #tpu.memory_space<hbm>> -> memref<10000x16xf32, #tpu.memory_space<hbm>>
        tpu.wait_indirect_dma semaphore(%arg23 : memref<!tpu.dma_semaphore, #tpu.memory_space<semaphore_mem>>) src(%dma_wait3A_67 : memref<10000x16xf32, #tpu.memory_space<hbm>>) dst(%arg18 : memref<640x16xf32, #tpu.memory_space<vmem>>)
        %dma_start3A_68 = arith.constant 0 : i32
        %dma_start3A_69 = arith.constant 0 : i32
        %dma_start3A_70 = tpu.memref_slice %arg5[%dma_start3A_68, %dma_start3A_69] : memref<10000x16xf32, #tpu.memory_space<hbm>> -> memref<10000x16xf32, #tpu.memory_space<hbm>>
        tpu.enqueue_indirect_dma source(%dma_start3A_70 : memref<10000x16xf32, #tpu.memory_space<hbm>>) target(%arg19 : memref<640x16xf32, #tpu.memory_space<vmem>>) offsets(%arg17 : memref<640xi32, #tpu.memory_space<vmem>>) semaphore(%arg23 : memref<!tpu.dma_semaphore, #tpu.memory_space<semaphore_mem>>)
        %dma_wait3A_71 = arith.constant 0 : i32
        %dma_wait3A_72 = arith.constant 0 : i32
        %dma_wait3A_73 = tpu.memref_slice %arg5[%dma_wait3A_71, %dma_wait3A_72] : memref<10000x16xf32, #tpu.memory_space<hbm>> -> memref<10000x16xf32, #tpu.memory_space<hbm>>
        tpu.wait_indirect_dma semaphore(%arg23 : memref<!tpu.dma_semaphore, #tpu.memory_space<semaphore_mem>>) src(%dma_wait3A_73 : memref<10000x16xf32, #tpu.memory_space<hbm>>) dst(%arg19 : memref<640x16xf32, #tpu.memory_space<vmem>>)
        %scan3A = arith.constant 0 : i32
        %scan3A_74 = arith.constant 0 : i32
        %scan3A_75 = arith.constant 640 : i32
        %scan3A_76 = arith.addi %scan3A_74, %scan3A_75 : i32
        %scan3A_77 = arith.constant 2 : i32
        scf.for %scan3A_91 = %scan3A_74 to %scan3A_76 step %scan3A_77  : i32 {
          %get3A_92 = arith.index_cast %scan3A_91 : i32 to index
          %get3A_93 = arith.constant 0 : index
          %get3A_94 = tpu.vector_load %arg18[%get3A_92, %get3A_93] {strides = array<i32>} : memref<640x16xf32, #tpu.memory_space<vmem>>, vector<1x16xf32>,
          %get3A_95 = vector.shape_cast %get3A_94 : vector<1x16xf32> to vector<16xf32>
          %get3A_96 = arith.index_cast %scan3A_91 : i32 to index
          %get3A_97 = arith.constant 0 : index
          %get3A_98 = tpu.vector_load %arg19[%get3A_96, %get3A_97] {strides = array<i32>} : memref<640x16xf32, #tpu.memory_space<vmem>>, vector<1x16xf32>,
          %get3A_99 = vector.shape_cast %get3A_98 : vector<1x16xf32> to vector<16xf32>
          %add3A_100 = arith.addf %get3A_95, %get3A_99 : vector<16xf32>
          %ge3A = arith.constant 0.000000e+00 : f32
          %ge3A_101 = vector.broadcast %ge3A : f32 to vector<16xf32>
          %ge3A_102 = arith.cmpf oge, %add3A_100, %ge3A_101 : vector<16xf32>
          %mul3A_103 = arith.constant 2.000000e-01 : f32
          %mul3A_104 = vector.broadcast %mul3A_103 : f32 to vector<16xf32>
          %mul3A_105 = arith.mulf %mul3A_104, %add3A_100 : vector<16xf32>
          %select_n3A_106 = arith.select %ge3A_102, %add3A_100, %mul3A_105 : vector<16xi1>, vector<16xf32>
          %sub3A_107 = arith.subf %select_n3A_106, %get3A_10 : vector<16xf32>
          %exp3A = math.exp %sub3A_107 : vector<16xf32>
          %swap3A = arith.index_cast %scan3A_91 : i32 to index
          %swap3A_108 = arith.constant 0 : index
          %swap3A_109 = tpu.vector_load %arg20[%swap3A, %swap3A_108] {strides = array<i32>} : memref<640x16xf32, #tpu.memory_space<vmem>>, vector<1x16xf32>,
          %swap3A_110 = vector.shape_cast %swap3A_109 : vector<1x16xf32> to vector<16xf32>
          %swap3A_111 = vector.shape_cast %exp3A : vector<16xf32> to vector<1x16xf32>
          tpu.vector_store %arg20[%swap3A, %swap3A_108], %swap3A_111 {strides = array<i32>} : memref<640x16xf32, #tpu.memory_space<vmem>>, vector<1x16xf32>,
          %scan3A_112 = arith.constant 1 : i32
          %scan3A_113 = arith.addi %scan3A_91, %scan3A_112 : i32
          %get3A_114 = arith.index_cast %scan3A_113 : i32 to index
          %get3A_115 = arith.constant 0 : index
          %get3A_116 = tpu.vector_load %arg18[%get3A_114, %get3A_115] {strides = array<i32>} : memref<640x16xf32, #tpu.memory_space<vmem>>, vector<1x16xf32>,
          %get3A_117 = vector.shape_cast %get3A_116 : vector<1x16xf32> to vector<16xf32>
          %get3A_118 = arith.index_cast %scan3A_113 : i32 to index
          %get3A_119 = arith.constant 0 : index
          %get3A_120 = tpu.vector_load %arg19[%get3A_118, %get3A_119] {strides = array<i32>} : memref<640x16xf32, #tpu.memory_space<vmem>>, vector<1x16xf32>,
          %get3A_121 = vector.shape_cast %get3A_120 : vector<1x16xf32> to vector<16xf32>
          %add3A_122 = arith.addf %get3A_117, %get3A_121 : vector<16xf32>
          %ge3A_123 = arith.constant 0.000000e+00 : f32
          %ge3A_124 = vector.broadcast %ge3A_123 : f32 to vector<16xf32>
          %ge3A_125 = arith.cmpf oge, %add3A_122, %ge3A_124 : vector<16xf32>
          %mul3A_126 = arith.constant 2.000000e-01 : f32
          %mul3A_127 = vector.broadcast %mul3A_126 : f32 to vector<16xf32>
          %mul3A_128 = arith.mulf %mul3A_127, %add3A_122 : vector<16xf32>
          %select_n3A_129 = arith.select %ge3A_125, %add3A_122, %mul3A_128 : vector<16xi1>, vector<16xf32>
          %sub3A_130 = arith.subf %select_n3A_129, %get3A_10 : vector<16xf32>
          %exp3A_131 = math.exp %sub3A_130 : vector<16xf32>
          %swap3A_132 = arith.index_cast %scan3A_113 : i32 to index
          %swap3A_133 = arith.constant 0 : index
          %swap3A_134 = tpu.vector_load %arg20[%swap3A_132, %swap3A_133] {strides = array<i32>} : memref<640x16xf32, #tpu.memory_space<vmem>>, vector<1x16xf32>,
          %swap3A_135 = vector.shape_cast %swap3A_134 : vector<1x16xf32> to vector<16xf32>
          %swap3A_136 = vector.shape_cast %exp3A_131 : vector<16xf32> to vector<1x16xf32>
          tpu.vector_store %arg20[%swap3A_132, %swap3A_133], %swap3A_136 {strides = array<i32>} : memref<640x16xf32, #tpu.memory_space<vmem>>, vector<1x16xf32>,
        }
        %scan3A_78 = arith.constant 640 : i32
        "tpu.region"() ({
          %run_scoped3A = tpu.sem_alloc : memref<!tpu.dma_semaphore, #tpu.memory_space<semaphore_mem>>
          %dma_start3A_91 = arith.constant 0 : i32
          %dma_start3A_92 = arith.constant 0 : i32
          %dma_start3A_93 = tpu.memref_slice %arg15[%dma_start3A_91, %dma_start3A_92] : memref<10000x16xf32, #tpu.memory_space<vmem_shared>> -> memref<10000x16xf32, #tpu.memory_space<vmem_shared>>
          tpu.enqueue_indirect_dma source(%arg20 : memref<640x16xf32, #tpu.memory_space<vmem>>) target(%dma_start3A_93 : memref<10000x16xf32, #tpu.memory_space<vmem_shared>>) offsets(%arg17 : memref<640xi32, #tpu.memory_space<vmem>>) semaphore(%run_scoped3A : memref<!tpu.dma_semaphore, #tpu.memory_space<semaphore_mem>>) {add = true}
          %dma_wait3A_94 = arith.constant 0 : i32
          %dma_wait3A_95 = arith.constant 0 : i32
          %dma_wait3A_96 = tpu.memref_slice %arg15[%dma_wait3A_94, %dma_wait3A_95] : memref<10000x16xf32, #tpu.memory_space<vmem_shared>> -> memref<10000x16xf32, #tpu.memory_space<vmem_shared>>
          tpu.wait_indirect_dma semaphore(%run_scoped3A : memref<!tpu.dma_semaphore, #tpu.memory_space<semaphore_mem>>) src(%arg20 : memref<640x16xf32, #tpu.memory_space<vmem>>) dst(%dma_wait3A_96 : memref<10000x16xf32, #tpu.memory_space<vmem_shared>>)
          tpu.yield
        }) : () -> ()
        %dma_start3A_79 = arith.constant 0 : i32
        %dma_start3A_80 = arith.constant 0 : i32
        %dma_start3A_81 = tpu.memref_slice %arg2[%dma_start3A_79, %dma_start3A_80] : memref<10000x64xf32, #tpu.memory_space<hbm>> -> memref<10000x64xf32, #tpu.memory_space<hbm>>
        tpu.enqueue_indirect_dma source(%dma_start3A_81 : memref<10000x64xf32, #tpu.memory_space<hbm>>) target(%arg21 : memref<640x64xf32, #tpu.memory_space<vmem>>) offsets(%arg16 : memref<640xi32, #tpu.memory_space<vmem>>) semaphore(%arg23 : memref<!tpu.dma_semaphore, #tpu.memory_space<semaphore_mem>>)
        %dma_wait3A_82 = arith.constant 0 : i32
        %dma_wait3A_83 = arith.constant 0 : i32
        %dma_wait3A_84 = tpu.memref_slice %arg2[%dma_wait3A_82, %dma_wait3A_83] : memref<10000x64xf32, #tpu.memory_space<hbm>> -> memref<10000x64xf32, #tpu.memory_space<hbm>>
        tpu.wait_indirect_dma semaphore(%arg23 : memref<!tpu.dma_semaphore, #tpu.memory_space<semaphore_mem>>) src(%dma_wait3A_84 : memref<10000x64xf32, #tpu.memory_space<hbm>>) dst(%arg21 : memref<640x64xf32, #tpu.memory_space<vmem>>)
        %scan3A_85 = arith.constant 0 : i32
        %scan3A_86 = arith.constant 0 : i32
        %scan3A_87 = arith.constant 640 : i32
        %scan3A_88 = arith.addi %scan3A_86, %scan3A_87 : i32
        %scan3A_89 = arith.constant 1 : i32
        scf.for %scan3A_91 = %scan3A_86 to %scan3A_88 step %scan3A_89  : i32 {
          %get3A_92 = arith.index_cast %scan3A_91 : i32 to index
          %get3A_93 = arith.constant 0 : index
          %get3A_94 = tpu.vector_load %arg20[%get3A_92, %get3A_93] {strides = array<i32>} : memref<640x16xf32, #tpu.memory_space<vmem>>, vector<1x16xf32>,
          %get3A_95 = vector.shape_cast %get3A_94 : vector<1x16xf32> to vector<16xf32>
          %get3A_96 = arith.index_cast %scan3A_91 : i32 to index
          %get3A_97 = arith.constant 0 : index
          %get3A_98 = tpu.vector_load %arg21[%get3A_96, %get3A_97] {strides = array<i32>} : memref<640x64xf32, #tpu.memory_space<vmem>>, vector<1x16xf32>,
          %get3A_99 = vector.shape_cast %get3A_98 : vector<1x16xf32> to vector<16xf32>
          %slice3A = vector.extract_strided_slice %get3A_95 {offsets = [0], sizes = [1], strides = [1]} : vector<16xf32> to vector<1xf32>
          %squeeze3A = vector.extract %slice3A[0] : f32 from vector<1xf32>
          %mul3A_100 = vector.broadcast %squeeze3A : f32 to vector<16xf32>
          %mul3A_101 = arith.mulf %get3A_99, %mul3A_100 : vector<16xf32>
          %swap3A = arith.index_cast %scan3A_91 : i32 to index
          %swap3A_102 = arith.constant 0 : index
          %swap3A_103 = tpu.vector_load %arg21[%swap3A, %swap3A_102] {strides = array<i32>} : memref<640x64xf32, #tpu.memory_space<vmem>>, vector<1x16xf32>,
          %swap3A_104 = vector.shape_cast %swap3A_103 : vector<1x16xf32> to vector<16xf32>
          %swap3A_105 = vector.shape_cast %mul3A_101 : vector<16xf32> to vector<1x16xf32>
          tpu.vector_store %arg21[%swap3A, %swap3A_102], %swap3A_105 {strides = array<i32>} : memref<640x64xf32, #tpu.memory_space<vmem>>, vector<1x16xf32>,
          %get3A_106 = arith.index_cast %scan3A_91 : i32 to index
          %get3A_107 = arith.constant 16 : index
          %get3A_108 = tpu.vector_load %arg21[%get3A_106, %get3A_107] {strides = array<i32>} : memref<640x64xf32, #tpu.memory_space<vmem>>, vector<1x16xf32>,
          %get3A_109 = vector.shape_cast %get3A_108 : vector<1x16xf32> to vector<16xf32>
          %slice3A_110 = vector.extract_strided_slice %get3A_95 {offsets = [0], sizes = [1], strides = [1]} : vector<16xf32> to vector<1xf32>
          %squeeze3A_111 = vector.extract %slice3A_110[0] : f32 from vector<1xf32>
          %mul3A_112 = vector.broadcast %squeeze3A_111 : f32 to vector<16xf32>
          %mul3A_113 = arith.mulf %get3A_109, %mul3A_112 : vector<16xf32>
          %swap3A_114 = arith.index_cast %scan3A_91 : i32 to index
          %swap3A_115 = arith.constant 16 : index
          %swap3A_116 = tpu.vector_load %arg21[%swap3A_114, %swap3A_115] {strides = array<i32>} : memref<640x64xf32, #tpu.memory_space<vmem>>, vector<1x16xf32>,
          %swap3A_117 = vector.shape_cast %swap3A_116 : vector<1x16xf32> to vector<16xf32>
          %swap3A_118 = vector.shape_cast %mul3A_113 : vector<16xf32> to vector<1x16xf32>
          tpu.vector_store %arg21[%swap3A_114, %swap3A_115], %swap3A_118 {strides = array<i32>} : memref<640x64xf32, #tpu.memory_space<vmem>>, vector<1x16xf32>,
          %get3A_119 = arith.index_cast %scan3A_91 : i32 to index
          %get3A_120 = arith.constant 32 : index
          %get3A_121 = tpu.vector_load %arg21[%get3A_119, %get3A_120] {strides = array<i32>} : memref<640x64xf32, #tpu.memory_space<vmem>>, vector<1x16xf32>,
          %get3A_122 = vector.shape_cast %get3A_121 : vector<1x16xf32> to vector<16xf32>
          %slice3A_123 = vector.extract_strided_slice %get3A_95 {offsets = [1], sizes = [1], strides = [1]} : vector<16xf32> to vector<1xf32>
          %squeeze3A_124 = vector.extract %slice3A_123[0] : f32 from vector<1xf32>
          %mul3A_125 = vector.broadcast %squeeze3A_124 : f32 to vector<16xf32>
          %mul3A_126 = arith.mulf %get3A_122, %mul3A_125 : vector<16xf32>
          %swap3A_127 = arith.index_cast %scan3A_91 : i32 to index
          %swap3A_128 = arith.constant 32 : index
          %swap3A_129 = tpu.vector_load %arg21[%swap3A_127, %swap3A_128] {strides = array<i32>} : memref<640x64xf32, #tpu.memory_space<vmem>>, vector<1x16xf32>,
          %swap3A_130 = vector.shape_cast %swap3A_129 : vector<1x16xf32> to vector<16xf32>
          %swap3A_131 = vector.shape_cast %mul3A_126 : vector<16xf32> to vector<1x16xf32>
          tpu.vector_store %arg21[%swap3A_127, %swap3A_128], %swap3A_131 {strides = array<i32>} : memref<640x64xf32, #tpu.memory_space<vmem>>, vector<1x16xf32>,
          %get3A_132 = arith.index_cast %scan3A_91 : i32 to index
          %get3A_133 = arith.constant 48 : index
          %get3A_134 = tpu.vector_load %arg21[%get3A_132, %get3A_133] {strides = array<i32>} : memref<640x64xf32, #tpu.memory_space<vmem>>, vector<1x16xf32>,
          %get3A_135 = vector.shape_cast %get3A_134 : vector<1x16xf32> to vector<16xf32>
          %slice3A_136 = vector.extract_strided_slice %get3A_95 {offsets = [1], sizes = [1], strides = [1]} : vector<16xf32> to vector<1xf32>
          %squeeze3A_137 = vector.extract %slice3A_136[0] : f32 from vector<1xf32>
          %mul3A_138 = vector.broadcast %squeeze3A_137 : f32 to vector<16xf32>
          %mul3A_139 = arith.mulf %get3A_135, %mul3A_138 : vector<16xf32>
          %swap3A_140 = arith.index_cast %scan3A_91 : i32 to index
          %swap3A_141 = arith.constant 48 : index
          %swap3A_142 = tpu.vector_load %arg21[%swap3A_140, %swap3A_141] {strides = array<i32>} : memref<640x64xf32, #tpu.memory_space<vmem>>, vector<1x16xf32>,
          %swap3A_143 = vector.shape_cast %swap3A_142 : vector<1x16xf32> to vector<16xf32>
          %swap3A_144 = vector.shape_cast %mul3A_139 : vector<16xf32> to vector<1x16xf32>
          tpu.vector_store %arg21[%swap3A_140, %swap3A_141], %swap3A_144 {strides = array<i32>} : memref<640x64xf32, #tpu.memory_space<vmem>>, vector<1x16xf32>,
        }
        %scan3A_90 = arith.constant 640 : i32
        "tpu.region"() ({
          %run_scoped3A = tpu.sem_alloc : memref<!tpu.dma_semaphore, #tpu.memory_space<semaphore_mem>>
          %dma_start3A_91 = arith.constant 0 : i32
          %dma_start3A_92 = arith.constant 0 : i32
          %dma_start3A_93 = tpu.memref_slice %arg14[%dma_start3A_91, %dma_start3A_92] : memref<10000x64xf32, #tpu.memory_space<vmem_shared>> -> memref<10000x64xf32, #tpu.memory_space<vmem_shared>>
          tpu.enqueue_indirect_dma source(%arg21 : memref<640x64xf32, #tpu.memory_space<vmem>>) target(%dma_start3A_93 : memref<10000x64xf32, #tpu.memory_space<vmem_shared>>) offsets(%arg17 : memref<640xi32, #tpu.memory_space<vmem>>) semaphore(%run_scoped3A : memref<!tpu.dma_semaphore, #tpu.memory_space<semaphore_mem>>) {add = true}
          %dma_wait3A_94 = arith.constant 0 : i32
          %dma_wait3A_95 = arith.constant 0 : i32
          %dma_wait3A_96 = tpu.memref_slice %arg14[%dma_wait3A_94, %dma_wait3A_95] : memref<10000x64xf32, #tpu.memory_space<vmem_shared>> -> memref<10000x64xf32, #tpu.memory_space<vmem_shared>>
          tpu.wait_indirect_dma semaphore(%run_scoped3A : memref<!tpu.dma_semaphore, #tpu.memory_space<semaphore_mem>>) src(%arg21 : memref<640x64xf32, #tpu.memory_space<vmem>>) dst(%dma_wait3A_96 : memref<10000x64xf32, #tpu.memory_space<vmem_shared>>)
          tpu.yield
        }) : () -> ()
      }
      %while3A_58 = arith.constant 1 : i32
      scf.for %while3A_59 = %while3A_56 to %while3A_52 step %while3A_58  : i32 {
        %mul3A = arith.constant 16 : i32
        %mul3A_60 = arith.muli %while3A_59, %mul3A : i32
        %add3A_61 = arith.addi %arg1, %mul3A_60 : i32
        %mul3A_62 = arith.constant 640 : i32
        %mul3A_63 = arith.muli %add3A_61, %mul3A_62 : i32
        "tpu.region"() ({
          %run_scoped3A = tpu.sem_alloc : memref<!tpu.dma_semaphore, #tpu.memory_space<semaphore_mem>>
          %dma_start3A_91 = tpu.memref_slice %arg7[%mul3A_63] : memref<160000xi32, #tpu.memory_space<hbm>> -> memref<640xi32, #tpu.memory_space<hbm>>
          %dma_start3A_92 = tpu.memref_slice %arg7[%mul3A_63] : memref<160000xi32, #tpu.memory_space<hbm>> -> memref<640xi32, #tpu.memory_space<hbm>>
          tpu.enqueue_dma source(%dma_start3A_92 : memref<640xi32, #tpu.memory_space<hbm>>) target(%arg16 : memref<640xi32, #tpu.memory_space<vmem>>) target_semaphore(%run_scoped3A : memref<!tpu.dma_semaphore, #tpu.memory_space<semaphore_mem>>)
          %dma_wait3A_93 = tpu.memref_slice %arg7[%mul3A_63] : memref<160000xi32, #tpu.memory_space<hbm>> -> memref<640xi32, #tpu.memory_space<hbm>>
          %dma_wait3A_94 = tpu.memref_slice %arg7[%mul3A_63] : memref<160000xi32, #tpu.memory_space<hbm>> -> memref<640xi32, #tpu.memory_space<hbm>>
          tpu.wait_dma2 semaphore(%run_scoped3A : memref<!tpu.dma_semaphore, #tpu.memory_space<semaphore_mem>>) src(%dma_wait3A_94 : memref<640xi32, #tpu.memory_space<hbm>>) dst(%arg16 : memref<640xi32, #tpu.memory_space<vmem>>)
          tpu.yield
        }) : () -> ()
        "tpu.region"() ({
          %run_scoped3A = tpu.sem_alloc : memref<!tpu.dma_semaphore, #tpu.memory_space<semaphore_mem>>
          %dma_start3A_91 = tpu.memref_slice %arg8[%mul3A_63] : memref<160000xi32, #tpu.memory_space<hbm>> -> memref<640xi32, #tpu.memory_space<hbm>>
          %dma_start3A_92 = tpu.memref_slice %arg8[%mul3A_63] : memref<160000xi32, #tpu.memory_space<hbm>> -> memref<640xi32, #tpu.memory_space<hbm>>
          tpu.enqueue_dma source(%dma_start3A_92 : memref<640xi32, #tpu.memory_space<hbm>>) target(%arg17 : memref<640xi32, #tpu.memory_space<vmem>>) target_semaphore(%run_scoped3A : memref<!tpu.dma_semaphore, #tpu.memory_space<semaphore_mem>>)
          %dma_wait3A_93 = tpu.memref_slice %arg8[%mul3A_63] : memref<160000xi32, #tpu.memory_space<hbm>> -> memref<640xi32, #tpu.memory_space<hbm>>
          %dma_wait3A_94 = tpu.memref_slice %arg8[%mul3A_63] : memref<160000xi32, #tpu.memory_space<hbm>> -> memref<640xi32, #tpu.memory_space<hbm>>
          tpu.wait_dma2 semaphore(%run_scoped3A : memref<!tpu.dma_semaphore, #tpu.memory_space<semaphore_mem>>) src(%dma_wait3A_94 : memref<640xi32, #tpu.memory_space<hbm>>) dst(%arg17 : memref<640xi32, #tpu.memory_space<vmem>>)
          tpu.yield
        }) : () -> ()
        %dma_start3A = arith.constant 0 : i32
        %dma_start3A_64 = arith.constant 0 : i32
        %dma_start3A_65 = tpu.memref_slice %arg4[%dma_start3A, %dma_start3A_64] : memref<10000x16xf32, #tpu.memory_space<hbm>> -> memref<10000x16xf32, #tpu.memory_space<hbm>>
        tpu.enqueue_indirect_dma source(%dma_start3A_65 : memref<10000x16xf32, #tpu.memory_space<hbm>>) target(%arg18 : memref<640x16xf32, #tpu.memory_space<vmem>>) offsets(%arg16 : memref<640xi32, #tpu.memory_space<vmem>>) semaphore(%arg23 : memref<!tpu.dma_semaphore, #tpu.memory_space<semaphore_mem>>)
        %dma_wait3A = arith.constant 0 : i32
        %dma_wait3A_66 = arith.constant 0 : i32
        %dma_wait3A_67 = tpu.memref_slice %arg4[%dma_wait3A, %dma_wait3A_66] : memref<10000x16xf32, #tpu.memory_space<hbm>> -> memref<10000x16xf32, #tpu.memory_space<hbm>>
        tpu.wait_indirect_dma semaphore(%arg23 : memref<!tpu.dma_semaphore, #tpu.memory_space<semaphore_mem>>) src(%dma_wait3A_67 : memref<10000x16xf32, #tpu.memory_space<hbm>>) dst(%arg18 : memref<640x16xf32, #tpu.memory_space<vmem>>)
        %dma_start3A_68 = arith.constant 0 : i32
        %dma_start3A_69 = arith.constant 0 : i32
        %dma_start3A_70 = tpu.memref_slice %arg5[%dma_start3A_68, %dma_start3A_69] : memref<10000x16xf32, #tpu.memory_space<hbm>> -> memref<10000x16xf32, #tpu.memory_space<hbm>>
        tpu.enqueue_indirect_dma source(%dma_start3A_70 : memref<10000x16xf32, #tpu.memory_space<hbm>>) target(%arg19 : memref<640x16xf32, #tpu.memory_space<vmem>>) offsets(%arg17 : memref<640xi32, #tpu.memory_space<vmem>>) semaphore(%arg23 : memref<!tpu.dma_semaphore, #tpu.memory_space<semaphore_mem>>)
        %dma_wait3A_71 = arith.constant 0 : i32
        %dma_wait3A_72 = arith.constant 0 : i32
        %dma_wait3A_73 = tpu.memref_slice %arg5[%dma_wait3A_71, %dma_wait3A_72] : memref<10000x16xf32, #tpu.memory_space<hbm>> -> memref<10000x16xf32, #tpu.memory_space<hbm>>
        tpu.wait_indirect_dma semaphore(%arg23 : memref<!tpu.dma_semaphore, #tpu.memory_space<semaphore_mem>>) src(%dma_wait3A_73 : memref<10000x16xf32, #tpu.memory_space<hbm>>) dst(%arg19 : memref<640x16xf32, #tpu.memory_space<vmem>>)
        %scan3A = arith.constant 0 : i32
        %scan3A_74 = arith.constant 0 : i32
        %scan3A_75 = arith.constant 640 : i32
        %scan3A_76 = arith.addi %scan3A_74, %scan3A_75 : i32
        %scan3A_77 = arith.constant 2 : i32
        scf.for %scan3A_91 = %scan3A_74 to %scan3A_76 step %scan3A_77  : i32 {
          %get3A_92 = arith.index_cast %scan3A_91 : i32 to index
          %get3A_93 = arith.constant 0 : index
          %get3A_94 = tpu.vector_load %arg18[%get3A_92, %get3A_93] {strides = array<i32>} : memref<640x16xf32, #tpu.memory_space<vmem>>, vector<1x16xf32>,
          %get3A_95 = vector.shape_cast %get3A_94 : vector<1x16xf32> to vector<16xf32>
          %get3A_96 = arith.index_cast %scan3A_91 : i32 to index
          %get3A_97 = arith.constant 0 : index
          %get3A_98 = tpu.vector_load %arg19[%get3A_96, %get3A_97] {strides = array<i32>} : memref<640x16xf32, #tpu.memory_space<vmem>>, vector<1x16xf32>,
          %get3A_99 = vector.shape_cast %get3A_98 : vector<1x16xf32> to vector<16xf32>
          %add3A_100 = arith.addf %get3A_95, %get3A_99 : vector<16xf32>
          %ge3A = arith.constant 0.000000e+00 : f32
          %ge3A_101 = vector.broadcast %ge3A : f32 to vector<16xf32>
          %ge3A_102 = arith.cmpf oge, %add3A_100, %ge3A_101 : vector<16xf32>
          %mul3A_103 = arith.constant 2.000000e-01 : f32
          %mul3A_104 = vector.broadcast %mul3A_103 : f32 to vector<16xf32>
          %mul3A_105 = arith.mulf %mul3A_104, %add3A_100 : vector<16xf32>
          %select_n3A_106 = arith.select %ge3A_102, %add3A_100, %mul3A_105 : vector<16xi1>, vector<16xf32>
          %sub3A_107 = arith.subf %select_n3A_106, %get3A_10 : vector<16xf32>
          %exp3A = math.exp %sub3A_107 : vector<16xf32>
          %swap3A = arith.index_cast %scan3A_91 : i32 to index
          %swap3A_108 = arith.constant 0 : index
          %swap3A_109 = tpu.vector_load %arg20[%swap3A, %swap3A_108] {strides = array<i32>} : memref<640x16xf32, #tpu.memory_space<vmem>>, vector<1x16xf32>,
          %swap3A_110 = vector.shape_cast %swap3A_109 : vector<1x16xf32> to vector<16xf32>
          %swap3A_111 = vector.shape_cast %exp3A : vector<16xf32> to vector<1x16xf32>
          tpu.vector_store %arg20[%swap3A, %swap3A_108], %swap3A_111 {strides = array<i32>} : memref<640x16xf32, #tpu.memory_space<vmem>>, vector<1x16xf32>,
          %scan3A_112 = arith.constant 1 : i32
          %scan3A_113 = arith.addi %scan3A_91, %scan3A_112 : i32
          %get3A_114 = arith.index_cast %scan3A_113 : i32 to index
          %get3A_115 = arith.constant 0 : index
          %get3A_116 = tpu.vector_load %arg18[%get3A_114, %get3A_115] {strides = array<i32>} : memref<640x16xf32, #tpu.memory_space<vmem>>, vector<1x16xf32>,
          %get3A_117 = vector.shape_cast %get3A_116 : vector<1x16xf32> to vector<16xf32>
          %get3A_118 = arith.index_cast %scan3A_113 : i32 to index
          %get3A_119 = arith.constant 0 : index
          %get3A_120 = tpu.vector_load %arg19[%get3A_118, %get3A_119] {strides = array<i32>} : memref<640x16xf32, #tpu.memory_space<vmem>>, vector<1x16xf32>,
          %get3A_121 = vector.shape_cast %get3A_120 : vector<1x16xf32> to vector<16xf32>
          %add3A_122 = arith.addf %get3A_117, %get3A_121 : vector<16xf32>
          %ge3A_123 = arith.constant 0.000000e+00 : f32
          %ge3A_124 = vector.broadcast %ge3A_123 : f32 to vector<16xf32>
          %ge3A_125 = arith.cmpf oge, %add3A_122, %ge3A_124 : vector<16xf32>
          %mul3A_126 = arith.constant 2.000000e-01 : f32
          %mul3A_127 = vector.broadcast %mul3A_126 : f32 to vector<16xf32>
          %mul3A_128 = arith.mulf %mul3A_127, %add3A_122 : vector<16xf32>
          %select_n3A_129 = arith.select %ge3A_125, %add3A_122, %mul3A_128 : vector<16xi1>, vector<16xf32>
          %sub3A_130 = arith.subf %select_n3A_129, %get3A_10 : vector<16xf32>
          %exp3A_131 = math.exp %sub3A_130 : vector<16xf32>
          %swap3A_132 = arith.index_cast %scan3A_113 : i32 to index
          %swap3A_133 = arith.constant 0 : index
          %swap3A_134 = tpu.vector_load %arg20[%swap3A_132, %swap3A_133] {strides = array<i32>} : memref<640x16xf32, #tpu.memory_space<vmem>>, vector<1x16xf32>,
          %swap3A_135 = vector.shape_cast %swap3A_134 : vector<1x16xf32> to vector<16xf32>
          %swap3A_136 = vector.shape_cast %exp3A_131 : vector<16xf32> to vector<1x16xf32>
          tpu.vector_store %arg20[%swap3A_132, %swap3A_133], %swap3A_136 {strides = array<i32>} : memref<640x16xf32, #tpu.memory_space<vmem>>, vector<1x16xf32>,
        }
        %scan3A_78 = arith.constant 640 : i32
        "tpu.region"() ({
          %run_scoped3A = tpu.sem_alloc : memref<!tpu.dma_semaphore, #tpu.memory_space<semaphore_mem>>
          %dma_start3A_91 = arith.constant 0 : i32
          %dma_start3A_92 = arith.constant 0 : i32
          %dma_start3A_93 = tpu.memref_slice %arg15[%dma_start3A_91, %dma_start3A_92] : memref<10000x16xf32, #tpu.memory_space<vmem_shared>> -> memref<10000x16xf32, #tpu.memory_space<vmem_shared>>
          tpu.enqueue_indirect_dma source(%arg20 : memref<640x16xf32, #tpu.memory_space<vmem>>) target(%dma_start3A_93 : memref<10000x16xf32, #tpu.memory_space<vmem_shared>>) offsets(%arg17 : memref<640xi32, #tpu.memory_space<vmem>>) semaphore(%run_scoped3A : memref<!tpu.dma_semaphore, #tpu.memory_space<semaphore_mem>>) {add = true}
          %dma_wait3A_94 = arith.constant 0 : i32
          %dma_wait3A_95 = arith.constant 0 : i32
          %dma_wait3A_96 = tpu.memref_slice %arg15[%dma_wait3A_94, %dma_wait3A_95] : memref<10000x16xf32, #tpu.memory_space<vmem_shared>> -> memref<10000x16xf32, #tpu.memory_space<vmem_shared>>
          tpu.wait_indirect_dma semaphore(%run_scoped3A : memref<!tpu.dma_semaphore, #tpu.memory_space<semaphore_mem>>) src(%arg20 : memref<640x16xf32, #tpu.memory_space<vmem>>) dst(%dma_wait3A_96 : memref<10000x16xf32, #tpu.memory_space<vmem_shared>>)
          tpu.yield
        }) : () -> ()
        %dma_start3A_79 = arith.constant 0 : i32
        %dma_start3A_80 = arith.constant 0 : i32
        %dma_start3A_81 = tpu.memref_slice %arg2[%dma_start3A_79, %dma_start3A_80] : memref<10000x64xf32, #tpu.memory_space<hbm>> -> memref<10000x64xf32, #tpu.memory_space<hbm>>
        tpu.enqueue_indirect_dma source(%dma_start3A_81 : memref<10000x64xf32, #tpu.memory_space<hbm>>) target(%arg21 : memref<640x64xf32, #tpu.memory_space<vmem>>) offsets(%arg16 : memref<640xi32, #tpu.memory_space<vmem>>) semaphore(%arg23 : memref<!tpu.dma_semaphore, #tpu.memory_space<semaphore_mem>>)
        %dma_wait3A_82 = arith.constant 0 : i32
        %dma_wait3A_83 = arith.constant 0 : i32
        %dma_wait3A_84 = tpu.memref_slice %arg2[%dma_wait3A_82, %dma_wait3A_83] : memref<10000x64xf32, #tpu.memory_space<hbm>> -> memref<10000x64xf32, #tpu.memory_space<hbm>>
        tpu.wait_indirect_dma semaphore(%arg23 : memref<!tpu.dma_semaphore, #tpu.memory_space<semaphore_mem>>) src(%dma_wait3A_84 : memref<10000x64xf32, #tpu.memory_space<hbm>>) dst(%arg21 : memref<640x64xf32, #tpu.memory_space<vmem>>)
        %scan3A_85 = arith.constant 0 : i32
        %scan3A_86 = arith.constant 0 : i32
        %scan3A_87 = arith.constant 640 : i32
        %scan3A_88 = arith.addi %scan3A_86, %scan3A_87 : i32
        %scan3A_89 = arith.constant 1 : i32
        scf.for %scan3A_91 = %scan3A_86 to %scan3A_88 step %scan3A_89  : i32 {
          %get3A_92 = arith.index_cast %scan3A_91 : i32 to index
          %get3A_93 = arith.constant 0 : index
          %get3A_94 = tpu.vector_load %arg20[%get3A_92, %get3A_93] {strides = array<i32>} : memref<640x16xf32, #tpu.memory_space<vmem>>, vector<1x16xf32>,
          %get3A_95 = vector.shape_cast %get3A_94 : vector<1x16xf32> to vector<16xf32>
          %get3A_96 = arith.index_cast %scan3A_91 : i32 to index
          %get3A_97 = arith.constant 0 : index
          %get3A_98 = tpu.vector_load %arg21[%get3A_96, %get3A_97] {strides = array<i32>} : memref<640x64xf32, #tpu.memory_space<vmem>>, vector<1x16xf32>,
          %get3A_99 = vector.shape_cast %get3A_98 : vector<1x16xf32> to vector<16xf32>
          %slice3A = vector.extract_strided_slice %get3A_95 {offsets = [0], sizes = [1], strides = [1]} : vector<16xf32> to vector<1xf32>
          %squeeze3A = vector.extract %slice3A[0] : f32 from vector<1xf32>
          %mul3A_100 = vector.broadcast %squeeze3A : f32 to vector<16xf32>
          %mul3A_101 = arith.mulf %get3A_99, %mul3A_100 : vector<16xf32>
          %swap3A = arith.index_cast %scan3A_91 : i32 to index
          %swap3A_102 = arith.constant 0 : index
          %swap3A_103 = tpu.vector_load %arg21[%swap3A, %swap3A_102] {strides = array<i32>} : memref<640x64xf32, #tpu.memory_space<vmem>>, vector<1x16xf32>,
          %swap3A_104 = vector.shape_cast %swap3A_103 : vector<1x16xf32> to vector<16xf32>
          %swap3A_105 = vector.shape_cast %mul3A_101 : vector<16xf32> to vector<1x16xf32>
          tpu.vector_store %arg21[%swap3A, %swap3A_102], %swap3A_105 {strides = array<i32>} : memref<640x64xf32, #tpu.memory_space<vmem>>, vector<1x16xf32>,
          %get3A_106 = arith.index_cast %scan3A_91 : i32 to index
          %get3A_107 = arith.constant 16 : index
          %get3A_108 = tpu.vector_load %arg21[%get3A_106, %get3A_107] {strides = array<i32>} : memref<640x64xf32, #tpu.memory_space<vmem>>, vector<1x16xf32>,
          %get3A_109 = vector.shape_cast %get3A_108 : vector<1x16xf32> to vector<16xf32>
          %slice3A_110 = vector.extract_strided_slice %get3A_95 {offsets = [0], sizes = [1], strides = [1]} : vector<16xf32> to vector<1xf32>
          %squeeze3A_111 = vector.extract %slice3A_110[0] : f32 from vector<1xf32>
          %mul3A_112 = vector.broadcast %squeeze3A_111 : f32 to vector<16xf32>
          %mul3A_113 = arith.mulf %get3A_109, %mul3A_112 : vector<16xf32>
          %swap3A_114 = arith.index_cast %scan3A_91 : i32 to index
          %swap3A_115 = arith.constant 16 : index
          %swap3A_116 = tpu.vector_load %arg21[%swap3A_114, %swap3A_115] {strides = array<i32>} : memref<640x64xf32, #tpu.memory_space<vmem>>, vector<1x16xf32>,
          %swap3A_117 = vector.shape_cast %swap3A_116 : vector<1x16xf32> to vector<16xf32>
          %swap3A_118 = vector.shape_cast %mul3A_113 : vector<16xf32> to vector<1x16xf32>
          tpu.vector_store %arg21[%swap3A_114, %swap3A_115], %swap3A_118 {strides = array<i32>} : memref<640x64xf32, #tpu.memory_space<vmem>>, vector<1x16xf32>,
          %get3A_119 = arith.index_cast %scan3A_91 : i32 to index
          %get3A_120 = arith.constant 32 : index
          %get3A_121 = tpu.vector_load %arg21[%get3A_119, %get3A_120] {strides = array<i32>} : memref<640x64xf32, #tpu.memory_space<vmem>>, vector<1x16xf32>,
          %get3A_122 = vector.shape_cast %get3A_121 : vector<1x16xf32> to vector<16xf32>
          %slice3A_123 = vector.extract_strided_slice %get3A_95 {offsets = [1], sizes = [1], strides = [1]} : vector<16xf32> to vector<1xf32>
          %squeeze3A_124 = vector.extract %slice3A_123[0] : f32 from vector<1xf32>
          %mul3A_125 = vector.broadcast %squeeze3A_124 : f32 to vector<16xf32>
          %mul3A_126 = arith.mulf %get3A_122, %mul3A_125 : vector<16xf32>
          %swap3A_127 = arith.index_cast %scan3A_91 : i32 to index
          %swap3A_128 = arith.constant 32 : index
          %swap3A_129 = tpu.vector_load %arg21[%swap3A_127, %swap3A_128] {strides = array<i32>} : memref<640x64xf32, #tpu.memory_space<vmem>>, vector<1x16xf32>,
          %swap3A_130 = vector.shape_cast %swap3A_129 : vector<1x16xf32> to vector<16xf32>
          %swap3A_131 = vector.shape_cast %mul3A_126 : vector<16xf32> to vector<1x16xf32>
          tpu.vector_store %arg21[%swap3A_127, %swap3A_128], %swap3A_131 {strides = array<i32>} : memref<640x64xf32, #tpu.memory_space<vmem>>, vector<1x16xf32>,
          %get3A_132 = arith.index_cast %scan3A_91 : i32 to index
          %get3A_133 = arith.constant 48 : index
          %get3A_134 = tpu.vector_load %arg21[%get3A_132, %get3A_133] {strides = array<i32>} : memref<640x64xf32, #tpu.memory_space<vmem>>, vector<1x16xf32>,
          %get3A_135 = vector.shape_cast %get3A_134 : vector<1x16xf32> to vector<16xf32>
          %slice3A_136 = vector.extract_strided_slice %get3A_95 {offsets = [1], sizes = [1], strides = [1]} : vector<16xf32> to vector<1xf32>
          %squeeze3A_137 = vector.extract %slice3A_136[0] : f32 from vector<1xf32>
          %mul3A_138 = vector.broadcast %squeeze3A_137 : f32 to vector<16xf32>
          %mul3A_139 = arith.mulf %get3A_135, %mul3A_138 : vector<16xf32>
          %swap3A_140 = arith.index_cast %scan3A_91 : i32 to index
          %swap3A_141 = arith.constant 48 : index
          %swap3A_142 = tpu.vector_load %arg21[%swap3A_140, %swap3A_141] {strides = array<i32>} : memref<640x64xf32, #tpu.memory_space<vmem>>, vector<1x16xf32>,
          %swap3A_143 = vector.shape_cast %swap3A_142 : vector<1x16xf32> to vector<16xf32>
          %swap3A_144 = vector.shape_cast %mul3A_139 : vector<16xf32> to vector<1x16xf32>
          tpu.vector_store %arg21[%swap3A_140, %swap3A_141], %swap3A_144 {strides = array<i32>} : memref<640x64xf32, #tpu.memory_space<vmem>>, vector<1x16xf32>,
        }
        %scan3A_90 = arith.constant 640 : i32
        "tpu.region"() ({
          %run_scoped3A = tpu.sem_alloc : memref<!tpu.dma_semaphore, #tpu.memory_space<semaphore_mem>>
          %dma_start3A_91 = arith.constant 0 : i32
          %dma_start3A_92 = arith.constant 0 : i32
          %dma_start3A_93 = tpu.memref_slice %arg14[%dma_start3A_91, %dma_start3A_92] : memref<10000x64xf32, #tpu.memory_space<vmem_shared>> -> memref<10000x64xf32, #tpu.memory_space<vmem_shared>>
          tpu.enqueue_indirect_dma source(%arg21 : memref<640x64xf32, #tpu.memory_space<vmem>>) target(%dma_start3A_93 : memref<10000x64xf32, #tpu.memory_space<vmem_shared>>) offsets(%arg17 : memref<640xi32, #tpu.memory_space<vmem>>) semaphore(%run_scoped3A : memref<!tpu.dma_semaphore, #tpu.memory_space<semaphore_mem>>) {add = true}
          %dma_wait3A_94 = arith.constant 0 : i32
          %dma_wait3A_95 = arith.constant 0 : i32
          %dma_wait3A_96 = tpu.memref_slice %arg14[%dma_wait3A_94, %dma_wait3A_95] : memref<10000x64xf32, #tpu.memory_space<vmem_shared>> -> memref<10000x64xf32, #tpu.memory_space<vmem_shared>>
          tpu.wait_indirect_dma semaphore(%run_scoped3A : memref<!tpu.dma_semaphore, #tpu.memory_space<semaphore_mem>>) src(%arg21 : memref<640x64xf32, #tpu.memory_space<vmem>>) dst(%dma_wait3A_96 : memref<10000x64xf32, #tpu.memory_space<vmem_shared>>)
          tpu.yield
        }) : () -> ()
      }
    } else {
    }
    %eq3A_35 = arith.constant 1 : i32
    %eq3A_36 = arith.cmpi eq, %arg0, %eq3A_35 : i32
    %convert_element_type3A_37 = arith.extui %eq3A_36 : i1 to i32
    %cond3A_38 = arith.constant 0 : i32
    %cond3A_39 = arith.cmpi ne, %convert_element_type3A_37, %cond3A_38 : i32
    scf.if %cond3A_39 {
      %while3A = arith.constant 0 : i32
      %while3A_50 = arith.constant 0 : i32
      %while3A_51 = arith.subi %add3A_29, %while3A_50 : i32
      %while3A_52 = arith.addi %while3A_50, %while3A_51 : i32
      %while3A_53 = arith.constant 1 : i32
      %while3A_54 = arith.divsi %while3A_51, %while3A_53 : i32
      %while3A_55 = arith.muli %while3A_54, %while3A_53 : i32
      %while3A_56 = arith.addi %while3A_50, %while3A_55 : i32
      %while3A_57 = arith.constant 1 : i32
      scf.for %while3A_59 = %while3A_50 to %while3A_56 step %while3A_57  : i32 {
        %mul3A = arith.constant 16 : i32
        %mul3A_60 = arith.muli %while3A_59, %mul3A : i32
        %add3A_61 = arith.addi %arg1, %mul3A_60 : i32
        %mul3A_62 = arith.constant 640 : i32
        %mul3A_63 = arith.muli %add3A_61, %mul3A_62 : i32
        "tpu.region"() ({
          %run_scoped3A = tpu.sem_alloc : memref<!tpu.dma_semaphore, #tpu.memory_space<semaphore_mem>>
          %dma_start3A_91 = tpu.memref_slice %arg7[%mul3A_63] : memref<160000xi32, #tpu.memory_space<hbm>> -> memref<640xi32, #tpu.memory_space<hbm>>
          %dma_start3A_92 = tpu.memref_slice %arg7[%mul3A_63] : memref<160000xi32, #tpu.memory_space<hbm>> -> memref<640xi32, #tpu.memory_space<hbm>>
          tpu.enqueue_dma source(%dma_start3A_92 : memref<640xi32, #tpu.memory_space<hbm>>) target(%arg16 : memref<640xi32, #tpu.memory_space<vmem>>) target_semaphore(%run_scoped3A : memref<!tpu.dma_semaphore, #tpu.memory_space<semaphore_mem>>)
          %dma_wait3A_93 = tpu.memref_slice %arg7[%mul3A_63] : memref<160000xi32, #tpu.memory_space<hbm>> -> memref<640xi32, #tpu.memory_space<hbm>>
          %dma_wait3A_94 = tpu.memref_slice %arg7[%mul3A_63] : memref<160000xi32, #tpu.memory_space<hbm>> -> memref<640xi32, #tpu.memory_space<hbm>>
          tpu.wait_dma2 semaphore(%run_scoped3A : memref<!tpu.dma_semaphore, #tpu.memory_space<semaphore_mem>>) src(%dma_wait3A_94 : memref<640xi32, #tpu.memory_space<hbm>>) dst(%arg16 : memref<640xi32, #tpu.memory_space<vmem>>)
          tpu.yield
        }) : () -> ()
        "tpu.region"() ({
          %run_scoped3A = tpu.sem_alloc : memref<!tpu.dma_semaphore, #tpu.memory_space<semaphore_mem>>
          %dma_start3A_91 = tpu.memref_slice %arg8[%mul3A_63] : memref<160000xi32, #tpu.memory_space<hbm>> -> memref<640xi32, #tpu.memory_space<hbm>>
          %dma_start3A_92 = tpu.memref_slice %arg8[%mul3A_63] : memref<160000xi32, #tpu.memory_space<hbm>> -> memref<640xi32, #tpu.memory_space<hbm>>
          tpu.enqueue_dma source(%dma_start3A_92 : memref<640xi32, #tpu.memory_space<hbm>>) target(%arg17 : memref<640xi32, #tpu.memory_space<vmem>>) target_semaphore(%run_scoped3A : memref<!tpu.dma_semaphore, #tpu.memory_space<semaphore_mem>>)
          %dma_wait3A_93 = tpu.memref_slice %arg8[%mul3A_63] : memref<160000xi32, #tpu.memory_space<hbm>> -> memref<640xi32, #tpu.memory_space<hbm>>
          %dma_wait3A_94 = tpu.memref_slice %arg8[%mul3A_63] : memref<160000xi32, #tpu.memory_space<hbm>> -> memref<640xi32, #tpu.memory_space<hbm>>
          tpu.wait_dma2 semaphore(%run_scoped3A : memref<!tpu.dma_semaphore, #tpu.memory_space<semaphore_mem>>) src(%dma_wait3A_94 : memref<640xi32, #tpu.memory_space<hbm>>) dst(%arg17 : memref<640xi32, #tpu.memory_space<vmem>>)
          tpu.yield
        }) : () -> ()
        %dma_start3A = arith.constant 0 : i32
        %dma_start3A_64 = arith.constant 0 : i32
        %dma_start3A_65 = tpu.memref_slice %arg4[%dma_start3A, %dma_start3A_64] : memref<10000x16xf32, #tpu.memory_space<hbm>> -> memref<10000x16xf32, #tpu.memory_space<hbm>>
        tpu.enqueue_indirect_dma source(%dma_start3A_65 : memref<10000x16xf32, #tpu.memory_space<hbm>>) target(%arg18 : memref<640x16xf32, #tpu.memory_space<vmem>>) offsets(%arg16 : memref<640xi32, #tpu.memory_space<vmem>>) semaphore(%arg23 : memref<!tpu.dma_semaphore, #tpu.memory_space<semaphore_mem>>)
        %dma_wait3A = arith.constant 0 : i32
        %dma_wait3A_66 = arith.constant 0 : i32
        %dma_wait3A_67 = tpu.memref_slice %arg4[%dma_wait3A, %dma_wait3A_66] : memref<10000x16xf32, #tpu.memory_space<hbm>> -> memref<10000x16xf32, #tpu.memory_space<hbm>>
        tpu.wait_indirect_dma semaphore(%arg23 : memref<!tpu.dma_semaphore, #tpu.memory_space<semaphore_mem>>) src(%dma_wait3A_67 : memref<10000x16xf32, #tpu.memory_space<hbm>>) dst(%arg18 : memref<640x16xf32, #tpu.memory_space<vmem>>)
        %dma_start3A_68 = arith.constant 0 : i32
        %dma_start3A_69 = arith.constant 0 : i32
        %dma_start3A_70 = tpu.memref_slice %arg5[%dma_start3A_68, %dma_start3A_69] : memref<10000x16xf32, #tpu.memory_space<hbm>> -> memref<10000x16xf32, #tpu.memory_space<hbm>>
        tpu.enqueue_indirect_dma source(%dma_start3A_70 : memref<10000x16xf32, #tpu.memory_space<hbm>>) target(%arg19 : memref<640x16xf32, #tpu.memory_space<vmem>>) offsets(%arg17 : memref<640xi32, #tpu.memory_space<vmem>>) semaphore(%arg23 : memref<!tpu.dma_semaphore, #tpu.memory_space<semaphore_mem>>)
        %dma_wait3A_71 = arith.constant 0 : i32
        %dma_wait3A_72 = arith.constant 0 : i32
        %dma_wait3A_73 = tpu.memref_slice %arg5[%dma_wait3A_71, %dma_wait3A_72] : memref<10000x16xf32, #tpu.memory_space<hbm>> -> memref<10000x16xf32, #tpu.memory_space<hbm>>
        tpu.wait_indirect_dma semaphore(%arg23 : memref<!tpu.dma_semaphore, #tpu.memory_space<semaphore_mem>>) src(%dma_wait3A_73 : memref<10000x16xf32, #tpu.memory_space<hbm>>) dst(%arg19 : memref<640x16xf32, #tpu.memory_space<vmem>>)
        %scan3A = arith.constant 0 : i32
        %scan3A_74 = arith.constant 0 : i32
        %scan3A_75 = arith.constant 640 : i32
        %scan3A_76 = arith.addi %scan3A_74, %scan3A_75 : i32
        %scan3A_77 = arith.constant 2 : i32
        scf.for %scan3A_91 = %scan3A_74 to %scan3A_76 step %scan3A_77  : i32 {
          %get3A_92 = arith.index_cast %scan3A_91 : i32 to index
          %get3A_93 = arith.constant 0 : index
          %get3A_94 = tpu.vector_load %arg18[%get3A_92, %get3A_93] {strides = array<i32>} : memref<640x16xf32, #tpu.memory_space<vmem>>, vector<1x16xf32>,
          %get3A_95 = vector.shape_cast %get3A_94 : vector<1x16xf32> to vector<16xf32>
          %get3A_96 = arith.index_cast %scan3A_91 : i32 to index
          %get3A_97 = arith.constant 0 : index
          %get3A_98 = tpu.vector_load %arg19[%get3A_96, %get3A_97] {strides = array<i32>} : memref<640x16xf32, #tpu.memory_space<vmem>>, vector<1x16xf32>,
          %get3A_99 = vector.shape_cast %get3A_98 : vector<1x16xf32> to vector<16xf32>
          %add3A_100 = arith.addf %get3A_95, %get3A_99 : vector<16xf32>
          %ge3A = arith.constant 0.000000e+00 : f32
          %ge3A_101 = vector.broadcast %ge3A : f32 to vector<16xf32>
          %ge3A_102 = arith.cmpf oge, %add3A_100, %ge3A_101 : vector<16xf32>
          %mul3A_103 = arith.constant 2.000000e-01 : f32
          %mul3A_104 = vector.broadcast %mul3A_103 : f32 to vector<16xf32>
          %mul3A_105 = arith.mulf %mul3A_104, %add3A_100 : vector<16xf32>
          %select_n3A_106 = arith.select %ge3A_102, %add3A_100, %mul3A_105 : vector<16xi1>, vector<16xf32>
          %sub3A_107 = arith.subf %select_n3A_106, %get3A_10 : vector<16xf32>
          %exp3A = math.exp %sub3A_107 : vector<16xf32>
          %swap3A = arith.index_cast %scan3A_91 : i32 to index
          %swap3A_108 = arith.constant 0 : index
          %swap3A_109 = tpu.vector_load %arg20[%swap3A, %swap3A_108] {strides = array<i32>} : memref<640x16xf32, #tpu.memory_space<vmem>>, vector<1x16xf32>,
          %swap3A_110 = vector.shape_cast %swap3A_109 : vector<1x16xf32> to vector<16xf32>
          %swap3A_111 = vector.shape_cast %exp3A : vector<16xf32> to vector<1x16xf32>
          tpu.vector_store %arg20[%swap3A, %swap3A_108], %swap3A_111 {strides = array<i32>} : memref<640x16xf32, #tpu.memory_space<vmem>>, vector<1x16xf32>,
          %scan3A_112 = arith.constant 1 : i32
          %scan3A_113 = arith.addi %scan3A_91, %scan3A_112 : i32
          %get3A_114 = arith.index_cast %scan3A_113 : i32 to index
          %get3A_115 = arith.constant 0 : index
          %get3A_116 = tpu.vector_load %arg18[%get3A_114, %get3A_115] {strides = array<i32>} : memref<640x16xf32, #tpu.memory_space<vmem>>, vector<1x16xf32>,
          %get3A_117 = vector.shape_cast %get3A_116 : vector<1x16xf32> to vector<16xf32>
          %get3A_118 = arith.index_cast %scan3A_113 : i32 to index
          %get3A_119 = arith.constant 0 : index
          %get3A_120 = tpu.vector_load %arg19[%get3A_118, %get3A_119] {strides = array<i32>} : memref<640x16xf32, #tpu.memory_space<vmem>>, vector<1x16xf32>,
          %get3A_121 = vector.shape_cast %get3A_120 : vector<1x16xf32> to vector<16xf32>
          %add3A_122 = arith.addf %get3A_117, %get3A_121 : vector<16xf32>
          %ge3A_123 = arith.constant 0.000000e+00 : f32
          %ge3A_124 = vector.broadcast %ge3A_123 : f32 to vector<16xf32>
          %ge3A_125 = arith.cmpf oge, %add3A_122, %ge3A_124 : vector<16xf32>
          %mul3A_126 = arith.constant 2.000000e-01 : f32
          %mul3A_127 = vector.broadcast %mul3A_126 : f32 to vector<16xf32>
          %mul3A_128 = arith.mulf %mul3A_127, %add3A_122 : vector<16xf32>
          %select_n3A_129 = arith.select %ge3A_125, %add3A_122, %mul3A_128 : vector<16xi1>, vector<16xf32>
          %sub3A_130 = arith.subf %select_n3A_129, %get3A_10 : vector<16xf32>
          %exp3A_131 = math.exp %sub3A_130 : vector<16xf32>
          %swap3A_132 = arith.index_cast %scan3A_113 : i32 to index
          %swap3A_133 = arith.constant 0 : index
          %swap3A_134 = tpu.vector_load %arg20[%swap3A_132, %swap3A_133] {strides = array<i32>} : memref<640x16xf32, #tpu.memory_space<vmem>>, vector<1x16xf32>,
          %swap3A_135 = vector.shape_cast %swap3A_134 : vector<1x16xf32> to vector<16xf32>
          %swap3A_136 = vector.shape_cast %exp3A_131 : vector<16xf32> to vector<1x16xf32>
          tpu.vector_store %arg20[%swap3A_132, %swap3A_133], %swap3A_136 {strides = array<i32>} : memref<640x16xf32, #tpu.memory_space<vmem>>, vector<1x16xf32>,
        }
        %scan3A_78 = arith.constant 640 : i32
        %dma_start3A_79 = arith.constant 0 : i32
        %dma_start3A_80 = arith.constant 0 : i32
        %dma_start3A_81 = tpu.memref_slice %arg3[%dma_start3A_79, %dma_start3A_80] : memref<10000x64xf32, #tpu.memory_space<hbm>> -> memref<10000x64xf32, #tpu.memory_space<hbm>>
        tpu.enqueue_indirect_dma source(%dma_start3A_81 : memref<10000x64xf32, #tpu.memory_space<hbm>>) target(%arg21 : memref<640x64xf32, #tpu.memory_space<vmem>>) offsets(%arg16 : memref<640xi32, #tpu.memory_space<vmem>>) semaphore(%arg23 : memref<!tpu.dma_semaphore, #tpu.memory_space<semaphore_mem>>)
        %dma_wait3A_82 = arith.constant 0 : i32
        %dma_wait3A_83 = arith.constant 0 : i32
        %dma_wait3A_84 = tpu.memref_slice %arg3[%dma_wait3A_82, %dma_wait3A_83] : memref<10000x64xf32, #tpu.memory_space<hbm>> -> memref<10000x64xf32, #tpu.memory_space<hbm>>
        tpu.wait_indirect_dma semaphore(%arg23 : memref<!tpu.dma_semaphore, #tpu.memory_space<semaphore_mem>>) src(%dma_wait3A_84 : memref<10000x64xf32, #tpu.memory_space<hbm>>) dst(%arg21 : memref<640x64xf32, #tpu.memory_space<vmem>>)
        %scan3A_85 = arith.constant 0 : i32
        %scan3A_86 = arith.constant 0 : i32
        %scan3A_87 = arith.constant 640 : i32
        %scan3A_88 = arith.addi %scan3A_86, %scan3A_87 : i32
        %scan3A_89 = arith.constant 1 : i32
        scf.for %scan3A_91 = %scan3A_86 to %scan3A_88 step %scan3A_89  : i32 {
          %get3A_92 = arith.index_cast %scan3A_91 : i32 to index
          %get3A_93 = arith.constant 0 : index
          %get3A_94 = tpu.vector_load %arg20[%get3A_92, %get3A_93] {strides = array<i32>} : memref<640x16xf32, #tpu.memory_space<vmem>>, vector<1x16xf32>,
          %get3A_95 = vector.shape_cast %get3A_94 : vector<1x16xf32> to vector<16xf32>
          %get3A_96 = arith.index_cast %scan3A_91 : i32 to index
          %get3A_97 = arith.constant 0 : index
          %get3A_98 = tpu.vector_load %arg21[%get3A_96, %get3A_97] {strides = array<i32>} : memref<640x64xf32, #tpu.memory_space<vmem>>, vector<1x16xf32>,
          %get3A_99 = vector.shape_cast %get3A_98 : vector<1x16xf32> to vector<16xf32>
          %slice3A = vector.extract_strided_slice %get3A_95 {offsets = [2], sizes = [1], strides = [1]} : vector<16xf32> to vector<1xf32>
          %squeeze3A = vector.extract %slice3A[0] : f32 from vector<1xf32>
          %mul3A_100 = vector.broadcast %squeeze3A : f32 to vector<16xf32>
          %mul3A_101 = arith.mulf %get3A_99, %mul3A_100 : vector<16xf32>
          %swap3A = arith.index_cast %scan3A_91 : i32 to index
          %swap3A_102 = arith.constant 0 : index
          %swap3A_103 = tpu.vector_load %arg21[%swap3A, %swap3A_102] {strides = array<i32>} : memref<640x64xf32, #tpu.memory_space<vmem>>, vector<1x16xf32>,
          %swap3A_104 = vector.shape_cast %swap3A_103 : vector<1x16xf32> to vector<16xf32>
          %swap3A_105 = vector.shape_cast %mul3A_101 : vector<16xf32> to vector<1x16xf32>
          tpu.vector_store %arg21[%swap3A, %swap3A_102], %swap3A_105 {strides = array<i32>} : memref<640x64xf32, #tpu.memory_space<vmem>>, vector<1x16xf32>,
          %get3A_106 = arith.index_cast %scan3A_91 : i32 to index
          %get3A_107 = arith.constant 16 : index
          %get3A_108 = tpu.vector_load %arg21[%get3A_106, %get3A_107] {strides = array<i32>} : memref<640x64xf32, #tpu.memory_space<vmem>>, vector<1x16xf32>,
          %get3A_109 = vector.shape_cast %get3A_108 : vector<1x16xf32> to vector<16xf32>
          %slice3A_110 = vector.extract_strided_slice %get3A_95 {offsets = [2], sizes = [1], strides = [1]} : vector<16xf32> to vector<1xf32>
          %squeeze3A_111 = vector.extract %slice3A_110[0] : f32 from vector<1xf32>
          %mul3A_112 = vector.broadcast %squeeze3A_111 : f32 to vector<16xf32>
          %mul3A_113 = arith.mulf %get3A_109, %mul3A_112 : vector<16xf32>
          %swap3A_114 = arith.index_cast %scan3A_91 : i32 to index
          %swap3A_115 = arith.constant 16 : index
          %swap3A_116 = tpu.vector_load %arg21[%swap3A_114, %swap3A_115] {strides = array<i32>} : memref<640x64xf32, #tpu.memory_space<vmem>>, vector<1x16xf32>,
          %swap3A_117 = vector.shape_cast %swap3A_116 : vector<1x16xf32> to vector<16xf32>
          %swap3A_118 = vector.shape_cast %mul3A_113 : vector<16xf32> to vector<1x16xf32>
          tpu.vector_store %arg21[%swap3A_114, %swap3A_115], %swap3A_118 {strides = array<i32>} : memref<640x64xf32, #tpu.memory_space<vmem>>, vector<1x16xf32>,
          %get3A_119 = arith.index_cast %scan3A_91 : i32 to index
          %get3A_120 = arith.constant 32 : index
          %get3A_121 = tpu.vector_load %arg21[%get3A_119, %get3A_120] {strides = array<i32>} : memref<640x64xf32, #tpu.memory_space<vmem>>, vector<1x16xf32>,
          %get3A_122 = vector.shape_cast %get3A_121 : vector<1x16xf32> to vector<16xf32>
          %slice3A_123 = vector.extract_strided_slice %get3A_95 {offsets = [3], sizes = [1], strides = [1]} : vector<16xf32> to vector<1xf32>
          %squeeze3A_124 = vector.extract %slice3A_123[0] : f32 from vector<1xf32>
          %mul3A_125 = vector.broadcast %squeeze3A_124 : f32 to vector<16xf32>
          %mul3A_126 = arith.mulf %get3A_122, %mul3A_125 : vector<16xf32>
          %swap3A_127 = arith.index_cast %scan3A_91 : i32 to index
          %swap3A_128 = arith.constant 32 : index
          %swap3A_129 = tpu.vector_load %arg21[%swap3A_127, %swap3A_128] {strides = array<i32>} : memref<640x64xf32, #tpu.memory_space<vmem>>, vector<1x16xf32>,
          %swap3A_130 = vector.shape_cast %swap3A_129 : vector<1x16xf32> to vector<16xf32>
          %swap3A_131 = vector.shape_cast %mul3A_126 : vector<16xf32> to vector<1x16xf32>
          tpu.vector_store %arg21[%swap3A_127, %swap3A_128], %swap3A_131 {strides = array<i32>} : memref<640x64xf32, #tpu.memory_space<vmem>>, vector<1x16xf32>,
          %get3A_132 = arith.index_cast %scan3A_91 : i32 to index
          %get3A_133 = arith.constant 48 : index
          %get3A_134 = tpu.vector_load %arg21[%get3A_132, %get3A_133] {strides = array<i32>} : memref<640x64xf32, #tpu.memory_space<vmem>>, vector<1x16xf32>,
          %get3A_135 = vector.shape_cast %get3A_134 : vector<1x16xf32> to vector<16xf32>
          %slice3A_136 = vector.extract_strided_slice %get3A_95 {offsets = [3], sizes = [1], strides = [1]} : vector<16xf32> to vector<1xf32>
          %squeeze3A_137 = vector.extract %slice3A_136[0] : f32 from vector<1xf32>
          %mul3A_138 = vector.broadcast %squeeze3A_137 : f32 to vector<16xf32>
          %mul3A_139 = arith.mulf %get3A_135, %mul3A_138 : vector<16xf32>
          %swap3A_140 = arith.index_cast %scan3A_91 : i32 to index
          %swap3A_141 = arith.constant 48 : index
          %swap3A_142 = tpu.vector_load %arg21[%swap3A_140, %swap3A_141] {strides = array<i32>} : memref<640x64xf32, #tpu.memory_space<vmem>>, vector<1x16xf32>,
          %swap3A_143 = vector.shape_cast %swap3A_142 : vector<1x16xf32> to vector<16xf32>
          %swap3A_144 = vector.shape_cast %mul3A_139 : vector<16xf32> to vector<1x16xf32>
          tpu.vector_store %arg21[%swap3A_140, %swap3A_141], %swap3A_144 {strides = array<i32>} : memref<640x64xf32, #tpu.memory_space<vmem>>, vector<1x16xf32>,
        }
        %scan3A_90 = arith.constant 640 : i32
        "tpu.region"() ({
          %run_scoped3A = tpu.sem_alloc : memref<!tpu.dma_semaphore, #tpu.memory_space<semaphore_mem>>
          %dma_start3A_91 = arith.constant 0 : i32
          %dma_start3A_92 = arith.constant 0 : i32
          %dma_start3A_93 = tpu.memref_slice %arg14[%dma_start3A_91, %dma_start3A_92] : memref<10000x64xf32, #tpu.memory_space<vmem_shared>> -> memref<10000x64xf32, #tpu.memory_space<vmem_shared>>
          tpu.enqueue_indirect_dma source(%arg21 : memref<640x64xf32, #tpu.memory_space<vmem>>) target(%dma_start3A_93 : memref<10000x64xf32, #tpu.memory_space<vmem_shared>>) offsets(%arg17 : memref<640xi32, #tpu.memory_space<vmem>>) semaphore(%run_scoped3A : memref<!tpu.dma_semaphore, #tpu.memory_space<semaphore_mem>>) {add = true}
          %dma_wait3A_94 = arith.constant 0 : i32
          %dma_wait3A_95 = arith.constant 0 : i32
          %dma_wait3A_96 = tpu.memref_slice %arg14[%dma_wait3A_94, %dma_wait3A_95] : memref<10000x64xf32, #tpu.memory_space<vmem_shared>> -> memref<10000x64xf32, #tpu.memory_space<vmem_shared>>
          tpu.wait_indirect_dma semaphore(%run_scoped3A : memref<!tpu.dma_semaphore, #tpu.memory_space<semaphore_mem>>) src(%arg21 : memref<640x64xf32, #tpu.memory_space<vmem>>) dst(%dma_wait3A_96 : memref<10000x64xf32, #tpu.memory_space<vmem_shared>>)
          tpu.yield
        }) : () -> ()
      }
      %while3A_58 = arith.constant 1 : i32
      scf.for %while3A_59 = %while3A_56 to %while3A_52 step %while3A_58  : i32 {
        %mul3A = arith.constant 16 : i32
        %mul3A_60 = arith.muli %while3A_59, %mul3A : i32
        %add3A_61 = arith.addi %arg1, %mul3A_60 : i32
        %mul3A_62 = arith.constant 640 : i32
        %mul3A_63 = arith.muli %add3A_61, %mul3A_62 : i32
        "tpu.region"() ({
          %run_scoped3A = tpu.sem_alloc : memref<!tpu.dma_semaphore, #tpu.memory_space<semaphore_mem>>
          %dma_start3A_91 = tpu.memref_slice %arg7[%mul3A_63] : memref<160000xi32, #tpu.memory_space<hbm>> -> memref<640xi32, #tpu.memory_space<hbm>>
          %dma_start3A_92 = tpu.memref_slice %arg7[%mul3A_63] : memref<160000xi32, #tpu.memory_space<hbm>> -> memref<640xi32, #tpu.memory_space<hbm>>
          tpu.enqueue_dma source(%dma_start3A_92 : memref<640xi32, #tpu.memory_space<hbm>>) target(%arg16 : memref<640xi32, #tpu.memory_space<vmem>>) target_semaphore(%run_scoped3A : memref<!tpu.dma_semaphore, #tpu.memory_space<semaphore_mem>>)
          %dma_wait3A_93 = tpu.memref_slice %arg7[%mul3A_63] : memref<160000xi32, #tpu.memory_space<hbm>> -> memref<640xi32, #tpu.memory_space<hbm>>
          %dma_wait3A_94 = tpu.memref_slice %arg7[%mul3A_63] : memref<160000xi32, #tpu.memory_space<hbm>> -> memref<640xi32, #tpu.memory_space<hbm>>
          tpu.wait_dma2 semaphore(%run_scoped3A : memref<!tpu.dma_semaphore, #tpu.memory_space<semaphore_mem>>) src(%dma_wait3A_94 : memref<640xi32, #tpu.memory_space<hbm>>) dst(%arg16 : memref<640xi32, #tpu.memory_space<vmem>>)
          tpu.yield
        }) : () -> ()
        "tpu.region"() ({
          %run_scoped3A = tpu.sem_alloc : memref<!tpu.dma_semaphore, #tpu.memory_space<semaphore_mem>>
          %dma_start3A_91 = tpu.memref_slice %arg8[%mul3A_63] : memref<160000xi32, #tpu.memory_space<hbm>> -> memref<640xi32, #tpu.memory_space<hbm>>
          %dma_start3A_92 = tpu.memref_slice %arg8[%mul3A_63] : memref<160000xi32, #tpu.memory_space<hbm>> -> memref<640xi32, #tpu.memory_space<hbm>>
          tpu.enqueue_dma source(%dma_start3A_92 : memref<640xi32, #tpu.memory_space<hbm>>) target(%arg17 : memref<640xi32, #tpu.memory_space<vmem>>) target_semaphore(%run_scoped3A : memref<!tpu.dma_semaphore, #tpu.memory_space<semaphore_mem>>)
          %dma_wait3A_93 = tpu.memref_slice %arg8[%mul3A_63] : memref<160000xi32, #tpu.memory_space<hbm>> -> memref<640xi32, #tpu.memory_space<hbm>>
          %dma_wait3A_94 = tpu.memref_slice %arg8[%mul3A_63] : memref<160000xi32, #tpu.memory_space<hbm>> -> memref<640xi32, #tpu.memory_space<hbm>>
          tpu.wait_dma2 semaphore(%run_scoped3A : memref<!tpu.dma_semaphore, #tpu.memory_space<semaphore_mem>>) src(%dma_wait3A_94 : memref<640xi32, #tpu.memory_space<hbm>>) dst(%arg17 : memref<640xi32, #tpu.memory_space<vmem>>)
          tpu.yield
        }) : () -> ()
        %dma_start3A = arith.constant 0 : i32
        %dma_start3A_64 = arith.constant 0 : i32
        %dma_start3A_65 = tpu.memref_slice %arg4[%dma_start3A, %dma_start3A_64] : memref<10000x16xf32, #tpu.memory_space<hbm>> -> memref<10000x16xf32, #tpu.memory_space<hbm>>
        tpu.enqueue_indirect_dma source(%dma_start3A_65 : memref<10000x16xf32, #tpu.memory_space<hbm>>) target(%arg18 : memref<640x16xf32, #tpu.memory_space<vmem>>) offsets(%arg16 : memref<640xi32, #tpu.memory_space<vmem>>) semaphore(%arg23 : memref<!tpu.dma_semaphore, #tpu.memory_space<semaphore_mem>>)
        %dma_wait3A = arith.constant 0 : i32
        %dma_wait3A_66 = arith.constant 0 : i32
        %dma_wait3A_67 = tpu.memref_slice %arg4[%dma_wait3A, %dma_wait3A_66] : memref<10000x16xf32, #tpu.memory_space<hbm>> -> memref<10000x16xf32, #tpu.memory_space<hbm>>
        tpu.wait_indirect_dma semaphore(%arg23 : memref<!tpu.dma_semaphore, #tpu.memory_space<semaphore_mem>>) src(%dma_wait3A_67 : memref<10000x16xf32, #tpu.memory_space<hbm>>) dst(%arg18 : memref<640x16xf32, #tpu.memory_space<vmem>>)
        %dma_start3A_68 = arith.constant 0 : i32
        %dma_start3A_69 = arith.constant 0 : i32
        %dma_start3A_70 = tpu.memref_slice %arg5[%dma_start3A_68, %dma_start3A_69] : memref<10000x16xf32, #tpu.memory_space<hbm>> -> memref<10000x16xf32, #tpu.memory_space<hbm>>
        tpu.enqueue_indirect_dma source(%dma_start3A_70 : memref<10000x16xf32, #tpu.memory_space<hbm>>) target(%arg19 : memref<640x16xf32, #tpu.memory_space<vmem>>) offsets(%arg17 : memref<640xi32, #tpu.memory_space<vmem>>) semaphore(%arg23 : memref<!tpu.dma_semaphore, #tpu.memory_space<semaphore_mem>>)
        %dma_wait3A_71 = arith.constant 0 : i32
        %dma_wait3A_72 = arith.constant 0 : i32
        %dma_wait3A_73 = tpu.memref_slice %arg5[%dma_wait3A_71, %dma_wait3A_72] : memref<10000x16xf32, #tpu.memory_space<hbm>> -> memref<10000x16xf32, #tpu.memory_space<hbm>>
        tpu.wait_indirect_dma semaphore(%arg23 : memref<!tpu.dma_semaphore, #tpu.memory_space<semaphore_mem>>) src(%dma_wait3A_73 : memref<10000x16xf32, #tpu.memory_space<hbm>>) dst(%arg19 : memref<640x16xf32, #tpu.memory_space<vmem>>)
        %scan3A = arith.constant 0 : i32
        %scan3A_74 = arith.constant 0 : i32
        %scan3A_75 = arith.constant 640 : i32
        %scan3A_76 = arith.addi %scan3A_74, %scan3A_75 : i32
        %scan3A_77 = arith.constant 2 : i32
        scf.for %scan3A_91 = %scan3A_74 to %scan3A_76 step %scan3A_77  : i32 {
          %get3A_92 = arith.index_cast %scan3A_91 : i32 to index
          %get3A_93 = arith.constant 0 : index
          %get3A_94 = tpu.vector_load %arg18[%get3A_92, %get3A_93] {strides = array<i32>} : memref<640x16xf32, #tpu.memory_space<vmem>>, vector<1x16xf32>,
          %get3A_95 = vector.shape_cast %get3A_94 : vector<1x16xf32> to vector<16xf32>
          %get3A_96 = arith.index_cast %scan3A_91 : i32 to index
          %get3A_97 = arith.constant 0 : index
          %get3A_98 = tpu.vector_load %arg19[%get3A_96, %get3A_97] {strides = array<i32>} : memref<640x16xf32, #tpu.memory_space<vmem>>, vector<1x16xf32>,
          %get3A_99 = vector.shape_cast %get3A_98 : vector<1x16xf32> to vector<16xf32>
          %add3A_100 = arith.addf %get3A_95, %get3A_99 : vector<16xf32>
          %ge3A = arith.constant 0.000000e+00 : f32
          %ge3A_101 = vector.broadcast %ge3A : f32 to vector<16xf32>
          %ge3A_102 = arith.cmpf oge, %add3A_100, %ge3A_101 : vector<16xf32>
          %mul3A_103 = arith.constant 2.000000e-01 : f32
          %mul3A_104 = vector.broadcast %mul3A_103 : f32 to vector<16xf32>
          %mul3A_105 = arith.mulf %mul3A_104, %add3A_100 : vector<16xf32>
          %select_n3A_106 = arith.select %ge3A_102, %add3A_100, %mul3A_105 : vector<16xi1>, vector<16xf32>
          %sub3A_107 = arith.subf %select_n3A_106, %get3A_10 : vector<16xf32>
          %exp3A = math.exp %sub3A_107 : vector<16xf32>
          %swap3A = arith.index_cast %scan3A_91 : i32 to index
          %swap3A_108 = arith.constant 0 : index
          %swap3A_109 = tpu.vector_load %arg20[%swap3A, %swap3A_108] {strides = array<i32>} : memref<640x16xf32, #tpu.memory_space<vmem>>, vector<1x16xf32>,
          %swap3A_110 = vector.shape_cast %swap3A_109 : vector<1x16xf32> to vector<16xf32>
          %swap3A_111 = vector.shape_cast %exp3A : vector<16xf32> to vector<1x16xf32>
          tpu.vector_store %arg20[%swap3A, %swap3A_108], %swap3A_111 {strides = array<i32>} : memref<640x16xf32, #tpu.memory_space<vmem>>, vector<1x16xf32>,
          %scan3A_112 = arith.constant 1 : i32
          %scan3A_113 = arith.addi %scan3A_91, %scan3A_112 : i32
          %get3A_114 = arith.index_cast %scan3A_113 : i32 to index
          %get3A_115 = arith.constant 0 : index
          %get3A_116 = tpu.vector_load %arg18[%get3A_114, %get3A_115] {strides = array<i32>} : memref<640x16xf32, #tpu.memory_space<vmem>>, vector<1x16xf32>,
          %get3A_117 = vector.shape_cast %get3A_116 : vector<1x16xf32> to vector<16xf32>
          %get3A_118 = arith.index_cast %scan3A_113 : i32 to index
          %get3A_119 = arith.constant 0 : index
          %get3A_120 = tpu.vector_load %arg19[%get3A_118, %get3A_119] {strides = array<i32>} : memref<640x16xf32, #tpu.memory_space<vmem>>, vector<1x16xf32>,
          %get3A_121 = vector.shape_cast %get3A_120 : vector<1x16xf32> to vector<16xf32>
          %add3A_122 = arith.addf %get3A_117, %get3A_121 : vector<16xf32>
          %ge3A_123 = arith.constant 0.000000e+00 : f32
          %ge3A_124 = vector.broadcast %ge3A_123 : f32 to vector<16xf32>
          %ge3A_125 = arith.cmpf oge, %add3A_122, %ge3A_124 : vector<16xf32>
          %mul3A_126 = arith.constant 2.000000e-01 : f32
          %mul3A_127 = vector.broadcast %mul3A_126 : f32 to vector<16xf32>
          %mul3A_128 = arith.mulf %mul3A_127, %add3A_122 : vector<16xf32>
          %select_n3A_129 = arith.select %ge3A_125, %add3A_122, %mul3A_128 : vector<16xi1>, vector<16xf32>
          %sub3A_130 = arith.subf %select_n3A_129, %get3A_10 : vector<16xf32>
          %exp3A_131 = math.exp %sub3A_130 : vector<16xf32>
          %swap3A_132 = arith.index_cast %scan3A_113 : i32 to index
          %swap3A_133 = arith.constant 0 : index
          %swap3A_134 = tpu.vector_load %arg20[%swap3A_132, %swap3A_133] {strides = array<i32>} : memref<640x16xf32, #tpu.memory_space<vmem>>, vector<1x16xf32>,
          %swap3A_135 = vector.shape_cast %swap3A_134 : vector<1x16xf32> to vector<16xf32>
          %swap3A_136 = vector.shape_cast %exp3A_131 : vector<16xf32> to vector<1x16xf32>
          tpu.vector_store %arg20[%swap3A_132, %swap3A_133], %swap3A_136 {strides = array<i32>} : memref<640x16xf32, #tpu.memory_space<vmem>>, vector<1x16xf32>,
        }
        %scan3A_78 = arith.constant 640 : i32
        %dma_start3A_79 = arith.constant 0 : i32
        %dma_start3A_80 = arith.constant 0 : i32
        %dma_start3A_81 = tpu.memref_slice %arg3[%dma_start3A_79, %dma_start3A_80] : memref<10000x64xf32, #tpu.memory_space<hbm>> -> memref<10000x64xf32, #tpu.memory_space<hbm>>
        tpu.enqueue_indirect_dma source(%dma_start3A_81 : memref<10000x64xf32, #tpu.memory_space<hbm>>) target(%arg21 : memref<640x64xf32, #tpu.memory_space<vmem>>) offsets(%arg16 : memref<640xi32, #tpu.memory_space<vmem>>) semaphore(%arg23 : memref<!tpu.dma_semaphore, #tpu.memory_space<semaphore_mem>>)
        %dma_wait3A_82 = arith.constant 0 : i32
        %dma_wait3A_83 = arith.constant 0 : i32
        %dma_wait3A_84 = tpu.memref_slice %arg3[%dma_wait3A_82, %dma_wait3A_83] : memref<10000x64xf32, #tpu.memory_space<hbm>> -> memref<10000x64xf32, #tpu.memory_space<hbm>>
        tpu.wait_indirect_dma semaphore(%arg23 : memref<!tpu.dma_semaphore, #tpu.memory_space<semaphore_mem>>) src(%dma_wait3A_84 : memref<10000x64xf32, #tpu.memory_space<hbm>>) dst(%arg21 : memref<640x64xf32, #tpu.memory_space<vmem>>)
        %scan3A_85 = arith.constant 0 : i32
        %scan3A_86 = arith.constant 0 : i32
        %scan3A_87 = arith.constant 640 : i32
        %scan3A_88 = arith.addi %scan3A_86, %scan3A_87 : i32
        %scan3A_89 = arith.constant 1 : i32
        scf.for %scan3A_91 = %scan3A_86 to %scan3A_88 step %scan3A_89  : i32 {
          %get3A_92 = arith.index_cast %scan3A_91 : i32 to index
          %get3A_93 = arith.constant 0 : index
          %get3A_94 = tpu.vector_load %arg20[%get3A_92, %get3A_93] {strides = array<i32>} : memref<640x16xf32, #tpu.memory_space<vmem>>, vector<1x16xf32>,
          %get3A_95 = vector.shape_cast %get3A_94 : vector<1x16xf32> to vector<16xf32>
          %get3A_96 = arith.index_cast %scan3A_91 : i32 to index
          %get3A_97 = arith.constant 0 : index
          %get3A_98 = tpu.vector_load %arg21[%get3A_96, %get3A_97] {strides = array<i32>} : memref<640x64xf32, #tpu.memory_space<vmem>>, vector<1x16xf32>,
          %get3A_99 = vector.shape_cast %get3A_98 : vector<1x16xf32> to vector<16xf32>
          %slice3A = vector.extract_strided_slice %get3A_95 {offsets = [2], sizes = [1], strides = [1]} : vector<16xf32> to vector<1xf32>
          %squeeze3A = vector.extract %slice3A[0] : f32 from vector<1xf32>
          %mul3A_100 = vector.broadcast %squeeze3A : f32 to vector<16xf32>
          %mul3A_101 = arith.mulf %get3A_99, %mul3A_100 : vector<16xf32>
          %swap3A = arith.index_cast %scan3A_91 : i32 to index
          %swap3A_102 = arith.constant 0 : index
          %swap3A_103 = tpu.vector_load %arg21[%swap3A, %swap3A_102] {strides = array<i32>} : memref<640x64xf32, #tpu.memory_space<vmem>>, vector<1x16xf32>,
          %swap3A_104 = vector.shape_cast %swap3A_103 : vector<1x16xf32> to vector<16xf32>
          %swap3A_105 = vector.shape_cast %mul3A_101 : vector<16xf32> to vector<1x16xf32>
          tpu.vector_store %arg21[%swap3A, %swap3A_102], %swap3A_105 {strides = array<i32>} : memref<640x64xf32, #tpu.memory_space<vmem>>, vector<1x16xf32>,
          %get3A_106 = arith.index_cast %scan3A_91 : i32 to index
          %get3A_107 = arith.constant 16 : index
          %get3A_108 = tpu.vector_load %arg21[%get3A_106, %get3A_107] {strides = array<i32>} : memref<640x64xf32, #tpu.memory_space<vmem>>, vector<1x16xf32>,
          %get3A_109 = vector.shape_cast %get3A_108 : vector<1x16xf32> to vector<16xf32>
          %slice3A_110 = vector.extract_strided_slice %get3A_95 {offsets = [2], sizes = [1], strides = [1]} : vector<16xf32> to vector<1xf32>
          %squeeze3A_111 = vector.extract %slice3A_110[0] : f32 from vector<1xf32>
          %mul3A_112 = vector.broadcast %squeeze3A_111 : f32 to vector<16xf32>
          %mul3A_113 = arith.mulf %get3A_109, %mul3A_112 : vector<16xf32>
          %swap3A_114 = arith.index_cast %scan3A_91 : i32 to index
          %swap3A_115 = arith.constant 16 : index
          %swap3A_116 = tpu.vector_load %arg21[%swap3A_114, %swap3A_115] {strides = array<i32>} : memref<640x64xf32, #tpu.memory_space<vmem>>, vector<1x16xf32>,
          %swap3A_117 = vector.shape_cast %swap3A_116 : vector<1x16xf32> to vector<16xf32>
          %swap3A_118 = vector.shape_cast %mul3A_113 : vector<16xf32> to vector<1x16xf32>
          tpu.vector_store %arg21[%swap3A_114, %swap3A_115], %swap3A_118 {strides = array<i32>} : memref<640x64xf32, #tpu.memory_space<vmem>>, vector<1x16xf32>,
          %get3A_119 = arith.index_cast %scan3A_91 : i32 to index
          %get3A_120 = arith.constant 32 : index
          %get3A_121 = tpu.vector_load %arg21[%get3A_119, %get3A_120] {strides = array<i32>} : memref<640x64xf32, #tpu.memory_space<vmem>>, vector<1x16xf32>,
          %get3A_122 = vector.shape_cast %get3A_121 : vector<1x16xf32> to vector<16xf32>
          %slice3A_123 = vector.extract_strided_slice %get3A_95 {offsets = [3], sizes = [1], strides = [1]} : vector<16xf32> to vector<1xf32>
          %squeeze3A_124 = vector.extract %slice3A_123[0] : f32 from vector<1xf32>
          %mul3A_125 = vector.broadcast %squeeze3A_124 : f32 to vector<16xf32>
          %mul3A_126 = arith.mulf %get3A_122, %mul3A_125 : vector<16xf32>
          %swap3A_127 = arith.index_cast %scan3A_91 : i32 to index
          %swap3A_128 = arith.constant 32 : index
          %swap3A_129 = tpu.vector_load %arg21[%swap3A_127, %swap3A_128] {strides = array<i32>} : memref<640x64xf32, #tpu.memory_space<vmem>>, vector<1x16xf32>,
          %swap3A_130 = vector.shape_cast %swap3A_129 : vector<1x16xf32> to vector<16xf32>
          %swap3A_131 = vector.shape_cast %mul3A_126 : vector<16xf32> to vector<1x16xf32>
          tpu.vector_store %arg21[%swap3A_127, %swap3A_128], %swap3A_131 {strides = array<i32>} : memref<640x64xf32, #tpu.memory_space<vmem>>, vector<1x16xf32>,
          %get3A_132 = arith.index_cast %scan3A_91 : i32 to index
          %get3A_133 = arith.constant 48 : index
          %get3A_134 = tpu.vector_load %arg21[%get3A_132, %get3A_133] {strides = array<i32>} : memref<640x64xf32, #tpu.memory_space<vmem>>, vector<1x16xf32>,
          %get3A_135 = vector.shape_cast %get3A_134 : vector<1x16xf32> to vector<16xf32>
          %slice3A_136 = vector.extract_strided_slice %get3A_95 {offsets = [3], sizes = [1], strides = [1]} : vector<16xf32> to vector<1xf32>
          %squeeze3A_137 = vector.extract %slice3A_136[0] : f32 from vector<1xf32>
          %mul3A_138 = vector.broadcast %squeeze3A_137 : f32 to vector<16xf32>
          %mul3A_139 = arith.mulf %get3A_135, %mul3A_138 : vector<16xf32>
          %swap3A_140 = arith.index_cast %scan3A_91 : i32 to index
          %swap3A_141 = arith.constant 48 : index
          %swap3A_142 = tpu.vector_load %arg21[%swap3A_140, %swap3A_141] {strides = array<i32>} : memref<640x64xf32, #tpu.memory_space<vmem>>, vector<1x16xf32>,
          %swap3A_143 = vector.shape_cast %swap3A_142 : vector<1x16xf32> to vector<16xf32>
          %swap3A_144 = vector.shape_cast %mul3A_139 : vector<16xf32> to vector<1x16xf32>
          tpu.vector_store %arg21[%swap3A_140, %swap3A_141], %swap3A_144 {strides = array<i32>} : memref<640x64xf32, #tpu.memory_space<vmem>>, vector<1x16xf32>,
        }
        %scan3A_90 = arith.constant 640 : i32
        "tpu.region"() ({
          %run_scoped3A = tpu.sem_alloc : memref<!tpu.dma_semaphore, #tpu.memory_space<semaphore_mem>>
          %dma_start3A_91 = arith.constant 0 : i32
          %dma_start3A_92 = arith.constant 0 : i32
          %dma_start3A_93 = tpu.memref_slice %arg14[%dma_start3A_91, %dma_start3A_92] : memref<10000x64xf32, #tpu.memory_space<vmem_shared>> -> memref<10000x64xf32, #tpu.memory_space<vmem_shared>>
          tpu.enqueue_indirect_dma source(%arg21 : memref<640x64xf32, #tpu.memory_space<vmem>>) target(%dma_start3A_93 : memref<10000x64xf32, #tpu.memory_space<vmem_shared>>) offsets(%arg17 : memref<640xi32, #tpu.memory_space<vmem>>) semaphore(%run_scoped3A : memref<!tpu.dma_semaphore, #tpu.memory_space<semaphore_mem>>) {add = true}
          %dma_wait3A_94 = arith.constant 0 : i32
          %dma_wait3A_95 = arith.constant 0 : i32
          %dma_wait3A_96 = tpu.memref_slice %arg14[%dma_wait3A_94, %dma_wait3A_95] : memref<10000x64xf32, #tpu.memory_space<vmem_shared>> -> memref<10000x64xf32, #tpu.memory_space<vmem_shared>>
          tpu.wait_indirect_dma semaphore(%run_scoped3A : memref<!tpu.dma_semaphore, #tpu.memory_space<semaphore_mem>>) src(%arg21 : memref<640x64xf32, #tpu.memory_space<vmem>>) dst(%dma_wait3A_96 : memref<10000x64xf32, #tpu.memory_space<vmem_shared>>)
          tpu.yield
        }) : () -> ()
      }
    } else {
    }
    %barrier3A_40 = arith.constant 0 : index
    tpu.barrier barrier_id(%barrier3A_40)
    %lt3A = arith.constant 15 : i32
    %lt3A_41 = arith.cmpi slt, %arg1, %lt3A : i32
    %convert_element_type3A_42 = arith.extui %lt3A_41 : i1 to i32
    %cond3A_43 = arith.constant 0 : i32
    %cond3A_44 = arith.cmpi ne, %convert_element_type3A_42, %cond3A_43 : i32
    scf.if %cond3A_44 {
      %mul3A = arith.constant 640 : i32
      %mul3A_50 = arith.muli %arg1, %mul3A : i32
      "tpu.region"() ({
        %run_scoped3A = tpu.sem_alloc : memref<!tpu.dma_semaphore, #tpu.memory_space<semaphore_mem>>
        %dma_start3A = arith.constant 0 : i32
        %dma_start3A_56 = arith.constant 0 : i32
        %dma_start3A_57 = tpu.memref_slice %arg21[%dma_start3A, %dma_start3A_56] : memref<640x64xf32, #tpu.memory_space<vmem>> -> memref<640x64xf32, #tpu.memory_space<vmem>>
        %dma_start3A_58 = arith.constant 0 : i32
        %dma_start3A_59 = tpu.memref_slice %arg14[%mul3A_50, %dma_start3A_58] : memref<10000x64xf32, #tpu.memory_space<vmem_shared>> -> memref<640x64xf32, #tpu.memory_space<vmem_shared>>
        %dma_start3A_60 = arith.constant 0 : i32
        %dma_start3A_61 = arith.constant 0 : i32
        %dma_start3A_62 = tpu.memref_slice %arg21[%dma_start3A_60, %dma_start3A_61] : memref<640x64xf32, #tpu.memory_space<vmem>> -> memref<640x64xf32, #tpu.memory_space<vmem>>
        %dma_start3A_63 = arith.constant 0 : i32
        %dma_start3A_64 = tpu.memref_slice %arg14[%mul3A_50, %dma_start3A_63] : memref<10000x64xf32, #tpu.memory_space<vmem_shared>> -> memref<640x64xf32, #tpu.memory_space<vmem_shared>>
        tpu.enqueue_dma source(%dma_start3A_64 : memref<640x64xf32, #tpu.memory_space<vmem_shared>>) target(%dma_start3A_62 : memref<640x64xf32, #tpu.memory_space<vmem>>) target_semaphore(%run_scoped3A : memref<!tpu.dma_semaphore, #tpu.memory_space<semaphore_mem>>)
        %dma_wait3A = arith.constant 0 : i32
        %dma_wait3A_65 = arith.constant 0 : i32
        %dma_wait3A_66 = tpu.memref_slice %arg21[%dma_wait3A, %dma_wait3A_65] : memref<640x64xf32, #tpu.memory_space<vmem>> -> memref<640x64xf32, #tpu.memory_space<vmem>>
        %dma_wait3A_67 = arith.constant 0 : i32
        %dma_wait3A_68 = tpu.memref_slice %arg14[%mul3A_50, %dma_wait3A_67] : memref<10000x64xf32, #tpu.memory_space<vmem_shared>> -> memref<640x64xf32, #tpu.memory_space<vmem_shared>>
        %dma_wait3A_69 = arith.constant 0 : i32
        %dma_wait3A_70 = arith.constant 0 : i32
        %dma_wait3A_71 = tpu.memref_slice %arg21[%dma_wait3A_69, %dma_wait3A_70] : memref<640x64xf32, #tpu.memory_space<vmem>> -> memref<640x64xf32, #tpu.memory_space<vmem>>
        %dma_wait3A_72 = arith.constant 0 : i32
        %dma_wait3A_73 = tpu.memref_slice %arg14[%mul3A_50, %dma_wait3A_72] : memref<10000x64xf32, #tpu.memory_space<vmem_shared>> -> memref<640x64xf32, #tpu.memory_space<vmem_shared>>
        tpu.wait_dma2 semaphore(%run_scoped3A : memref<!tpu.dma_semaphore, #tpu.memory_space<semaphore_mem>>) src(%dma_wait3A_73 : memref<640x64xf32, #tpu.memory_space<vmem_shared>>) dst(%dma_wait3A_71 : memref<640x64xf32, #tpu.memory_space<vmem>>)
        tpu.yield
      }) : () -> ()
      "tpu.region"() ({
        %run_scoped3A = tpu.sem_alloc : memref<!tpu.dma_semaphore, #tpu.memory_space<semaphore_mem>>
        %dma_start3A = arith.constant 0 : i32
        %dma_start3A_56 = arith.constant 0 : i32
        %dma_start3A_57 = tpu.memref_slice %arg21[%dma_start3A, %dma_start3A_56] : memref<640x64xf32, #tpu.memory_space<vmem>> -> memref<640x64xf32, #tpu.memory_space<vmem>>
        %dma_start3A_58 = arith.constant 0 : i32
        %dma_start3A_59 = tpu.memref_slice %arg12[%arg0, %mul3A_50, %dma_start3A_58] : memref<2x10000x64xf32, #tpu.memory_space<hbm>> -> memref<1x640x64xf32, #tpu.memory_space<hbm>>
        %dma_start3A_60 = tpu.memref_squeeze %dma_start3A_59 : memref<1x640x64xf32, #tpu.memory_space<hbm>> -> memref<640x64xf32, #tpu.memory_space<hbm>>
        %dma_start3A_61 = arith.constant 0 : i32
        %dma_start3A_62 = tpu.memref_slice %arg12[%arg0, %mul3A_50, %dma_start3A_61] : memref<2x10000x64xf32, #tpu.memory_space<hbm>> -> memref<1x640x64xf32, #tpu.memory_space<hbm>>
        %dma_start3A_63 = tpu.memref_squeeze %dma_start3A_62 : memref<1x640x64xf32, #tpu.memory_space<hbm>> -> memref<640x64xf32, #tpu.memory_space<hbm>>
        %dma_start3A_64 = arith.constant 0 : i32
        %dma_start3A_65 = arith.constant 0 : i32
        %dma_start3A_66 = tpu.memref_slice %arg21[%dma_start3A_64, %dma_start3A_65] : memref<640x64xf32, #tpu.memory_space<vmem>> -> memref<640x64xf32, #tpu.memory_space<vmem>>
        tpu.enqueue_dma source(%dma_start3A_66 : memref<640x64xf32, #tpu.memory_space<vmem>>) target(%dma_start3A_63 : memref<640x64xf32, #tpu.memory_space<hbm>>) target_semaphore(%run_scoped3A : memref<!tpu.dma_semaphore, #tpu.memory_space<semaphore_mem>>)
        %dma_wait3A = arith.constant 0 : i32
        %dma_wait3A_67 = arith.constant 0 : i32
        %dma_wait3A_68 = tpu.memref_slice %arg21[%dma_wait3A, %dma_wait3A_67] : memref<640x64xf32, #tpu.memory_space<vmem>> -> memref<640x64xf32, #tpu.memory_space<vmem>>
        %dma_wait3A_69 = arith.constant 0 : i32
        %dma_wait3A_70 = tpu.memref_slice %arg12[%arg0, %mul3A_50, %dma_wait3A_69] : memref<2x10000x64xf32, #tpu.memory_space<hbm>> -> memref<1x640x64xf32, #tpu.memory_space<hbm>>
        %dma_wait3A_71 = tpu.memref_squeeze %dma_wait3A_70 : memref<1x640x64xf32, #tpu.memory_space<hbm>> -> memref<640x64xf32, #tpu.memory_space<hbm>>
        %dma_wait3A_72 = arith.constant 0 : i32
        %dma_wait3A_73 = tpu.memref_slice %arg12[%arg0, %mul3A_50, %dma_wait3A_72] : memref<2x10000x64xf32, #tpu.memory_space<hbm>> -> memref<1x640x64xf32, #tpu.memory_space<hbm>>
        %dma_wait3A_74 = tpu.memref_squeeze %dma_wait3A_73 : memref<1x640x64xf32, #tpu.memory_space<hbm>> -> memref<640x64xf32, #tpu.memory_space<hbm>>
        %dma_wait3A_75 = arith.constant 0 : i32
        %dma_wait3A_76 = arith.constant 0 : i32
        %dma_wait3A_77 = tpu.memref_slice %arg21[%dma_wait3A_75, %dma_wait3A_76] : memref<640x64xf32, #tpu.memory_space<vmem>> -> memref<640x64xf32, #tpu.memory_space<vmem>>
        tpu.wait_dma2 semaphore(%run_scoped3A : memref<!tpu.dma_semaphore, #tpu.memory_space<semaphore_mem>>) src(%dma_wait3A_77 : memref<640x64xf32, #tpu.memory_space<vmem>>) dst(%dma_wait3A_74 : memref<640x64xf32, #tpu.memory_space<hbm>>)
        tpu.yield
      }) : () -> ()
      %eq3A_51 = arith.constant 0 : i32
      %eq3A_52 = arith.cmpi eq, %arg0, %eq3A_51 : i32
      %convert_element_type3A_53 = arith.extui %eq3A_52 : i1 to i32
      %cond3A_54 = arith.constant 0 : i32
      %cond3A_55 = arith.cmpi ne, %convert_element_type3A_53, %cond3A_54 : i32
      scf.if %cond3A_55 {
        "tpu.region"() ({
          %run_scoped3A_56 = tpu.sem_alloc : memref<!tpu.dma_semaphore, #tpu.memory_space<semaphore_mem>>
          %dma_start3A = arith.constant 0 : i32
          %dma_start3A_57 = arith.constant 0 : i32
          %dma_start3A_58 = tpu.memref_slice %arg18[%dma_start3A, %dma_start3A_57] : memref<640x16xf32, #tpu.memory_space<vmem>> -> memref<640x16xf32, #tpu.memory_space<vmem>>
          %dma_start3A_59 = arith.constant 0 : i32
          %dma_start3A_60 = tpu.memref_slice %arg15[%mul3A_50, %dma_start3A_59] : memref<10000x16xf32, #tpu.memory_space<vmem_shared>> -> memref<640x16xf32, #tpu.memory_space<vmem_shared>>
          %dma_start3A_61 = arith.constant 0 : i32
          %dma_start3A_62 = arith.constant 0 : i32
          %dma_start3A_63 = tpu.memref_slice %arg18[%dma_start3A_61, %dma_start3A_62] : memref<640x16xf32, #tpu.memory_space<vmem>> -> memref<640x16xf32, #tpu.memory_space<vmem>>
          %dma_start3A_64 = arith.constant 0 : i32
          %dma_start3A_65 = tpu.memref_slice %arg15[%mul3A_50, %dma_start3A_64] : memref<10000x16xf32, #tpu.memory_space<vmem_shared>> -> memref<640x16xf32, #tpu.memory_space<vmem_shared>>
          tpu.enqueue_dma source(%dma_start3A_65 : memref<640x16xf32, #tpu.memory_space<vmem_shared>>) target(%dma_start3A_63 : memref<640x16xf32, #tpu.memory_space<vmem>>) target_semaphore(%run_scoped3A_56 : memref<!tpu.dma_semaphore, #tpu.memory_space<semaphore_mem>>)
          %dma_wait3A = arith.constant 0 : i32
          %dma_wait3A_66 = arith.constant 0 : i32
          %dma_wait3A_67 = tpu.memref_slice %arg18[%dma_wait3A, %dma_wait3A_66] : memref<640x16xf32, #tpu.memory_space<vmem>> -> memref<640x16xf32, #tpu.memory_space<vmem>>
          %dma_wait3A_68 = arith.constant 0 : i32
          %dma_wait3A_69 = tpu.memref_slice %arg15[%mul3A_50, %dma_wait3A_68] : memref<10000x16xf32, #tpu.memory_space<vmem_shared>> -> memref<640x16xf32, #tpu.memory_space<vmem_shared>>
          %dma_wait3A_70 = arith.constant 0 : i32
          %dma_wait3A_71 = arith.constant 0 : i32
          %dma_wait3A_72 = tpu.memref_slice %arg18[%dma_wait3A_70, %dma_wait3A_71] : memref<640x16xf32, #tpu.memory_space<vmem>> -> memref<640x16xf32, #tpu.memory_space<vmem>>
          %dma_wait3A_73 = arith.constant 0 : i32
          %dma_wait3A_74 = tpu.memref_slice %arg15[%mul3A_50, %dma_wait3A_73] : memref<10000x16xf32, #tpu.memory_space<vmem_shared>> -> memref<640x16xf32, #tpu.memory_space<vmem_shared>>
          tpu.wait_dma2 semaphore(%run_scoped3A_56 : memref<!tpu.dma_semaphore, #tpu.memory_space<semaphore_mem>>) src(%dma_wait3A_74 : memref<640x16xf32, #tpu.memory_space<vmem_shared>>) dst(%dma_wait3A_72 : memref<640x16xf32, #tpu.memory_space<vmem>>)
          tpu.yield
        }) : () -> ()
        %run_scoped3A = arith.constant 0 : i32
        "tpu.region"() ({
          %run_scoped3A_56 = tpu.sem_alloc : memref<!tpu.dma_semaphore, #tpu.memory_space<semaphore_mem>>
          %dma_start3A = arith.constant 0 : i32
          %dma_start3A_57 = arith.constant 0 : i32
          %dma_start3A_58 = tpu.memref_slice %arg18[%dma_start3A, %dma_start3A_57] : memref<640x16xf32, #tpu.memory_space<vmem>> -> memref<640x16xf32, #tpu.memory_space<vmem>>
          %dma_start3A_59 = arith.constant 0 : i32
          %dma_start3A_60 = tpu.memref_slice %arg13[%run_scoped3A, %mul3A_50, %dma_start3A_59] : memref<1x10000x16xf32, #tpu.memory_space<hbm>> -> memref<1x640x16xf32, #tpu.memory_space<hbm>>
          %dma_start3A_61 = tpu.memref_squeeze %dma_start3A_60 : memref<1x640x16xf32, #tpu.memory_space<hbm>> -> memref<640x16xf32, #tpu.memory_space<hbm>>
          %dma_start3A_62 = arith.constant 0 : i32
          %dma_start3A_63 = tpu.memref_slice %arg13[%run_scoped3A, %mul3A_50, %dma_start3A_62] : memref<1x10000x16xf32, #tpu.memory_space<hbm>> -> memref<1x640x16xf32, #tpu.memory_space<hbm>>
          %dma_start3A_64 = tpu.memref_squeeze %dma_start3A_63 : memref<1x640x16xf32, #tpu.memory_space<hbm>> -> memref<640x16xf32, #tpu.memory_space<hbm>>
          %dma_start3A_65 = arith.constant 0 : i32
          %dma_start3A_66 = arith.constant 0 : i32
          %dma_start3A_67 = tpu.memref_slice %arg18[%dma_start3A_65, %dma_start3A_66] : memref<640x16xf32, #tpu.memory_space<vmem>> -> memref<640x16xf32, #tpu.memory_space<vmem>>
          tpu.enqueue_dma source(%dma_start3A_67 : memref<640x16xf32, #tpu.memory_space<vmem>>) target(%dma_start3A_64 : memref<640x16xf32, #tpu.memory_space<hbm>>) target_semaphore(%run_scoped3A_56 : memref<!tpu.dma_semaphore, #tpu.memory_space<semaphore_mem>>)
          %dma_wait3A = arith.constant 0 : i32
          %dma_wait3A_68 = arith.constant 0 : i32
          %dma_wait3A_69 = tpu.memref_slice %arg18[%dma_wait3A, %dma_wait3A_68] : memref<640x16xf32, #tpu.memory_space<vmem>> -> memref<640x16xf32, #tpu.memory_space<vmem>>
          %dma_wait3A_70 = arith.constant 0 : i32
          %dma_wait3A_71 = tpu.memref_slice %arg13[%run_scoped3A, %mul3A_50, %dma_wait3A_70] : memref<1x10000x16xf32, #tpu.memory_space<hbm>> -> memref<1x640x16xf32, #tpu.memory_space<hbm>>
          %dma_wait3A_72 = tpu.memref_squeeze %dma_wait3A_71 : memref<1x640x16xf32, #tpu.memory_space<hbm>> -> memref<640x16xf32, #tpu.memory_space<hbm>>
          %dma_wait3A_73 = arith.constant 0 : i32
          %dma_wait3A_74 = tpu.memref_slice %arg13[%run_scoped3A, %mul3A_50, %dma_wait3A_73] : memref<1x10000x16xf32, #tpu.memory_space<hbm>> -> memref<1x640x16xf32, #tpu.memory_space<hbm>>
          %dma_wait3A_75 = tpu.memref_squeeze %dma_wait3A_74 : memref<1x640x16xf32, #tpu.memory_space<hbm>> -> memref<640x16xf32, #tpu.memory_space<hbm>>
          %dma_wait3A_76 = arith.constant 0 : i32
          %dma_wait3A_77 = arith.constant 0 : i32
          %dma_wait3A_78 = tpu.memref_slice %arg18[%dma_wait3A_76, %dma_wait3A_77] : memref<640x16xf32, #tpu.memory_space<vmem>> -> memref<640x16xf32, #tpu.memory_space<vmem>>
          tpu.wait_dma2 semaphore(%run_scoped3A_56 : memref<!tpu.dma_semaphore, #tpu.memory_space<semaphore_mem>>) src(%dma_wait3A_78 : memref<640x16xf32, #tpu.memory_space<vmem>>) dst(%dma_wait3A_75 : memref<640x16xf32, #tpu.memory_space<hbm>>)
          tpu.yield
        }) : () -> ()
      } else {
      }
    } else {
    }
    %eq3A_45 = arith.constant 15 : i32
    %eq3A_46 = arith.cmpi eq, %arg1, %eq3A_45 : i32
    %convert_element_type3A_47 = arith.extui %eq3A_46 : i1 to i32
    %cond3A_48 = arith.constant 0 : i32
    %cond3A_49 = arith.cmpi ne, %convert_element_type3A_47, %cond3A_48 : i32
    scf.if %cond3A_49 {
      "tpu.region"() ({
        %run_scoped3A = tpu.sem_alloc : memref<!tpu.dma_semaphore, #tpu.memory_space<semaphore_mem>>
        %dma_start3A = arith.constant 0 : i32
        %dma_start3A_55 = arith.constant 0 : i32
        %dma_start3A_56 = tpu.memref_slice %arg21[%dma_start3A, %dma_start3A_55] : memref<640x64xf32, #tpu.memory_space<vmem>> -> memref<400x64xf32, #tpu.memory_space<vmem>>
        %dma_start3A_57 = arith.constant 9600 : i32
        %dma_start3A_58 = arith.constant 0 : i32
        %dma_start3A_59 = tpu.memref_slice %arg14[%dma_start3A_57, %dma_start3A_58] : memref<10000x64xf32, #tpu.memory_space<vmem_shared>> -> memref<400x64xf32, #tpu.memory_space<vmem_shared>>
        %dma_start3A_60 = arith.constant 0 : i32
        %dma_start3A_61 = arith.constant 0 : i32
        %dma_start3A_62 = tpu.memref_slice %arg21[%dma_start3A_60, %dma_start3A_61] : memref<640x64xf32, #tpu.memory_space<vmem>> -> memref<400x64xf32, #tpu.memory_space<vmem>>
        %dma_start3A_63 = arith.constant 9600 : i32
        %dma_start3A_64 = arith.constant 0 : i32
        %dma_start3A_65 = tpu.memref_slice %arg14[%dma_start3A_63, %dma_start3A_64] : memref<10000x64xf32, #tpu.memory_space<vmem_shared>> -> memref<400x64xf32, #tpu.memory_space<vmem_shared>>
        tpu.enqueue_dma source(%dma_start3A_65 : memref<400x64xf32, #tpu.memory_space<vmem_shared>>) target(%dma_start3A_62 : memref<400x64xf32, #tpu.memory_space<vmem>>) target_semaphore(%run_scoped3A : memref<!tpu.dma_semaphore, #tpu.memory_space<semaphore_mem>>)
        %dma_wait3A = arith.constant 0 : i32
        %dma_wait3A_66 = arith.constant 0 : i32
        %dma_wait3A_67 = tpu.memref_slice %arg21[%dma_wait3A, %dma_wait3A_66] : memref<640x64xf32, #tpu.memory_space<vmem>> -> memref<400x64xf32, #tpu.memory_space<vmem>>
        %dma_wait3A_68 = arith.constant 9600 : i32
        %dma_wait3A_69 = arith.constant 0 : i32
        %dma_wait3A_70 = tpu.memref_slice %arg14[%dma_wait3A_68, %dma_wait3A_69] : memref<10000x64xf32, #tpu.memory_space<vmem_shared>> -> memref<400x64xf32, #tpu.memory_space<vmem_shared>>
        %dma_wait3A_71 = arith.constant 0 : i32
        %dma_wait3A_72 = arith.constant 0 : i32
        %dma_wait3A_73 = tpu.memref_slice %arg21[%dma_wait3A_71, %dma_wait3A_72] : memref<640x64xf32, #tpu.memory_space<vmem>> -> memref<400x64xf32, #tpu.memory_space<vmem>>
        %dma_wait3A_74 = arith.constant 9600 : i32
        %dma_wait3A_75 = arith.constant 0 : i32
        %dma_wait3A_76 = tpu.memref_slice %arg14[%dma_wait3A_74, %dma_wait3A_75] : memref<10000x64xf32, #tpu.memory_space<vmem_shared>> -> memref<400x64xf32, #tpu.memory_space<vmem_shared>>
        tpu.wait_dma2 semaphore(%run_scoped3A : memref<!tpu.dma_semaphore, #tpu.memory_space<semaphore_mem>>) src(%dma_wait3A_76 : memref<400x64xf32, #tpu.memory_space<vmem_shared>>) dst(%dma_wait3A_73 : memref<400x64xf32, #tpu.memory_space<vmem>>)
        tpu.yield
      }) : () -> ()
      "tpu.region"() ({
        %run_scoped3A = tpu.sem_alloc : memref<!tpu.dma_semaphore, #tpu.memory_space<semaphore_mem>>
        %dma_start3A = arith.constant 0 : i32
        %dma_start3A_55 = arith.constant 0 : i32
        %dma_start3A_56 = tpu.memref_slice %arg21[%dma_start3A, %dma_start3A_55] : memref<640x64xf32, #tpu.memory_space<vmem>> -> memref<400x64xf32, #tpu.memory_space<vmem>>
        %dma_start3A_57 = arith.constant 9600 : i32
        %dma_start3A_58 = arith.constant 0 : i32
        %dma_start3A_59 = tpu.memref_slice %arg12[%arg0, %dma_start3A_57, %dma_start3A_58] : memref<2x10000x64xf32, #tpu.memory_space<hbm>> -> memref<1x400x64xf32, #tpu.memory_space<hbm>>
        %dma_start3A_60 = tpu.memref_squeeze %dma_start3A_59 : memref<1x400x64xf32, #tpu.memory_space<hbm>> -> memref<400x64xf32, #tpu.memory_space<hbm>>
        %dma_start3A_61 = arith.constant 9600 : i32
        %dma_start3A_62 = arith.constant 0 : i32
        %dma_start3A_63 = tpu.memref_slice %arg12[%arg0, %dma_start3A_61, %dma_start3A_62] : memref<2x10000x64xf32, #tpu.memory_space<hbm>> -> memref<1x400x64xf32, #tpu.memory_space<hbm>>
        %dma_start3A_64 = tpu.memref_squeeze %dma_start3A_63 : memref<1x400x64xf32, #tpu.memory_space<hbm>> -> memref<400x64xf32, #tpu.memory_space<hbm>>
        %dma_start3A_65 = arith.constant 0 : i32
        %dma_start3A_66 = arith.constant 0 : i32
        %dma_start3A_67 = tpu.memref_slice %arg21[%dma_start3A_65, %dma_start3A_66] : memref<640x64xf32, #tpu.memory_space<vmem>> -> memref<400x64xf32, #tpu.memory_space<vmem>>
        tpu.enqueue_dma source(%dma_start3A_67 : memref<400x64xf32, #tpu.memory_space<vmem>>) target(%dma_start3A_64 : memref<400x64xf32, #tpu.memory_space<hbm>>) target_semaphore(%run_scoped3A : memref<!tpu.dma_semaphore, #tpu.memory_space<semaphore_mem>>)
        %dma_wait3A = arith.constant 0 : i32
        %dma_wait3A_68 = arith.constant 0 : i32
        %dma_wait3A_69 = tpu.memref_slice %arg21[%dma_wait3A, %dma_wait3A_68] : memref<640x64xf32, #tpu.memory_space<vmem>> -> memref<400x64xf32, #tpu.memory_space<vmem>>
        %dma_wait3A_70 = arith.constant 9600 : i32
        %dma_wait3A_71 = arith.constant 0 : i32
        %dma_wait3A_72 = tpu.memref_slice %arg12[%arg0, %dma_wait3A_70, %dma_wait3A_71] : memref<2x10000x64xf32, #tpu.memory_space<hbm>> -> memref<1x400x64xf32, #tpu.memory_space<hbm>>
        %dma_wait3A_73 = tpu.memref_squeeze %dma_wait3A_72 : memref<1x400x64xf32, #tpu.memory_space<hbm>> -> memref<400x64xf32, #tpu.memory_space<hbm>>
        %dma_wait3A_74 = arith.constant 9600 : i32
        %dma_wait3A_75 = arith.constant 0 : i32
        %dma_wait3A_76 = tpu.memref_slice %arg12[%arg0, %dma_wait3A_74, %dma_wait3A_75] : memref<2x10000x64xf32, #tpu.memory_space<hbm>> -> memref<1x400x64xf32, #tpu.memory_space<hbm>>
        %dma_wait3A_77 = tpu.memref_squeeze %dma_wait3A_76 : memref<1x400x64xf32, #tpu.memory_space<hbm>> -> memref<400x64xf32, #tpu.memory_space<hbm>>
        %dma_wait3A_78 = arith.constant 0 : i32
        %dma_wait3A_79 = arith.constant 0 : i32
        %dma_wait3A_80 = tpu.memref_slice %arg21[%dma_wait3A_78, %dma_wait3A_79] : memref<640x64xf32, #tpu.memory_space<vmem>> -> memref<400x64xf32, #tpu.memory_space<vmem>>
        tpu.wait_dma2 semaphore(%run_scoped3A : memref<!tpu.dma_semaphore, #tpu.memory_space<semaphore_mem>>) src(%dma_wait3A_80 : memref<400x64xf32, #tpu.memory_space<vmem>>) dst(%dma_wait3A_77 : memref<400x64xf32, #tpu.memory_space<hbm>>)
        tpu.yield
      }) : () -> ()
      %eq3A_50 = arith.constant 0 : i32
      %eq3A_51 = arith.cmpi eq, %arg0, %eq3A_50 : i32
      %convert_element_type3A_52 = arith.extui %eq3A_51 : i1 to i32
      %cond3A_53 = arith.constant 0 : i32
      %cond3A_54 = arith.cmpi ne, %convert_element_type3A_52, %cond3A_53 : i32
      scf.if %cond3A_54 {
        "tpu.region"() ({
          %run_scoped3A_55 = tpu.sem_alloc : memref<!tpu.dma_semaphore, #tpu.memory_space<semaphore_mem>>
          %dma_start3A = arith.constant 0 : i32
          %dma_start3A_56 = arith.constant 0 : i32
          %dma_start3A_57 = tpu.memref_slice %arg18[%dma_start3A, %dma_start3A_56] : memref<640x16xf32, #tpu.memory_space<vmem>> -> memref<400x16xf32, #tpu.memory_space<vmem>>
          %dma_start3A_58 = arith.constant 9600 : i32
          %dma_start3A_59 = arith.constant 0 : i32
          %dma_start3A_60 = tpu.memref_slice %arg15[%dma_start3A_58, %dma_start3A_59] : memref<10000x16xf32, #tpu.memory_space<vmem_shared>> -> memref<400x16xf32, #tpu.memory_space<vmem_shared>>
          %dma_start3A_61 = arith.constant 0 : i32
          %dma_start3A_62 = arith.constant 0 : i32
          %dma_start3A_63 = tpu.memref_slice %arg18[%dma_start3A_61, %dma_start3A_62] : memref<640x16xf32, #tpu.memory_space<vmem>> -> memref<400x16xf32, #tpu.memory_space<vmem>>
          %dma_start3A_64 = arith.constant 9600 : i32
          %dma_start3A_65 = arith.constant 0 : i32
          %dma_start3A_66 = tpu.memref_slice %arg15[%dma_start3A_64, %dma_start3A_65] : memref<10000x16xf32, #tpu.memory_space<vmem_shared>> -> memref<400x16xf32, #tpu.memory_space<vmem_shared>>
          tpu.enqueue_dma source(%dma_start3A_66 : memref<400x16xf32, #tpu.memory_space<vmem_shared>>) target(%dma_start3A_63 : memref<400x16xf32, #tpu.memory_space<vmem>>) target_semaphore(%run_scoped3A_55 : memref<!tpu.dma_semaphore, #tpu.memory_space<semaphore_mem>>)
          %dma_wait3A = arith.constant 0 : i32
          %dma_wait3A_67 = arith.constant 0 : i32
          %dma_wait3A_68 = tpu.memref_slice %arg18[%dma_wait3A, %dma_wait3A_67] : memref<640x16xf32, #tpu.memory_space<vmem>> -> memref<400x16xf32, #tpu.memory_space<vmem>>
          %dma_wait3A_69 = arith.constant 9600 : i32
          %dma_wait3A_70 = arith.constant 0 : i32
          %dma_wait3A_71 = tpu.memref_slice %arg15[%dma_wait3A_69, %dma_wait3A_70] : memref<10000x16xf32, #tpu.memory_space<vmem_shared>> -> memref<400x16xf32, #tpu.memory_space<vmem_shared>>
          %dma_wait3A_72 = arith.constant 0 : i32
          %dma_wait3A_73 = arith.constant 0 : i32
          %dma_wait3A_74 = tpu.memref_slice %arg18[%dma_wait3A_72, %dma_wait3A_73] : memref<640x16xf32, #tpu.memory_space<vmem>> -> memref<400x16xf32, #tpu.memory_space<vmem>>
          %dma_wait3A_75 = arith.constant 9600 : i32
          %dma_wait3A_76 = arith.constant 0 : i32
          %dma_wait3A_77 = tpu.memref_slice %arg15[%dma_wait3A_75, %dma_wait3A_76] : memref<10000x16xf32, #tpu.memory_space<vmem_shared>> -> memref<400x16xf32, #tpu.memory_space<vmem_shared>>
          tpu.wait_dma2 semaphore(%run_scoped3A_55 : memref<!tpu.dma_semaphore, #tpu.memory_space<semaphore_mem>>) src(%dma_wait3A_77 : memref<400x16xf32, #tpu.memory_space<vmem_shared>>) dst(%dma_wait3A_74 : memref<400x16xf32, #tpu.memory_space<vmem>>)
          tpu.yield
        }) : () -> ()
        %run_scoped3A = arith.constant 0 : i32
        "tpu.region"() ({
          %run_scoped3A_55 = tpu.sem_alloc : memref<!tpu.dma_semaphore, #tpu.memory_space<semaphore_mem>>
          %dma_start3A = arith.constant 0 : i32
          %dma_start3A_56 = arith.constant 0 : i32
          %dma_start3A_57 = tpu.memref_slice %arg18[%dma_start3A, %dma_start3A_56] : memref<640x16xf32, #tpu.memory_space<vmem>> -> memref<400x16xf32, #tpu.memory_space<vmem>>
          %dma_start3A_58 = arith.constant 9600 : i32
          %dma_start3A_59 = arith.constant 0 : i32
          %dma_start3A_60 = tpu.memref_slice %arg13[%run_scoped3A, %dma_start3A_58, %dma_start3A_59] : memref<1x10000x16xf32, #tpu.memory_space<hbm>> -> memref<1x400x16xf32, #tpu.memory_space<hbm>>
          %dma_start3A_61 = tpu.memref_squeeze %dma_start3A_60 : memref<1x400x16xf32, #tpu.memory_space<hbm>> -> memref<400x16xf32, #tpu.memory_space<hbm>>
          %dma_start3A_62 = arith.constant 9600 : i32
          %dma_start3A_63 = arith.constant 0 : i32
          %dma_start3A_64 = tpu.memref_slice %arg13[%run_scoped3A, %dma_start3A_62, %dma_start3A_63] : memref<1x10000x16xf32, #tpu.memory_space<hbm>> -> memref<1x400x16xf32, #tpu.memory_space<hbm>>
          %dma_start3A_65 = tpu.memref_squeeze %dma_start3A_64 : memref<1x400x16xf32, #tpu.memory_space<hbm>> -> memref<400x16xf32, #tpu.memory_space<hbm>>
          %dma_start3A_66 = arith.constant 0 : i32
          %dma_start3A_67 = arith.constant 0 : i32
          %dma_start3A_68 = tpu.memref_slice %arg18[%dma_start3A_66, %dma_start3A_67] : memref<640x16xf32, #tpu.memory_space<vmem>> -> memref<400x16xf32, #tpu.memory_space<vmem>>
          tpu.enqueue_dma source(%dma_start3A_68 : memref<400x16xf32, #tpu.memory_space<vmem>>) target(%dma_start3A_65 : memref<400x16xf32, #tpu.memory_space<hbm>>) target_semaphore(%run_scoped3A_55 : memref<!tpu.dma_semaphore, #tpu.memory_space<semaphore_mem>>)
          %dma_wait3A = arith.constant 0 : i32
          %dma_wait3A_69 = arith.constant 0 : i32
          %dma_wait3A_70 = tpu.memref_slice %arg18[%dma_wait3A, %dma_wait3A_69] : memref<640x16xf32, #tpu.memory_space<vmem>> -> memref<400x16xf32, #tpu.memory_space<vmem>>
          %dma_wait3A_71 = arith.constant 9600 : i32
          %dma_wait3A_72 = arith.constant 0 : i32
          %dma_wait3A_73 = tpu.memref_slice %arg13[%run_scoped3A, %dma_wait3A_71, %dma_wait3A_72] : memref<1x10000x16xf32, #tpu.memory_space<hbm>> -> memref<1x400x16xf32, #tpu.memory_space<hbm>>
          %dma_wait3A_74 = tpu.memref_squeeze %dma_wait3A_73 : memref<1x400x16xf32, #tpu.memory_space<hbm>> -> memref<400x16xf32, #tpu.memory_space<hbm>>
          %dma_wait3A_75 = arith.constant 9600 : i32
          %dma_wait3A_76 = arith.constant 0 : i32
          %dma_wait3A_77 = tpu.memref_slice %arg13[%run_scoped3A, %dma_wait3A_75, %dma_wait3A_76] : memref<1x10000x16xf32, #tpu.memory_space<hbm>> -> memref<1x400x16xf32, #tpu.memory_space<hbm>>
          %dma_wait3A_78 = tpu.memref_squeeze %dma_wait3A_77 : memref<1x400x16xf32, #tpu.memory_space<hbm>> -> memref<400x16xf32, #tpu.memory_space<hbm>>
          %dma_wait3A_79 = arith.constant 0 : i32
          %dma_wait3A_80 = arith.constant 0 : i32
          %dma_wait3A_81 = tpu.memref_slice %arg18[%dma_wait3A_79, %dma_wait3A_80] : memref<640x16xf32, #tpu.memory_space<vmem>> -> memref<400x16xf32, #tpu.memory_space<vmem>>
          tpu.wait_dma2 semaphore(%run_scoped3A_55 : memref<!tpu.dma_semaphore, #tpu.memory_space<semaphore_mem>>) src(%dma_wait3A_81 : memref<400x16xf32, #tpu.memory_space<vmem>>) dst(%dma_wait3A_78 : memref<400x16xf32, #tpu.memory_space<hbm>>)
          tpu.yield
        }) : () -> ()
      } else {
      }
    } else {
    }
    return
  }
}

module attributes {stable_mosaic.version = 14 : i64} {
  func.func @_prep1_body(%arg0: memref<10000x256xf32, #tpu.memory_space<vmem>>, %arg1: memref<256x128xf32, #tpu.memory_space<vmem>>, %arg2: memref<1x128xf32, #tpu.memory_space<vmem>>, %arg3: memref<128x128xf32, #tpu.memory_space<vmem>>, %arg4: memref<1x128xf32, #tpu.memory_space<vmem>>, %arg5: memref<1x128xf32, #tpu.memory_space<vmem>>, %arg6: memref<10000x64xf32, #tpu.memory_space<vmem>>, %arg7: memref<10000x64xf32, #tpu.memory_space<vmem>>, %arg8: memref<10000x16xf32, #tpu.memory_space<vmem>>, %arg9: memref<10000x16xf32, #tpu.memory_space<vmem>>, %arg10: memref<1x16xf32, #tpu.memory_space<vmem>>, %arg11: memref<10000x64xf32, #tpu.memory_space<vmem>>, %arg12: memref<10000x64xf32, #tpu.memory_space<vmem>>, %arg13: memref<10000x16xf32, #tpu.memory_space<vmem>>) attributes {dimension_semantics = [], scalar_prefetch = 0 : i64, scratch_operands = 0 : i64, tpu.core_type = #tpu.core_type<tc>} {
    %get3A = arith.constant 0 : index
    %get3A_0 = arith.constant 0 : index
    %get3A_1 = vector.load %arg0[%get3A, %get3A_0] : memref<10000x256xf32, #tpu.memory_space<vmem>>, vector<10000x256xf32>
    %get3A_2 = arith.constant 0 : index
    %get3A_3 = arith.constant 0 : index
    %get3A_4 = vector.load %arg1[%get3A_2, %get3A_3] : memref<256x128xf32, #tpu.memory_space<vmem>>, vector<256x128xf32>
    %dot_general3A = arith.constant dense<0.000000e+00> : vector<10000x128xf32>
    %dot_general3A_5 = tpu.matmul %get3A_1, %get3A_4, %dot_general3A {dimension_numbers = #tpu.dot_dimension_numbers<[1], [0], [0], [1], [0, 0, 1, 1], [], []>, transpose_lhs_hint = false} : vector<10000x256xf32>, vector<256x128xf32>, vector<10000x128xf32> -> vector<10000x128xf32>
    %get3A_6 = arith.constant 0 : index
    %get3A_7 = arith.constant 0 : index
    %get3A_8 = vector.load %arg2[%get3A_6, %get3A_7] : memref<1x128xf32, #tpu.memory_space<vmem>>, vector<1x128xf32>
    %add3A = vector.broadcast %get3A_8 : vector<1x128xf32> to vector<10000x128xf32>
    %add3A_9 = arith.addf %dot_general3A_5, %add3A : vector<10000x128xf32>
    %get3A_10 = arith.constant 0 : index
    %get3A_11 = arith.constant 0 : index
    %get3A_12 = vector.load %arg3[%get3A_10, %get3A_11] : memref<128x128xf32, #tpu.memory_space<vmem>>, vector<128x128xf32>
    %get3A_13 = arith.constant 0 : index
    %get3A_14 = arith.constant 0 : index
    %get3A_15 = vector.load %arg4[%get3A_13, %get3A_14] : memref<1x128xf32, #tpu.memory_space<vmem>>, vector<1x128xf32>
    %get3A_16 = arith.constant 0 : index
    %get3A_17 = arith.constant 0 : index
    %get3A_18 = vector.load %arg5[%get3A_16, %get3A_17] : memref<1x128xf32, #tpu.memory_space<vmem>>, vector<1x128xf32>
    %dot_general3A_19 = arith.constant dense<0.000000e+00> : vector<10000x128xf32>
    %dot_general3A_20 = tpu.matmul %add3A_9, %get3A_12, %dot_general3A_19 {dimension_numbers = #tpu.dot_dimension_numbers<[1], [0], [0], [1], [0, 0, 1, 1], [], []>, transpose_lhs_hint = false} : vector<10000x128xf32>, vector<128x128xf32>, vector<10000x128xf32> -> vector<10000x128xf32>
    %iota3A = tpu.iota {dimensions = array<i32: 0>} : vector<4x128xi32>
    %iota3A_21 = tpu.iota {dimensions = array<i32: 1>} : vector<4x128xi32>
    %jit3A = arith.constant 32 : i32
    %div3A = vector.broadcast %jit3A : i32 to vector<4x128xi32>
    %div3A_22 = arith.divsi %iota3A_21, %div3A : vector<4x128xi32>
    %sign3A = arith.constant 0 : i32
    %sign3A_23 = vector.broadcast %sign3A : i32 to vector<4x128xi32>
    %sign3A_24 = arith.cmpi sgt, %iota3A_21, %sign3A_23 : vector<4x128xi32>
    %sign3A_25 = arith.extui %sign3A_24 : vector<4x128xi1> to vector<4x128xi32>
    %sign3A_26 = arith.constant 0 : i32
    %sign3A_27 = vector.broadcast %sign3A_26 : i32 to vector<4x128xi32>
    %sign3A_28 = arith.cmpi slt, %iota3A_21, %sign3A_27 : vector<4x128xi32>
    %sign3A_29 = arith.extui %sign3A_28 : vector<4x128xi1> to vector<4x128xi32>
    %sign3A_30 = arith.subi %sign3A_25, %sign3A_29 : vector<4x128xi32>
    %sign3A_31 = arith.constant 0 : i32
    %sign3A_32 = arith.cmpi sgt, %jit3A, %sign3A_31 : i32
    %sign3A_33 = arith.extui %sign3A_32 : i1 to i32
    %sign3A_34 = arith.constant 0 : i32
    %sign3A_35 = arith.cmpi slt, %jit3A, %sign3A_34 : i32
    %sign3A_36 = arith.extui %sign3A_35 : i1 to i32
    %sign3A_37 = arith.subi %sign3A_33, %sign3A_36 : i32
    %ne3A = vector.broadcast %sign3A_37 : i32 to vector<4x128xi32>
    %ne3A_38 = arith.cmpi ne, %sign3A_30, %ne3A : vector<4x128xi32>
    %rem3A = vector.broadcast %jit3A : i32 to vector<4x128xi32>
    %rem3A_39 = arith.remsi %iota3A_21, %rem3A : vector<4x128xi32>
    %ne3A_40 = arith.constant 0 : i32
    %ne3A_41 = vector.broadcast %ne3A_40 : i32 to vector<4x128xi32>
    %ne3A_42 = arith.cmpi ne, %rem3A_39, %ne3A_41 : vector<4x128xi32>
    %and3A = arith.andi %ne3A_38, %ne3A_42 : vector<4x128xi1>
    %sub3A = arith.constant 1 : i32
    %sub3A_43 = vector.broadcast %sub3A : i32 to vector<4x128xi32>
    %sub3A_44 = arith.subi %div3A_22, %sub3A_43 : vector<4x128xi32>
    %select_n3A = arith.select %and3A, %sub3A_44, %div3A_22 : vector<4x128xi1>, vector<4x128xi32>
    %eq3A = arith.cmpi eq, %select_n3A, %iota3A : vector<4x128xi32>
    %convert_element_type3A = arith.extui %eq3A : vector<4x128xi1> to vector<4x128xi32>
    %convert_element_type3A_45 = arith.sitofp %convert_element_type3A : vector<4x128xi32> to vector<4x128xf32>
    %transpose3A = tpu.transpose %convert_element_type3A_45, [1, 0] : vector<4x128xf32> -> vector<128x4xf32>
    %mul3A = vector.broadcast %get3A_15 : vector<1x128xf32> to vector<10000x128xf32>
    %mul3A_46 = arith.mulf %dot_general3A_20, %mul3A : vector<10000x128xf32>
    %dot_general3A_47 = arith.constant dense<0.000000e+00> : vector<10000x4xf32>
    %dot_general3A_48 = tpu.matmul %mul3A_46, %transpose3A, %dot_general3A_47 {dimension_numbers = #tpu.dot_dimension_numbers<[1], [0], [0], [1], [0, 0, 1, 1], [], []>, transpose_lhs_hint = false} : vector<10000x128xf32>, vector<128x4xf32>, vector<10000x4xf32> -> vector<10000x4xf32>
    %mul3A_49 = vector.broadcast %get3A_18 : vector<1x128xf32> to vector<10000x128xf32>
    %mul3A_50 = arith.mulf %dot_general3A_20, %mul3A_49 : vector<10000x128xf32>
    %dot_general3A_51 = arith.constant dense<0.000000e+00> : vector<10000x4xf32>
    %dot_general3A_52 = tpu.matmul %mul3A_50, %transpose3A, %dot_general3A_51 {dimension_numbers = #tpu.dot_dimension_numbers<[1], [0], [0], [1], [0, 0, 1, 1], [], []>, transpose_lhs_hint = false} : vector<10000x128xf32>, vector<128x4xf32>, vector<10000x4xf32> -> vector<10000x4xf32>
    %reduce_max3A = arith.constant dense<0xFF800000> : vector<4xf32>
    %reduce_max3A_53 = vector.multi_reduction <maximumf>, %dot_general3A_48, %reduce_max3A [0] : vector<10000x4xf32> to vector<4xf32>
    %reduce_max3A_54 = arith.constant dense<0xFF800000> : vector<4xf32>
    %reduce_max3A_55 = vector.multi_reduction <maximumf>, %dot_general3A_52, %reduce_max3A_54 [0] : vector<10000x4xf32> to vector<4xf32>
    %add3A_56 = arith.addf %reduce_max3A_53, %reduce_max3A_55 : vector<4xf32>
    %add3A_57 = arith.addf %dot_general3A_48, %dot_general3A_52 : vector<10000x4xf32>
    %ge3A = arith.constant 0.000000e+00 : f32
    %ge3A_58 = vector.broadcast %ge3A : f32 to vector<10000x4xf32>
    %ge3A_59 = arith.cmpf oge, %add3A_57, %ge3A_58 : vector<10000x4xf32>
    %mul3A_60 = arith.constant 2.000000e-01 : f32
    %mul3A_61 = vector.broadcast %mul3A_60 : f32 to vector<10000x4xf32>
    %mul3A_62 = arith.mulf %mul3A_61, %add3A_57 : vector<10000x4xf32>
    %select_n3A_63 = arith.select %ge3A_59, %add3A_57, %mul3A_62 : vector<10000x4xi1>, vector<10000x4xf32>
    %broadcast_in_dim3A = vector.shape_cast %add3A_56 : vector<4xf32> to vector<1x4xf32>
    %sub3A_64 = vector.broadcast %broadcast_in_dim3A : vector<1x4xf32> to vector<10000x4xf32>
    %sub3A_65 = arith.subf %select_n3A_63, %sub3A_64 : vector<10000x4xf32>
    %exp3A = math.exp %sub3A_65 : vector<10000x4xf32>
    %iota3A_66 = tpu.iota {dimensions = array<i32: 0>} : vector<4x128xi32>
    %iota3A_67 = tpu.iota {dimensions = array<i32: 1>} : vector<4x128xi32>
    %jit3A_68 = arith.constant 32 : i32
    %div3A_69 = vector.broadcast %jit3A_68 : i32 to vector<4x128xi32>
    %div3A_70 = arith.divsi %iota3A_67, %div3A_69 : vector<4x128xi32>
    %sign3A_71 = arith.constant 0 : i32
    %sign3A_72 = vector.broadcast %sign3A_71 : i32 to vector<4x128xi32>
    %sign3A_73 = arith.cmpi sgt, %iota3A_67, %sign3A_72 : vector<4x128xi32>
    %sign3A_74 = arith.extui %sign3A_73 : vector<4x128xi1> to vector<4x128xi32>
    %sign3A_75 = arith.constant 0 : i32
    %sign3A_76 = vector.broadcast %sign3A_75 : i32 to vector<4x128xi32>
    %sign3A_77 = arith.cmpi slt, %iota3A_67, %sign3A_76 : vector<4x128xi32>
    %sign3A_78 = arith.extui %sign3A_77 : vector<4x128xi1> to vector<4x128xi32>
    %sign3A_79 = arith.subi %sign3A_74, %sign3A_78 : vector<4x128xi32>
    %sign3A_80 = arith.constant 0 : i32
    %sign3A_81 = arith.cmpi sgt, %jit3A_68, %sign3A_80 : i32
    %sign3A_82 = arith.extui %sign3A_81 : i1 to i32
    %sign3A_83 = arith.constant 0 : i32
    %sign3A_84 = arith.cmpi slt, %jit3A_68, %sign3A_83 : i32
    %sign3A_85 = arith.extui %sign3A_84 : i1 to i32
    %sign3A_86 = arith.subi %sign3A_82, %sign3A_85 : i32
    %ne3A_87 = vector.broadcast %sign3A_86 : i32 to vector<4x128xi32>
    %ne3A_88 = arith.cmpi ne, %sign3A_79, %ne3A_87 : vector<4x128xi32>
    %rem3A_89 = vector.broadcast %jit3A_68 : i32 to vector<4x128xi32>
    %rem3A_90 = arith.remsi %iota3A_67, %rem3A_89 : vector<4x128xi32>
    %ne3A_91 = arith.constant 0 : i32
    %ne3A_92 = vector.broadcast %ne3A_91 : i32 to vector<4x128xi32>
    %ne3A_93 = arith.cmpi ne, %rem3A_90, %ne3A_92 : vector<4x128xi32>
    %and3A_94 = arith.andi %ne3A_88, %ne3A_93 : vector<4x128xi1>
    %sub3A_95 = arith.constant 1 : i32
    %sub3A_96 = vector.broadcast %sub3A_95 : i32 to vector<4x128xi32>
    %sub3A_97 = arith.subi %div3A_70, %sub3A_96 : vector<4x128xi32>
    %select_n3A_98 = arith.select %and3A_94, %sub3A_97, %div3A_70 : vector<4x128xi1>, vector<4x128xi32>
    %eq3A_99 = arith.cmpi eq, %select_n3A_98, %iota3A_66 : vector<4x128xi32>
    %convert_element_type3A_100 = arith.extui %eq3A_99 : vector<4x128xi1> to vector<4x128xi32>
    %convert_element_type3A_101 = arith.sitofp %convert_element_type3A_100 : vector<4x128xi32> to vector<4x128xf32>
    %dot_general3A_102 = arith.constant dense<0.000000e+00> : vector<10000x128xf32>
    %dot_general3A_103 = tpu.matmul %exp3A, %convert_element_type3A_101, %dot_general3A_102 {dimension_numbers = #tpu.dot_dimension_numbers<[1], [0], [0], [1], [0, 0, 1, 1], [], []>, transpose_lhs_hint = false} : vector<10000x4xf32>, vector<4x128xf32>, vector<10000x128xf32> -> vector<10000x128xf32>
    %mul3A_104 = arith.mulf %dot_general3A_20, %dot_general3A_103 : vector<10000x128xf32>
    %broadcast_in_dim3A_105 = arith.constant 0.000000e+00 : f32
    %broadcast_in_dim3A_106 = vector.broadcast %broadcast_in_dim3A_105 : f32 to vector<10000x12xf32>
    %concatenate3A = tpu.concatenate %exp3A, %broadcast_in_dim3A_106 in 1 : vector<10000x4xf32>, vector<10000x12xf32> -> vector<10000x16xf32>
    %broadcast_in_dim3A_107 = arith.constant 0.000000e+00 : f32
    %broadcast_in_dim3A_108 = vector.broadcast %broadcast_in_dim3A_107 : f32 to vector<10000x12xf32>
    %concatenate3A_109 = tpu.concatenate %dot_general3A_48, %broadcast_in_dim3A_108 in 1 : vector<10000x4xf32>, vector<10000x12xf32> -> vector<10000x16xf32>
    %concatenate3A_110 = tpu.concatenate %dot_general3A_52, %broadcast_in_dim3A_108 in 1 : vector<10000x4xf32>, vector<10000x12xf32> -> vector<10000x16xf32>
    %broadcast_in_dim3A_111 = arith.constant 1.000000e+30 : f32
    %broadcast_in_dim3A_112 = vector.broadcast %broadcast_in_dim3A_111 : f32 to vector<12xf32>
    %concatenate3A_113 = tpu.concatenate %add3A_56, %broadcast_in_dim3A_112 in 0 : vector<4xf32>, vector<12xf32> -> vector<16xf32>
    %reshape3A = vector.shape_cast %concatenate3A_113 : vector<16xf32> to vector<1x16xf32>
    %slice3A = vector.extract_strided_slice %dot_general3A_20 {offsets = [0, 0], sizes = [10000, 64], strides = [1, 1]} : vector<10000x128xf32> to vector<10000x64xf32>
    %swap3A = arith.constant 0 : index
    %swap3A_114 = arith.constant 0 : index
    %swap3A_115 = vector.load %arg6[%swap3A, %swap3A_114] : memref<10000x64xf32, #tpu.memory_space<vmem>>, vector<10000x64xf32>
    tpu.vector_store %arg6[%swap3A, %swap3A_114], %slice3A {strides = array<i32>} : memref<10000x64xf32, #tpu.memory_space<vmem>>, vector<10000x64xf32>,
    %slice3A_116 = vector.extract_strided_slice %dot_general3A_20 {offsets = [0, 64], sizes = [10000, 64], strides = [1, 1]} : vector<10000x128xf32> to vector<10000x64xf32>
    %swap3A_117 = arith.constant 0 : index
    %swap3A_118 = arith.constant 0 : index
    %swap3A_119 = vector.load %arg7[%swap3A_117, %swap3A_118] : memref<10000x64xf32, #tpu.memory_space<vmem>>, vector<10000x64xf32>
    tpu.vector_store %arg7[%swap3A_117, %swap3A_118], %slice3A_116 {strides = array<i32>} : memref<10000x64xf32, #tpu.memory_space<vmem>>, vector<10000x64xf32>,
    %swap3A_120 = arith.constant 0 : index
    %swap3A_121 = arith.constant 0 : index
    %swap3A_122 = vector.load %arg8[%swap3A_120, %swap3A_121] : memref<10000x16xf32, #tpu.memory_space<vmem>>, vector<10000x16xf32>
    tpu.vector_store %arg8[%swap3A_120, %swap3A_121], %concatenate3A_109 {strides = array<i32>} : memref<10000x16xf32, #tpu.memory_space<vmem>>, vector<10000x16xf32>,
    %swap3A_123 = arith.constant 0 : index
    %swap3A_124 = arith.constant 0 : index
    %swap3A_125 = vector.load %arg9[%swap3A_123, %swap3A_124] : memref<10000x16xf32, #tpu.memory_space<vmem>>, vector<10000x16xf32>
    tpu.vector_store %arg9[%swap3A_123, %swap3A_124], %concatenate3A_110 {strides = array<i32>} : memref<10000x16xf32, #tpu.memory_space<vmem>>, vector<10000x16xf32>,
    %swap3A_126 = arith.constant 0 : index
    %swap3A_127 = arith.constant 0 : index
    %swap3A_128 = vector.load %arg10[%swap3A_126, %swap3A_127] : memref<1x16xf32, #tpu.memory_space<vmem>>, vector<1x16xf32>
    tpu.vector_store %arg10[%swap3A_126, %swap3A_127], %reshape3A {strides = array<i32>} : memref<1x16xf32, #tpu.memory_space<vmem>>, vector<1x16xf32>,
    %slice3A_129 = vector.extract_strided_slice %mul3A_104 {offsets = [0, 0], sizes = [10000, 64], strides = [1, 1]} : vector<10000x128xf32> to vector<10000x64xf32>
    %swap3A_130 = arith.constant 0 : index
    %swap3A_131 = arith.constant 0 : index
    %swap3A_132 = vector.load %arg11[%swap3A_130, %swap3A_131] : memref<10000x64xf32, #tpu.memory_space<vmem>>, vector<10000x64xf32>
    tpu.vector_store %arg11[%swap3A_130, %swap3A_131], %slice3A_129 {strides = array<i32>} : memref<10000x64xf32, #tpu.memory_space<vmem>>, vector<10000x64xf32>,
    %slice3A_133 = vector.extract_strided_slice %mul3A_104 {offsets = [0, 64], sizes = [10000, 64], strides = [1, 1]} : vector<10000x128xf32> to vector<10000x64xf32>
    %swap3A_134 = arith.constant 0 : index
    %swap3A_135 = arith.constant 0 : index
    %swap3A_136 = vector.load %arg12[%swap3A_134, %swap3A_135] : memref<10000x64xf32, #tpu.memory_space<vmem>>, vector<10000x64xf32>
    tpu.vector_store %arg12[%swap3A_134, %swap3A_135], %slice3A_133 {strides = array<i32>} : memref<10000x64xf32, #tpu.memory_space<vmem>>, vector<10000x64xf32>,
    %swap3A_137 = arith.constant 0 : index
    %swap3A_138 = arith.constant 0 : index
    %swap3A_139 = vector.load %arg13[%swap3A_137, %swap3A_138] : memref<10000x16xf32, #tpu.memory_space<vmem>>, vector<10000x16xf32>
    tpu.vector_store %arg13[%swap3A_137, %swap3A_138], %concatenate3A {strides = array<i32>} : memref<10000x16xf32, #tpu.memory_space<vmem>>, vector<10000x16xf32>,
    return
  }
}

module attributes {stable_mosaic.version = 14 : i64} {
  func.func @_prep2_body(%arg0: memref<2x10000x64xf32, #tpu.memory_space<vmem>>, %arg1: memref<1x10000x16xf32, #tpu.memory_space<vmem>>, %arg2: memref<1x128xf32, #tpu.memory_space<vmem>>, %arg3: memref<128x128xf32, #tpu.memory_space<vmem>>, %arg4: memref<1x128xf32, #tpu.memory_space<vmem>>, %arg5: memref<1x128xf32, #tpu.memory_space<vmem>>, %arg6: memref<10000x64xf32, #tpu.memory_space<vmem>>, %arg7: memref<10000x64xf32, #tpu.memory_space<vmem>>, %arg8: memref<10000x16xf32, #tpu.memory_space<vmem>>, %arg9: memref<10000x16xf32, #tpu.memory_space<vmem>>, %arg10: memref<1x16xf32, #tpu.memory_space<vmem>>, %arg11: memref<10000x64xf32, #tpu.memory_space<vmem>>, %arg12: memref<10000x64xf32, #tpu.memory_space<vmem>>, %arg13: memref<10000x16xf32, #tpu.memory_space<vmem>>) attributes {dimension_semantics = [], scalar_prefetch = 0 : i64, scratch_operands = 0 : i64, tpu.core_type = #tpu.core_type<tc>} {
    %get3A = arith.constant 0 : index
    %get3A_0 = arith.constant 0 : index
    %get3A_1 = arith.constant 0 : index
    %get3A_2 = vector.load %arg0[%get3A, %get3A_0, %get3A_1] : memref<2x10000x64xf32, #tpu.memory_space<vmem>>, vector<2x10000x64xf32>
    %get3A_3 = arith.constant 0 : index
    %get3A_4 = arith.constant 0 : index
    %get3A_5 = arith.constant 0 : index
    %get3A_6 = vector.load %arg1[%get3A_3, %get3A_4, %get3A_5] : memref<1x10000x16xf32, #tpu.memory_space<vmem>>, vector<1x10000x16xf32>
    %get3A_7 = arith.constant 0 : index
    %get3A_8 = arith.constant 0 : index
    %get3A_9 = vector.load %arg2[%get3A_7, %get3A_8] : memref<1x128xf32, #tpu.memory_space<vmem>>, vector<1x128xf32>
    %slice3A = vector.extract_strided_slice %get3A_2 {offsets = [0, 0, 0], sizes = [1, 10000, 64], strides = [1, 1, 1]} : vector<2x10000x64xf32> to vector<1x10000x64xf32>
    %squeeze3A = vector.shape_cast %slice3A : vector<1x10000x64xf32> to vector<10000x64xf32>
    %slice3A_10 = vector.extract_strided_slice %get3A_2 {offsets = [1, 0, 0], sizes = [1, 10000, 64], strides = [1, 1, 1]} : vector<2x10000x64xf32> to vector<1x10000x64xf32>
    %squeeze3A_11 = vector.shape_cast %slice3A_10 : vector<1x10000x64xf32> to vector<10000x64xf32>
    %concatenate3A = tpu.concatenate %squeeze3A, %squeeze3A_11 in 1 : vector<10000x64xf32>, vector<10000x64xf32> -> vector<10000x128xf32>
    %squeeze3A_12 = vector.shape_cast %get3A_6 : vector<1x10000x16xf32> to vector<10000x16xf32>
    %iota3A = tpu.iota {dimensions = array<i32: 0>} : vector<4x128xi32>
    %iota3A_13 = tpu.iota {dimensions = array<i32: 1>} : vector<4x128xi32>
    %jit3A = arith.constant 32 : i32
    %div3A = vector.broadcast %jit3A : i32 to vector<4x128xi32>
    %div3A_14 = arith.divsi %iota3A_13, %div3A : vector<4x128xi32>
    %sign3A = arith.constant 0 : i32
    %sign3A_15 = vector.broadcast %sign3A : i32 to vector<4x128xi32>
    %sign3A_16 = arith.cmpi sgt, %iota3A_13, %sign3A_15 : vector<4x128xi32>
    %sign3A_17 = arith.extui %sign3A_16 : vector<4x128xi1> to vector<4x128xi32>
    %sign3A_18 = arith.constant 0 : i32
    %sign3A_19 = vector.broadcast %sign3A_18 : i32 to vector<4x128xi32>
    %sign3A_20 = arith.cmpi slt, %iota3A_13, %sign3A_19 : vector<4x128xi32>
    %sign3A_21 = arith.extui %sign3A_20 : vector<4x128xi1> to vector<4x128xi32>
    %sign3A_22 = arith.subi %sign3A_17, %sign3A_21 : vector<4x128xi32>
    %sign3A_23 = arith.constant 0 : i32
    %sign3A_24 = arith.cmpi sgt, %jit3A, %sign3A_23 : i32
    %sign3A_25 = arith.extui %sign3A_24 : i1 to i32
    %sign3A_26 = arith.constant 0 : i32
    %sign3A_27 = arith.cmpi slt, %jit3A, %sign3A_26 : i32
    %sign3A_28 = arith.extui %sign3A_27 : i1 to i32
    %sign3A_29 = arith.subi %sign3A_25, %sign3A_28 : i32
    %ne3A = vector.broadcast %sign3A_29 : i32 to vector<4x128xi32>
    %ne3A_30 = arith.cmpi ne, %sign3A_22, %ne3A : vector<4x128xi32>
    %rem3A = vector.broadcast %jit3A : i32 to vector<4x128xi32>
    %rem3A_31 = arith.remsi %iota3A_13, %rem3A : vector<4x128xi32>
    %ne3A_32 = arith.constant 0 : i32
    %ne3A_33 = vector.broadcast %ne3A_32 : i32 to vector<4x128xi32>
    %ne3A_34 = arith.cmpi ne, %rem3A_31, %ne3A_33 : vector<4x128xi32>
    %and3A = arith.andi %ne3A_30, %ne3A_34 : vector<4x128xi1>
    %sub3A = arith.constant 1 : i32
    %sub3A_35 = vector.broadcast %sub3A : i32 to vector<4x128xi32>
    %sub3A_36 = arith.subi %div3A_14, %sub3A_35 : vector<4x128xi32>
    %select_n3A = arith.select %and3A, %sub3A_36, %div3A_14 : vector<4x128xi1>, vector<4x128xi32>
    %eq3A = arith.cmpi eq, %select_n3A, %iota3A : vector<4x128xi32>
    %convert_element_type3A = arith.extui %eq3A : vector<4x128xi1> to vector<4x128xi32>
    %convert_element_type3A_37 = arith.sitofp %convert_element_type3A : vector<4x128xi32> to vector<4x128xf32>
    %broadcast_in_dim3A = arith.constant 0.000000e+00 : f32
    %broadcast_in_dim3A_38 = vector.broadcast %broadcast_in_dim3A : f32 to vector<12x128xf32>
    %concatenate3A_39 = tpu.concatenate %convert_element_type3A_37, %broadcast_in_dim3A_38 in 0 : vector<4x128xf32>, vector<12x128xf32> -> vector<16x128xf32>
    %dot_general3A = arith.constant dense<0.000000e+00> : vector<10000x128xf32>
    %dot_general3A_40 = tpu.matmul %squeeze3A_12, %concatenate3A_39, %dot_general3A {dimension_numbers = #tpu.dot_dimension_numbers<[1], [0], [0], [1], [0, 0, 1, 1], [], []>, transpose_lhs_hint = false} : vector<10000x16xf32>, vector<16x128xf32>, vector<10000x128xf32> -> vector<10000x128xf32>
    %div3A_41 = arith.divf %concatenate3A, %dot_general3A_40 : vector<10000x128xf32>
    %add3A = vector.broadcast %get3A_9 : vector<1x128xf32> to vector<10000x128xf32>
    %add3A_42 = arith.addf %div3A_41, %add3A : vector<10000x128xf32>
    %max3A = arith.constant 0.000000e+00 : f32
    %max3A_43 = vector.broadcast %max3A : f32 to vector<10000x128xf32>
    %max3A_44 = arith.maximumf %add3A_42, %max3A_43 : vector<10000x128xf32>
    %get3A_45 = arith.constant 0 : index
    %get3A_46 = arith.constant 0 : index
    %get3A_47 = vector.load %arg3[%get3A_45, %get3A_46] : memref<128x128xf32, #tpu.memory_space<vmem>>, vector<128x128xf32>
    %get3A_48 = arith.constant 0 : index
    %get3A_49 = arith.constant 0 : index
    %get3A_50 = vector.load %arg4[%get3A_48, %get3A_49] : memref<1x128xf32, #tpu.memory_space<vmem>>, vector<1x128xf32>
    %get3A_51 = arith.constant 0 : index
    %get3A_52 = arith.constant 0 : index
    %get3A_53 = vector.load %arg5[%get3A_51, %get3A_52] : memref<1x128xf32, #tpu.memory_space<vmem>>, vector<1x128xf32>
    %dot_general3A_54 = arith.constant dense<0.000000e+00> : vector<10000x128xf32>
    %dot_general3A_55 = tpu.matmul %max3A_44, %get3A_47, %dot_general3A_54 {dimension_numbers = #tpu.dot_dimension_numbers<[1], [0], [0], [1], [0, 0, 1, 1], [], []>, transpose_lhs_hint = false} : vector<10000x128xf32>, vector<128x128xf32>, vector<10000x128xf32> -> vector<10000x128xf32>
    %iota3A_56 = tpu.iota {dimensions = array<i32: 0>} : vector<4x128xi32>
    %iota3A_57 = tpu.iota {dimensions = array<i32: 1>} : vector<4x128xi32>
    %jit3A_58 = arith.constant 32 : i32
    %div3A_59 = vector.broadcast %jit3A_58 : i32 to vector<4x128xi32>
    %div3A_60 = arith.divsi %iota3A_57, %div3A_59 : vector<4x128xi32>
    %sign3A_61 = arith.constant 0 : i32
    %sign3A_62 = vector.broadcast %sign3A_61 : i32 to vector<4x128xi32>
    %sign3A_63 = arith.cmpi sgt, %iota3A_57, %sign3A_62 : vector<4x128xi32>
    %sign3A_64 = arith.extui %sign3A_63 : vector<4x128xi1> to vector<4x128xi32>
    %sign3A_65 = arith.constant 0 : i32
    %sign3A_66 = vector.broadcast %sign3A_65 : i32 to vector<4x128xi32>
    %sign3A_67 = arith.cmpi slt, %iota3A_57, %sign3A_66 : vector<4x128xi32>
    %sign3A_68 = arith.extui %sign3A_67 : vector<4x128xi1> to vector<4x128xi32>
    %sign3A_69 = arith.subi %sign3A_64, %sign3A_68 : vector<4x128xi32>
    %sign3A_70 = arith.constant 0 : i32
    %sign3A_71 = arith.cmpi sgt, %jit3A_58, %sign3A_70 : i32
    %sign3A_72 = arith.extui %sign3A_71 : i1 to i32
    %sign3A_73 = arith.constant 0 : i32
    %sign3A_74 = arith.cmpi slt, %jit3A_58, %sign3A_73 : i32
    %sign3A_75 = arith.extui %sign3A_74 : i1 to i32
    %sign3A_76 = arith.subi %sign3A_72, %sign3A_75 : i32
    %ne3A_77 = vector.broadcast %sign3A_76 : i32 to vector<4x128xi32>
    %ne3A_78 = arith.cmpi ne, %sign3A_69, %ne3A_77 : vector<4x128xi32>
    %rem3A_79 = vector.broadcast %jit3A_58 : i32 to vector<4x128xi32>
    %rem3A_80 = arith.remsi %iota3A_57, %rem3A_79 : vector<4x128xi32>
    %ne3A_81 = arith.constant 0 : i32
    %ne3A_82 = vector.broadcast %ne3A_81 : i32 to vector<4x128xi32>
    %ne3A_83 = arith.cmpi ne, %rem3A_80, %ne3A_82 : vector<4x128xi32>
    %and3A_84 = arith.andi %ne3A_78, %ne3A_83 : vector<4x128xi1>
    %sub3A_85 = arith.constant 1 : i32
    %sub3A_86 = vector.broadcast %sub3A_85 : i32 to vector<4x128xi32>
    %sub3A_87 = arith.subi %div3A_60, %sub3A_86 : vector<4x128xi32>
    %select_n3A_88 = arith.select %and3A_84, %sub3A_87, %div3A_60 : vector<4x128xi1>, vector<4x128xi32>
    %eq3A_89 = arith.cmpi eq, %select_n3A_88, %iota3A_56 : vector<4x128xi32>
    %convert_element_type3A_90 = arith.extui %eq3A_89 : vector<4x128xi1> to vector<4x128xi32>
    %convert_element_type3A_91 = arith.sitofp %convert_element_type3A_90 : vector<4x128xi32> to vector<4x128xf32>
    %transpose3A = tpu.transpose %convert_element_type3A_91, [1, 0] : vector<4x128xf32> -> vector<128x4xf32>
    %mul3A = vector.broadcast %get3A_50 : vector<1x128xf32> to vector<10000x128xf32>
    %mul3A_92 = arith.mulf %dot_general3A_55, %mul3A : vector<10000x128xf32>
    %dot_general3A_93 = arith.constant dense<0.000000e+00> : vector<10000x4xf32>
    %dot_general3A_94 = tpu.matmul %mul3A_92, %transpose3A, %dot_general3A_93 {dimension_numbers = #tpu.dot_dimension_numbers<[1], [0], [0], [1], [0, 0, 1, 1], [], []>, transpose_lhs_hint = false} : vector<10000x128xf32>, vector<128x4xf32>, vector<10000x4xf32> -> vector<10000x4xf32>
    %mul3A_95 = vector.broadcast %get3A_53 : vector<1x128xf32> to vector<10000x128xf32>
    %mul3A_96 = arith.mulf %dot_general3A_55, %mul3A_95 : vector<10000x128xf32>
    %dot_general3A_97 = arith.constant dense<0.000000e+00> : vector<10000x4xf32>
    %dot_general3A_98 = tpu.matmul %mul3A_96, %transpose3A, %dot_general3A_97 {dimension_numbers = #tpu.dot_dimension_numbers<[1], [0], [0], [1], [0, 0, 1, 1], [], []>, transpose_lhs_hint = false} : vector<10000x128xf32>, vector<128x4xf32>, vector<10000x4xf32> -> vector<10000x4xf32>
    %reduce_max3A = arith.constant dense<0xFF800000> : vector<4xf32>
    %reduce_max3A_99 = vector.multi_reduction <maximumf>, %dot_general3A_94, %reduce_max3A [0] : vector<10000x4xf32> to vector<4xf32>
    %reduce_max3A_100 = arith.constant dense<0xFF800000> : vector<4xf32>
    %reduce_max3A_101 = vector.multi_reduction <maximumf>, %dot_general3A_98, %reduce_max3A_100 [0] : vector<10000x4xf32> to vector<4xf32>
    %add3A_102 = arith.addf %reduce_max3A_99, %reduce_max3A_101 : vector<4xf32>
    %add3A_103 = arith.addf %dot_general3A_94, %dot_general3A_98 : vector<10000x4xf32>
    %ge3A = arith.constant 0.000000e+00 : f32
    %ge3A_104 = vector.broadcast %ge3A : f32 to vector<10000x4xf32>
    %ge3A_105 = arith.cmpf oge, %add3A_103, %ge3A_104 : vector<10000x4xf32>
    %mul3A_106 = arith.constant 2.000000e-01 : f32
    %mul3A_107 = vector.broadcast %mul3A_106 : f32 to vector<10000x4xf32>
    %mul3A_108 = arith.mulf %mul3A_107, %add3A_103 : vector<10000x4xf32>
    %select_n3A_109 = arith.select %ge3A_105, %add3A_103, %mul3A_108 : vector<10000x4xi1>, vector<10000x4xf32>
    %broadcast_in_dim3A_110 = vector.shape_cast %add3A_102 : vector<4xf32> to vector<1x4xf32>
    %sub3A_111 = vector.broadcast %broadcast_in_dim3A_110 : vector<1x4xf32> to vector<10000x4xf32>
    %sub3A_112 = arith.subf %select_n3A_109, %sub3A_111 : vector<10000x4xf32>
    %exp3A = math.exp %sub3A_112 : vector<10000x4xf32>
    %iota3A_113 = tpu.iota {dimensions = array<i32: 0>} : vector<4x128xi32>
    %iota3A_114 = tpu.iota {dimensions = array<i32: 1>} : vector<4x128xi32>
    %jit3A_115 = arith.constant 32 : i32
    %div3A_116 = vector.broadcast %jit3A_115 : i32 to vector<4x128xi32>
    %div3A_117 = arith.divsi %iota3A_114, %div3A_116 : vector<4x128xi32>
    %sign3A_118 = arith.constant 0 : i32
    %sign3A_119 = vector.broadcast %sign3A_118 : i32 to vector<4x128xi32>
    %sign3A_120 = arith.cmpi sgt, %iota3A_114, %sign3A_119 : vector<4x128xi32>
    %sign3A_121 = arith.extui %sign3A_120 : vector<4x128xi1> to vector<4x128xi32>
    %sign3A_122 = arith.constant 0 : i32
    %sign3A_123 = vector.broadcast %sign3A_122 : i32 to vector<4x128xi32>
    %sign3A_124 = arith.cmpi slt, %iota3A_114, %sign3A_123 : vector<4x128xi32>
    %sign3A_125 = arith.extui %sign3A_124 : vector<4x128xi1> to vector<4x128xi32>
    %sign3A_126 = arith.subi %sign3A_121, %sign3A_125 : vector<4x128xi32>
    %sign3A_127 = arith.constant 0 : i32
    %sign3A_128 = arith.cmpi sgt, %jit3A_115, %sign3A_127 : i32
    %sign3A_129 = arith.extui %sign3A_128 : i1 to i32
    %sign3A_130 = arith.constant 0 : i32
    %sign3A_131 = arith.cmpi slt, %jit3A_115, %sign3A_130 : i32
    %sign3A_132 = arith.extui %sign3A_131 : i1 to i32
    %sign3A_133 = arith.subi %sign3A_129, %sign3A_132 : i32
    %ne3A_134 = vector.broadcast %sign3A_133 : i32 to vector<4x128xi32>
    %ne3A_135 = arith.cmpi ne, %sign3A_126, %ne3A_134 : vector<4x128xi32>
    %rem3A_136 = vector.broadcast %jit3A_115 : i32 to vector<4x128xi32>
    %rem3A_137 = arith.remsi %iota3A_114, %rem3A_136 : vector<4x128xi32>
    %ne3A_138 = arith.constant 0 : i32
    %ne3A_139 = vector.broadcast %ne3A_138 : i32 to vector<4x128xi32>
    %ne3A_140 = arith.cmpi ne, %rem3A_137, %ne3A_139 : vector<4x128xi32>
    %and3A_141 = arith.andi %ne3A_135, %ne3A_140 : vector<4x128xi1>
    %sub3A_142 = arith.constant 1 : i32
    %sub3A_143 = vector.broadcast %sub3A_142 : i32 to vector<4x128xi32>
    %sub3A_144 = arith.subi %div3A_117, %sub3A_143 : vector<4x128xi32>
    %select_n3A_145 = arith.select %and3A_141, %sub3A_144, %div3A_117 : vector<4x128xi1>, vector<4x128xi32>
    %eq3A_146 = arith.cmpi eq, %select_n3A_145, %iota3A_113 : vector<4x128xi32>
    %convert_element_type3A_147 = arith.extui %eq3A_146 : vector<4x128xi1> to vector<4x128xi32>
    %convert_element_type3A_148 = arith.sitofp %convert_element_type3A_147 : vector<4x128xi32> to vector<4x128xf32>
    %dot_general3A_149 = arith.constant dense<0.000000e+00> : vector<10000x128xf32>
    %dot_general3A_150 = tpu.matmul %exp3A, %convert_element_type3A_148, %dot_general3A_149 {dimension_numbers = #tpu.dot_dimension_numbers<[1], [0], [0], [1], [0, 0, 1, 1], [], []>, transpose_lhs_hint = false} : vector<10000x4xf32>, vector<4x128xf32>, vector<10000x128xf32> -> vector<10000x128xf32>
    %mul3A_151 = arith.mulf %dot_general3A_55, %dot_general3A_150 : vector<10000x128xf32>
    %broadcast_in_dim3A_152 = arith.constant 0.000000e+00 : f32
    %broadcast_in_dim3A_153 = vector.broadcast %broadcast_in_dim3A_152 : f32 to vector<10000x12xf32>
    %concatenate3A_154 = tpu.concatenate %exp3A, %broadcast_in_dim3A_153 in 1 : vector<10000x4xf32>, vector<10000x12xf32> -> vector<10000x16xf32>
    %broadcast_in_dim3A_155 = arith.constant 0.000000e+00 : f32
    %broadcast_in_dim3A_156 = vector.broadcast %broadcast_in_dim3A_155 : f32 to vector<10000x12xf32>
    %concatenate3A_157 = tpu.concatenate %dot_general3A_94, %broadcast_in_dim3A_156 in 1 : vector<10000x4xf32>, vector<10000x12xf32> -> vector<10000x16xf32>
    %concatenate3A_158 = tpu.concatenate %dot_general3A_98, %broadcast_in_dim3A_156 in 1 : vector<10000x4xf32>, vector<10000x12xf32> -> vector<10000x16xf32>
    %broadcast_in_dim3A_159 = arith.constant 1.000000e+30 : f32
    %broadcast_in_dim3A_160 = vector.broadcast %broadcast_in_dim3A_159 : f32 to vector<12xf32>
    %concatenate3A_161 = tpu.concatenate %add3A_102, %broadcast_in_dim3A_160 in 0 : vector<4xf32>, vector<12xf32> -> vector<16xf32>
    %reshape3A = vector.shape_cast %concatenate3A_161 : vector<16xf32> to vector<1x16xf32>
    %slice3A_162 = vector.extract_strided_slice %dot_general3A_55 {offsets = [0, 0], sizes = [10000, 64], strides = [1, 1]} : vector<10000x128xf32> to vector<10000x64xf32>
    %swap3A = arith.constant 0 : index
    %swap3A_163 = arith.constant 0 : index
    %swap3A_164 = vector.load %arg6[%swap3A, %swap3A_163] : memref<10000x64xf32, #tpu.memory_space<vmem>>, vector<10000x64xf32>
    tpu.vector_store %arg6[%swap3A, %swap3A_163], %slice3A_162 {strides = array<i32>} : memref<10000x64xf32, #tpu.memory_space<vmem>>, vector<10000x64xf32>,
    %slice3A_165 = vector.extract_strided_slice %dot_general3A_55 {offsets = [0, 64], sizes = [10000, 64], strides = [1, 1]} : vector<10000x128xf32> to vector<10000x64xf32>
    %swap3A_166 = arith.constant 0 : index
    %swap3A_167 = arith.constant 0 : index
    %swap3A_168 = vector.load %arg7[%swap3A_166, %swap3A_167] : memref<10000x64xf32, #tpu.memory_space<vmem>>, vector<10000x64xf32>
    tpu.vector_store %arg7[%swap3A_166, %swap3A_167], %slice3A_165 {strides = array<i32>} : memref<10000x64xf32, #tpu.memory_space<vmem>>, vector<10000x64xf32>,
    %swap3A_169 = arith.constant 0 : index
    %swap3A_170 = arith.constant 0 : index
    %swap3A_171 = vector.load %arg8[%swap3A_169, %swap3A_170] : memref<10000x16xf32, #tpu.memory_space<vmem>>, vector<10000x16xf32>
    tpu.vector_store %arg8[%swap3A_169, %swap3A_170], %concatenate3A_157 {strides = array<i32>} : memref<10000x16xf32, #tpu.memory_space<vmem>>, vector<10000x16xf32>,
    %swap3A_172 = arith.constant 0 : index
    %swap3A_173 = arith.constant 0 : index
    %swap3A_174 = vector.load %arg9[%swap3A_172, %swap3A_173] : memref<10000x16xf32, #tpu.memory_space<vmem>>, vector<10000x16xf32>
    tpu.vector_store %arg9[%swap3A_172, %swap3A_173], %concatenate3A_158 {strides = array<i32>} : memref<10000x16xf32, #tpu.memory_space<vmem>>, vector<10000x16xf32>,
    %swap3A_175 = arith.constant 0 : index
    %swap3A_176 = arith.constant 0 : index
    %swap3A_177 = vector.load %arg10[%swap3A_175, %swap3A_176] : memref<1x16xf32, #tpu.memory_space<vmem>>, vector<1x16xf32>
    tpu.vector_store %arg10[%swap3A_175, %swap3A_176], %reshape3A {strides = array<i32>} : memref<1x16xf32, #tpu.memory_space<vmem>>, vector<1x16xf32>,
    %slice3A_178 = vector.extract_strided_slice %mul3A_151 {offsets = [0, 0], sizes = [10000, 64], strides = [1, 1]} : vector<10000x128xf32> to vector<10000x64xf32>
    %swap3A_179 = arith.constant 0 : index
    %swap3A_180 = arith.constant 0 : index
    %swap3A_181 = vector.load %arg11[%swap3A_179, %swap3A_180] : memref<10000x64xf32, #tpu.memory_space<vmem>>, vector<10000x64xf32>
    tpu.vector_store %arg11[%swap3A_179, %swap3A_180], %slice3A_178 {strides = array<i32>} : memref<10000x64xf32, #tpu.memory_space<vmem>>, vector<10000x64xf32>,
    %slice3A_182 = vector.extract_strided_slice %mul3A_151 {offsets = [0, 64], sizes = [10000, 64], strides = [1, 1]} : vector<10000x128xf32> to vector<10000x64xf32>
    %swap3A_183 = arith.constant 0 : index
    %swap3A_184 = arith.constant 0 : index
    %swap3A_185 = vector.load %arg12[%swap3A_183, %swap3A_184] : memref<10000x64xf32, #tpu.memory_space<vmem>>, vector<10000x64xf32>
    tpu.vector_store %arg12[%swap3A_183, %swap3A_184], %slice3A_182 {strides = array<i32>} : memref<10000x64xf32, #tpu.memory_space<vmem>>, vector<10000x64xf32>,
    %swap3A_186 = arith.constant 0 : index
    %swap3A_187 = arith.constant 0 : index
    %swap3A_188 = vector.load %arg13[%swap3A_186, %swap3A_187] : memref<10000x16xf32, #tpu.memory_space<vmem>>, vector<10000x16xf32>
    tpu.vector_store %arg13[%swap3A_186, %swap3A_187], %concatenate3A_154 {strides = array<i32>} : memref<10000x16xf32, #tpu.memory_space<vmem>>, vector<10000x16xf32>,
    return
  }
}

module attributes {stable_mosaic.version = 14 : i64} {
  func.func @_combine2_body(%arg0: memref<2x10000x64xf32, #tpu.memory_space<vmem>>, %arg1: memref<1x10000x16xf32, #tpu.memory_space<vmem>>, %arg2: memref<1x128xf32, #tpu.memory_space<vmem>>, %arg3: memref<10000x128xf32, #tpu.memory_space<vmem>>) attributes {dimension_semantics = [], scalar_prefetch = 0 : i64, scratch_operands = 0 : i64, tpu.core_type = #tpu.core_type<tc>} {
    %get3A = arith.constant 0 : index
    %get3A_0 = arith.constant 0 : index
    %get3A_1 = arith.constant 0 : index
    %get3A_2 = vector.load %arg0[%get3A, %get3A_0, %get3A_1] : memref<2x10000x64xf32, #tpu.memory_space<vmem>>, vector<2x10000x64xf32>
    %get3A_3 = arith.constant 0 : index
    %get3A_4 = arith.constant 0 : index
    %get3A_5 = arith.constant 0 : index
    %get3A_6 = vector.load %arg1[%get3A_3, %get3A_4, %get3A_5] : memref<1x10000x16xf32, #tpu.memory_space<vmem>>, vector<1x10000x16xf32>
    %get3A_7 = arith.constant 0 : index
    %get3A_8 = arith.constant 0 : index
    %get3A_9 = vector.load %arg2[%get3A_7, %get3A_8] : memref<1x128xf32, #tpu.memory_space<vmem>>, vector<1x128xf32>
    %slice3A = vector.extract_strided_slice %get3A_2 {offsets = [0, 0, 0], sizes = [1, 10000, 64], strides = [1, 1, 1]} : vector<2x10000x64xf32> to vector<1x10000x64xf32>
    %squeeze3A = vector.shape_cast %slice3A : vector<1x10000x64xf32> to vector<10000x64xf32>
    %slice3A_10 = vector.extract_strided_slice %get3A_2 {offsets = [1, 0, 0], sizes = [1, 10000, 64], strides = [1, 1, 1]} : vector<2x10000x64xf32> to vector<1x10000x64xf32>
    %squeeze3A_11 = vector.shape_cast %slice3A_10 : vector<1x10000x64xf32> to vector<10000x64xf32>
    %concatenate3A = tpu.concatenate %squeeze3A, %squeeze3A_11 in 1 : vector<10000x64xf32>, vector<10000x64xf32> -> vector<10000x128xf32>
    %squeeze3A_12 = vector.shape_cast %get3A_6 : vector<1x10000x16xf32> to vector<10000x16xf32>
    %iota3A = tpu.iota {dimensions = array<i32: 0>} : vector<4x128xi32>
    %iota3A_13 = tpu.iota {dimensions = array<i32: 1>} : vector<4x128xi32>
    %jit3A = arith.constant 32 : i32
    %div3A = vector.broadcast %jit3A : i32 to vector<4x128xi32>
    %div3A_14 = arith.divsi %iota3A_13, %div3A : vector<4x128xi32>
    %sign3A = arith.constant 0 : i32
    %sign3A_15 = vector.broadcast %sign3A : i32 to vector<4x128xi32>
    %sign3A_16 = arith.cmpi sgt, %iota3A_13, %sign3A_15 : vector<4x128xi32>
    %sign3A_17 = arith.extui %sign3A_16 : vector<4x128xi1> to vector<4x128xi32>
    %sign3A_18 = arith.constant 0 : i32
    %sign3A_19 = vector.broadcast %sign3A_18 : i32 to vector<4x128xi32>
    %sign3A_20 = arith.cmpi slt, %iota3A_13, %sign3A_19 : vector<4x128xi32>
    %sign3A_21 = arith.extui %sign3A_20 : vector<4x128xi1> to vector<4x128xi32>
    %sign3A_22 = arith.subi %sign3A_17, %sign3A_21 : vector<4x128xi32>
    %sign3A_23 = arith.constant 0 : i32
    %sign3A_24 = arith.cmpi sgt, %jit3A, %sign3A_23 : i32
    %sign3A_25 = arith.extui %sign3A_24 : i1 to i32
    %sign3A_26 = arith.constant 0 : i32
    %sign3A_27 = arith.cmpi slt, %jit3A, %sign3A_26 : i32
    %sign3A_28 = arith.extui %sign3A_27 : i1 to i32
    %sign3A_29 = arith.subi %sign3A_25, %sign3A_28 : i32
    %ne3A = vector.broadcast %sign3A_29 : i32 to vector<4x128xi32>
    %ne3A_30 = arith.cmpi ne, %sign3A_22, %ne3A : vector<4x128xi32>
    %rem3A = vector.broadcast %jit3A : i32 to vector<4x128xi32>
    %rem3A_31 = arith.remsi %iota3A_13, %rem3A : vector<4x128xi32>
    %ne3A_32 = arith.constant 0 : i32
    %ne3A_33 = vector.broadcast %ne3A_32 : i32 to vector<4x128xi32>
    %ne3A_34 = arith.cmpi ne, %rem3A_31, %ne3A_33 : vector<4x128xi32>
    %and3A = arith.andi %ne3A_30, %ne3A_34 : vector<4x128xi1>
    %sub3A = arith.constant 1 : i32
    %sub3A_35 = vector.broadcast %sub3A : i32 to vector<4x128xi32>
    %sub3A_36 = arith.subi %div3A_14, %sub3A_35 : vector<4x128xi32>
    %select_n3A = arith.select %and3A, %sub3A_36, %div3A_14 : vector<4x128xi1>, vector<4x128xi32>
    %eq3A = arith.cmpi eq, %select_n3A, %iota3A : vector<4x128xi32>
    %convert_element_type3A = arith.extui %eq3A : vector<4x128xi1> to vector<4x128xi32>
    %convert_element_type3A_37 = arith.sitofp %convert_element_type3A : vector<4x128xi32> to vector<4x128xf32>
    %broadcast_in_dim3A = arith.constant 0.000000e+00 : f32
    %broadcast_in_dim3A_38 = vector.broadcast %broadcast_in_dim3A : f32 to vector<12x128xf32>
    %concatenate3A_39 = tpu.concatenate %convert_element_type3A_37, %broadcast_in_dim3A_38 in 0 : vector<4x128xf32>, vector<12x128xf32> -> vector<16x128xf32>
    %dot_general3A = arith.constant dense<0.000000e+00> : vector<10000x128xf32>
    %dot_general3A_40 = tpu.matmul %squeeze3A_12, %concatenate3A_39, %dot_general3A {dimension_numbers = #tpu.dot_dimension_numbers<[1], [0], [0], [1], [0, 0, 1, 1], [], []>, transpose_lhs_hint = false} : vector<10000x16xf32>, vector<16x128xf32>, vector<10000x128xf32> -> vector<10000x128xf32>
    %div3A_41 = arith.divf %concatenate3A, %dot_general3A_40 : vector<10000x128xf32>
    %add3A = vector.broadcast %get3A_9 : vector<1x128xf32> to vector<10000x128xf32>
    %add3A_42 = arith.addf %div3A_41, %add3A : vector<10000x128xf32>
    %max3A = arith.constant 0.000000e+00 : f32
    %max3A_43 = vector.broadcast %max3A : f32 to vector<10000x128xf32>
    %max3A_44 = arith.maximumf %add3A_42, %max3A_43 : vector<10000x128xf32>
    %swap3A = arith.constant 0 : index
    %swap3A_45 = arith.constant 0 : index
    %swap3A_46 = vector.load %arg3[%swap3A, %swap3A_45] : memref<10000x128xf32, #tpu.memory_space<vmem>>, vector<10000x128xf32>
    tpu.vector_store %arg3[%swap3A, %swap3A_45], %max3A_44 {strides = array<i32>} : memref<10000x128xf32, #tpu.memory_space<vmem>>, vector<10000x128xf32>,
    return
  }
}

module attributes {stable_mosaic.version = 14 : i64} {
  func.func @_pool_body(%arg0: i32, %arg1: memref<10000x128xf32, #tpu.memory_space<vmem>>, %arg2: memref<10000x1xi32, #tpu.memory_space<vmem>>, %arg3: memref<1x1x256xf32, #tpu.memory_space<vmem>>) attributes {dimension_semantics = [#tpu.dimension_semantics<arbitrary>], iteration_bounds = array<i64: 64>, scalar_prefetch = 0 : i64, scratch_operands = 0 : i64, tpu.core_type = #tpu.core_type<tc>, window_params = [{pipeline_mode = #tpu.pipeline_mode<synchronous>, transform_indices = @transform_0, window_bounds = array<i64: 10000, 128>}, {pipeline_mode = #tpu.pipeline_mode<synchronous>, transform_indices = @transform_1, window_bounds = array<i64: 10000, 1>}, {transform_indices = @transform_2, window_bounds = array<i64: 1, 1, 256>}]} {
    %get3A = arith.constant 0 : index
    %get3A_0 = arith.constant 0 : index
    %get3A_1 = vector.load %arg1[%get3A, %get3A_0] : memref<10000x128xf32, #tpu.memory_space<vmem>>, vector<10000x128xf32>
    %get3A_2 = arith.constant 0 : index
    %get3A_3 = arith.constant 0 : index
    %get3A_4 = vector.load %arg2[%get3A_2, %get3A_3] : memref<10000x1xi32, #tpu.memory_space<vmem>>, vector<10000x1xi32>
    %eq3A = vector.broadcast %arg0 : i32 to vector<10000x1xi32>
    %eq3A_5 = arith.cmpi eq, %get3A_4, %eq3A : vector<10000x1xi32>
    %convert_element_type3A = arith.extui %eq3A_5 : vector<10000x1xi1> to vector<10000x1xi32>
    %convert_element_type3A_6 = arith.sitofp %convert_element_type3A : vector<10000x1xi32> to vector<10000x1xf32>
    %reduce_sum3A = vector.shape_cast %convert_element_type3A_6 : vector<10000x1xf32> to vector<1x10000x1xf32>
    %reduce_sum3A_7 = arith.constant dense<0.000000e+00> : vector<1xf32>
    %reduce_sum3A_8 = vector.multi_reduction <add>, %reduce_sum3A, %reduce_sum3A_7 [1, 2] : vector<1x10000x1xf32> to vector<1xf32>
    %reduce_sum3A_9 = vector.shape_cast %reduce_sum3A_8 : vector<1xf32> to vector<1x1x1xf32>
    %reduce_sum3A_10 = vector.extract %reduce_sum3A_9[0, 0, 0] : f32 from vector<1x1x1xf32>
    %jit3A = arith.constant 0.000000e+00 : f32
    %broadcast_in_dim3A = vector.shape_cast %eq3A_5 : vector<10000x1xi1> to vector<10000x1xi1>
    %broadcast_in_dim3A_11 = vector.broadcast %broadcast_in_dim3A : vector<10000x1xi1> to vector<10000x128xi1>
    %broadcast_in_dim3A_12 = vector.broadcast %jit3A : f32 to vector<10000x128xf32>
    %select_n3A = arith.select %broadcast_in_dim3A_11, %get3A_1, %broadcast_in_dim3A_12 : vector<10000x128xi1>, vector<10000x128xf32>
    %reduce_sum3A_13 = arith.constant dense<0.000000e+00> : vector<128xf32>
    %reduce_sum3A_14 = vector.multi_reduction <add>, %select_n3A, %reduce_sum3A_13 [0] : vector<10000x128xf32> to vector<128xf32>
    %max3A = arith.constant 1.000000e+00 : f32
    %max3A_15 = arith.maximumf %reduce_sum3A_10, %max3A : f32
    %div3A = vector.broadcast %max3A_15 : f32 to vector<128xf32>
    %div3A_16 = arith.divf %reduce_sum3A_14, %div3A : vector<128xf32>
    %jit3A_17 = arith.constant 0xFF800000 : f32
    %broadcast_in_dim3A_18 = vector.shape_cast %eq3A_5 : vector<10000x1xi1> to vector<10000x1xi1>
    %broadcast_in_dim3A_19 = vector.broadcast %broadcast_in_dim3A_18 : vector<10000x1xi1> to vector<10000x128xi1>
    %broadcast_in_dim3A_20 = vector.broadcast %jit3A_17 : f32 to vector<10000x128xf32>
    %select_n3A_21 = arith.select %broadcast_in_dim3A_19, %get3A_1, %broadcast_in_dim3A_20 : vector<10000x128xi1>, vector<10000x128xf32>
    %reduce_max3A = arith.constant dense<0xFF800000> : vector<128xf32>
    %reduce_max3A_22 = vector.multi_reduction <maximumf>, %select_n3A_21, %reduce_max3A [0] : vector<10000x128xf32> to vector<128xf32>
    %is_finite3A = tpu.weird %reduce_max3A_22 : vector<128xf32> -> vector<128xi1>
    %is_finite3A_23 = arith.constant dense<true> : vector<128xi1>
    %is_finite3A_24 = arith.xori %is_finite3A, %is_finite3A_23 : vector<128xi1>
    %jit3A_25 = arith.constant 0.000000e+00 : f32
    %broadcast_in_dim3A_26 = vector.broadcast %jit3A_25 : f32 to vector<128xf32>
    %select_n3A_27 = arith.select %is_finite3A_24, %reduce_max3A_22, %broadcast_in_dim3A_26 : vector<128xi1>, vector<128xf32>
    %concatenate3A = tpu.concatenate %div3A_16, %select_n3A_27 in 0 : vector<128xf32>, vector<128xf32> -> vector<256xf32>
    %reshape3A = vector.shape_cast %concatenate3A : vector<256xf32> to vector<1x1x256xf32>
    %swap3A = arith.constant 0 : index
    %swap3A_28 = arith.constant 0 : index
    %swap3A_29 = arith.constant 0 : index
    %swap3A_30 = vector.load %arg3[%swap3A, %swap3A_28, %swap3A_29] : memref<1x1x256xf32, #tpu.memory_space<vmem>>, vector<1x1x256xf32>
    tpu.vector_store %arg3[%swap3A, %swap3A_28, %swap3A_29], %reshape3A {strides = array<i32>} : memref<1x1x256xf32, #tpu.memory_space<vmem>>, vector<1x1x256xf32>,
    return
  }
  func.func @transform_0(%arg0: i32) -> (i32, i32) {
    %c0_i32 = arith.constant 0 : i32
    %c0_i32_0 = arith.constant 0 : i32
    %c0_i32_1 = arith.constant 0 : i32
    return %c0_i32, %c0_i32_0 : i32, i32
  }
  func.func @transform_1(%arg0: i32) -> (i32, i32) {
    %c0_i32 = arith.constant 0 : i32
    %c0_i32_0 = arith.constant 0 : i32
    %c0_i32_1 = arith.constant 0 : i32
    return %c0_i32, %c0_i32_0 : i32, i32
  }
  func.func @transform_2(%arg0: i32) -> (i32, i32, i32) {
    %c0_i32 = arith.constant 0 : i32
    %c0_i32_0 = arith.constant 0 : i32
    %c0_i32_1 = arith.constant 0 : i32
    return %arg0, %c0_i32, %c0_i32_0 : i32, i32, i32
  }
}

module attributes {stable_mosaic.version = 14 : i64} {
  func.func @_mlp_body(%arg0: memref<64x256xf32, #tpu.memory_space<vmem>>, %arg1: memref<256x128xf32, #tpu.memory_space<vmem>>, %arg2: memref<1x128xf32, #tpu.memory_space<vmem>>, %arg3: memref<64x128xf32, #tpu.memory_space<vmem>>) attributes {dimension_semantics = [], scalar_prefetch = 0 : i64, scratch_operands = 0 : i64, tpu.core_type = #tpu.core_type<tc>} {
    %get3A = arith.constant 0 : index
    %get3A_0 = arith.constant 0 : index
    %get3A_1 = vector.load %arg0[%get3A, %get3A_0] : memref<64x256xf32, #tpu.memory_space<vmem>>, vector<64x256xf32>
    %get3A_2 = arith.constant 0 : index
    %get3A_3 = arith.constant 0 : index
    %get3A_4 = vector.load %arg1[%get3A_2, %get3A_3] : memref<256x128xf32, #tpu.memory_space<vmem>>, vector<256x128xf32>
    %dot_general3A = arith.constant dense<0.000000e+00> : vector<64x128xf32>
    %dot_general3A_5 = tpu.matmul %get3A_1, %get3A_4, %dot_general3A {dimension_numbers = #tpu.dot_dimension_numbers<[1], [0], [0], [1], [0, 0, 1, 1], [], []>, transpose_lhs_hint = false} : vector<64x256xf32>, vector<256x128xf32>, vector<64x128xf32> -> vector<64x128xf32>
    %get3A_6 = arith.constant 0 : index
    %get3A_7 = arith.constant 0 : index
    %get3A_8 = vector.load %arg2[%get3A_6, %get3A_7] : memref<1x128xf32, #tpu.memory_space<vmem>>, vector<1x128xf32>
    %add3A = vector.broadcast %get3A_8 : vector<1x128xf32> to vector<64x128xf32>
    %add3A_9 = arith.addf %dot_general3A_5, %add3A : vector<64x128xf32>
    %max3A = arith.constant 0.000000e+00 : f32
    %max3A_10 = vector.broadcast %max3A : f32 to vector<64x128xf32>
    %max3A_11 = arith.maximumf %add3A_9, %max3A_10 : vector<64x128xf32>
    %swap3A = arith.constant 0 : index
    %swap3A_12 = arith.constant 0 : index
    %swap3A_13 = vector.load %arg3[%swap3A, %swap3A_12] : memref<64x128xf32, #tpu.memory_space<vmem>>, vector<64x128xf32>
    tpu.vector_store %arg3[%swap3A, %swap3A_12], %max3A_11 {strides = array<i32>} : memref<64x128xf32, #tpu.memory_space<vmem>>, vector<64x128xf32>,
    return
  }
}

</mosaic_0001>

<sc_bundles>
// kernel: kernel.12.cloned.1.call-start
scs
__scs_entry_jumppad:
0x0: {  	(pc) =	sbr.rel $0x88, $3  }
0x1: {  	(tag) =	ssettag $0x0;
	lr =	simm.s32 $0x1  }
0x2: {  	[smem:$0x3F92] =	sst lr;
	_ =	strace $0xD0000000  }
0x3: {  	_ = 	snop  }
0x4: {  	_ = 	snop  }
0x5: {  	_ = 	snop  }
0x6: {  	_ = 	snop  }
0x7: {  	_ = 	snop  }
__scs_overlays_trampoline_lowered:
0x8: {  	[smem:$0x3FA1] =	sst s0  }
0x9: {  	[smem:$0x3FA2] =	sst s1  }
0xa: {  	[smem:$0x3FA3] =	sst s2  }
0xb: {  	[smem:$0x3FA4] =	sst s3  }
0xc: {  	[smem:$0x3FA5] =	sst s4  }
0xd: {  	[smem:$0x3FA6] =	sst s5  }
0xe: {  	[smem:$0x3FA7] =	sst s6  }
0xf: {  	[smem:$0x3FA8] =	sst s7  }
0x10: {  	[smem:$0x3FA9] =	sst s8  }
0x11: {  	[smem:$0x3FAA] =	sst s9;
	s0 =	simm.s32 @!p0 $0x0  }
0x12: {  	s1 =	sld [smem:$0x3F90];
	s0 =	simm.s32 @p0 $0x1  }
0x13: {  	[smem:$0x3FAB] =	sst s0;
	s0 =	simm.s32 @!p1 $0x0  }
0x14: {  	s2 =	sld [smem:$0x3F8F];
	s0 =	simm.s32 @p1 $0x1  }
0x15: {  	[smem:$0x3FAC] =	sst s0;
	s0 =	simm.s32 @!p2 $0x0  }
0x16: {  	s3 =	sld [smem:$0x3FDB];
	s0 =	simm.s32 @p2 $0x1  }
0x17: {  	s4 =	simm.s32 $0x1BF5;
	[smem:$0x3FAE] =	sst s0  }
0x18: {  	s0 =	sld [smem:$0x3F91];
	_ =	swait.ge [sflag:s4], $0x0  }
0x19: {  	s7 =	sld [smem:$0x3F92]  }
0x1a: {  	s8 =	sadd.s32 $0xFFFFE003, lr  }
0x1b: {  	s9 =	sadd.s32 $0xFFFFFEF7, lr;
	s5 =	simm.s32 $0xFFFFFFFF;
	p2 =	slt.u32 s8, $0xFFFFF086  }
0x1c: {  	p1 =	slt.u32 s9, $0xF7A;
	s5 =	simm.s32 @!p2 $0x0  }
0x1d: {  	s5 =	simm.s32 @p1 $0x1;
	p0 =	seq.s32 s7, s2  }
0x1e: {  	s7 =	smul.u32 @!p0 $0xF7A, s2;
	p2 =	seq.s32 @!p0 s5, $0x0  }
0x1f: {  	s9 =	smul.u32 $0xF7A, s1;
	s8 =	simm.s32 @!p0 $0x1BF5;
	p2 =	por !p2, p0  }
0x20: {  	[sflag:s8] =	ssyncset.s32 @!p0 $0xFFFFF086;
	s6 =	sadd.s32 @!p0 s3, s7;
	s7 =	simm.s32 @!p0 $0x108  }
0x21: {  	s3 =	sadd.s32 s3, s9;
	s6 =	sadd.s32 @!p0 $0x88, s6;
	s7 =	simm.s32 @p2 $0x1082  }
0x22: {  	[simem:s7], [sflag:s8] =	dma.local @!p0 [hbm:s6], $0xF7A  }
0x23: {  	s9 =	sor.u32 $0xD0000000, s2;
	s6 =	simm.s32 $0x108;
	_ =	swait.ge @!p0 [sflag:s8], $0x0  }
0x24: {  	s3 =	sadd.s32 $0x88, s3;
	s6 =	simm.s32 @!p1 $0x1082;
	[sflag:s4] =	ssyncset.s32 $0xFFFFF086  }
0x25: {  	[simem:s6], [sflag:s4] =	dma.local [hbm:s3], $0xF7A  }
0x26: {  	[smem:$0x3F92] =	sst s1;
	(tag) =	ssettag s2;
	_ =	strace s9  }
0x27: {  	s1 =	sld [smem:$0x3FA2]  }
0x28: {  	s2 =	sld [smem:$0x3FA3]  }
0x29: {  	s4 =	sld [smem:$0x3FA5]  }
0x2a: {  	p0 =	seq.s32 s5, $0x0;
	s5 =	sld [smem:$0x3FA6]  }
0x2b: {  	s6 =	sld [smem:$0x3FA7]  }
0x2c: {  	s7 =	sld [smem:$0x3FA8]  }
0x2d: {  	s3 =	simm.s32 $0x108;
	s8 =	sld [smem:$0x3FA9]  }
0x2e: {  	s3 =	simm.s32 @!p0 $0x1082;
	s9 =	sld [smem:$0x3FAA]  }
0x2f: {  	lr =	sadd.s32 s0, s3;
	s0 =	sld [smem:$0x3FA1]  }
0x30: {  	s3 =	sld [smem:$0x3FA4]  }
0x31: {  	[smem:$0x3FAD] =	sst s10  }
0x32: {  	s10 =	sld [smem:$0x3FAB];
	_ =	sdelay $0x3  }
0x33: {  	p0 =	seq.s32 s10, $0x1;
	s10 =	sld [smem:$0x3FAD];
	_ =	sdelay $0x3  }
0x34: {  	[smem:$0x3FAD] =	sst s10  }
0x35: {  	s10 =	sld [smem:$0x3FAC];
	_ =	sdelay $0x3  }
0x36: {  	p1 =	seq.s32 s10, $0x1;
	s10 =	sld [smem:$0x3FAD];
	_ =	sdelay $0x3  }
0x37: {  	[smem:$0x3FAD] =	sst s10  }
0x38: {  	s10 =	sld [smem:$0x3FAE]  }
0x39: {  	_ = 	snop;
	(pc) =	sbr.ind lr, $3  }
0x3a: {  	_ = 	snop  }
0x3b: {  	_ = 	snop  }
0x3c: {  	p2 =	seq.s32 s10, $0x1;
	s10 =	sld [smem:$0x3FAD]  }
0x3d: {  	_ =	shalt  }
0x3e: {  	_ =	shalt  }
0x3f: {  	_ =	shalt  }
0x40: {  	_ =	shalt  }
0x41: {  	_ =	shalt  }
0x42: {  	_ =	shalt  }
0x43: {  	_ =	shalt  }
0x44: {  	_ =	shalt  }
0x45: {  	_ =	shalt  }
0x46: {  	_ =	shalt  }
0x47: {  	_ =	shalt  }
0x48: {  	_ =	shalt  }
0x49: {  	_ =	shalt  }
0x4a: {  	_ =	shalt  }
0x4b: {  	_ =	shalt  }
0x4c: {  	_ =	shalt  }
0x4d: {  	_ =	shalt  }
0x4e: {  	_ =	shalt  }
0x4f: {  	_ =	shalt  }
0x50: {  	_ =	shalt  }
0x51: {  	_ =	shalt  }
0x52: {  	_ =	shalt  }
0x53: {  	_ =	shalt  }
0x54: {  	_ =	shalt  }
0x55: {  	_ =	shalt  }
0x56: {  	_ =	shalt  }
0x57: {  	_ =	shalt  }
0x58: {  	_ =	shalt  }
0x59: {  	_ =	shalt  }
0x5a: {  	_ =	shalt  }
0x5b: {  	_ =	shalt  }
0x5c: {  	_ =	shalt  }
0x5d: {  	_ =	shalt  }
0x5e: {  	_ =	shalt  }
0x5f: {  	_ =	shalt  }
0x60: {  	_ =	shalt  }
0x61: {  	_ =	shalt  }
0x62: {  	_ =	shalt  }
0x63: {  	_ =	shalt  }
0x64: {  	_ =	shalt  }
0x65: {  	_ =	shalt  }
0x66: {  	_ =	shalt  }
0x67: {  	_ =	shalt  }
0x68: {  	_ =	shalt  }
0x69: {  	_ =	shalt  }
0x6a: {  	_ =	shalt  }
0x6b: {  	_ =	shalt  }
0x6c: {  	_ =	shalt  }
0x6d: {  	_ =	shalt  }
0x6e: {  	_ =	shalt  }
0x6f: {  	_ =	shalt  }
0x70: {  	_ =	shalt  }
0x71: {  	_ =	shalt  }
0x72: {  	_ =	shalt  }
0x73: {  	_ =	shalt  }
0x74: {  	_ =	shalt  }
0x75: {  	_ =	shalt  }
0x76: {  	_ =	shalt  }
0x77: {  	_ =	shalt  }
0x78: {  	_ =	shalt  }
0x79: {  	_ =	shalt  }
0x7a: {  	_ =	shalt  }
0x7b: {  	_ =	shalt  }
0x7c: {  	_ =	shalt  }
0x7d: {  	_ =	shalt  }
0x7e: {  	_ =	shalt  }
0x7f: {  	_ =	shalt  }
0x80: {  	_ =	shalt  }
0x81: {  	_ =	shalt  }
0x82: {  	_ =	shalt  }
0x83: {  	_ =	shalt  }
0x84: {  	_ =	shalt  }
0x85: {  	_ =	shalt  }
0x86: {  	_ =	shalt  }
0x87: {  	_ =	shalt  }
.Lfunc_end0:
.L_simem_size_0:
called_computation.1_lowered:
.L_overlay_start_0:
0x88: {  	s2 =	sld [smem:$0x3FD9]  }
0x89: {  	s3 =	sld [smem:$0x3FFE];
	_ =	sdelay $0x1  }
0x8a: {  	s1 =	srdreg.scid  }
0x8b: {  	s0 =	sand.u32 $0x1, s1  }
0x8c: {  	s16 =	sshll.u32 s0, $0xA;
	s2 =	sadd.s32 s3, s2  }
0x8d: {  	s2 =	sadd.s32 s2, s16  }
0x8e: {  	[smem:$0x3FB9] =	sst s2  }
0x8f: {  	_ = 	snop  }
0x90: {  	(tm) =	ssettm $0x1  }
0x91: {  	s17 =	sld [smem:$0x3FFB];
	_ =	sdelay $0x3  }
0x92: {  	_ =	strace s17  }
0x93: {  	s2 =	sld [smem:$0x3FFC];
	_ =	sdelay $0x3  }
0x94: {  	_ =	strace s2  }
0x95: {  	s2 =	sld [smem:$0x3FFD];
	_ =	sdelay $0x3  }
0x96: {  	_ =	strace s2  }
0x97: {  	_ =	strace $0x8FFFFFFF  }
0x98: {  	s18 =	sld [smem:$0x3FDB];
	_ =	sdelay $0x1  }
0x99: {  	s19 =	simm.s32 $_scs_section_size  }
0x9a: {  	s4 =	simm.s32 $_size__tile_overlayer_lowered;
	s5 =	simm.s32 $_tile_overlayer_lowered  }
0x9b: {  	s22 =	simm.s32 $0x1BFF;
	s21 =	sshll.u32 s5, $0x1;
	s2 =	sadd.s32 s19, s18  }
0x9c: {  	s6 =	simm.s32 $0x0;
	s20 =	sshll.u32 s4, $0x1;
	s4 =	sadd.s32 s21, s2  }
0x9d: {  	[timem:s6], [sflag:s22] =	dma.local [hbm:s4], s20  }
0x9e: {  	_ =	swait.ge [sflag:s22], s20  }
0x9f: {  	s3 =	ssub.s32 $0x0, s20;
	[sflag:s22] =	ssyncset.done $0x0  }
0xa0: {  	[sflag:s22] =	ssyncadd.s32 s3;
	_ =	sdelay $0x1  }
0xa1: {  	s23 =	simm.s32 $0x1B8B  }
0xa2: {  	_ =	swait.ge [sflag:s23], $0x1  }
0xa3: {  	[sflag:s23] =	ssyncset.done $0x0  }
0xa4: {  	s25 =	simm.s32 $0x1B8E;
	s24 =	sld [smem:$0x3FFE];
	[sflag:s23] =	ssyncadd.s32 $0xFFFFFFFF  }
0xa5: {  	s26 =	simm.s32 $execute0_lowered;
	[smem:$0x3FD2] =	sst s25  }
0xa6: {  	s4 =	sshll.u32 s26, $0x1;
	_ =	strace $0x80000049;
	[dreg:$0x1] =	wrdreg $0xFFFFFFFF  }
0xa7: {  	s28 =	simm.s32 $_size_execute0_lowered;
	s2 =	sadd.s32 s2, s4;
	[dreg:$0x0] =	wrdreg $0x0  }
0xa8: {  	s4 =	sshll.u32 s28, $0x1;
	[dreg:$0x2] =	wrdreg s2  }
0xa9: {  	[dreg:$0x3] =	wrdreg s4  }
0xaa: {  	[dreg:$0x4] =	wrdreg $0xC0  }
0xab: {  	_ =	task [dreg:s6], $0x5FFFF  }
0xac: {  	[dreg:$0x1] =	wrdreg $0xFFFFFFFF  }
0xad: {  	[dreg:$0x0] =	wrdreg $0x60  }
0xae: {  	[dreg:$0x2] =	wrdreg s24  }
0xaf: {  	[dreg:$0x3] =	wrdreg $0x0  }
0xb0: {  	[dreg:$0x4] =	wrdreg $0x9C400  }
0xb1: {  	[dreg:$0x5] =	wrdreg $0x9  }
0xb2: {  	_ =	task.clear_ibuf [dreg:s6], $0x6FFFF;
	_ =	strace $0x90000049  }
0xb3: {  	s29 =	simm.s32 $0x9;
	_ =	strace $0x8000004B  }
0xb4: {  	_ =	swait.ge [sflag:s29], $0x1  }
0xb5: {  	[sflag:s29] =	ssyncadd.s32 $0xFFFFFFFF  }
0xb6: {  	_ =	strace $0x9000004B  }
0xb7: {  	_ =	sfence  }
0xb8: {  	s30 =	sld [smem:$0x0];
	_ =	sdelay $0x2  }
0xb9: {  	s31 =	sshll.u32 s1, $0xD;
	s1 =	sshrl.u32 s1, $0x2  }
0xba: {  	s3 =	sand.u32 $0x4000, s31;
	s1 =	sadd.s32 s1, s30  }
0xbb: {  	s0 =	sor.u32 s3, s0;
	s1 =	sshll.u32 s1, $0x11  }
0xbc: {  	s0 =	sor.u32 s1, s0  }
0xbd: {  	s0 =	sadd.s32 $0x8F2B, s0  }
0xbe: {  	[sflag:s0] =	ssyncadd.remote.s32 $0x1  }
0xbf: {  	_ =	sfence.sel $0xFFFF  }
0xc0: {  	[dreg:$0x0] =	wrdreg $0xFFFFFFFF;
	(pc) =	sbr.abs _section_cstart, $3  }
0xc1: {  	[dreg:$0x1] =	wrdreg $0xFFFFFFFF  }
0xc2: {  	_ =	task.clear_ibuf [dreg:s6], $0x2FFFF;
	_ =	strace $0x9FFFFFFF  }
0xc3: {  	(tm) =	ssettm $0x7FFFFFFF  }
tec
execute0_lowered:
.L_overlay_start_1:
0x0: {  	(tag) =	ssettag $0x1  }
0x1: {  	s0 =	rddreg [dreg:$0x0]  }
0x2: {  	s1 =	rddreg [dreg:$0x1]  }
0x3: {  	s2 =	rddreg [dreg:$0x2];
	s3 =	simm.s32 $0x0;
	s4 =	stileid.u32  }
0x4: {  	s11 =	srdreg.scid;
	s30 =	simm.s32 $0x2;
	s31 =	simm.s32 $0xC350  }
0x5: {  	s29 =	simm.s32 $0x11850;
	[smem:$0x7FF] =	sst s3;
	s5 =	sadd.s32 $0x6A00, s0  }
0x6: {  	s6 =	sadd.s32 $0x2DC00, s0;
	s7 =	sadd.s32 $0x4B600, s0;
	s8 =	sadd.s32 $0x46600, s0  }
0x7: {  	s9 =	sadd.s32 $0x81A00, s0;
	s23 =	smul.u32 $0xA000, s4;
	s10 =	sadd.s32 $0x55800, s0  }
0x8: {  	s12 =	smul.u32 $0x2800, s4;
	s14 =	sand.u32 $0x1, s11;
	s11 =	sadd.s32 $0x50800, s0  }
0x9: {  	s19 =	sadd.s32 $0x95600, s0;
	s26 =	ssub.s32 $0xF9, s4;
	s18 =	sadd.s32 $0x6D400, s0  }
0xa: {  	p0 =	seq.s32 s4, $0xF;
	s28 =	sadd.s32 $0x25800, s2;
	_ =	strace $0x8000004A  }
0xb: {  	[dreg:$0x4] =	wrdreg s9;
	s15 =	ssub.s32 $0x2, s14;
	s21 =	smul.u32 $0x9C400, s14  }
0xc: {  	[dreg:$0x6] =	wrdreg s18;
	p1 =	sne.s32 s14, $0x0;
	p2 =	sne.s32 @p0 s14, $0x0  }
0xd: {  	p3 =	sne.s32 @!p0 s14, $0x0;
	s14 =	simm.s32 $0xC850;
	s13 =	sshrl.u32 s23, $0x3  }
0xe: {  	s24 =	sshrl.u32 s12, $0x3;
	s17 =	sshrl.u32 s15, $0x1;
	p2 =	por p2, !p0  }
0xf: {  	p3 =	por p3, p0;
	s16 =	sadd.s32 s13, s0;
	s20 =	sadd.s32 s24, s0  }
0x10: {  	s17 =	ssub.s32 s15, s17;
	s13 =	sadd.s32 s23, s1;
	s15 =	sshrl.u32 s26, $0x4  }
0x11: {  	s9 =	sadd.s32 s23, s21;
	s21 =	sshrl.u32 s21, $0x3;
	s23 =	sadd.s32 $0x94800, s0  }
0x12: {  	s24 =	sadd.s32 $0x46100, s0;
	s0 =	sadd.s32 $0x1EF00, s0;
	[dreg:$0xa] =	wrdreg s23  }
0x13: {  	s25 =	sadd.s32 $0x5A800, s16;
	s16 =	sadd.s32 $0x81C00, s16;
	[dreg:$0xb] =	wrdreg s24  }
0x14: {  	s18 =	sadd.s32 $0x41600, s20;
	s9 =	sshrl.u32 s9, $0x3;
	[dreg:$0xe] =	wrdreg s0  }
0x15: {  	s22 =	sadd.s32 s19, s21;
	s26 =	smax.u32 s17, $0x1;
	[dreg:$0x5] =	wrdreg s25  }
0x16: {  	s0 =	simm.s32 $0xC5D0;
	s17 =	simm.s32 $0xF050;
	[dreg:$0x7] =	wrdreg s16  }
.Ltmp0:
0x17: {  	s21 =	simm.s32 $0x0;
	[dreg:$0x8] =	wrdreg s18;
	(pc) =	sbr.rel .LBB2_1-.Ltmp0, $4  }
0x18: {  	s18 =	sadd.s32 s12, s2;
	s9 =	sadd.s32 s19, s9;
	[dreg:$0xf] =	wrdreg s26  }
0x19: {  	s25 =	sadd.s32 $0x1A400, s20;
	s26 =	sadd.s32 $0x96000, s1;
	[dreg:$0x9] =	wrdreg s9  }
0x1a: {  	s12 =	simm.s32 $0x280;
	[dreg:$0xc] =	wrdreg s25;
	s9 =	sadd.s32 $0x12C00, s22  }
0x1b: {  	s16 =	simm.s32 $0x1;
	s20 =	simm.s32 $0x14050;
	[dreg:$0xd] =	wrdreg s9  }
.LBB2_14:
0x1c: {  	[bflag:$0x0] =	sbarrier.arrive $0xFFFF;
	s9 =	simm.s32 @p0 $0x14050;
	s19 =	simm.s32 @p0 $0x2  }
0x1d: {  	[tilespmem:s9], [sflag:$0x2] =	stream.linear.gather @p0 [spmem:s26], $0x6400, $0x38;
	[tilespmem:$0x1E060] =	vst v63  }
0x1e: {  	_ =	swait.ge @p0 [sflag:s19], $0x6400  }
0x1f: {  	[sflag:s19] =	ssyncset.done @p0 $0x0  }
0x20: {  	s22 =	simm.s32 @p0 $0x0;
	s23 =	rddreg [dreg:$0xd];
	[sflag:s19] =	ssyncadd.s32 @p0 $0xFFFF9C00  }
0x21: {  	[hbm4b:s23+s22] =	stream.linear.scatter @p0 [tilespmem:s9], [sflag:$0x2], $0x6400, $0x38;
	[tilespmem:$0x1E060] =	vst v63  }
0x22: {  	_ =	swait.ge @p0 [sflag:s19], $0x6400  }
0x23: {  	[sflag:s19] =	ssyncset.done @p0 $0x0  }
0x24: {  	s9 =	simm.s32 @!p2 $0xC850;
	[sflag:s19] =	ssyncadd.s32 @p0 $0xFFFF9C00;
	s19 =	simm.s32 @!p2 $0x2  }
0x25: {  	[tilespmem:s9], [sflag:$0x2] =	stream.linear.gather @!p2 [spmem:s28], $0x1900, $0x38;
	[tilespmem:$0x1E060] =	vst v63  }
0x26: {  	_ =	swait.ge @!p2 [sflag:s19], $0x1900  }
0x27: {  	[sflag:s19] =	ssyncset.done @!p2 $0x0  }
0x28: {  	s22 =	simm.s32 @!p2 $0x0;
	s23 =	rddreg [dreg:$0xe];
	[sflag:s19] =	ssyncadd.s32 @!p2 $0xFFFFE700  }
0x29: {  	[hbm4b:s23+s22] =	stream.linear.scatter @!p2 [tilespmem:s9], [sflag:$0x2], $0x1900, $0x38;
	[tilespmem:$0x1E060] =	vst v63  }
0x2a: {  	_ =	swait.ge @!p2 [sflag:s19], $0x1900  }
0x2b: {  	[sflag:s19] =	ssyncset.done @!p2 $0x0  }
0x2c: {  	s9 =	simm.s32 @!p0 $0x14050;
	[sflag:s19] =	ssyncadd.s32 @!p2 $0xFFFFE700;
	s19 =	simm.s32 @!p0 $0x2  }
0x2d: {  	[tilespmem:s9], [sflag:$0x2] =	stream.linear.gather @!p0 [spmem:s13], $0xA000, $0x38;
	[tilespmem:$0x1E060] =	vst v63  }
0x2e: {  	_ =	swait.ge @!p0 [sflag:s19], $0xA000  }
0x2f: {  	[sflag:s19] =	ssyncset.done @!p0 $0x0  }
0x30: {  	s22 =	simm.s32 @!p0 $0x0;
	s23 =	rddreg [dreg:$0x9];
	[sflag:s19] =	ssyncadd.s32 @!p0 $0xFFFF6000  }
0x31: {  	[hbm4b:s23+s22] =	stream.linear.scatter @!p0 [tilespmem:s9], [sflag:$0x2], $0xA000, $0x38;
	[tilespmem:$0x1E060] =	vst v63  }
0x32: {  	_ =	swait.ge @!p0 [sflag:s19], $0xA000  }
0x33: {  	[sflag:s19] =	ssyncset.done @!p0 $0x0  }
0x34: {  	s9 =	simm.s32 @!p3 $0xC850;
	[sflag:s19] =	ssyncadd.s32 @!p0 $0xFFFF6000;
	s19 =	simm.s32 @!p3 $0x2  }
0x35: {  	[tilespmem:s9], [sflag:$0x2] =	stream.linear.gather @!p3 [spmem:s18], $0x2800, $0x38;
	[tilespmem:$0x1E060] =	vst v63  }
0x36: {  	_ =	swait.ge @!p3 [sflag:s19], $0x2800  }
0x37: {  	[sflag:s19] =	ssyncset.done @!p3 $0x0  }
0x38: {  	s22 =	simm.s32 @!p3 $0x0;
	s23 =	rddreg [dreg:$0xc];
	[sflag:s19] =	ssyncadd.s32 @!p3 $0xFFFFD800  }
0x39: {  	[hbm4b:s23+s22] =	stream.linear.scatter @!p3 [tilespmem:s9], [sflag:$0x2], $0x2800, $0x38;
	[tilespmem:$0x1E060] =	vst v63  }
0x3a: {  	_ =	swait.ge @!p3 [sflag:s19], $0x2800  }
0x3b: {  	s21 =	sadd.s32 $0x1, s21;
	s25 =	rddreg [dreg:$0xf]  }
0x3c: {  	p4 =	sne.s32 s21, s25  }
.Ltmp1:
0x3d: {  	_ = 	snop;
	(pc) =	sbr.rel @!p4 .LBB2_15-.Ltmp1, $3  }
0x3e: {  	_ =	sdelay $0x1  }
0x3f: {  	[sflag:s19] =	ssyncset.done @!p3 $0x0  }
0x40: {  	[sflag:s19] =	ssyncadd.s32 @!p3 $0xFFFFD800  }
.LBB2_1:
.Ltmp2:
0x41: {  	s9 =	rddreg [dreg:$0x4];
	s19 =	simm.s32 $0x1E050;
	(pc) =	sbr.rel @p1 .LBB2_8-.Ltmp2, $4  }
0x42: {  	[tilespmem:s19], [sflag:$0x2] =	stream.linear.gather [hbm4b:s9+s3], $0x10, $0x38;
	[tilespmem:$0x1E060] =	vst v63  }
0x43: {  	_ =	swait.ge [sflag:s30], $0x10  }
0x44: {  	[sflag:s30] =	ssyncset.done $0x0  }
0x45: {  	[sflag:s30] =	ssyncadd.s32 $0xFFFFFFF0  }
0x46: {  	s9 =	simm.s32 @p0 $0x0;
	s19 =	simm.s32 @p0 $0x14050;
	s22 =	rddreg [dreg:$0xa]  }
0x47: {  	[tilespmem:s19], [sflag:$0x2] =	stream.linear.gather @p0 [hbm4b:s22+s9], $0x6400, $0x38;
	[tilespmem:$0x1E060] =	vst v63  }
0x48: {  	s22 =	simm.s32 @p0 $0x2  }
0x49: {  	_ =	swait.ge @p0 [sflag:s22], $0x6400  }
0x4a: {  	[sflag:s22] =	ssyncset.done @p0 $0x0  }
0x4b: {  	[sflag:s22] =	ssyncadd.s32 @p0 $0xFFFF9C00  }
0x4c: {  	[spmem:s26] =	stream.linear.scatter @p0 [tilespmem:s19], [sflag:$0x2], $0x6400, $0x38;
	[tilespmem:$0x1E060] =	vst v63  }
0x4d: {  	_ =	swait.ge @p0 [sflag:s22], $0x6400  }
0x4e: {  	[sflag:s22] =	ssyncset.done @p0 $0x0  }
0x4f: {  	s19 =	simm.s32 @p0 $0xC850;
	s23 =	rddreg [dreg:$0xb];
	[sflag:s22] =	ssyncadd.s32 @p0 $0xFFFF9C00  }
0x50: {  	[tilespmem:s19], [sflag:$0x2] =	stream.linear.gather @p0 [hbm4b:s23+s9], $0x1900, $0x38;
	[tilespmem:$0x1E060] =	vst v63  }
0x51: {  	_ =	swait.ge @p0 [sflag:s22], $0x1900  }
0x52: {  	[sflag:s22] =	ssyncset.done @p0 $0x0  }
0x53: {  	[sflag:s22] =	ssyncadd.s32 @p0 $0xFFFFE700  }
0x54: {  	[spmem:s28] =	stream.linear.scatter @p0 [tilespmem:s19], [sflag:$0x2], $0x1900, $0x38;
	[tilespmem:$0x1E060] =	vst v63  }
0x55: {  	_ =	swait.ge @p0 [sflag:s22], $0x1900  }
0x56: {  	s9 =	simm.s32 @!p0 $0x0;
	[sflag:s22] =	ssyncset.done @p0 $0x0  }
0x57: {  	s19 =	simm.s32 @!p0 $0x14050;
	[sflag:s22] =	ssyncadd.s32 @p0 $0xFFFFE700;
	s22 =	rddreg [dreg:$0x7]  }
0x58: {  	[tilespmem:s19], [sflag:$0x2] =	stream.linear.gather @!p0 [hbm4b:s22+s9], $0xA000, $0x38;
	[tilespmem:$0x1E060] =	vst v63  }
0x59: {  	s22 =	simm.s32 @!p0 $0x2  }
0x5a: {  	_ =	swait.ge @!p0 [sflag:s22], $0xA000  }
0x5b: {  	[sflag:s22] =	ssyncset.done @!p0 $0x0  }
0x5c: {  	[sflag:s22] =	ssyncadd.s32 @!p0 $0xFFFF6000  }
0x5d: {  	[spmem:s13] =	stream.linear.scatter @!p0 [tilespmem:s19], [sflag:$0x2], $0xA000, $0x38;
	[tilespmem:$0x1E060] =	vst v63  }
0x5e: {  	_ =	swait.ge @!p0 [sflag:s22], $0xA000  }
0x5f: {  	[sflag:s22] =	ssyncset.done @!p0 $0x0  }
0x60: {  	s19 =	simm.s32 @!p0 $0xC850;
	s23 =	rddreg [dreg:$0x8];
	[sflag:s22] =	ssyncadd.s32 @!p0 $0xFFFF6000  }
0x61: {  	[tilespmem:s19], [sflag:$0x2] =	stream.linear.gather @!p0 [hbm4b:s23+s9], $0x2800, $0x38;
	[tilespmem:$0x1E060] =	vst v63  }
0x62: {  	_ =	swait.ge @!p0 [sflag:s22], $0x2800  }
0x63: {  	[sflag:s22] =	ssyncset.done @!p0 $0x0  }
0x64: {  	[sflag:s22] =	ssyncadd.s32 @!p0 $0xFFFFD800  }
0x65: {  	[spmem:s18] =	stream.linear.scatter @!p0 [tilespmem:s19], [sflag:$0x2], $0x2800, $0x38;
	[tilespmem:$0x1E060] =	vst v63  }
0x66: {  	_ =	swait.ge @!p0 [sflag:s22], $0x2800  }
0x67: {  	[sflag:s22] =	ssyncset.done @!p0 $0x0  }
0x68: {  	[sflag:s22] =	ssyncadd.s32 @!p0 $0xFFFFD800  }
0x69: {  	[bflag:$0x0] =	sbarrier.arrive $0xFFFF  }
0x6a: {  	s9 =	simm.s32 $0x0;
	v0 =	vld [tilespmem:$0x1E050]  }
.LBB2_3:
0x6b: {  	s19 =	sshll.u32 s9, $0x4  }
0x6c: {  	s19 =	sor.u32 s4, s19  }
0x6d: {  	s19 =	smul.u32 $0x50, s19;
	_ =	sdelay $0x1  }
0x6e: {  	s22 =	sadd.s32 s10, s19  }
0x6f: {  	[tilespmem:s31], [sflag:$0x2] =	stream.linear.gather [hbm4b:s22+s3], $0x280, $0x38;
	[tilespmem:$0x1E060] =	vst v63  }
0x70: {  	_ =	swait.ge [sflag:s30], $0x280  }
0x71: {  	[sflag:s30] =	ssyncset.done $0x0  }
0x72: {  	s19 =	sadd.s32 s11, s19;
	[sflag:s30] =	ssyncadd.s32 $0xFFFFFD80  }
0x73: {  	[tilespmem:s0], [sflag:$0x2] =	stream.linear.gather [hbm4b:s19+s3], $0x280, $0x38;
	[tilespmem:$0x1E060] =	vst v63  }
0x74: {  	_ =	swait.ge [sflag:s30], $0x280  }
0x75: {  	[sflag:s30] =	ssyncset.done $0x0  }
0x76: {  	[sflag:s30] =	ssyncadd.s32 $0xFFFFFD80  }
0x77: {  	[tilespmem:s14], [sflag:$0x1] =	stream.indirect.gather [hbm4b:s7+s12], $0x10, s31, s12, $0xb8;
	[tilespmem:$0x1E060] =	vst v63  }
0x78: {  	_ =	swait.ge [sflag:s16], $0x2800  }
0x79: {  	[sflag:s16] =	ssyncset.done $0x0  }
0x7a: {  	[sflag:s16] =	ssyncadd.s32 $0xFFFFD800  }
0x7b: {  	[tilespmem:s17], [sflag:$0x1] =	stream.indirect.gather [hbm4b:s8+s12], $0x10, s0, s12, $0xb8;
	[tilespmem:$0x1E060] =	vst v63  }
0x7c: {  	_ =	swait.ge [sflag:s16], $0x2800  }
0x7d: {  	[sflag:s16] =	ssyncset.done $0x0  }
0x7e: {  	s23 =	simm.s32 $0xC860;
	[sflag:s16] =	ssyncadd.s32 $0xFFFFD800  }
0x7f: {  	s19 =	simm.s32 $0xF060;
	v1 =	vld [tilespmem:s23+$0xFFFFFFF0]  }
0x80: {  	v2 =	vld [tilespmem:s19+$0xFFFFFFF0];
	_ =	sdelay $0x4  }
0x81: {  	v1 =	vadd.f32 v2, v1;
	_ =	sdelay $0x1  }
0x82: {  	v2 =	vmul.f32 $2.000000030e-01, v1  }
0x83: {  	vm0 =	vge.f32 v1, $0.0e+00  }
0x84: {  	v1 =	vsel vm0, v1, v2  }
0x85: {  	v1 =	vsub.f32 v1, v0;
	_ =	sdelay $0x1  }
0x86: {  	v1 =	vmul.f32 $1.442695020e+00, v1;
	_ =	sdelay $0x1  }
0x87: {  	(erf) = vpow2.f32 v1;
	_ =	sdelay $0x8  }
0x88: {  	s22 =	simm.s32 $0x11860;
	v1 =	vpop (erf)  }
0x89: {  	[tilespmem:s22+$0xFFFFFFF0] =	vst v1  }
0x8a: {  	v1 =	vld [tilespmem:s19+$0x0]  }
0x8b: {  	v2 =	vld [tilespmem:s23+$0x0];
	_ =	sdelay $0x4  }
0x8c: {  	v1 =	vadd.f32 v1, v2;
	_ =	sdelay $0x1  }
0x8d: {  	v2 =	vmul.f32 $2.000000030e-01, v1  }
0x8e: {  	vm15 =	vge.f32 v1, $0.0e+00  }
0x8f: {  	v1 =	vsel vm15, v1, v2  }
0x90: {  	v1 =	vsub.f32 v1, v0;
	_ =	sdelay $0x1  }
0x91: {  	v1 =	vmul.f32 $1.442695020e+00, v1;
	_ =	sdelay $0x1  }
0x92: {  	(erf) = vpow2.f32 v1;
	_ =	sdelay $0x7  }
0x93: {  	s25 =	simm.s32 $0xC880;
	s24 =	simm.s32 $0x11860;
	s23 =	simm.s32 $0x0  }
.LBB2_4:
0x94: {  	s23 =	sadd.s32 $0x2, s23;
	s22 =	sadd.s32 $0x20, s22;
	s19 =	sadd.s32 $0x20, s19;
	v1 =	vpop (erf)  }
0x95: {  	p4 =	slt.u32 s23, $0x27E;
	[tilespmem:s24+$0x0] =	vst v1;
	s24 =	smov.u32 s22  }
0x96: {  	v1 =	vld [tilespmem:s25+$0xFFFFFFF0]  }
0x97: {  	v2 =	vld [tilespmem:s19+$0xFFFFFFF0];
	_ =	sdelay $0x4  }
0x98: {  	v1 =	vadd.f32 v2, v1;
	_ =	sdelay $0x1  }
0x99: {  	v2 =	vmul.f32 $2.000000030e-01, v1  }
0x9a: {  	vm0 =	vge.f32 v1, $0.0e+00  }
0x9b: {  	v1 =	vsel vm0, v1, v2  }
0x9c: {  	v1 =	vsub.f32 v1, v0;
	_ =	sdelay $0x1  }
0x9d: {  	v1 =	vmul.f32 $1.442695020e+00, v1;
	_ =	sdelay $0x1  }
0x9e: {  	(erf) = vpow2.f32 v1;
	_ =	sdelay $0x8  }
0x9f: {  	v1 =	vpop (erf)  }
0xa0: {  	[tilespmem:s22+$0xFFFFFFF0] =	vst v1  }
0xa1: {  	v1 =	vld [tilespmem:s19+$0x0]  }
0xa2: {  	v2 =	vld [tilespmem:s25+$0x0];
	_ =	sdelay $0x4  }
0xa3: {  	v1 =	vadd.f32 v1, v2;
	_ =	sdelay $0x1  }
0xa4: {  	vm0 =	vge.f32 v1, $0.0e+00;
	v2 =	vmul.f32 $2.000000030e-01, v1;
	_ =	sdelay $0x1  }
0xa5: {  	v1 =	vsel vm0, v1, v2  }
0xa6: {  	v1 =	vsub.f32 v1, v0;
	_ =	sdelay $0x1  }
0xa7: {  	v1 =	vmul.f32 $1.442695020e+00, v1;
	_ =	sdelay $0x1  }
0xa8: {  	(erf) = vpow2.f32 v1;
	_ =	sdelay $0x3  }
.Ltmp3:
0xa9: {  	(pc) =	sbr.rel @p4 .LBB2_4-.Ltmp3, $2  }
0xaa: {  	_ =	sdelay $0x2  }
0xab: {  	s25 =	sadd.s32 $0x20, s25  }
0xac: {  	v1 =	vpop (erf)  }
0xad: {  	[tilespmem:s24+$0x0] =	vst v1  }
0xae: {  	[spmem:s2] =	stream.indirect.scatter.add.f32 [tilespmem:s29], [sflag:$0x2], $0x10, s0, s12, $0xb8;
	[tilespmem:$0x1E060] =	vst v63  }
0xaf: {  	_ =	swait.ge [sflag:s30], $0x2800  }
0xb0: {  	[sflag:s30] =	ssyncset.done $0x0  }
0xb1: {  	[sflag:s30] =	ssyncadd.s32 $0xFFFFD800  }
0xb2: {  	[tilespmem:s20], [sflag:$0x1] =	stream.indirect.gather [hbm4b:s5+s12], $0x40, s31, s12, $0xb8;
	[tilespmem:$0x1E060] =	vst v63  }
0xb3: {  	_ =	swait.ge [sflag:s16], $0xA000  }
0xb4: {  	[sflag:s16] =	ssyncset.done $0x0  }
0xb5: {  	s19 =	simm.s32 $0x14070;
	[sflag:s16] =	ssyncadd.s32 $0xFFFF6000  }
0xb6: {  	s23 =	simm.s32 $0x40;
	s22 =	simm.s32 $0x14070;
	s24 =	simm.s32 $0x0;
	v1 =	vld [tilespmem:s19+$0xFFFFFFF0]  }
.LBB2_6:
0xb7: {  	p4 =	sne.s32 s23, $0x9FC0;
	v2 =	vld [tilespmem:s24+$0x11850]  }
0xb8: {  	v3 =	vld [tilespmem:s19+$0x10]  }
0xb9: {  	v4 =	vld [tilespmem:s19+$0xFFFFFFE0]  }
0xba: {  	v5 =	vld [tilespmem:s19+$0x0];
	_ =	sdelay $0x1  }
0xbb: {  	v6 =	vbroadcast v2, $0x0;
	v2 =	vbroadcast v2, $0x1;
	_ =	sdelay $0x1  }
0xbc: {  	v4 =	vmul.f32 v6, v4;
	v1 =	vmul.f32 v1, v6  }
.Ltmp4:
0xbd: {  	v5 =	vmul.f32 v5, v2;
	v2 =	vmul.f32 v3, v2;
	(pc) =	sbr.rel @p4 .LBB2_6-.Ltmp4, $4  }
0xbe: {  	[tilespmem:s19+$0xFFFFFFE0] =	vst v4  }
0xbf: {  	[tilespmem:s19+$0xFFFFFFF0] =	vst v1  }
0xc0: {  	s19 =	sadd.s32 $0x40, s19;
	[tilespmem:s22+$0x0] =	vst v5  }
0xc1: {  	s24 =	sshra.s32 s23, $0x2;
	s23 =	sadd.s32 $0x40, s23;
	v1 =	vld [tilespmem:s19+$0xFFFFFFF0];
	[tilespmem:s22+$0x10] =	vst v2;
	s22 =	smov.u32 s19  }
0xc2: {  	v2 =	vld [tilespmem:s24+$0x11850];
	_ =	sdelay $0x1  }
0xc3: {  	v3 =	vld [tilespmem:s19+$0xFFFFFFE0];
	_ =	sdelay $0x1  }
0xc4: {  	v4 =	vld [tilespmem:s19+$0x0]  }
0xc5: {  	v5 =	vld [tilespmem:s19+$0x10];
	v6 =	vbroadcast v2, $0x0;
	_ =	sdelay $0x1  }
0xc6: {  	v2 =	vbroadcast v2, $0x1;
	v3 =	vmul.f32 v6, v3  }
0xc7: {  	v1 =	vmul.f32 v1, v6  }
0xc8: {  	v4 =	vmul.f32 v4, v2;
	[tilespmem:s19+$0xFFFFFFE0] =	vst v3  }
0xc9: {  	v2 =	vmul.f32 v5, v2;
	[tilespmem:s19+$0xFFFFFFF0] =	vst v1  }
0xca: {  	[tilespmem:s22+$0x0] =	vst v4  }
0xcb: {  	p4 =	seq.s32 s9, s15;
	[tilespmem:s22+$0x10] =	vst v2  }
0xcc: {  	[spmem:s1] =	stream.indirect.scatter.add.f32 [tilespmem:s20], [sflag:$0x2], $0x40, s0, s12, $0xb8;
	[tilespmem:$0x1E060] =	vst v63  }
.Ltmp5:
0xcd: {  	_ = 	snop;
	(pc) =	sbr.rel @!p4 .LBB2_3-.Ltmp5, $4  }
.Ltmp6:
0xce: {  	_ = 	snop;
	(pc) =	sbr.rel @p4 .LBB2_14-.Ltmp6, $4  }
0xcf: {  	_ =	swait.ge [sflag:s30], $0xA000  }
0xd0: {  	s25 =	sadd.s32 $0x1, s9;
	[sflag:s30] =	ssyncset.done $0x0  }
0xd1: {  	s9 =	smov.u32 s25;
	[sflag:s30] =	ssyncadd.s32 $0xFFFF6000  }
0xd2: {  	_ = 	snop  }
.LBB2_8:
0xd3: {  	s9 =	simm.s32 @p0 $0x0;
	s19 =	simm.s32 @p0 $0x14050;
	s22 =	rddreg [dreg:$0x6]  }
0xd4: {  	[tilespmem:s19], [sflag:$0x2] =	stream.linear.gather @p0 [hbm4b:s22+s9], $0x6400, $0x38;
	[tilespmem:$0x1E060] =	vst v63  }
0xd5: {  	s9 =	simm.s32 @p0 $0x2  }
0xd6: {  	_ =	swait.ge @p0 [sflag:s9], $0x6400  }
0xd7: {  	[sflag:s9] =	ssyncset.done @p0 $0x0  }
0xd8: {  	[sflag:s9] =	ssyncadd.s32 @p0 $0xFFFF9C00  }
0xd9: {  	[spmem:s26] =	stream.linear.scatter @p0 [tilespmem:s19], [sflag:$0x2], $0x6400, $0x38;
	[tilespmem:$0x1E060] =	vst v63  }
0xda: {  	_ =	swait.ge @p0 [sflag:s9], $0x6400  }
0xdb: {  	s19 =	simm.s32 @!p0 $0x14050;
	[sflag:s9] =	ssyncset.done @p0 $0x0  }
0xdc: {  	s22 =	rddreg [dreg:$0x5];
	[sflag:s9] =	ssyncadd.s32 @p0 $0xFFFF9C00;
	s9 =	simm.s32 @!p0 $0x0  }
0xdd: {  	[tilespmem:s19], [sflag:$0x2] =	stream.linear.gather @!p0 [hbm4b:s22+s9], $0xA000, $0x38;
	[tilespmem:$0x1E060] =	vst v63  }
0xde: {  	s9 =	simm.s32 @!p0 $0x2  }
0xdf: {  	_ =	swait.ge @!p0 [sflag:s9], $0xA000  }
0xe0: {  	[sflag:s9] =	ssyncset.done @!p0 $0x0  }
0xe1: {  	[sflag:s9] =	ssyncadd.s32 @!p0 $0xFFFF6000  }
0xe2: {  	[spmem:s13] =	stream.linear.scatter @!p0 [tilespmem:s19], [sflag:$0x2], $0xA000, $0x38;
	[tilespmem:$0x1E060] =	vst v63  }
0xe3: {  	_ =	swait.ge @!p0 [sflag:s9], $0xA000  }
0xe4: {  	[sflag:s9] =	ssyncset.done @!p0 $0x0  }
0xe5: {  	[sflag:s9] =	ssyncadd.s32 @!p0 $0xFFFF6000  }
0xe6: {  	[bflag:$0x0] =	sbarrier.arrive $0xFFFF  }
0xe7: {  	s9 =	simm.s32 $0x0;
	v0 =	vld [tilespmem:$0x1E050]  }
.LBB2_9:
0xe8: {  	s19 =	sshll.u32 s9, $0x4  }
0xe9: {  	s19 =	sor.u32 s4, s19  }
0xea: {  	s19 =	smul.u32 $0x50, s19;
	_ =	sdelay $0x1  }
0xeb: {  	s22 =	sadd.s32 s10, s19  }
0xec: {  	[tilespmem:s31], [sflag:$0x2] =	stream.linear.gather [hbm4b:s22+s3], $0x280, $0x38;
	[tilespmem:$0x1E060] =	vst v63  }
0xed: {  	_ =	swait.ge [sflag:s30], $0x280  }
0xee: {  	[sflag:s30] =	ssyncset.done $0x0  }
0xef: {  	s19 =	sadd.s32 s11, s19;
	[sflag:s30] =	ssyncadd.s32 $0xFFFFFD80  }
0xf0: {  	[tilespmem:s0], [sflag:$0x2] =	stream.linear.gather [hbm4b:s19+s3], $0x280, $0x38;
	[tilespmem:$0x1E060] =	vst v63  }
0xf1: {  	_ =	swait.ge [sflag:s30], $0x280  }
0xf2: {  	[sflag:s30] =	ssyncset.done $0x0  }
0xf3: {  	[sflag:s30] =	ssyncadd.s32 $0xFFFFFD80  }
0xf4: {  	[tilespmem:s14], [sflag:$0x1] =	stream.indirect.gather [hbm4b:s7+s12], $0x10, s31, s12, $0xb8;
	[tilespmem:$0x1E060] =	vst v63  }
0xf5: {  	_ =	swait.ge [sflag:s16], $0x2800  }
0xf6: {  	[sflag:s16] =	ssyncset.done $0x0  }
0xf7: {  	[sflag:s16] =	ssyncadd.s32 $0xFFFFD800  }
0xf8: {  	[tilespmem:s17], [sflag:$0x1] =	stream.indirect.gather [hbm4b:s8+s12], $0x10, s0, s12, $0xb8;
	[tilespmem:$0x1E060] =	vst v63  }
0xf9: {  	_ =	swait.ge [sflag:s16], $0x2800  }
0xfa: {  	[sflag:s16] =	ssyncset.done $0x0  }
0xfb: {  	s23 =	simm.s32 $0xC860;
	[sflag:s16] =	ssyncadd.s32 $0xFFFFD800  }
0xfc: {  	s19 =	simm.s32 $0xF060;
	v1 =	vld [tilespmem:s23+$0xFFFFFFF0]  }
0xfd: {  	v2 =	vld [tilespmem:s19+$0xFFFFFFF0];
	_ =	sdelay $0x4  }
0xfe: {  	v1 =	vadd.f32 v2, v1;
	_ =	sdelay $0x1  }
0xff: {  	v2 =	vmul.f32 $2.000000030e-01, v1  }
0x100: {  	vm0 =	vge.f32 v1, $0.0e+00  }
0x101: {  	v1 =	vsel vm0, v1, v2  }
0x102: {  	v1 =	vsub.f32 v1, v0;
	_ =	sdelay $0x1  }
0x103: {  	v1 =	vmul.f32 $1.442695020e+00, v1;
	_ =	sdelay $0x1  }
0x104: {  	(erf) = vpow2.f32 v1;
	_ =	sdelay $0x8  }
0x105: {  	s22 =	simm.s32 $0x11860;
	v1 =	vpop (erf)  }
0x106: {  	[tilespmem:s22+$0xFFFFFFF0] =	vst v1  }
0x107: {  	v1 =	vld [tilespmem:s19+$0x0]  }
0x108: {  	v2 =	vld [tilespmem:s23+$0x0];
	_ =	sdelay $0x4  }
0x109: {  	v1 =	vadd.f32 v1, v2;
	_ =	sdelay $0x1  }
0x10a: {  	v2 =	vmul.f32 $2.000000030e-01, v1  }
0x10b: {  	vm15 =	vge.f32 v1, $0.0e+00  }
0x10c: {  	v1 =	vsel vm15, v1, v2  }
0x10d: {  	v1 =	vsub.f32 v1, v0;
	_ =	sdelay $0x1  }
0x10e: {  	v1 =	vmul.f32 $1.442695020e+00, v1;
	_ =	sdelay $0x1  }
0x10f: {  	(erf) = vpow2.f32 v1;
	_ =	sdelay $0x7  }
0x110: {  	s25 =	simm.s32 $0xC880;
	s24 =	simm.s32 $0x11860;
	s23 =	simm.s32 $0x0  }
.LBB2_10:
0x111: {  	s23 =	sadd.s32 $0x2, s23;
	s22 =	sadd.s32 $0x20, s22;
	s19 =	sadd.s32 $0x20, s19;
	v1 =	vpop (erf)  }
0x112: {  	p4 =	slt.u32 s23, $0x27E;
	[tilespmem:s24+$0x0] =	vst v1;
	s24 =	smov.u32 s22  }
0x113: {  	v1 =	vld [tilespmem:s25+$0xFFFFFFF0]  }
0x114: {  	v2 =	vld [tilespmem:s19+$0xFFFFFFF0];
	_ =	sdelay $0x4  }
0x115: {  	v1 =	vadd.f32 v2, v1;
	_ =	sdelay $0x1  }
0x116: {  	v2 =	vmul.f32 $2.000000030e-01, v1  }
0x117: {  	vm0 =	vge.f32 v1, $0.0e+00  }
0x118: {  	v1 =	vsel vm0, v1, v2  }
0x119: {  	v1 =	vsub.f32 v1, v0;
	_ =	sdelay $0x1  }
0x11a: {  	v1 =	vmul.f32 $1.442695020e+00, v1;
	_ =	sdelay $0x1  }
0x11b: {  	(erf) = vpow2.f32 v1;
	_ =	sdelay $0x8  }
0x11c: {  	v1 =	vpop (erf)  }
0x11d: {  	[tilespmem:s22+$0xFFFFFFF0] =	vst v1  }
0x11e: {  	v1 =	vld [tilespmem:s19+$0x0]  }
0x11f: {  	v2 =	vld [tilespmem:s25+$0x0];
	_ =	sdelay $0x4  }
0x120: {  	v1 =	vadd.f32 v1, v2;
	_ =	sdelay $0x1  }
0x121: {  	vm0 =	vge.f32 v1, $0.0e+00;
	v2 =	vmul.f32 $2.000000030e-01, v1;
	_ =	sdelay $0x1  }
0x122: {  	v1 =	vsel vm0, v1, v2  }
0x123: {  	v1 =	vsub.f32 v1, v0;
	_ =	sdelay $0x1  }
0x124: {  	v1 =	vmul.f32 $1.442695020e+00, v1;
	_ =	sdelay $0x1  }
0x125: {  	(erf) = vpow2.f32 v1;
	_ =	sdelay $0x3  }
.Ltmp7:
0x126: {  	(pc) =	sbr.rel @p4 .LBB2_10-.Ltmp7, $2  }
0x127: {  	_ =	sdelay $0x2  }
0x128: {  	s25 =	sadd.s32 $0x20, s25  }
0x129: {  	v1 =	vpop (erf)  }
0x12a: {  	[tilespmem:s24+$0x0] =	vst v1  }
0x12b: {  	[tilespmem:s20], [sflag:$0x1] =	stream.indirect.gather [hbm4b:s6+s12], $0x40, s31, s12, $0xb8;
	[tilespmem:$0x1E060] =	vst v63  }
0x12c: {  	_ =	swait.ge [sflag:s16], $0xA000  }
0x12d: {  	[sflag:s16] =	ssyncset.done $0x0  }
0x12e: {  	s19 =	simm.s32 $0x14070;
	[sflag:s16] =	ssyncadd.s32 $0xFFFF6000  }
0x12f: {  	s23 =	simm.s32 $0x40;
	s22 =	simm.s32 $0x14070;
	s24 =	simm.s32 $0x0;
	v1 =	vld [tilespmem:s19+$0xFFFFFFF0]  }
.LBB2_12:
0x130: {  	p4 =	sne.s32 s23, $0x9FC0;
	v2 =	vld [tilespmem:s24+$0x11850]  }
0x131: {  	v3 =	vld [tilespmem:s19+$0x10]  }
0x132: {  	v4 =	vld [tilespmem:s19+$0xFFFFFFE0]  }
0x133: {  	v5 =	vld [tilespmem:s19+$0x0];
	_ =	sdelay $0x1  }
0x134: {  	v6 =	vbroadcast v2, $0x2;
	v2 =	vbroadcast v2, $0x3;
	_ =	sdelay $0x1  }
0x135: {  	v4 =	vmul.f32 v6, v4;
	v1 =	vmul.f32 v1, v6  }
.Ltmp8:
0x136: {  	v5 =	vmul.f32 v5, v2;
	v2 =	vmul.f32 v3, v2;
	(pc) =	sbr.rel @p4 .LBB2_12-.Ltmp8, $4  }
0x137: {  	[tilespmem:s19+$0xFFFFFFE0] =	vst v4  }
0x138: {  	[tilespmem:s19+$0xFFFFFFF0] =	vst v1  }
0x139: {  	s19 =	sadd.s32 $0x40, s19;
	[tilespmem:s22+$0x0] =	vst v5  }
0x13a: {  	s24 =	sshra.s32 s23, $0x2;
	s23 =	sadd.s32 $0x40, s23;
	v1 =	vld [tilespmem:s19+$0xFFFFFFF0];
	[tilespmem:s22+$0x10] =	vst v2;
	s22 =	smov.u32 s19  }
0x13b: {  	v2 =	vld [tilespmem:s24+$0x11850];
	_ =	sdelay $0x1  }
0x13c: {  	v3 =	vld [tilespmem:s19+$0xFFFFFFE0];
	_ =	sdelay $0x1  }
0x13d: {  	v4 =	vld [tilespmem:s19+$0x0]  }
0x13e: {  	v5 =	vld [tilespmem:s19+$0x10];
	v6 =	vbroadcast v2, $0x2;
	_ =	sdelay $0x1  }
0x13f: {  	v2 =	vbroadcast v2, $0x3;
	v3 =	vmul.f32 v6, v3  }
0x140: {  	v1 =	vmul.f32 v1, v6  }
0x141: {  	v4 =	vmul.f32 v4, v2;
	[tilespmem:s19+$0xFFFFFFE0] =	vst v3  }
0x142: {  	v2 =	vmul.f32 v5, v2;
	[tilespmem:s19+$0xFFFFFFF0] =	vst v1  }
0x143: {  	[tilespmem:s22+$0x0] =	vst v4  }
0x144: {  	p4 =	sne.s32 s9, s15;
	[tilespmem:s22+$0x10] =	vst v2  }
0x145: {  	[spmem:s1] =	stream.indirect.scatter.add.f32 [tilespmem:s20], [sflag:$0x2], $0x40, s0, s12, $0xb8;
	[tilespmem:$0x1E060] =	vst v63  }
.Ltmp9:
0x146: {  	_ = 	snop;
	(pc) =	sbr.rel @p4 .LBB2_9-.Ltmp9, $4  }
.Ltmp10:
0x147: {  	_ = 	snop;
	(pc) =	sbr.rel @!p4 .LBB2_14-.Ltmp10, $4  }
0x148: {  	_ =	swait.ge [sflag:s30], $0xA000  }
0x149: {  	s25 =	sadd.s32 $0x1, s9;
	[sflag:s30] =	ssyncset.done $0x0  }
0x14a: {  	s9 =	smov.u32 s25;
	[sflag:s30] =	ssyncadd.s32 $0xFFFF6000  }
0x14b: {  	_ = 	snop  }
.LBB2_15:
0x14c: {  	_ =	sfence.sel $0x180000  }
0x14d: {  	[bflag:$0x0] =	sbarrier.arrive $0xFFFF  }
0x14e: {  	_ =	strace $0x9000004A  }
0x14f: {  	[bflag:$0x2] =	sbarrier.arrive $0xFFFF  }
0x150: {  	p0 =	sne.s32 s4, $0x0;
	s0 =	rddreg [dreg:$0x3]  }
0x151: {  	s0 =	sadd.s32 @!p0 $0x100000, s0  }
0x152: {  	[sflag:s0] =	ssyncadd.tile.s32 @!p0 $0x1;
	_ =	shalt  }
.Lfunc_end2:
_tile_overlayer_lowered:
.L_overlay_start_2:
0x153: {  	(tag) =	ssettag $0x2  }
0x154: {  	s0 =	rddreg [dreg:$0x0];
	s2 =	stileid.u32  }
0x155: {  	s1 =	rddreg [dreg:$0x1];
	p0 =	sne.s32 s2, $0x0  }
0x156: {  	s3 =	rddreg [dreg:$0x2];
	[bflag:$0x3] =	sbarrier.arrive $0xFFFF;
	s2 =	simm.s32 @!p0 $0x1C02  }
0x157: {  	[timem:s3], [sflag:s2] =	dma.local @!p0 [hbm:s0], s1  }
0x158: {  	s0 =	simm.s32 @!p0 $0x2  }
0x159: {  	_ =	swait.ge @!p0 [sflag:s0], s1  }
0x15a: {  	s1 =	ssub.s32 @!p0 $0x0, s1;
	[sflag:s0] =	ssyncset.done @!p0 $0x0  }
0x15b: {  	[sflag:s0] =	ssyncadd.s32 @!p0 s1  }
0x15c: {  	[bflag:$0x3] =	sbarrier.arrive $0xFFFF  }
0x15d: {  	_ =	shalt  }

// kernel: kernel.9.cloned.1.call-start
scs
__scs_entry_jumppad:
0x0: {  	(pc) =	sbr.rel $0x88, $3  }
0x1: {  	(tag) =	ssettag $0x0;
	lr =	simm.s32 $0x1  }
0x2: {  	[smem:$0x3F92] =	sst lr;
	_ =	strace $0xD0000000  }
0x3: {  	_ = 	snop  }
0x4: {  	_ = 	snop  }
0x5: {  	_ = 	snop  }
0x6: {  	_ = 	snop  }
0x7: {  	_ = 	snop  }
__scs_overlays_trampoline_lowered:
0x8: {  	[smem:$0x3FA1] =	sst s0  }
0x9: {  	[smem:$0x3FA2] =	sst s1  }
0xa: {  	[smem:$0x3FA3] =	sst s2  }
0xb: {  	[smem:$0x3FA4] =	sst s3  }
0xc: {  	[smem:$0x3FA5] =	sst s4  }
0xd: {  	[smem:$0x3FA6] =	sst s5  }
0xe: {  	[smem:$0x3FA7] =	sst s6  }
0xf: {  	[smem:$0x3FA8] =	sst s7  }
0x10: {  	[smem:$0x3FA9] =	sst s8  }
0x11: {  	[smem:$0x3FAA] =	sst s9;
	s0 =	simm.s32 @!p0 $0x0  }
0x12: {  	s1 =	sld [smem:$0x3F90];
	s0 =	simm.s32 @p0 $0x1  }
0x13: {  	[smem:$0x3FAB] =	sst s0;
	s0 =	simm.s32 @!p1 $0x0  }
0x14: {  	s2 =	sld [smem:$0x3F8F];
	s0 =	simm.s32 @p1 $0x1  }
0x15: {  	[smem:$0x3FAC] =	sst s0;
	s0 =	simm.s32 @!p2 $0x0  }
0x16: {  	s3 =	sld [smem:$0x3FDB];
	s0 =	simm.s32 @p2 $0x1  }
0x17: {  	s4 =	simm.s32 $0x1BF5;
	[smem:$0x3FAE] =	sst s0  }
0x18: {  	s0 =	sld [smem:$0x3F91];
	_ =	swait.ge [sflag:s4], $0x0  }
0x19: {  	s7 =	sld [smem:$0x3F92]  }
0x1a: {  	s8 =	sadd.s32 $0xFFFFE003, lr  }
0x1b: {  	s9 =	sadd.s32 $0xFFFFFEF7, lr;
	s5 =	simm.s32 $0xFFFFFFFF;
	p2 =	slt.u32 s8, $0xFFFFF086  }
0x1c: {  	p1 =	slt.u32 s9, $0xF7A;
	s5 =	simm.s32 @!p2 $0x0  }
0x1d: {  	s5 =	simm.s32 @p1 $0x1;
	p0 =	seq.s32 s7, s2  }
0x1e: {  	s7 =	smul.u32 @!p0 $0xF7A, s2;
	p2 =	seq.s32 @!p0 s5, $0x0  }
0x1f: {  	s9 =	smul.u32 $0xF7A, s1;
	s8 =	simm.s32 @!p0 $0x1BF5;
	p2 =	por !p2, p0  }
0x20: {  	[sflag:s8] =	ssyncset.s32 @!p0 $0xFFFFF086;
	s6 =	sadd.s32 @!p0 s3, s7;
	s7 =	simm.s32 @!p0 $0x108  }
0x21: {  	s3 =	sadd.s32 s3, s9;
	s6 =	sadd.s32 @!p0 $0x88, s6;
	s7 =	simm.s32 @p2 $0x1082  }
0x22: {  	[simem:s7], [sflag:s8] =	dma.local @!p0 [hbm:s6], $0xF7A  }
0x23: {  	s9 =	sor.u32 $0xD0000000, s2;
	s6 =	simm.s32 $0x108;
	_ =	swait.ge @!p0 [sflag:s8], $0x0  }
0x24: {  	s3 =	sadd.s32 $0x88, s3;
	s6 =	simm.s32 @!p1 $0x1082;
	[sflag:s4] =	ssyncset.s32 $0xFFFFF086  }
0x25: {  	[simem:s6], [sflag:s4] =	dma.local [hbm:s3], $0xF7A  }
0x26: {  	[smem:$0x3F92] =	sst s1;
	(tag) =	ssettag s2;
	_ =	strace s9  }
0x27: {  	s1 =	sld [smem:$0x3FA2]  }
0x28: {  	s2 =	sld [smem:$0x3FA3]  }
0x29: {  	s4 =	sld [smem:$0x3FA5]  }
0x2a: {  	p0 =	seq.s32 s5, $0x0;
	s5 =	sld [smem:$0x3FA6]  }
0x2b: {  	s6 =	sld [smem:$0x3FA7]  }
0x2c: {  	s7 =	sld [smem:$0x3FA8]  }
0x2d: {  	s3 =	simm.s32 $0x108;
	s8 =	sld [smem:$0x3FA9]  }
0x2e: {  	s3 =	simm.s32 @!p0 $0x1082;
	s9 =	sld [smem:$0x3FAA]  }
0x2f: {  	lr =	sadd.s32 s0, s3;
	s0 =	sld [smem:$0x3FA1]  }
0x30: {  	s3 =	sld [smem:$0x3FA4]  }
0x31: {  	[smem:$0x3FAD] =	sst s10  }
0x32: {  	s10 =	sld [smem:$0x3FAB];
	_ =	sdelay $0x3  }
0x33: {  	p0 =	seq.s32 s10, $0x1;
	s10 =	sld [smem:$0x3FAD];
	_ =	sdelay $0x3  }
0x34: {  	[smem:$0x3FAD] =	sst s10  }
0x35: {  	s10 =	sld [smem:$0x3FAC];
	_ =	sdelay $0x3  }
0x36: {  	p1 =	seq.s32 s10, $0x1;
	s10 =	sld [smem:$0x3FAD];
	_ =	sdelay $0x3  }
0x37: {  	[smem:$0x3FAD] =	sst s10  }
0x38: {  	s10 =	sld [smem:$0x3FAE]  }
0x39: {  	_ = 	snop;
	(pc) =	sbr.ind lr, $3  }
0x3a: {  	_ = 	snop  }
0x3b: {  	_ = 	snop  }
0x3c: {  	p2 =	seq.s32 s10, $0x1;
	s10 =	sld [smem:$0x3FAD]  }
0x3d: {  	_ =	shalt  }
0x3e: {  	_ =	shalt  }
0x3f: {  	_ =	shalt  }
0x40: {  	_ =	shalt  }
0x41: {  	_ =	shalt  }
0x42: {  	_ =	shalt  }
0x43: {  	_ =	shalt  }
0x44: {  	_ =	shalt  }
0x45: {  	_ =	shalt  }
0x46: {  	_ =	shalt  }
0x47: {  	_ =	shalt  }
0x48: {  	_ =	shalt  }
0x49: {  	_ =	shalt  }
0x4a: {  	_ =	shalt  }
0x4b: {  	_ =	shalt  }
0x4c: {  	_ =	shalt  }
0x4d: {  	_ =	shalt  }
0x4e: {  	_ =	shalt  }
0x4f: {  	_ =	shalt  }
0x50: {  	_ =	shalt  }
0x51: {  	_ =	shalt  }
0x52: {  	_ =	shalt  }
0x53: {  	_ =	shalt  }
0x54: {  	_ =	shalt  }
0x55: {  	_ =	shalt  }
0x56: {  	_ =	shalt  }
0x57: {  	_ =	shalt  }
0x58: {  	_ =	shalt  }
0x59: {  	_ =	shalt  }
0x5a: {  	_ =	shalt  }
0x5b: {  	_ =	shalt  }
0x5c: {  	_ =	shalt  }
0x5d: {  	_ =	shalt  }
0x5e: {  	_ =	shalt  }
0x5f: {  	_ =	shalt  }
0x60: {  	_ =	shalt  }
0x61: {  	_ =	shalt  }
0x62: {  	_ =	shalt  }
0x63: {  	_ =	shalt  }
0x64: {  	_ =	shalt  }
0x65: {  	_ =	shalt  }
0x66: {  	_ =	shalt  }
0x67: {  	_ =	shalt  }
0x68: {  	_ =	shalt  }
0x69: {  	_ =	shalt  }
0x6a: {  	_ =	shalt  }
0x6b: {  	_ =	shalt  }
0x6c: {  	_ =	shalt  }
0x6d: {  	_ =	shalt  }
0x6e: {  	_ =	shalt  }
0x6f: {  	_ =	shalt  }
0x70: {  	_ =	shalt  }
0x71: {  	_ =	shalt  }
0x72: {  	_ =	shalt  }
0x73: {  	_ =	shalt  }
0x74: {  	_ =	shalt  }
0x75: {  	_ =	shalt  }
0x76: {  	_ =	shalt  }
0x77: {  	_ =	shalt  }
0x78: {  	_ =	shalt  }
0x79: {  	_ =	shalt  }
0x7a: {  	_ =	shalt  }
0x7b: {  	_ =	shalt  }
0x7c: {  	_ =	shalt  }
0x7d: {  	_ =	shalt  }
0x7e: {  	_ =	shalt  }
0x7f: {  	_ =	shalt  }
0x80: {  	_ =	shalt  }
0x81: {  	_ =	shalt  }
0x82: {  	_ =	shalt  }
0x83: {  	_ =	shalt  }
0x84: {  	_ =	shalt  }
0x85: {  	_ =	shalt  }
0x86: {  	_ =	shalt  }
0x87: {  	_ =	shalt  }
.Lfunc_end0:
.L_simem_size_0:
called_computation_lowered:
.L_overlay_start_0:
0x88: {  	s2 =	sld [smem:$0x3FD9]  }
0x89: {  	s3 =	sld [smem:$0x3FFE];
	_ =	sdelay $0x1  }
0x8a: {  	s1 =	srdreg.scid  }
0x8b: {  	s0 =	sand.u32 $0x1, s1  }
0x8c: {  	s16 =	sshll.u32 s0, $0xA;
	s2 =	sadd.s32 s3, s2  }
0x8d: {  	s2 =	sadd.s32 s2, s16  }
0x8e: {  	[smem:$0x3FB9] =	sst s2  }
0x8f: {  	_ = 	snop  }
0x90: {  	(tm) =	ssettm $0x1  }
0x91: {  	s17 =	sld [smem:$0x3FFB];
	_ =	sdelay $0x3  }
0x92: {  	_ =	strace s17  }
0x93: {  	s2 =	sld [smem:$0x3FFC];
	_ =	sdelay $0x3  }
0x94: {  	_ =	strace s2  }
0x95: {  	s2 =	sld [smem:$0x3FFD];
	_ =	sdelay $0x3  }
0x96: {  	_ =	strace s2  }
0x97: {  	_ =	strace $0x8FFFFFFF  }
0x98: {  	s18 =	sld [smem:$0x3FDB];
	_ =	sdelay $0x1  }
0x99: {  	s19 =	simm.s32 $_scs_section_size  }
0x9a: {  	s4 =	simm.s32 $_size__tile_overlayer_lowered;
	s5 =	simm.s32 $_tile_overlayer_lowered  }
0x9b: {  	s22 =	simm.s32 $0x1BFF;
	s21 =	sshll.u32 s5, $0x1;
	s2 =	sadd.s32 s19, s18  }
0x9c: {  	s6 =	simm.s32 $0x0;
	s20 =	sshll.u32 s4, $0x1;
	s4 =	sadd.s32 s21, s2  }
0x9d: {  	[timem:s6], [sflag:s22] =	dma.local [hbm:s4], s20  }
0x9e: {  	_ =	swait.ge [sflag:s22], s20  }
0x9f: {  	s3 =	ssub.s32 $0x0, s20;
	[sflag:s22] =	ssyncset.done $0x0  }
0xa0: {  	[sflag:s22] =	ssyncadd.s32 s3;
	_ =	sdelay $0x1  }
0xa1: {  	s23 =	simm.s32 $0x1B8B  }
0xa2: {  	_ =	swait.ge [sflag:s23], $0x1  }
0xa3: {  	[sflag:s23] =	ssyncset.done $0x0  }
0xa4: {  	s25 =	simm.s32 $0x1B8E;
	s24 =	sld [smem:$0x3FFE];
	[sflag:s23] =	ssyncadd.s32 $0xFFFFFFFF  }
0xa5: {  	s26 =	simm.s32 $execute0_lowered;
	[smem:$0x3FD2] =	sst s25  }
0xa6: {  	s4 =	sshll.u32 s26, $0x1;
	_ =	strace $0x80000046;
	[dreg:$0x1] =	wrdreg $0xFFFFFFFF  }
0xa7: {  	s28 =	simm.s32 $_size_execute0_lowered;
	s2 =	sadd.s32 s2, s4;
	[dreg:$0x0] =	wrdreg $0x0  }
0xa8: {  	s4 =	sshll.u32 s28, $0x1;
	[dreg:$0x2] =	wrdreg s2  }
0xa9: {  	[dreg:$0x3] =	wrdreg s4  }
0xaa: {  	[dreg:$0x4] =	wrdreg $0xC0  }
0xab: {  	_ =	task [dreg:s6], $0x5FFFF  }
0xac: {  	[dreg:$0x1] =	wrdreg $0xFFFFFFFF  }
0xad: {  	[dreg:$0x0] =	wrdreg $0x60  }
0xae: {  	[dreg:$0x2] =	wrdreg s24  }
0xaf: {  	[dreg:$0x3] =	wrdreg $0x0  }
0xb0: {  	[dreg:$0x4] =	wrdreg $0x9C400  }
0xb1: {  	[dreg:$0x5] =	wrdreg $0x9  }
0xb2: {  	_ =	task.clear_ibuf [dreg:s6], $0x6FFFF;
	_ =	strace $0x90000046  }
0xb3: {  	s29 =	simm.s32 $0x9;
	_ =	strace $0x80000048  }
0xb4: {  	_ =	swait.ge [sflag:s29], $0x1  }
0xb5: {  	[sflag:s29] =	ssyncadd.s32 $0xFFFFFFFF  }
0xb6: {  	_ =	strace $0x90000048  }
0xb7: {  	_ =	sfence  }
0xb8: {  	s30 =	sld [smem:$0x0];
	_ =	sdelay $0x2  }
0xb9: {  	s31 =	sshll.u32 s1, $0xD;
	s1 =	sshrl.u32 s1, $0x2  }
0xba: {  	s3 =	sand.u32 $0x4000, s31;
	s1 =	sadd.s32 s1, s30  }
0xbb: {  	s0 =	sor.u32 s3, s0;
	s1 =	sshll.u32 s1, $0x11  }
0xbc: {  	s0 =	sor.u32 s1, s0  }
0xbd: {  	s0 =	sadd.s32 $0x8F2B, s0  }
0xbe: {  	[sflag:s0] =	ssyncadd.remote.s32 $0x1  }
0xbf: {  	_ =	sfence.sel $0xFFFF  }
0xc0: {  	[dreg:$0x0] =	wrdreg $0xFFFFFFFF;
	(pc) =	sbr.abs _section_cstart, $3  }
0xc1: {  	[dreg:$0x1] =	wrdreg $0xFFFFFFFF  }
0xc2: {  	_ =	task.clear_ibuf [dreg:s6], $0x2FFFF;
	_ =	strace $0x9FFFFFFF  }
0xc3: {  	(tm) =	ssettm $0x7FFFFFFF  }
tec
execute0_lowered:
.L_overlay_start_1:
0x0: {  	(tag) =	ssettag $0x1  }
0x1: {  	s0 =	rddreg [dreg:$0x0]  }
0x2: {  	s1 =	rddreg [dreg:$0x1]  }
0x3: {  	s2 =	rddreg [dreg:$0x2];
	s3 =	simm.s32 $0x0;
	s4 =	stileid.u32  }
0x4: {  	s11 =	srdreg.scid;
	s30 =	simm.s32 $0x2;
	s31 =	simm.s32 $0xC350  }
0x5: {  	s29 =	simm.s32 $0x11850;
	[smem:$0x7FF] =	sst s3;
	s5 =	sadd.s32 $0x2DE00, s0  }
0x6: {  	s6 =	sadd.s32 $0x1A400, s0;
	s7 =	sadd.s32 $0x4B800, s0;
	s8 =	sadd.s32 $0x46800, s0  }
0x7: {  	s9 =	sadd.s32 $0x118A00, s0;
	s23 =	smul.u32 $0xA000, s4;
	s10 =	sadd.s32 $0x55800, s0  }
0x8: {  	s12 =	smul.u32 $0x2800, s4;
	s14 =	sand.u32 $0x1, s11;
	s11 =	sadd.s32 $0x50800, s0  }
0x9: {  	s19 =	sadd.s32 $0x5A800, s0;
	s26 =	ssub.s32 $0xF9, s4;
	s18 =	sadd.s32 $0x12B800, s0  }
0xa: {  	p0 =	seq.s32 s4, $0xF;
	s28 =	sadd.s32 $0x25800, s2;
	_ =	strace $0x80000047  }
0xb: {  	[dreg:$0x4] =	wrdreg s9;
	s15 =	ssub.s32 $0x2, s14;
	s21 =	smul.u32 $0x9C400, s14  }
0xc: {  	[dreg:$0x6] =	wrdreg s18;
	p1 =	sne.s32 s14, $0x0;
	p2 =	sne.s32 @p0 s14, $0x0  }
0xd: {  	p3 =	sne.s32 @!p0 s14, $0x0;
	s14 =	simm.s32 $0xC850;
	s13 =	sshrl.u32 s23, $0x3  }
0xe: {  	s24 =	sshrl.u32 s12, $0x3;
	s17 =	sshrl.u32 s15, $0x1;
	p2 =	por p2, !p0  }
0xf: {  	p3 =	por p3, p0;
	s16 =	sadd.s32 s13, s0;
	s20 =	sadd.s32 s24, s0  }
0x10: {  	s17 =	ssub.s32 s15, s17;
	s13 =	sadd.s32 s23, s1;
	s15 =	sshrl.u32 s26, $0x4  }
0x11: {  	s9 =	sadd.s32 s23, s21;
	s21 =	sshrl.u32 s21, $0x3;
	s23 =	sadd.s32 $0x19600, s0  }
0x12: {  	s24 =	sadd.s32 $0x46300, s0;
	s0 =	sadd.s32 $0x86500, s0;
	[dreg:$0xa] =	wrdreg s23  }
0x13: {  	s25 =	sadd.s32 $0x118C00, s16;
	s16 =	sadd.s32 $0x6A00, s16;
	[dreg:$0xb] =	wrdreg s24  }
0x14: {  	s18 =	sadd.s32 $0x41800, s20;
	s9 =	sshrl.u32 s9, $0x3;
	[dreg:$0xe] =	wrdreg s0  }
0x15: {  	s22 =	sadd.s32 s19, s21;
	s26 =	smax.u32 s17, $0x1;
	[dreg:$0x5] =	wrdreg s25  }
0x16: {  	s0 =	simm.s32 $0xC5D0;
	s17 =	simm.s32 $0xF050;
	[dreg:$0x7] =	wrdreg s16  }
.Ltmp0:
0x17: {  	s21 =	simm.s32 $0x0;
	[dreg:$0x8] =	wrdreg s18;
	(pc) =	sbr.rel .LBB2_1-.Ltmp0, $4  }
0x18: {  	s18 =	sadd.s32 s12, s2;
	s9 =	sadd.s32 s19, s9;
	[dreg:$0xf] =	wrdreg s26  }
0x19: {  	s25 =	sadd.s32 $0x81A00, s20;
	s26 =	sadd.s32 $0x96000, s1;
	[dreg:$0x9] =	wrdreg s9  }
0x1a: {  	s12 =	simm.s32 $0x280;
	[dreg:$0xc] =	wrdreg s25;
	s9 =	sadd.s32 $0x12C00, s22  }
0x1b: {  	s16 =	simm.s32 $0x1;
	s20 =	simm.s32 $0x14050;
	[dreg:$0xd] =	wrdreg s9  }
.LBB2_14:
0x1c: {  	[bflag:$0x0] =	sbarrier.arrive $0xFFFF;
	s9 =	simm.s32 @p0 $0x14050;
	s19 =	simm.s32 @p0 $0x2  }
0x1d: {  	[tilespmem:s9], [sflag:$0x2] =	stream.linear.gather @p0 [spmem:s26], $0x6400, $0x38;
	[tilespmem:$0x1E060] =	vst v63  }
0x1e: {  	_ =	swait.ge @p0 [sflag:s19], $0x6400  }
0x1f: {  	[sflag:s19] =	ssyncset.done @p0 $0x0  }
0x20: {  	s22 =	simm.s32 @p0 $0x0;
	s23 =	rddreg [dreg:$0xd];
	[sflag:s19] =	ssyncadd.s32 @p0 $0xFFFF9C00  }
0x21: {  	[hbm4b:s23+s22] =	stream.linear.scatter @p0 [tilespmem:s9], [sflag:$0x2], $0x6400, $0x38;
	[tilespmem:$0x1E060] =	vst v63  }
0x22: {  	_ =	swait.ge @p0 [sflag:s19], $0x6400  }
0x23: {  	[sflag:s19] =	ssyncset.done @p0 $0x0  }
0x24: {  	s9 =	simm.s32 @!p2 $0xC850;
	[sflag:s19] =	ssyncadd.s32 @p0 $0xFFFF9C00;
	s19 =	simm.s32 @!p2 $0x2  }
0x25: {  	[tilespmem:s9], [sflag:$0x2] =	stream.linear.gather @!p2 [spmem:s28], $0x1900, $0x38;
	[tilespmem:$0x1E060] =	vst v63  }
0x26: {  	_ =	swait.ge @!p2 [sflag:s19], $0x1900  }
0x27: {  	[sflag:s19] =	ssyncset.done @!p2 $0x0  }
0x28: {  	s22 =	simm.s32 @!p2 $0x0;
	s23 =	rddreg [dreg:$0xe];
	[sflag:s19] =	ssyncadd.s32 @!p2 $0xFFFFE700  }
0x29: {  	[hbm4b:s23+s22] =	stream.linear.scatter @!p2 [tilespmem:s9], [sflag:$0x2], $0x1900, $0x38;
	[tilespmem:$0x1E060] =	vst v63  }
0x2a: {  	_ =	swait.ge @!p2 [sflag:s19], $0x1900  }
0x2b: {  	[sflag:s19] =	ssyncset.done @!p2 $0x0  }
0x2c: {  	s9 =	simm.s32 @!p0 $0x14050;
	[sflag:s19] =	ssyncadd.s32 @!p2 $0xFFFFE700;
	s19 =	simm.s32 @!p0 $0x2  }
0x2d: {  	[tilespmem:s9], [sflag:$0x2] =	stream.linear.gather @!p0 [spmem:s13], $0xA000, $0x38;
	[tilespmem:$0x1E060] =	vst v63  }
0x2e: {  	_ =	swait.ge @!p0 [sflag:s19], $0xA000  }
0x2f: {  	[sflag:s19] =	ssyncset.done @!p0 $0x0  }
0x30: {  	s22 =	simm.s32 @!p0 $0x0;
	s23 =	rddreg [dreg:$0x9];
	[sflag:s19] =	ssyncadd.s32 @!p0 $0xFFFF6000  }
0x31: {  	[hbm4b:s23+s22] =	stream.linear.scatter @!p0 [tilespmem:s9], [sflag:$0x2], $0xA000, $0x38;
	[tilespmem:$0x1E060] =	vst v63  }
0x32: {  	_ =	swait.ge @!p0 [sflag:s19], $0xA000  }
0x33: {  	[sflag:s19] =	ssyncset.done @!p0 $0x0  }
0x34: {  	s9 =	simm.s32 @!p3 $0xC850;
	[sflag:s19] =	ssyncadd.s32 @!p0 $0xFFFF6000;
	s19 =	simm.s32 @!p3 $0x2  }
0x35: {  	[tilespmem:s9], [sflag:$0x2] =	stream.linear.gather @!p3 [spmem:s18], $0x2800, $0x38;
	[tilespmem:$0x1E060] =	vst v63  }
0x36: {  	_ =	swait.ge @!p3 [sflag:s19], $0x2800  }
0x37: {  	[sflag:s19] =	ssyncset.done @!p3 $0x0  }
0x38: {  	s22 =	simm.s32 @!p3 $0x0;
	s23 =	rddreg [dreg:$0xc];
	[sflag:s19] =	ssyncadd.s32 @!p3 $0xFFFFD800  }
0x39: {  	[hbm4b:s23+s22] =	stream.linear.scatter @!p3 [tilespmem:s9], [sflag:$0x2], $0x2800, $0x38;
	[tilespmem:$0x1E060] =	vst v63  }
0x3a: {  	_ =	swait.ge @!p3 [sflag:s19], $0x2800  }
0x3b: {  	s21 =	sadd.s32 $0x1, s21;
	s25 =	rddreg [dreg:$0xf]  }
0x3c: {  	p4 =	sne.s32 s21, s25  }
.Ltmp1:
0x3d: {  	_ = 	snop;
	(pc) =	sbr.rel @!p4 .LBB2_15-.Ltmp1, $3  }
0x3e: {  	_ =	sdelay $0x1  }
0x3f: {  	[sflag:s19] =	ssyncset.done @!p3 $0x0  }
0x40: {  	[sflag:s19] =	ssyncadd.s32 @!p3 $0xFFFFD800  }
.LBB2_1:
.Ltmp2:
0x41: {  	s9 =	rddreg [dreg:$0x4];
	s19 =	simm.s32 $0x1E050;
	(pc) =	sbr.rel @p1 .LBB2_8-.Ltmp2, $4  }
0x42: {  	[tilespmem:s19], [sflag:$0x2] =	stream.linear.gather [hbm4b:s9+s3], $0x10, $0x38;
	[tilespmem:$0x1E060] =	vst v63  }
0x43: {  	_ =	swait.ge [sflag:s30], $0x10  }
0x44: {  	[sflag:s30] =	ssyncset.done $0x0  }
0x45: {  	[sflag:s30] =	ssyncadd.s32 $0xFFFFFFF0  }
0x46: {  	s9 =	simm.s32 @p0 $0x0;
	s19 =	simm.s32 @p0 $0x14050;
	s22 =	rddreg [dreg:$0xa]  }
0x47: {  	[tilespmem:s19], [sflag:$0x2] =	stream.linear.gather @p0 [hbm4b:s22+s9], $0x6400, $0x38;
	[tilespmem:$0x1E060] =	vst v63  }
0x48: {  	s22 =	simm.s32 @p0 $0x2  }
0x49: {  	_ =	swait.ge @p0 [sflag:s22], $0x6400  }
0x4a: {  	[sflag:s22] =	ssyncset.done @p0 $0x0  }
0x4b: {  	[sflag:s22] =	ssyncadd.s32 @p0 $0xFFFF9C00  }
0x4c: {  	[spmem:s26] =	stream.linear.scatter @p0 [tilespmem:s19], [sflag:$0x2], $0x6400, $0x38;
	[tilespmem:$0x1E060] =	vst v63  }
0x4d: {  	_ =	swait.ge @p0 [sflag:s22], $0x6400  }
0x4e: {  	[sflag:s22] =	ssyncset.done @p0 $0x0  }
0x4f: {  	s19 =	simm.s32 @p0 $0xC850;
	s23 =	rddreg [dreg:$0xb];
	[sflag:s22] =	ssyncadd.s32 @p0 $0xFFFF9C00  }
0x50: {  	[tilespmem:s19], [sflag:$0x2] =	stream.linear.gather @p0 [hbm4b:s23+s9], $0x1900, $0x38;
	[tilespmem:$0x1E060] =	vst v63  }
0x51: {  	_ =	swait.ge @p0 [sflag:s22], $0x1900  }
0x52: {  	[sflag:s22] =	ssyncset.done @p0 $0x0  }
0x53: {  	[sflag:s22] =	ssyncadd.s32 @p0 $0xFFFFE700  }
0x54: {  	[spmem:s28] =	stream.linear.scatter @p0 [tilespmem:s19], [sflag:$0x2], $0x1900, $0x38;
	[tilespmem:$0x1E060] =	vst v63  }
0x55: {  	_ =	swait.ge @p0 [sflag:s22], $0x1900  }
0x56: {  	s9 =	simm.s32 @!p0 $0x0;
	[sflag:s22] =	ssyncset.done @p0 $0x0  }
0x57: {  	s19 =	simm.s32 @!p0 $0x14050;
	[sflag:s22] =	ssyncadd.s32 @p0 $0xFFFFE700;
	s22 =	rddreg [dreg:$0x7]  }
0x58: {  	[tilespmem:s19], [sflag:$0x2] =	stream.linear.gather @!p0 [hbm4b:s22+s9], $0xA000, $0x38;
	[tilespmem:$0x1E060] =	vst v63  }
0x59: {  	s22 =	simm.s32 @!p0 $0x2  }
0x5a: {  	_ =	swait.ge @!p0 [sflag:s22], $0xA000  }
0x5b: {  	[sflag:s22] =	ssyncset.done @!p0 $0x0  }
0x5c: {  	[sflag:s22] =	ssyncadd.s32 @!p0 $0xFFFF6000  }
0x5d: {  	[spmem:s13] =	stream.linear.scatter @!p0 [tilespmem:s19], [sflag:$0x2], $0xA000, $0x38;
	[tilespmem:$0x1E060] =	vst v63  }
0x5e: {  	_ =	swait.ge @!p0 [sflag:s22], $0xA000  }
0x5f: {  	[sflag:s22] =	ssyncset.done @!p0 $0x0  }
0x60: {  	s19 =	simm.s32 @!p0 $0xC850;
	s23 =	rddreg [dreg:$0x8];
	[sflag:s22] =	ssyncadd.s32 @!p0 $0xFFFF6000  }
0x61: {  	[tilespmem:s19], [sflag:$0x2] =	stream.linear.gather @!p0 [hbm4b:s23+s9], $0x2800, $0x38;
	[tilespmem:$0x1E060] =	vst v63  }
0x62: {  	_ =	swait.ge @!p0 [sflag:s22], $0x2800  }
0x63: {  	[sflag:s22] =	ssyncset.done @!p0 $0x0  }
0x64: {  	[sflag:s22] =	ssyncadd.s32 @!p0 $0xFFFFD800  }
0x65: {  	[spmem:s18] =	stream.linear.scatter @!p0 [tilespmem:s19], [sflag:$0x2], $0x2800, $0x38;
	[tilespmem:$0x1E060] =	vst v63  }
0x66: {  	_ =	swait.ge @!p0 [sflag:s22], $0x2800  }
0x67: {  	[sflag:s22] =	ssyncset.done @!p0 $0x0  }
0x68: {  	[sflag:s22] =	ssyncadd.s32 @!p0 $0xFFFFD800  }
0x69: {  	[bflag:$0x0] =	sbarrier.arrive $0xFFFF  }
0x6a: {  	s9 =	simm.s32 $0x0;
	v0 =	vld [tilespmem:$0x1E050]  }
.LBB2_3:
0x6b: {  	s19 =	sshll.u32 s9, $0x4  }
0x6c: {  	s19 =	sor.u32 s4, s19  }
0x6d: {  	s19 =	smul.u32 $0x50, s19;
	_ =	sdelay $0x1  }
0x6e: {  	s22 =	sadd.s32 s10, s19  }
0x6f: {  	[tilespmem:s31], [sflag:$0x2] =	stream.linear.gather [hbm4b:s22+s3], $0x280, $0x38;
	[tilespmem:$0x1E060] =	vst v63  }
0x70: {  	_ =	swait.ge [sflag:s30], $0x280  }
0x71: {  	[sflag:s30] =	ssyncset.done $0x0  }
0x72: {  	s19 =	sadd.s32 s11, s19;
	[sflag:s30] =	ssyncadd.s32 $0xFFFFFD80  }
0x73: {  	[tilespmem:s0], [sflag:$0x2] =	stream.linear.gather [hbm4b:s19+s3], $0x280, $0x38;
	[tilespmem:$0x1E060] =	vst v63  }
0x74: {  	_ =	swait.ge [sflag:s30], $0x280  }
0x75: {  	[sflag:s30] =	ssyncset.done $0x0  }
0x76: {  	[sflag:s30] =	ssyncadd.s32 $0xFFFFFD80  }
0x77: {  	[tilespmem:s14], [sflag:$0x1] =	stream.indirect.gather [hbm4b:s7+s12], $0x10, s31, s12, $0xb8;
	[tilespmem:$0x1E060] =	vst v63  }
0x78: {  	_ =	swait.ge [sflag:s16], $0x2800  }
0x79: {  	[sflag:s16] =	ssyncset.done $0x0  }
0x7a: {  	[sflag:s16] =	ssyncadd.s32 $0xFFFFD800  }
0x7b: {  	[tilespmem:s17], [sflag:$0x1] =	stream.indirect.gather [hbm4b:s8+s12], $0x10, s0, s12, $0xb8;
	[tilespmem:$0x1E060] =	vst v63  }
0x7c: {  	_ =	swait.ge [sflag:s16], $0x2800  }
0x7d: {  	[sflag:s16] =	ssyncset.done $0x0  }
0x7e: {  	s23 =	simm.s32 $0xC860;
	[sflag:s16] =	ssyncadd.s32 $0xFFFFD800  }
0x7f: {  	s19 =	simm.s32 $0xF060;
	v1 =	vld [tilespmem:s23+$0xFFFFFFF0]  }
0x80: {  	v2 =	vld [tilespmem:s19+$0xFFFFFFF0];
	_ =	sdelay $0x4  }
0x81: {  	v1 =	vadd.f32 v2, v1;
	_ =	sdelay $0x1  }
0x82: {  	v2 =	vmul.f32 $2.000000030e-01, v1  }
0x83: {  	vm0 =	vge.f32 v1, $0.0e+00  }
0x84: {  	v1 =	vsel vm0, v1, v2  }
0x85: {  	v1 =	vsub.f32 v1, v0;
	_ =	sdelay $0x1  }
0x86: {  	v1 =	vmul.f32 $1.442695020e+00, v1;
	_ =	sdelay $0x1  }
0x87: {  	(erf) = vpow2.f32 v1;
	_ =	sdelay $0x8  }
0x88: {  	s22 =	simm.s32 $0x11860;
	v1 =	vpop (erf)  }
0x89: {  	[tilespmem:s22+$0xFFFFFFF0] =	vst v1  }
0x8a: {  	v1 =	vld [tilespmem:s19+$0x0]  }
0x8b: {  	v2 =	vld [tilespmem:s23+$0x0];
	_ =	sdelay $0x4  }
0x8c: {  	v1 =	vadd.f32 v1, v2;
	_ =	sdelay $0x1  }
0x8d: {  	v2 =	vmul.f32 $2.000000030e-01, v1  }
0x8e: {  	vm15 =	vge.f32 v1, $0.0e+00  }
0x8f: {  	v1 =	vsel vm15, v1, v2  }
0x90: {  	v1 =	vsub.f32 v1, v0;
	_ =	sdelay $0x1  }
0x91: {  	v1 =	vmul.f32 $1.442695020e+00, v1;
	_ =	sdelay $0x1  }
0x92: {  	(erf) = vpow2.f32 v1;
	_ =	sdelay $0x7  }
0x93: {  	s25 =	simm.s32 $0xC880;
	s24 =	simm.s32 $0x11860;
	s23 =	simm.s32 $0x0  }
.LBB2_4:
0x94: {  	s23 =	sadd.s32 $0x2, s23;
	s22 =	sadd.s32 $0x20, s22;
	s19 =	sadd.s32 $0x20, s19;
	v1 =	vpop (erf)  }
0x95: {  	p4 =	slt.u32 s23, $0x27E;
	[tilespmem:s24+$0x0] =	vst v1;
	s24 =	smov.u32 s22  }
0x96: {  	v1 =	vld [tilespmem:s25+$0xFFFFFFF0]  }
0x97: {  	v2 =	vld [tilespmem:s19+$0xFFFFFFF0];
	_ =	sdelay $0x4  }
0x98: {  	v1 =	vadd.f32 v2, v1;
	_ =	sdelay $0x1  }
0x99: {  	v2 =	vmul.f32 $2.000000030e-01, v1  }
0x9a: {  	vm0 =	vge.f32 v1, $0.0e+00  }
0x9b: {  	v1 =	vsel vm0, v1, v2  }
0x9c: {  	v1 =	vsub.f32 v1, v0;
	_ =	sdelay $0x1  }
0x9d: {  	v1 =	vmul.f32 $1.442695020e+00, v1;
	_ =	sdelay $0x1  }
0x9e: {  	(erf) = vpow2.f32 v1;
	_ =	sdelay $0x8  }
0x9f: {  	v1 =	vpop (erf)  }
0xa0: {  	[tilespmem:s22+$0xFFFFFFF0] =	vst v1  }
0xa1: {  	v1 =	vld [tilespmem:s19+$0x0]  }
0xa2: {  	v2 =	vld [tilespmem:s25+$0x0];
	_ =	sdelay $0x4  }
0xa3: {  	v1 =	vadd.f32 v1, v2;
	_ =	sdelay $0x1  }
0xa4: {  	vm0 =	vge.f32 v1, $0.0e+00;
	v2 =	vmul.f32 $2.000000030e-01, v1;
	_ =	sdelay $0x1  }
0xa5: {  	v1 =	vsel vm0, v1, v2  }
0xa6: {  	v1 =	vsub.f32 v1, v0;
	_ =	sdelay $0x1  }
0xa7: {  	v1 =	vmul.f32 $1.442695020e+00, v1;
	_ =	sdelay $0x1  }
0xa8: {  	(erf) = vpow2.f32 v1;
	_ =	sdelay $0x3  }
.Ltmp3:
0xa9: {  	(pc) =	sbr.rel @p4 .LBB2_4-.Ltmp3, $2  }
0xaa: {  	_ =	sdelay $0x2  }
0xab: {  	s25 =	sadd.s32 $0x20, s25  }
0xac: {  	v1 =	vpop (erf)  }
0xad: {  	[tilespmem:s24+$0x0] =	vst v1  }
0xae: {  	[spmem:s2] =	stream.indirect.scatter.add.f32 [tilespmem:s29], [sflag:$0x2], $0x10, s0, s12, $0xb8;
	[tilespmem:$0x1E060] =	vst v63  }
0xaf: {  	_ =	swait.ge [sflag:s30], $0x2800  }
0xb0: {  	[sflag:s30] =	ssyncset.done $0x0  }
0xb1: {  	[sflag:s30] =	ssyncadd.s32 $0xFFFFD800  }
0xb2: {  	[tilespmem:s20], [sflag:$0x1] =	stream.indirect.gather [hbm4b:s5+s12], $0x40, s31, s12, $0xb8;
	[tilespmem:$0x1E060] =	vst v63  }
0xb3: {  	_ =	swait.ge [sflag:s16], $0xA000  }
0xb4: {  	[sflag:s16] =	ssyncset.done $0x0  }
0xb5: {  	s19 =	simm.s32 $0x14070;
	[sflag:s16] =	ssyncadd.s32 $0xFFFF6000  }
0xb6: {  	s23 =	simm.s32 $0x40;
	s22 =	simm.s32 $0x14070;
	s24 =	simm.s32 $0x0;
	v1 =	vld [tilespmem:s19+$0xFFFFFFF0]  }
.LBB2_6:
0xb7: {  	p4 =	sne.s32 s23, $0x9FC0;
	v2 =	vld [tilespmem:s24+$0x11850]  }
0xb8: {  	v3 =	vld [tilespmem:s19+$0x10]  }
0xb9: {  	v4 =	vld [tilespmem:s19+$0xFFFFFFE0]  }
0xba: {  	v5 =	vld [tilespmem:s19+$0x0];
	_ =	sdelay $0x1  }
0xbb: {  	v6 =	vbroadcast v2, $0x0;
	v2 =	vbroadcast v2, $0x1;
	_ =	sdelay $0x1  }
0xbc: {  	v4 =	vmul.f32 v6, v4;
	v1 =	vmul.f32 v1, v6  }
.Ltmp4:
0xbd: {  	v5 =	vmul.f32 v5, v2;
	v2 =	vmul.f32 v3, v2;
	(pc) =	sbr.rel @p4 .LBB2_6-.Ltmp4, $4  }
0xbe: {  	[tilespmem:s19+$0xFFFFFFE0] =	vst v4  }
0xbf: {  	[tilespmem:s19+$0xFFFFFFF0] =	vst v1  }
0xc0: {  	s19 =	sadd.s32 $0x40, s19;
	[tilespmem:s22+$0x0] =	vst v5  }
0xc1: {  	s24 =	sshra.s32 s23, $0x2;
	s23 =	sadd.s32 $0x40, s23;
	v1 =	vld [tilespmem:s19+$0xFFFFFFF0];
	[tilespmem:s22+$0x10] =	vst v2;
	s22 =	smov.u32 s19  }
0xc2: {  	v2 =	vld [tilespmem:s24+$0x11850];
	_ =	sdelay $0x1  }
0xc3: {  	v3 =	vld [tilespmem:s19+$0xFFFFFFE0];
	_ =	sdelay $0x1  }
0xc4: {  	v4 =	vld [tilespmem:s19+$0x0]  }
0xc5: {  	v5 =	vld [tilespmem:s19+$0x10];
	v6 =	vbroadcast v2, $0x0;
	_ =	sdelay $0x1  }
0xc6: {  	v2 =	vbroadcast v2, $0x1;
	v3 =	vmul.f32 v6, v3  }
0xc7: {  	v1 =	vmul.f32 v1, v6  }
0xc8: {  	v4 =	vmul.f32 v4, v2;
	[tilespmem:s19+$0xFFFFFFE0] =	vst v3  }
0xc9: {  	v2 =	vmul.f32 v5, v2;
	[tilespmem:s19+$0xFFFFFFF0] =	vst v1  }
0xca: {  	[tilespmem:s22+$0x0] =	vst v4  }
0xcb: {  	p4 =	seq.s32 s9, s15;
	[tilespmem:s22+$0x10] =	vst v2  }
0xcc: {  	[spmem:s1] =	stream.indirect.scatter.add.f32 [tilespmem:s20], [sflag:$0x2], $0x40, s0, s12, $0xb8;
	[tilespmem:$0x1E060] =	vst v63  }
.Ltmp5:
0xcd: {  	_ = 	snop;
	(pc) =	sbr.rel @!p4 .LBB2_3-.Ltmp5, $4  }
.Ltmp6:
0xce: {  	_ = 	snop;
	(pc) =	sbr.rel @p4 .LBB2_14-.Ltmp6, $4  }
0xcf: {  	_ =	swait.ge [sflag:s30], $0xA000  }
0xd0: {  	s25 =	sadd.s32 $0x1, s9;
	[sflag:s30] =	ssyncset.done $0x0  }
0xd1: {  	s9 =	smov.u32 s25;
	[sflag:s30] =	ssyncadd.s32 $0xFFFF6000  }
0xd2: {  	_ = 	snop  }
.LBB2_8:
0xd3: {  	s9 =	simm.s32 @p0 $0x0;
	s19 =	simm.s32 @p0 $0x14050;
	s22 =	rddreg [dreg:$0x6]  }
0xd4: {  	[tilespmem:s19], [sflag:$0x2] =	stream.linear.gather @p0 [hbm4b:s22+s9], $0x6400, $0x38;
	[tilespmem:$0x1E060] =	vst v63  }
0xd5: {  	s9 =	simm.s32 @p0 $0x2  }
0xd6: {  	_ =	swait.ge @p0 [sflag:s9], $0x6400  }
0xd7: {  	[sflag:s9] =	ssyncset.done @p0 $0x0  }
0xd8: {  	[sflag:s9] =	ssyncadd.s32 @p0 $0xFFFF9C00  }
0xd9: {  	[spmem:s26] =	stream.linear.scatter @p0 [tilespmem:s19], [sflag:$0x2], $0x6400, $0x38;
	[tilespmem:$0x1E060] =	vst v63  }
0xda: {  	_ =	swait.ge @p0 [sflag:s9], $0x6400  }
0xdb: {  	s19 =	simm.s32 @!p0 $0x14050;
	[sflag:s9] =	ssyncset.done @p0 $0x0  }
0xdc: {  	s22 =	rddreg [dreg:$0x5];
	[sflag:s9] =	ssyncadd.s32 @p0 $0xFFFF9C00;
	s9 =	simm.s32 @!p0 $0x0  }
0xdd: {  	[tilespmem:s19], [sflag:$0x2] =	stream.linear.gather @!p0 [hbm4b:s22+s9], $0xA000, $0x38;
	[tilespmem:$0x1E060] =	vst v63  }
0xde: {  	s9 =	simm.s32 @!p0 $0x2  }
0xdf: {  	_ =	swait.ge @!p0 [sflag:s9], $0xA000  }
0xe0: {  	[sflag:s9] =	ssyncset.done @!p0 $0x0  }
0xe1: {  	[sflag:s9] =	ssyncadd.s32 @!p0 $0xFFFF6000  }
0xe2: {  	[spmem:s13] =	stream.linear.scatter @!p0 [tilespmem:s19], [sflag:$0x2], $0xA000, $0x38;
	[tilespmem:$0x1E060] =	vst v63  }
0xe3: {  	_ =	swait.ge @!p0 [sflag:s9], $0xA000  }
0xe4: {  	[sflag:s9] =	ssyncset.done @!p0 $0x0  }
0xe5: {  	[sflag:s9] =	ssyncadd.s32 @!p0 $0xFFFF6000  }
0xe6: {  	[bflag:$0x0] =	sbarrier.arrive $0xFFFF  }
0xe7: {  	s9 =	simm.s32 $0x0;
	v0 =	vld [tilespmem:$0x1E050]  }
.LBB2_9:
0xe8: {  	s19 =	sshll.u32 s9, $0x4  }
0xe9: {  	s19 =	sor.u32 s4, s19  }
0xea: {  	s19 =	smul.u32 $0x50, s19;
	_ =	sdelay $0x1  }
0xeb: {  	s22 =	sadd.s32 s10, s19  }
0xec: {  	[tilespmem:s31], [sflag:$0x2] =	stream.linear.gather [hbm4b:s22+s3], $0x280, $0x38;
	[tilespmem:$0x1E060] =	vst v63  }
0xed: {  	_ =	swait.ge [sflag:s30], $0x280  }
0xee: {  	[sflag:s30] =	ssyncset.done $0x0  }
0xef: {  	s19 =	sadd.s32 s11, s19;
	[sflag:s30] =	ssyncadd.s32 $0xFFFFFD80  }
0xf0: {  	[tilespmem:s0], [sflag:$0x2] =	stream.linear.gather [hbm4b:s19+s3], $0x280, $0x38;
	[tilespmem:$0x1E060] =	vst v63  }
0xf1: {  	_ =	swait.ge [sflag:s30], $0x280  }
0xf2: {  	[sflag:s30] =	ssyncset.done $0x0  }
0xf3: {  	[sflag:s30] =	ssyncadd.s32 $0xFFFFFD80  }
0xf4: {  	[tilespmem:s14], [sflag:$0x1] =	stream.indirect.gather [hbm4b:s7+s12], $0x10, s31, s12, $0xb8;
	[tilespmem:$0x1E060] =	vst v63  }
0xf5: {  	_ =	swait.ge [sflag:s16], $0x2800  }
0xf6: {  	[sflag:s16] =	ssyncset.done $0x0  }
0xf7: {  	[sflag:s16] =	ssyncadd.s32 $0xFFFFD800  }
0xf8: {  	[tilespmem:s17], [sflag:$0x1] =	stream.indirect.gather [hbm4b:s8+s12], $0x10, s0, s12, $0xb8;
	[tilespmem:$0x1E060] =	vst v63  }
0xf9: {  	_ =	swait.ge [sflag:s16], $0x2800  }
0xfa: {  	[sflag:s16] =	ssyncset.done $0x0  }
0xfb: {  	s23 =	simm.s32 $0xC860;
	[sflag:s16] =	ssyncadd.s32 $0xFFFFD800  }
0xfc: {  	s19 =	simm.s32 $0xF060;
	v1 =	vld [tilespmem:s23+$0xFFFFFFF0]  }
0xfd: {  	v2 =	vld [tilespmem:s19+$0xFFFFFFF0];
	_ =	sdelay $0x4  }
0xfe: {  	v1 =	vadd.f32 v2, v1;
	_ =	sdelay $0x1  }
0xff: {  	v2 =	vmul.f32 $2.000000030e-01, v1  }
0x100: {  	vm0 =	vge.f32 v1, $0.0e+00  }
0x101: {  	v1 =	vsel vm0, v1, v2  }
0x102: {  	v1 =	vsub.f32 v1, v0;
	_ =	sdelay $0x1  }
0x103: {  	v1 =	vmul.f32 $1.442695020e+00, v1;
	_ =	sdelay $0x1  }
0x104: {  	(erf) = vpow2.f32 v1;
	_ =	sdelay $0x8  }
0x105: {  	s22 =	simm.s32 $0x11860;
	v1 =	vpop (erf)  }
0x106: {  	[tilespmem:s22+$0xFFFFFFF0] =	vst v1  }
0x107: {  	v1 =	vld [tilespmem:s19+$0x0]  }
0x108: {  	v2 =	vld [tilespmem:s23+$0x0];
	_ =	sdelay $0x4  }
0x109: {  	v1 =	vadd.f32 v1, v2;
	_ =	sdelay $0x1  }
0x10a: {  	v2 =	vmul.f32 $2.000000030e-01, v1  }
0x10b: {  	vm15 =	vge.f32 v1, $0.0e+00  }
0x10c: {  	v1 =	vsel vm15, v1, v2  }
0x10d: {  	v1 =	vsub.f32 v1, v0;
	_ =	sdelay $0x1  }
0x10e: {  	v1 =	vmul.f32 $1.442695020e+00, v1;
	_ =	sdelay $0x1  }
0x10f: {  	(erf) = vpow2.f32 v1;
	_ =	sdelay $0x7  }
0x110: {  	s25 =	simm.s32 $0xC880;
	s24 =	simm.s32 $0x11860;
	s23 =	simm.s32 $0x0  }
.LBB2_10:
0x111: {  	s23 =	sadd.s32 $0x2, s23;
	s22 =	sadd.s32 $0x20, s22;
	s19 =	sadd.s32 $0x20, s19;
	v1 =	vpop (erf)  }
0x112: {  	p4 =	slt.u32 s23, $0x27E;
	[tilespmem:s24+$0x0] =	vst v1;
	s24 =	smov.u32 s22  }
0x113: {  	v1 =	vld [tilespmem:s25+$0xFFFFFFF0]  }
0x114: {  	v2 =	vld [tilespmem:s19+$0xFFFFFFF0];
	_ =	sdelay $0x4  }
0x115: {  	v1 =	vadd.f32 v2, v1;
	_ =	sdelay $0x1  }
0x116: {  	v2 =	vmul.f32 $2.000000030e-01, v1  }
0x117: {  	vm0 =	vge.f32 v1, $0.0e+00  }
0x118: {  	v1 =	vsel vm0, v1, v2  }
0x119: {  	v1 =	vsub.f32 v1, v0;
	_ =	sdelay $0x1  }
0x11a: {  	v1 =	vmul.f32 $1.442695020e+00, v1;
	_ =	sdelay $0x1  }
0x11b: {  	(erf) = vpow2.f32 v1;
	_ =	sdelay $0x8  }
0x11c: {  	v1 =	vpop (erf)  }
0x11d: {  	[tilespmem:s22+$0xFFFFFFF0] =	vst v1  }
0x11e: {  	v1 =	vld [tilespmem:s19+$0x0]  }
0x11f: {  	v2 =	vld [tilespmem:s25+$0x0];
	_ =	sdelay $0x4  }
0x120: {  	v1 =	vadd.f32 v1, v2;
	_ =	sdelay $0x1  }
0x121: {  	vm0 =	vge.f32 v1, $0.0e+00;
	v2 =	vmul.f32 $2.000000030e-01, v1;
	_ =	sdelay $0x1  }
0x122: {  	v1 =	vsel vm0, v1, v2  }
0x123: {  	v1 =	vsub.f32 v1, v0;
	_ =	sdelay $0x1  }
0x124: {  	v1 =	vmul.f32 $1.442695020e+00, v1;
	_ =	sdelay $0x1  }
0x125: {  	(erf) = vpow2.f32 v1;
	_ =	sdelay $0x3  }
.Ltmp7:
0x126: {  	(pc) =	sbr.rel @p4 .LBB2_10-.Ltmp7, $2  }
0x127: {  	_ =	sdelay $0x2  }
0x128: {  	s25 =	sadd.s32 $0x20, s25  }
0x129: {  	v1 =	vpop (erf)  }
0x12a: {  	[tilespmem:s24+$0x0] =	vst v1  }
0x12b: {  	[tilespmem:s20], [sflag:$0x1] =	stream.indirect.gather [hbm4b:s6+s12], $0x40, s31, s12, $0xb8;
	[tilespmem:$0x1E060] =	vst v63  }
0x12c: {  	_ =	swait.ge [sflag:s16], $0xA000  }
0x12d: {  	[sflag:s16] =	ssyncset.done $0x0  }
0x12e: {  	s19 =	simm.s32 $0x14070;
	[sflag:s16] =	ssyncadd.s32 $0xFFFF6000  }
0x12f: {  	s23 =	simm.s32 $0x40;
	s22 =	simm.s32 $0x14070;
	s24 =	simm.s32 $0x0;
	v1 =	vld [tilespmem:s19+$0xFFFFFFF0]  }
.LBB2_12:
0x130: {  	p4 =	sne.s32 s23, $0x9FC0;
	v2 =	vld [tilespmem:s24+$0x11850]  }
0x131: {  	v3 =	vld [tilespmem:s19+$0x10]  }
0x132: {  	v4 =	vld [tilespmem:s19+$0xFFFFFFE0]  }
0x133: {  	v5 =	vld [tilespmem:s19+$0x0];
	_ =	sdelay $0x1  }
0x134: {  	v6 =	vbroadcast v2, $0x2;
	v2 =	vbroadcast v2, $0x3;
	_ =	sdelay $0x1  }
0x135: {  	v4 =	vmul.f32 v6, v4;
	v1 =	vmul.f32 v1, v6  }
.Ltmp8:
0x136: {  	v5 =	vmul.f32 v5, v2;
	v2 =	vmul.f32 v3, v2;
	(pc) =	sbr.rel @p4 .LBB2_12-.Ltmp8, $4  }
0x137: {  	[tilespmem:s19+$0xFFFFFFE0] =	vst v4  }
0x138: {  	[tilespmem:s19+$0xFFFFFFF0] =	vst v1  }
0x139: {  	s19 =	sadd.s32 $0x40, s19;
	[tilespmem:s22+$0x0] =	vst v5  }
0x13a: {  	s24 =	sshra.s32 s23, $0x2;
	s23 =	sadd.s32 $0x40, s23;
	v1 =	vld [tilespmem:s19+$0xFFFFFFF0];
	[tilespmem:s22+$0x10] =	vst v2;
	s22 =	smov.u32 s19  }
0x13b: {  	v2 =	vld [tilespmem:s24+$0x11850];
	_ =	sdelay $0x1  }
0x13c: {  	v3 =	vld [tilespmem:s19+$0xFFFFFFE0];
	_ =	sdelay $0x1  }
0x13d: {  	v4 =	vld [tilespmem:s19+$0x0]  }
0x13e: {  	v5 =	vld [tilespmem:s19+$0x10];
	v6 =	vbroadcast v2, $0x2;
	_ =	sdelay $0x1  }
0x13f: {  	v2 =	vbroadcast v2, $0x3;
	v3 =	vmul.f32 v6, v3  }
0x140: {  	v1 =	vmul.f32 v1, v6  }
0x141: {  	v4 =	vmul.f32 v4, v2;
	[tilespmem:s19+$0xFFFFFFE0] =	vst v3  }
0x142: {  	v2 =	vmul.f32 v5, v2;
	[tilespmem:s19+$0xFFFFFFF0] =	vst v1  }
0x143: {  	[tilespmem:s22+$0x0] =	vst v4  }
0x144: {  	p4 =	sne.s32 s9, s15;
	[tilespmem:s22+$0x10] =	vst v2  }
0x145: {  	[spmem:s1] =	stream.indirect.scatter.add.f32 [tilespmem:s20], [sflag:$0x2], $0x40, s0, s12, $0xb8;
	[tilespmem:$0x1E060] =	vst v63  }
.Ltmp9:
0x146: {  	_ = 	snop;
	(pc) =	sbr.rel @p4 .LBB2_9-.Ltmp9, $4  }
.Ltmp10:
0x147: {  	_ = 	snop;
	(pc) =	sbr.rel @!p4 .LBB2_14-.Ltmp10, $4  }
0x148: {  	_ =	swait.ge [sflag:s30], $0xA000  }
0x149: {  	s25 =	sadd.s32 $0x1, s9;
	[sflag:s30] =	ssyncset.done $0x0  }
0x14a: {  	s9 =	smov.u32 s25;
	[sflag:s30] =	ssyncadd.s32 $0xFFFF6000  }
0x14b: {  	_ = 	snop  }
.LBB2_15:
0x14c: {  	_ =	sfence.sel $0x180000  }
0x14d: {  	[bflag:$0x0] =	sbarrier.arrive $0xFFFF  }
0x14e: {  	_ =	strace $0x90000047  }
0x14f: {  	[bflag:$0x2] =	sbarrier.arrive $0xFFFF  }
0x150: {  	p0 =	sne.s32 s4, $0x0;
	s0 =	rddreg [dreg:$0x3]  }
0x151: {  	s0 =	sadd.s32 @!p0 $0x100000, s0  }
0x152: {  	[sflag:s0] =	ssyncadd.tile.s32 @!p0 $0x1;
	_ =	shalt  }
.Lfunc_end2:
_tile_overlayer_lowered:
.L_overlay_start_2:
0x153: {  	(tag) =	ssettag $0x2  }
0x154: {  	s0 =	rddreg [dreg:$0x0];
	s2 =	stileid.u32  }
0x155: {  	s1 =	rddreg [dreg:$0x1];
	p0 =	sne.s32 s2, $0x0  }
0x156: {  	s3 =	rddreg [dreg:$0x2];
	[bflag:$0x3] =	sbarrier.arrive $0xFFFF;
	s2 =	simm.s32 @!p0 $0x1C02  }
0x157: {  	[timem:s3], [sflag:s2] =	dma.local @!p0 [hbm:s0], s1  }
0x158: {  	s0 =	simm.s32 @!p0 $0x2  }
0x159: {  	_ =	swait.ge @!p0 [sflag:s0], s1  }
0x15a: {  	s1 =	ssub.s32 @!p0 $0x0, s1;
	[sflag:s0] =	ssyncset.done @!p0 $0x0  }
0x15b: {  	[sflag:s0] =	ssyncadd.s32 @!p0 s1  }
0x15c: {  	[bflag:$0x3] =	sbarrier.arrive $0xFFFF  }
0x15d: {  	_ =	shalt  }

</sc_bundles>
